<compile_context>
chip_gen: v7x
topology: tpu7x:2x2x1
jax: 0.10.2.dev20260603
libtpu: 0.0.44.dev20260713+nightly
codegen_flags: <defaults>
</compile_context>

<pallas_src>
import functools

import jax
import jax.numpy as jnp
from jax import lax
from jax.experimental import pallas as pl
from jax.experimental.pallas import tpu as pltpu
from jax.experimental.pallas import tpu_sc as plsc

_TOP_P = 0.98
_B, _V = 128, 100000
_CH = 4000
_NCHUNK = _V // _CH
_NPAIR = (_NCHUNK - 1) // 2
_CVECS = _CH // 16
_PVECS = _V // 16
_K = 1024
_ROWS_PER_W = 4


def _splat(x, dtype=jnp.float32):
    return jnp.broadcast_to(jnp.asarray(x, dtype), (16,))


def _perm(v, idx):
    dnums = lax.GatherDimensionNumbers(
        offset_dims=(), collapsed_slice_dims=(0,), start_index_map=(0,))
    return lax.gather(v, idx[:, None], dnums, (1,),
                      unique_indices=True, indices_are_sorted=False,
                      mode=lax.GatherScatterMode.PROMISE_IN_BOUNDS)


def _allsum(v):
    lane = lax.iota(jnp.int32, 16)
    for sh in (8, 4, 2, 1):
        v = v + _perm(v, lane ^ sh)
    return v


def _allmax(v):
    lane = lax.iota(jnp.int32, 16)
    for sh in (8, 4, 2, 1):
        v = jnp.maximum(v, _perm(v, lane ^ sh))
    return v


def _sqrt16(a):
    i = lax.bitcast_convert_type(a, jnp.int32)
    y = lax.bitcast_convert_type(_splat(0x5F3759DF, jnp.int32) - (i >> 1),
                                 jnp.float32)
    half = _splat(0.5)
    three_half = _splat(1.5)
    for _ in range(4):
        y = y * (three_half - half * a * y * y)
    return a * y


def _body(nl_hbm, br_hbm, dl_hbm, out_hbm, parr, hist, bufx, bufd,
          sem_x, sem_a, sem_b):
    nc = 2
    wid = lax.axis_index("s") * nc + lax.axis_index("c")
    lane = lax.iota(jnp.int32, 16)
    zero16 = _splat(0.0)
    neginf = _splat(-jnp.inf)

    def sumsq_buf(buf, accs):
        def ivec(i, a):
            ts = [buf[pl.ds((i + k) * 16, 16)] for k in range(5)]
            return tuple(a[k] + ts[k] * ts[k] for k in range(5))

        return plsc.parallel_loop(0, _CVECS, 5, unroll=2, carry=accs)(ivec)

    def do_row(j, _):
        row = wid * _ROWS_PER_W + j
        rowoff = row * _V

        cpx = pltpu.async_copy(nl_hbm.at[pl.ds(rowoff, _V)], parr, sem_x)

        pltpu.async_copy(br_hbm.at[pl.ds(rowoff, _CH)], bufx, sem_a)

        def bias_pair(g, accs):
            c0 = 2 * g
            pltpu.make_async_copy(
                br_hbm.at[pl.ds(rowoff + c0 * _CH, _CH)], bufx, sem_a).wait()
            pltpu.async_copy(
                br_hbm.at[pl.ds(rowoff + (c0 + 1) * _CH, _CH)], bufd, sem_b)
            accs = sumsq_buf(bufx, accs)
            pltpu.make_async_copy(
                br_hbm.at[pl.ds(rowoff + (c0 + 1) * _CH, _CH)], bufd,
                sem_b).wait()
            pltpu.async_copy(
                br_hbm.at[pl.ds(rowoff + (c0 + 2) * _CH, _CH)], bufx, sem_a)
            return sumsq_buf(bufd, accs)

        accs = lax.fori_loop(0, _NPAIR, bias_pair, (zero16,) * 5)
        pltpu.make_async_copy(
            br_hbm.at[pl.ds(rowoff + (_NCHUNK - 1) * _CH, _CH)], bufx,
            sem_a).wait()
        accs = sumsq_buf(bufx, accs)
        bn2 = _allsum(accs[0] + accs[1] + accs[2] + accs[3] + accs[4])

        cpx.wait()

        def xvec(i, a):
            ts = [parr[pl.ds((i + k) * 16, 16)] for k in range(5)]
            return tuple(a[k] + ts[k] * ts[k] for k in range(5))

        xaccs = plsc.parallel_loop(0, _PVECS, 5, unroll=2,
                                   carry=(zero16,) * 5)(xvec)
        ln2 = _allsum(xaccs[0] + xaccs[1] + xaccs[2] + xaccs[3] + xaccs[4])
        ratio2 = jnp.where(bn2 > _splat(1e-24), ln2 / bn2, _splat(1.0))
        scale16 = _sqrt16(ratio2)

        def bpass(buf, c, ms):
            def ivec(i, ms_):
                out = []
                for k in range(5):
                    j16 = c * _CH + (i + k) * 16
                    v = (parr[pl.ds(j16, 16)]
                         + scale16 * buf[pl.ds((i + k) * 16, 16)])
                    parr[pl.ds(j16, 16)] = v
                    out.append(jnp.maximum(ms_[k], v))
                return tuple(out)

            return plsc.parallel_loop(0, _CVECS, 5, unroll=2,
                                      carry=ms)(ivec)

        pltpu.async_copy(dl_hbm.at[pl.ds(rowoff, _CH)], bufx, sem_a)

        def build_pair(g, ms):
            c0 = 2 * g
            pltpu.make_async_copy(
                dl_hbm.at[pl.ds(rowoff + c0 * _CH, _CH)], bufx, sem_a).wait()
            pltpu.async_copy(
                dl_hbm.at[pl.ds(rowoff + (c0 + 1) * _CH, _CH)], bufd, sem_b)
            ms = bpass(bufx, c0, ms)
            pltpu.make_async_copy(
                dl_hbm.at[pl.ds(rowoff + (c0 + 1) * _CH, _CH)], bufd,
                sem_b).wait()
            pltpu.async_copy(
                dl_hbm.at[pl.ds(rowoff + (c0 + 2) * _CH, _CH)], bufx, sem_a)
            return bpass(bufd, c0 + 1, ms)

        mxs = lax.fori_loop(0, _NPAIR, build_pair, (neginf,) * 5)
        pltpu.make_async_copy(
            dl_hbm.at[pl.ds(rowoff + (_NCHUNK - 1) * _CH, _CH)], bufx,
            sem_a).wait()
        mxs = bpass(bufx, _NCHUNK - 1, mxs)
        m16 = _allmax(jnp.maximum(jnp.maximum(jnp.maximum(mxs[0], mxs[1]),
                                              jnp.maximum(mxs[2], mxs[3])),
                                  mxs[4]))

        base = _splat(0, jnp.int32)
        above = zero16
        target = zero16
        for shift in (20, 10):
            span = _splat(_K << shift, jnp.int32)

            def zvec(i):
                for k in range(8):
                    hist[pl.ds((i + k) * 16, 16)] = zero16

            plsc.parallel_loop(0, _K, 8, unroll=2)(zvec)

            def scat(i):
                for k in range(5):
                    p = jnp.exp(parr[pl.ds((i + k) * 16, 16)] - m16)
                    ip = lax.bitcast_convert_type(p, jnp.int32)
                    off = ip - base
                    inb = (off >= _splat(0, jnp.int32)) & (off < span)
                    idx = ((off >> shift) << 4) + lane
                    plsc.addupdate_scatter(hist, [idx], p, mask=inb)

            plsc.parallel_loop(0, _PVECS, 5, unroll=2)(scat)

            if shift == 20:
                def hsum(i, a):
                    return tuple(a[k] + hist[pl.ds((i + k) * 16, 16)]
                                 for k in range(8))

                hs = plsc.parallel_loop(0, _K, 8, unroll=2,
                                        carry=(zero16,) * 8)(hsum)
                z = _allsum(((hs[0] + hs[1]) + (hs[2] + hs[3]))
                            + ((hs[4] + hs[5]) + (hs[6] + hs[7])))
                target = _splat(_TOP_P) * z

            rem = target - above

            def bscan(i, carry):
                s, found, kbstar, sstar = carry
                kb = 63 - i

                bas = [zero16] * 4
                for t in range(16):
                    bas[t % 4] = bas[t % 4] + hist[pl.ds(kb * 256 + t * 16,
                                                         16)]
                blk = _allsum((bas[0] + bas[1]) + (bas[2] + bas[3]))
                hit = jnp.logical_and(
                    jnp.logical_not(found),
                    jnp.logical_or(s + blk > rem, i == 63))
                kbstar = jnp.where(hit, kb, kbstar)
                sstar = jnp.where(hit, s, sstar)
                return (s + blk, found | hit, kbstar, sstar)

            _, _, kbstar, sstar = lax.fori_loop(
                0, 64, bscan,
                (zero16, _splat(0, jnp.bool_), _splat(0, jnp.int32), zero16))

            kbs = kbstar[0]

            def kscan(i, carry):
                s, found, kstar, cstar = carry
                k = 15 - i
                h = _allsum(hist[pl.ds(kbs * 256 + k * 16, 16)])
                hit = jnp.logical_and(
                    jnp.logical_not(found),
                    jnp.logical_or(s + h > rem, i == 15))
                kstar = jnp.where(hit, k, kstar)
                cstar = jnp.where(hit, s, cstar)
                return (s + h, found | hit, kstar, cstar)

            _, _, kstar, cstar = lax.fori_loop(
                0, 16, kscan,
                (sstar, _splat(0, jnp.bool_), _splat(0, jnp.int32), zero16))

            kg = kbstar * 16 + kstar
            base = base + (kg << shift)
            above = above + cstar

        t16 = base

        def dbis(_, carry):
            ulo, uhi = carry
            mid = ulo + ((uhi - ulo) >> 1)
            d = lax.bitcast_convert_type(mid, jnp.float32)
            cond = lax.bitcast_convert_type(jnp.exp(d), jnp.int32) >= t16
            return (jnp.where(cond, mid, ulo), jnp.where(cond, uhi, mid))

        ulo0 = _splat(-0x80000000, jnp.int32)
        uhi0 = lax.bitcast_convert_type(_splat(-200.0), jnp.int32)
        ulo, _ = lax.fori_loop(0, 32, dbis, (ulo0, uhi0))
        dt16 = lax.bitcast_convert_type(ulo, jnp.float32)

        def fcomp(buf, c):
            def ivec(i):
                for k in range(5):
                    v = parr[pl.ds(c * _CH + (i + k) * 16, 16)]
                    buf[pl.ds((i + k) * 16, 16)] = jnp.where(
                        v - m16 >= dt16, v, neginf)

            plsc.parallel_loop(0, _CVECS, 5, unroll=2)(ivec)

        def out_pair(g, _):
            c0 = 2 * g

            @pl.when(g > 0)
            def _wa():
                pltpu.make_async_copy(
                    bufx, out_hbm.at[pl.ds(rowoff + (c0 - 2) * _CH, _CH)],
                    sem_a).wait()

            fcomp(bufx, c0)
            pltpu.async_copy(bufx, out_hbm.at[pl.ds(rowoff + c0 * _CH, _CH)],
                             sem_a)

            @pl.when(g > 0)
            def _wb():
                pltpu.make_async_copy(
                    bufd, out_hbm.at[pl.ds(rowoff + (c0 - 1) * _CH, _CH)],
                    sem_b).wait()

            fcomp(bufd, c0 + 1)
            pltpu.async_copy(bufd,
                             out_hbm.at[pl.ds(rowoff + (c0 + 1) * _CH, _CH)],
                             sem_b)
            return 0

        lax.fori_loop(0, _NPAIR, out_pair, 0)
        last = _NCHUNK - 1
        pltpu.make_async_copy(
            bufx, out_hbm.at[pl.ds(rowoff + (last - 2) * _CH, _CH)],
            sem_a).wait()
        fcomp(bufx, last)
        pltpu.async_copy(bufx, out_hbm.at[pl.ds(rowoff + last * _CH, _CH)],
                         sem_a)
        pltpu.make_async_copy(
            bufx, out_hbm.at[pl.ds(rowoff + last * _CH, _CH)], sem_a).wait()
        pltpu.make_async_copy(
            bufd, out_hbm.at[pl.ds(rowoff + (last - 1) * _CH, _CH)],
            sem_b).wait()
        return 0

    lax.fori_loop(0, _ROWS_PER_W, do_row, 0)


def kernel(next_logits, bias_row, delta):
    mesh = plsc.VectorSubcoreMesh(core_axis_name="c", subcore_axis_name="s")
    f = functools.partial(
        pl.kernel,
        mesh=mesh,
        compiler_params=pltpu.CompilerParams(needs_layout_passes=False),
        out_type=jax.ShapeDtypeStruct((_B * _V,), jnp.float32),
        scratch_types=[
            pltpu.VMEM((_V,), jnp.float32),
            pltpu.VMEM((_K * 16,), jnp.float32),
            pltpu.VMEM((_CH,), jnp.float32),
            pltpu.VMEM((_CH,), jnp.float32),
            pltpu.SemaphoreType.DMA,
            pltpu.SemaphoreType.DMA,
            pltpu.SemaphoreType.DMA,
        ],
    )(_body)
    out = f(next_logits.reshape(-1), bias_row.reshape(-1), delta.reshape(-1))
    return out.reshape(_B, _V)

# --- scband reference (transcript-rebuilt; emitter-appended) ---
"""Pipeline reference for scband-anticipation-for-dlp-12240656794216 (READ-ONLY COPY).

The authoritative reference and input builder live on the scoring server;
editing this copy changes nothing except your own understanding.
"""

import jax, jax.numpy as jnp
import numpy as np

TOP_P = 0.98
B, V = 128, 100000

def setup_inputs(seed: int = 0) -> dict:
    key = jax.random.key(seed)
    k1, k2, k3 = jax.random.split(key, 3)
    return {
        "next_logits": jax.random.normal(k1, (B, V), dtype=jnp.float32),
        "bias_row": jax.random.normal(k2, (B, V), dtype=jnp.float32),
        "delta": jax.random.normal(k3, (B, V), dtype=jnp.float32) * 0.1,
    }

def _apply_dlp_bias_full(next_logits, bias_row, delta):
    # 'full' scale_weights mode: ratio computed under no_grad in torch -> stop_gradient
    ln = jnp.linalg.norm(jax.lax.stop_gradient(next_logits).astype(jnp.float32), axis=-1)
    bn = jnp.linalg.norm(jax.lax.stop_gradient(bias_row).astype(jnp.float32), axis=-1)
    ratio = jnp.where(bn > 1e-12, ln / jnp.maximum(bn, 1e-12), jnp.ones_like(ln))
    scale = ratio[:, None].astype(delta.dtype)
    return next_logits + scale * delta

def _top_p_filtering(logits, top_p):
    if top_p >= 1.0:
        return logits
    order = jnp.argsort(-logits, axis=-1)  # descending sort indices
    sorted_logits = jnp.take_along_axis(logits, order, axis=-1)
    cumulative_probs = jnp.cumsum(jax.nn.softmax(sorted_logits, axis=-1), axis=-1)
    remove = cumulative_probs > top_p
    # shift right by one, keep first token
    remove = jnp.concatenate([jnp.zeros_like(remove[..., :1]), remove[..., :-1]], axis=-1)
    rows = jnp.arange(logits.shape[0])[:, None]
    indices_to_remove = jnp.zeros_like(remove).at[rows, order].set(remove)
    filtered = jnp.where(indices_to_remove, -jnp.inf, logits)
    all_inf = ~jnp.any(jnp.isfinite(filtered), axis=-1, keepdims=True)
    return jnp.where(all_inf, logits, filtered)

def reference(next_logits, bias_row, delta):
    biased = _apply_dlp_bias_full(next_logits, bias_row, delta)
    return _top_p_filtering(biased, TOP_P)

if __name__ == "__main__":
    import jax
    _d = setup_inputs()
    print(jax.jit(kernel)(*tuple(_d.values())))

</pallas_src>

<mosaic_0001>
#map = affine_map<(d0, d1) -> (0)>
module attributes {stable_mosaic.version = 14 : i64} {
  func.func @_body(%arg0: i32, %arg1: i32, %arg2: memref<12800000xf32, #tpu.memory_space<hbm>>, %arg3: memref<12800000xf32, #tpu.memory_space<hbm>>, %arg4: memref<12800000xf32, #tpu.memory_space<hbm>>, %arg5: memref<12800000xf32, #tpu.memory_space<hbm>>, %arg6: memref<100000xf32, #tpu.memory_space<vmem>>, %arg7: memref<16384xf32, #tpu.memory_space<vmem>>, %arg8: memref<4000xf32, #tpu.memory_space<vmem>>, %arg9: memref<4000xf32, #tpu.memory_space<vmem>>, %arg10: memref<!tpu.dma_semaphore, #tpu.memory_space<semaphore_mem>>, %arg11: memref<!tpu.dma_semaphore, #tpu.memory_space<semaphore_mem>>, %arg12: memref<!tpu.dma_semaphore, #tpu.memory_space<semaphore_mem>>) attributes {dimension_semantics = [#tpu.dimension_semantics<core_parallel>, #tpu.dimension_semantics<subcore_parallel>], iteration_bounds = array<i64: 2, 16>, scalar_prefetch = 0 : i64, scratch_operands = 7 : i64, tpu.core_type = #tpu.core_type<sc_vector_subcore>, window_params = [{transform_indices = #map}, {transform_indices = #map}, {transform_indices = #map}, {transform_indices = #map}]} {
    %mul3A = arith.constant 2 : i32
    %mul3A_0 = arith.muli %arg1, %mul3A : i32
    %add3A = arith.addi %mul3A_0, %arg0 : i32
    %iota3A = tpu.iota {dimensions = array<i32: 0>} : vector<16xi32>
    %broadcast_in_dim3A = arith.constant 0.000000e+00 : f32
    %broadcast_in_dim3A_1 = vector.broadcast %broadcast_in_dim3A : f32 to vector<16xf32>
    %broadcast_in_dim3A_2 = arith.constant 0xFF800000 : f32
    %broadcast_in_dim3A_3 = vector.broadcast %broadcast_in_dim3A_2 : f32 to vector<16xf32>
    %scan3A = arith.constant 0 : i32
    %scan3A_4 = arith.constant 0 : i32
    %scan3A_5 = arith.constant 4 : i32
    %scan3A_6 = arith.addi %scan3A_4, %scan3A_5 : i32
    %scan3A_7 = arith.constant 1 : i32
    %scan3A_8 = scf.for %scan3A_10 = %scan3A_4 to %scan3A_6 step %scan3A_7 iter_args(%scan3A_11 = %scan3A) -> (i32)  : i32 {
      %mul3A_12 = arith.constant 4 : i32
      %mul3A_13 = arith.muli %add3A, %mul3A_12 : i32
      %add3A_14 = arith.addi %mul3A_13, %scan3A_10 : i32
      %mul3A_15 = arith.constant 100000 : i32
      %mul3A_16 = arith.muli %add3A_14, %mul3A_15 : i32
      %dma_start3A = tpu.memref_slice %arg2[%mul3A_16] : memref<12800000xf32, #tpu.memory_space<hbm>> -> memref<100000xf32, #tpu.memory_space<hbm>>
      %dma_start3A_17 = tpu.memref_slice %arg2[%mul3A_16] : memref<12800000xf32, #tpu.memory_space<hbm>> -> memref<100000xf32, #tpu.memory_space<hbm>>
      tpu.enqueue_dma source(%dma_start3A_17 : memref<100000xf32, #tpu.memory_space<hbm>>) target(%arg6 : memref<100000xf32, #tpu.memory_space<vmem>>) target_semaphore(%arg10 : memref<!tpu.dma_semaphore, #tpu.memory_space<semaphore_mem>>)
      %dma_start3A_18 = tpu.memref_slice %arg3[%mul3A_16] : memref<12800000xf32, #tpu.memory_space<hbm>> -> memref<4000xf32, #tpu.memory_space<hbm>>
      %dma_start3A_19 = tpu.memref_slice %arg3[%mul3A_16] : memref<12800000xf32, #tpu.memory_space<hbm>> -> memref<4000xf32, #tpu.memory_space<hbm>>
      tpu.enqueue_dma source(%dma_start3A_19 : memref<4000xf32, #tpu.memory_space<hbm>>) target(%arg8 : memref<4000xf32, #tpu.memory_space<vmem>>) target_semaphore(%arg11 : memref<!tpu.dma_semaphore, #tpu.memory_space<semaphore_mem>>)
      %scan3A_20 = arith.constant 0 : i32
      %scan3A_21 = arith.constant 12 : i32
      %scan3A_22 = arith.addi %scan3A_20, %scan3A_21 : i32
      %scan3A_23 = arith.constant 1 : i32
      %scan3A_24:5 = scf.for %scan3A_345 = %scan3A_20 to %scan3A_22 step %scan3A_23 iter_args(%scan3A_346 = %broadcast_in_dim3A_1, %scan3A_347 = %broadcast_in_dim3A_1, %scan3A_348 = %broadcast_in_dim3A_1, %scan3A_349 = %broadcast_in_dim3A_1, %scan3A_350 = %broadcast_in_dim3A_1) -> (vector<16xf32>, vector<16xf32>, vector<16xf32>, vector<16xf32>, vector<16xf32>)  : i32 {
        %mul3A_351 = arith.constant 2 : i32
        %mul3A_352 = arith.muli %mul3A_351, %scan3A_345 : i32
        %mul3A_353 = arith.constant 4000 : i32
        %mul3A_354 = arith.muli %mul3A_352, %mul3A_353 : i32
        %add3A_355 = arith.addi %mul3A_16, %mul3A_354 : i32
        %dma_wait3A_356 = tpu.memref_slice %arg3[%add3A_355] : memref<12800000xf32, #tpu.memory_space<hbm>> -> memref<4000xf32, #tpu.memory_space<hbm>>
        %dma_wait3A_357 = tpu.memref_slice %arg3[%add3A_355] : memref<12800000xf32, #tpu.memory_space<hbm>> -> memref<4000xf32, #tpu.memory_space<hbm>>
        tpu.wait_dma2 semaphore(%arg11 : memref<!tpu.dma_semaphore, #tpu.memory_space<semaphore_mem>>) src(%dma_wait3A_357 : memref<4000xf32, #tpu.memory_space<hbm>>) dst(%arg8 : memref<4000xf32, #tpu.memory_space<vmem>>)
        %add3A_358 = arith.constant 1 : i32
        %add3A_359 = arith.addi %mul3A_352, %add3A_358 : i32
        %mul3A_360 = arith.constant 4000 : i32
        %mul3A_361 = arith.muli %add3A_359, %mul3A_360 : i32
        %add3A_362 = arith.addi %mul3A_16, %mul3A_361 : i32
        %dma_start3A_363 = tpu.memref_slice %arg3[%add3A_362] : memref<12800000xf32, #tpu.memory_space<hbm>> -> memref<4000xf32, #tpu.memory_space<hbm>>
        %dma_start3A_364 = tpu.memref_slice %arg3[%add3A_362] : memref<12800000xf32, #tpu.memory_space<hbm>> -> memref<4000xf32, #tpu.memory_space<hbm>>
        tpu.enqueue_dma source(%dma_start3A_364 : memref<4000xf32, #tpu.memory_space<hbm>>) target(%arg9 : memref<4000xf32, #tpu.memory_space<vmem>>) target_semaphore(%arg12 : memref<!tpu.dma_semaphore, #tpu.memory_space<semaphore_mem>>)
        %parallel_loop3A_365 = arith.constant 0 : i32
        %parallel_loop3A_366 = arith.constant 250 : i32
        %parallel_loop3A_367 = arith.constant 5 : i32
        %parallel_loop3A_368:5 = scf.for %parallel_loop3A_387 = %parallel_loop3A_365 to %parallel_loop3A_366 step %parallel_loop3A_367 iter_args(%parallel_loop3A_388 = %scan3A_346, %parallel_loop3A_389 = %scan3A_347, %parallel_loop3A_390 = %scan3A_348, %parallel_loop3A_391 = %scan3A_349, %parallel_loop3A_392 = %scan3A_350) -> (vector<16xf32>, vector<16xf32>, vector<16xf32>, vector<16xf32>, vector<16xf32>)  : i32 {
          %parallel_loop3A_393 = arith.constant 0 : i32
          %parallel_loop3A_394 = arith.addi %parallel_loop3A_387, %parallel_loop3A_393 : i32
          %parallel_loop3A_395 = arith.constant 16 : i32
          %parallel_loop3A_396 = arith.muli %parallel_loop3A_394, %parallel_loop3A_395 : i32
          %parallel_loop3A_397 = arith.index_cast %parallel_loop3A_396 : i32 to index
          %parallel_loop3A_398 = tpu.vector_load %arg8[%parallel_loop3A_397] {strides = array<i32>} : memref<4000xf32, #tpu.memory_space<vmem>>, vector<16xf32>,
          %parallel_loop3A_399 = arith.constant 1 : i32
          %parallel_loop3A_400 = arith.addi %parallel_loop3A_387, %parallel_loop3A_399 : i32
          %parallel_loop3A_401 = arith.constant 16 : i32
          %parallel_loop3A_402 = arith.muli %parallel_loop3A_400, %parallel_loop3A_401 : i32
          %parallel_loop3A_403 = arith.index_cast %parallel_loop3A_402 : i32 to index
          %parallel_loop3A_404 = tpu.vector_load %arg8[%parallel_loop3A_403] {strides = array<i32>} : memref<4000xf32, #tpu.memory_space<vmem>>, vector<16xf32>,
          %parallel_loop3A_405 = arith.constant 2 : i32
          %parallel_loop3A_406 = arith.addi %parallel_loop3A_387, %parallel_loop3A_405 : i32
          %parallel_loop3A_407 = arith.constant 16 : i32
          %parallel_loop3A_408 = arith.muli %parallel_loop3A_406, %parallel_loop3A_407 : i32
          %parallel_loop3A_409 = arith.index_cast %parallel_loop3A_408 : i32 to index
          %parallel_loop3A_410 = tpu.vector_load %arg8[%parallel_loop3A_409] {strides = array<i32>} : memref<4000xf32, #tpu.memory_space<vmem>>, vector<16xf32>,
          %parallel_loop3A_411 = arith.constant 3 : i32
          %parallel_loop3A_412 = arith.addi %parallel_loop3A_387, %parallel_loop3A_411 : i32
          %parallel_loop3A_413 = arith.constant 16 : i32
          %parallel_loop3A_414 = arith.muli %parallel_loop3A_412, %parallel_loop3A_413 : i32
          %parallel_loop3A_415 = arith.index_cast %parallel_loop3A_414 : i32 to index
          %parallel_loop3A_416 = tpu.vector_load %arg8[%parallel_loop3A_415] {strides = array<i32>} : memref<4000xf32, #tpu.memory_space<vmem>>, vector<16xf32>,
          %parallel_loop3A_417 = arith.constant 4 : i32
          %parallel_loop3A_418 = arith.addi %parallel_loop3A_387, %parallel_loop3A_417 : i32
          %parallel_loop3A_419 = arith.constant 16 : i32
          %parallel_loop3A_420 = arith.muli %parallel_loop3A_418, %parallel_loop3A_419 : i32
          %parallel_loop3A_421 = arith.index_cast %parallel_loop3A_420 : i32 to index
          %parallel_loop3A_422 = tpu.vector_load %arg8[%parallel_loop3A_421] {strides = array<i32>} : memref<4000xf32, #tpu.memory_space<vmem>>, vector<16xf32>,
          %parallel_loop3A_423 = arith.mulf %parallel_loop3A_398, %parallel_loop3A_398 : vector<16xf32>
          %parallel_loop3A_424 = arith.addf %parallel_loop3A_388, %parallel_loop3A_423 : vector<16xf32>
          %parallel_loop3A_425 = arith.mulf %parallel_loop3A_404, %parallel_loop3A_404 : vector<16xf32>
          %parallel_loop3A_426 = arith.addf %parallel_loop3A_389, %parallel_loop3A_425 : vector<16xf32>
          %parallel_loop3A_427 = arith.mulf %parallel_loop3A_410, %parallel_loop3A_410 : vector<16xf32>
          %parallel_loop3A_428 = arith.addf %parallel_loop3A_390, %parallel_loop3A_427 : vector<16xf32>
          %parallel_loop3A_429 = arith.mulf %parallel_loop3A_416, %parallel_loop3A_416 : vector<16xf32>
          %parallel_loop3A_430 = arith.addf %parallel_loop3A_391, %parallel_loop3A_429 : vector<16xf32>
          %parallel_loop3A_431 = arith.mulf %parallel_loop3A_422, %parallel_loop3A_422 : vector<16xf32>
          %parallel_loop3A_432 = arith.addf %parallel_loop3A_392, %parallel_loop3A_431 : vector<16xf32>
          scf.yield %parallel_loop3A_424, %parallel_loop3A_426, %parallel_loop3A_428, %parallel_loop3A_430, %parallel_loop3A_432 : vector<16xf32>, vector<16xf32>, vector<16xf32>, vector<16xf32>, vector<16xf32>
        } {sc.loop_unroll_factor = 2 : i64, sc.parallel_access}
        %add3A_369 = arith.constant 1 : i32
        %add3A_370 = arith.addi %mul3A_352, %add3A_369 : i32
        %mul3A_371 = arith.constant 4000 : i32
        %mul3A_372 = arith.muli %add3A_370, %mul3A_371 : i32
        %add3A_373 = arith.addi %mul3A_16, %mul3A_372 : i32
        %dma_wait3A_374 = tpu.memref_slice %arg3[%add3A_373] : memref<12800000xf32, #tpu.memory_space<hbm>> -> memref<4000xf32, #tpu.memory_space<hbm>>
        %dma_wait3A_375 = tpu.memref_slice %arg3[%add3A_373] : memref<12800000xf32, #tpu.memory_space<hbm>> -> memref<4000xf32, #tpu.memory_space<hbm>>
        tpu.wait_dma2 semaphore(%arg12 : memref<!tpu.dma_semaphore, #tpu.memory_space<semaphore_mem>>) src(%dma_wait3A_375 : memref<4000xf32, #tpu.memory_space<hbm>>) dst(%arg9 : memref<4000xf32, #tpu.memory_space<vmem>>)
        %add3A_376 = arith.constant 2 : i32
        %add3A_377 = arith.addi %mul3A_352, %add3A_376 : i32
        %mul3A_378 = arith.constant 4000 : i32
        %mul3A_379 = arith.muli %add3A_377, %mul3A_378 : i32
        %add3A_380 = arith.addi %mul3A_16, %mul3A_379 : i32
        %dma_start3A_381 = tpu.memref_slice %arg3[%add3A_380] : memref<12800000xf32, #tpu.memory_space<hbm>> -> memref<4000xf32, #tpu.memory_space<hbm>>
        %dma_start3A_382 = tpu.memref_slice %arg3[%add3A_380] : memref<12800000xf32, #tpu.memory_space<hbm>> -> memref<4000xf32, #tpu.memory_space<hbm>>
        tpu.enqueue_dma source(%dma_start3A_382 : memref<4000xf32, #tpu.memory_space<hbm>>) target(%arg8 : memref<4000xf32, #tpu.memory_space<vmem>>) target_semaphore(%arg11 : memref<!tpu.dma_semaphore, #tpu.memory_space<semaphore_mem>>)
        %parallel_loop3A_383 = arith.constant 0 : i32
        %parallel_loop3A_384 = arith.constant 250 : i32
        %parallel_loop3A_385 = arith.constant 5 : i32
        %parallel_loop3A_386:5 = scf.for %parallel_loop3A_387 = %parallel_loop3A_383 to %parallel_loop3A_384 step %parallel_loop3A_385 iter_args(%parallel_loop3A_388 = %parallel_loop3A_368#0, %parallel_loop3A_389 = %parallel_loop3A_368#1, %parallel_loop3A_390 = %parallel_loop3A_368#2, %parallel_loop3A_391 = %parallel_loop3A_368#3, %parallel_loop3A_392 = %parallel_loop3A_368#4) -> (vector<16xf32>, vector<16xf32>, vector<16xf32>, vector<16xf32>, vector<16xf32>)  : i32 {
          %parallel_loop3A_393 = arith.constant 0 : i32
          %parallel_loop3A_394 = arith.addi %parallel_loop3A_387, %parallel_loop3A_393 : i32
          %parallel_loop3A_395 = arith.constant 16 : i32
          %parallel_loop3A_396 = arith.muli %parallel_loop3A_394, %parallel_loop3A_395 : i32
          %parallel_loop3A_397 = arith.index_cast %parallel_loop3A_396 : i32 to index
          %parallel_loop3A_398 = tpu.vector_load %arg9[%parallel_loop3A_397] {strides = array<i32>} : memref<4000xf32, #tpu.memory_space<vmem>>, vector<16xf32>,
          %parallel_loop3A_399 = arith.constant 1 : i32
          %parallel_loop3A_400 = arith.addi %parallel_loop3A_387, %parallel_loop3A_399 : i32
          %parallel_loop3A_401 = arith.constant 16 : i32
          %parallel_loop3A_402 = arith.muli %parallel_loop3A_400, %parallel_loop3A_401 : i32
          %parallel_loop3A_403 = arith.index_cast %parallel_loop3A_402 : i32 to index
          %parallel_loop3A_404 = tpu.vector_load %arg9[%parallel_loop3A_403] {strides = array<i32>} : memref<4000xf32, #tpu.memory_space<vmem>>, vector<16xf32>,
          %parallel_loop3A_405 = arith.constant 2 : i32
          %parallel_loop3A_406 = arith.addi %parallel_loop3A_387, %parallel_loop3A_405 : i32
          %parallel_loop3A_407 = arith.constant 16 : i32
          %parallel_loop3A_408 = arith.muli %parallel_loop3A_406, %parallel_loop3A_407 : i32
          %parallel_loop3A_409 = arith.index_cast %parallel_loop3A_408 : i32 to index
          %parallel_loop3A_410 = tpu.vector_load %arg9[%parallel_loop3A_409] {strides = array<i32>} : memref<4000xf32, #tpu.memory_space<vmem>>, vector<16xf32>,
          %parallel_loop3A_411 = arith.constant 3 : i32
          %parallel_loop3A_412 = arith.addi %parallel_loop3A_387, %parallel_loop3A_411 : i32
          %parallel_loop3A_413 = arith.constant 16 : i32
          %parallel_loop3A_414 = arith.muli %parallel_loop3A_412, %parallel_loop3A_413 : i32
          %parallel_loop3A_415 = arith.index_cast %parallel_loop3A_414 : i32 to index
          %parallel_loop3A_416 = tpu.vector_load %arg9[%parallel_loop3A_415] {strides = array<i32>} : memref<4000xf32, #tpu.memory_space<vmem>>, vector<16xf32>,
          %parallel_loop3A_417 = arith.constant 4 : i32
          %parallel_loop3A_418 = arith.addi %parallel_loop3A_387, %parallel_loop3A_417 : i32
          %parallel_loop3A_419 = arith.constant 16 : i32
          %parallel_loop3A_420 = arith.muli %parallel_loop3A_418, %parallel_loop3A_419 : i32
          %parallel_loop3A_421 = arith.index_cast %parallel_loop3A_420 : i32 to index
          %parallel_loop3A_422 = tpu.vector_load %arg9[%parallel_loop3A_421] {strides = array<i32>} : memref<4000xf32, #tpu.memory_space<vmem>>, vector<16xf32>,
          %parallel_loop3A_423 = arith.mulf %parallel_loop3A_398, %parallel_loop3A_398 : vector<16xf32>
          %parallel_loop3A_424 = arith.addf %parallel_loop3A_388, %parallel_loop3A_423 : vector<16xf32>
          %parallel_loop3A_425 = arith.mulf %parallel_loop3A_404, %parallel_loop3A_404 : vector<16xf32>
          %parallel_loop3A_426 = arith.addf %parallel_loop3A_389, %parallel_loop3A_425 : vector<16xf32>
          %parallel_loop3A_427 = arith.mulf %parallel_loop3A_410, %parallel_loop3A_410 : vector<16xf32>
          %parallel_loop3A_428 = arith.addf %parallel_loop3A_390, %parallel_loop3A_427 : vector<16xf32>
          %parallel_loop3A_429 = arith.mulf %parallel_loop3A_416, %parallel_loop3A_416 : vector<16xf32>
          %parallel_loop3A_430 = arith.addf %parallel_loop3A_391, %parallel_loop3A_429 : vector<16xf32>
          %parallel_loop3A_431 = arith.mulf %parallel_loop3A_422, %parallel_loop3A_422 : vector<16xf32>
          %parallel_loop3A_432 = arith.addf %parallel_loop3A_392, %parallel_loop3A_431 : vector<16xf32>
          scf.yield %parallel_loop3A_424, %parallel_loop3A_426, %parallel_loop3A_428, %parallel_loop3A_430, %parallel_loop3A_432 : vector<16xf32>, vector<16xf32>, vector<16xf32>, vector<16xf32>, vector<16xf32>
        } {sc.loop_unroll_factor = 2 : i64, sc.parallel_access}
        scf.yield %parallel_loop3A_386#0, %parallel_loop3A_386#1, %parallel_loop3A_386#2, %parallel_loop3A_386#3, %parallel_loop3A_386#4 : vector<16xf32>, vector<16xf32>, vector<16xf32>, vector<16xf32>, vector<16xf32>
      }
      %scan3A_25 = arith.constant 12 : i32
      %add3A_26 = arith.constant 96000 : i32
      %add3A_27 = arith.addi %mul3A_16, %add3A_26 : i32
      %dma_wait3A = tpu.memref_slice %arg3[%add3A_27] : memref<12800000xf32, #tpu.memory_space<hbm>> -> memref<4000xf32, #tpu.memory_space<hbm>>
      %dma_wait3A_28 = tpu.memref_slice %arg3[%add3A_27] : memref<12800000xf32, #tpu.memory_space<hbm>> -> memref<4000xf32, #tpu.memory_space<hbm>>
      tpu.wait_dma2 semaphore(%arg11 : memref<!tpu.dma_semaphore, #tpu.memory_space<semaphore_mem>>) src(%dma_wait3A_28 : memref<4000xf32, #tpu.memory_space<hbm>>) dst(%arg8 : memref<4000xf32, #tpu.memory_space<vmem>>)
      %parallel_loop3A = arith.constant 0 : i32
      %parallel_loop3A_29 = arith.constant 250 : i32
      %parallel_loop3A_30 = arith.constant 5 : i32
      %parallel_loop3A_31:5 = scf.for %parallel_loop3A_345 = %parallel_loop3A to %parallel_loop3A_29 step %parallel_loop3A_30 iter_args(%parallel_loop3A_346 = %scan3A_24#0, %parallel_loop3A_347 = %scan3A_24#1, %parallel_loop3A_348 = %scan3A_24#2, %parallel_loop3A_349 = %scan3A_24#3, %parallel_loop3A_350 = %scan3A_24#4) -> (vector<16xf32>, vector<16xf32>, vector<16xf32>, vector<16xf32>, vector<16xf32>)  : i32 {
        %parallel_loop3A_351 = arith.constant 0 : i32
        %parallel_loop3A_352 = arith.addi %parallel_loop3A_345, %parallel_loop3A_351 : i32
        %parallel_loop3A_353 = arith.constant 16 : i32
        %parallel_loop3A_354 = arith.muli %parallel_loop3A_352, %parallel_loop3A_353 : i32
        %parallel_loop3A_355 = arith.index_cast %parallel_loop3A_354 : i32 to index
        %parallel_loop3A_356 = tpu.vector_load %arg8[%parallel_loop3A_355] {strides = array<i32>} : memref<4000xf32, #tpu.memory_space<vmem>>, vector<16xf32>,
        %parallel_loop3A_357 = arith.constant 1 : i32
        %parallel_loop3A_358 = arith.addi %parallel_loop3A_345, %parallel_loop3A_357 : i32
        %parallel_loop3A_359 = arith.constant 16 : i32
        %parallel_loop3A_360 = arith.muli %parallel_loop3A_358, %parallel_loop3A_359 : i32
        %parallel_loop3A_361 = arith.index_cast %parallel_loop3A_360 : i32 to index
        %parallel_loop3A_362 = tpu.vector_load %arg8[%parallel_loop3A_361] {strides = array<i32>} : memref<4000xf32, #tpu.memory_space<vmem>>, vector<16xf32>,
        %parallel_loop3A_363 = arith.constant 2 : i32
        %parallel_loop3A_364 = arith.addi %parallel_loop3A_345, %parallel_loop3A_363 : i32
        %parallel_loop3A_365 = arith.constant 16 : i32
        %parallel_loop3A_366 = arith.muli %parallel_loop3A_364, %parallel_loop3A_365 : i32
        %parallel_loop3A_367 = arith.index_cast %parallel_loop3A_366 : i32 to index
        %parallel_loop3A_368 = tpu.vector_load %arg8[%parallel_loop3A_367] {strides = array<i32>} : memref<4000xf32, #tpu.memory_space<vmem>>, vector<16xf32>,
        %parallel_loop3A_369 = arith.constant 3 : i32
        %parallel_loop3A_370 = arith.addi %parallel_loop3A_345, %parallel_loop3A_369 : i32
        %parallel_loop3A_371 = arith.constant 16 : i32
        %parallel_loop3A_372 = arith.muli %parallel_loop3A_370, %parallel_loop3A_371 : i32
        %parallel_loop3A_373 = arith.index_cast %parallel_loop3A_372 : i32 to index
        %parallel_loop3A_374 = tpu.vector_load %arg8[%parallel_loop3A_373] {strides = array<i32>} : memref<4000xf32, #tpu.memory_space<vmem>>, vector<16xf32>,
        %parallel_loop3A_375 = arith.constant 4 : i32
        %parallel_loop3A_376 = arith.addi %parallel_loop3A_345, %parallel_loop3A_375 : i32
        %parallel_loop3A_377 = arith.constant 16 : i32
        %parallel_loop3A_378 = arith.muli %parallel_loop3A_376, %parallel_loop3A_377 : i32
        %parallel_loop3A_379 = arith.index_cast %parallel_loop3A_378 : i32 to index
        %parallel_loop3A_380 = tpu.vector_load %arg8[%parallel_loop3A_379] {strides = array<i32>} : memref<4000xf32, #tpu.memory_space<vmem>>, vector<16xf32>,
        %parallel_loop3A_381 = arith.mulf %parallel_loop3A_356, %parallel_loop3A_356 : vector<16xf32>
        %parallel_loop3A_382 = arith.addf %parallel_loop3A_346, %parallel_loop3A_381 : vector<16xf32>
        %parallel_loop3A_383 = arith.mulf %parallel_loop3A_362, %parallel_loop3A_362 : vector<16xf32>
        %parallel_loop3A_384 = arith.addf %parallel_loop3A_347, %parallel_loop3A_383 : vector<16xf32>
        %parallel_loop3A_385 = arith.mulf %parallel_loop3A_368, %parallel_loop3A_368 : vector<16xf32>
        %parallel_loop3A_386 = arith.addf %parallel_loop3A_348, %parallel_loop3A_385 : vector<16xf32>
        %parallel_loop3A_387 = arith.mulf %parallel_loop3A_374, %parallel_loop3A_374 : vector<16xf32>
        %parallel_loop3A_388 = arith.addf %parallel_loop3A_349, %parallel_loop3A_387 : vector<16xf32>
        %parallel_loop3A_389 = arith.mulf %parallel_loop3A_380, %parallel_loop3A_380 : vector<16xf32>
        %parallel_loop3A_390 = arith.addf %parallel_loop3A_350, %parallel_loop3A_389 : vector<16xf32>
        scf.yield %parallel_loop3A_382, %parallel_loop3A_384, %parallel_loop3A_386, %parallel_loop3A_388, %parallel_loop3A_390 : vector<16xf32>, vector<16xf32>, vector<16xf32>, vector<16xf32>, vector<16xf32>
      } {sc.loop_unroll_factor = 2 : i64, sc.parallel_access}
      %add3A_32 = arith.addf %parallel_loop3A_31#0, %parallel_loop3A_31#1 : vector<16xf32>
      %add3A_33 = arith.addf %add3A_32, %parallel_loop3A_31#2 : vector<16xf32>
      %add3A_34 = arith.addf %add3A_33, %parallel_loop3A_31#3 : vector<16xf32>
      %add3A_35 = arith.addf %add3A_34, %parallel_loop3A_31#4 : vector<16xf32>
      %iota3A_36 = tpu.iota {dimensions = array<i32: 0>} : vector<16xi32>
      %xor3A = arith.constant 8 : i32
      %xor3A_37 = vector.broadcast %xor3A : i32 to vector<16xi32>
      %xor3A_38 = arith.xori %iota3A_36, %xor3A_37 : vector<16xi32>
      %broadcast_in_dim3A_39 = vector.shape_cast %xor3A_38 : vector<16xi32> to vector<16x1xi32>
      %gather3A = vector.shape_cast %broadcast_in_dim3A_39 : vector<16x1xi32> to vector<16xi32>
      %gather3A_40 = tpu.dynamic_gather %add3A_35[%gather3A] in [0] : vector<16xf32>, vector<16xi32> -> vector<16xf32>
      %add3A_41 = arith.addf %add3A_35, %gather3A_40 : vector<16xf32>
      %xor3A_42 = arith.constant 4 : i32
      %xor3A_43 = vector.broadcast %xor3A_42 : i32 to vector<16xi32>
      %xor3A_44 = arith.xori %iota3A_36, %xor3A_43 : vector<16xi32>
      %broadcast_in_dim3A_45 = vector.shape_cast %xor3A_44 : vector<16xi32> to vector<16x1xi32>
      %gather3A_46 = vector.shape_cast %broadcast_in_dim3A_45 : vector<16x1xi32> to vector<16xi32>
      %gather3A_47 = tpu.dynamic_gather %add3A_41[%gather3A_46] in [0] : vector<16xf32>, vector<16xi32> -> vector<16xf32>
      %add3A_48 = arith.addf %add3A_41, %gather3A_47 : vector<16xf32>
      %xor3A_49 = arith.constant 2 : i32
      %xor3A_50 = vector.broadcast %xor3A_49 : i32 to vector<16xi32>
      %xor3A_51 = arith.xori %iota3A_36, %xor3A_50 : vector<16xi32>
      %broadcast_in_dim3A_52 = vector.shape_cast %xor3A_51 : vector<16xi32> to vector<16x1xi32>
      %gather3A_53 = vector.shape_cast %broadcast_in_dim3A_52 : vector<16x1xi32> to vector<16xi32>
      %gather3A_54 = tpu.dynamic_gather %add3A_48[%gather3A_53] in [0] : vector<16xf32>, vector<16xi32> -> vector<16xf32>
      %add3A_55 = arith.addf %add3A_48, %gather3A_54 : vector<16xf32>
      %xor3A_56 = arith.constant 1 : i32
      %xor3A_57 = vector.broadcast %xor3A_56 : i32 to vector<16xi32>
      %xor3A_58 = arith.xori %iota3A_36, %xor3A_57 : vector<16xi32>
      %broadcast_in_dim3A_59 = vector.shape_cast %xor3A_58 : vector<16xi32> to vector<16x1xi32>
      %gather3A_60 = vector.shape_cast %broadcast_in_dim3A_59 : vector<16x1xi32> to vector<16xi32>
      %gather3A_61 = tpu.dynamic_gather %add3A_55[%gather3A_60] in [0] : vector<16xf32>, vector<16xi32> -> vector<16xf32>
      %add3A_62 = arith.addf %add3A_55, %gather3A_61 : vector<16xf32>
      %dma_wait3A_63 = tpu.memref_slice %arg2[%mul3A_16] : memref<12800000xf32, #tpu.memory_space<hbm>> -> memref<100000xf32, #tpu.memory_space<hbm>>
      %dma_wait3A_64 = tpu.memref_slice %arg2[%mul3A_16] : memref<12800000xf32, #tpu.memory_space<hbm>> -> memref<100000xf32, #tpu.memory_space<hbm>>
      tpu.wait_dma2 semaphore(%arg10 : memref<!tpu.dma_semaphore, #tpu.memory_space<semaphore_mem>>) src(%dma_wait3A_64 : memref<100000xf32, #tpu.memory_space<hbm>>) dst(%arg6 : memref<100000xf32, #tpu.memory_space<vmem>>)
      %parallel_loop3A_65 = arith.constant 0 : i32
      %parallel_loop3A_66 = arith.constant 6250 : i32
      %parallel_loop3A_67 = arith.constant 5 : i32
      %parallel_loop3A_68:5 = scf.for %parallel_loop3A_345 = %parallel_loop3A_65 to %parallel_loop3A_66 step %parallel_loop3A_67 iter_args(%parallel_loop3A_346 = %broadcast_in_dim3A_1, %parallel_loop3A_347 = %broadcast_in_dim3A_1, %parallel_loop3A_348 = %broadcast_in_dim3A_1, %parallel_loop3A_349 = %broadcast_in_dim3A_1, %parallel_loop3A_350 = %broadcast_in_dim3A_1) -> (vector<16xf32>, vector<16xf32>, vector<16xf32>, vector<16xf32>, vector<16xf32>)  : i32 {
        %parallel_loop3A_351 = arith.constant 0 : i32
        %parallel_loop3A_352 = arith.addi %parallel_loop3A_345, %parallel_loop3A_351 : i32
        %parallel_loop3A_353 = arith.constant 16 : i32
        %parallel_loop3A_354 = arith.muli %parallel_loop3A_352, %parallel_loop3A_353 : i32
        %parallel_loop3A_355 = arith.index_cast %parallel_loop3A_354 : i32 to index
        %parallel_loop3A_356 = tpu.vector_load %arg6[%parallel_loop3A_355] {strides = array<i32>} : memref<100000xf32, #tpu.memory_space<vmem>>, vector<16xf32>,
        %parallel_loop3A_357 = arith.constant 1 : i32
        %parallel_loop3A_358 = arith.addi %parallel_loop3A_345, %parallel_loop3A_357 : i32
        %parallel_loop3A_359 = arith.constant 16 : i32
        %parallel_loop3A_360 = arith.muli %parallel_loop3A_358, %parallel_loop3A_359 : i32
        %parallel_loop3A_361 = arith.index_cast %parallel_loop3A_360 : i32 to index
        %parallel_loop3A_362 = tpu.vector_load %arg6[%parallel_loop3A_361] {strides = array<i32>} : memref<100000xf32, #tpu.memory_space<vmem>>, vector<16xf32>,
        %parallel_loop3A_363 = arith.constant 2 : i32
        %parallel_loop3A_364 = arith.addi %parallel_loop3A_345, %parallel_loop3A_363 : i32
        %parallel_loop3A_365 = arith.constant 16 : i32
        %parallel_loop3A_366 = arith.muli %parallel_loop3A_364, %parallel_loop3A_365 : i32
        %parallel_loop3A_367 = arith.index_cast %parallel_loop3A_366 : i32 to index
        %parallel_loop3A_368 = tpu.vector_load %arg6[%parallel_loop3A_367] {strides = array<i32>} : memref<100000xf32, #tpu.memory_space<vmem>>, vector<16xf32>,
        %parallel_loop3A_369 = arith.constant 3 : i32
        %parallel_loop3A_370 = arith.addi %parallel_loop3A_345, %parallel_loop3A_369 : i32
        %parallel_loop3A_371 = arith.constant 16 : i32
        %parallel_loop3A_372 = arith.muli %parallel_loop3A_370, %parallel_loop3A_371 : i32
        %parallel_loop3A_373 = arith.index_cast %parallel_loop3A_372 : i32 to index
        %parallel_loop3A_374 = tpu.vector_load %arg6[%parallel_loop3A_373] {strides = array<i32>} : memref<100000xf32, #tpu.memory_space<vmem>>, vector<16xf32>,
        %parallel_loop3A_375 = arith.constant 4 : i32
        %parallel_loop3A_376 = arith.addi %parallel_loop3A_345, %parallel_loop3A_375 : i32
        %parallel_loop3A_377 = arith.constant 16 : i32
        %parallel_loop3A_378 = arith.muli %parallel_loop3A_376, %parallel_loop3A_377 : i32
        %parallel_loop3A_379 = arith.index_cast %parallel_loop3A_378 : i32 to index
        %parallel_loop3A_380 = tpu.vector_load %arg6[%parallel_loop3A_379] {strides = array<i32>} : memref<100000xf32, #tpu.memory_space<vmem>>, vector<16xf32>,
        %parallel_loop3A_381 = arith.mulf %parallel_loop3A_356, %parallel_loop3A_356 : vector<16xf32>
        %parallel_loop3A_382 = arith.addf %parallel_loop3A_346, %parallel_loop3A_381 : vector<16xf32>
        %parallel_loop3A_383 = arith.mulf %parallel_loop3A_362, %parallel_loop3A_362 : vector<16xf32>
        %parallel_loop3A_384 = arith.addf %parallel_loop3A_347, %parallel_loop3A_383 : vector<16xf32>
        %parallel_loop3A_385 = arith.mulf %parallel_loop3A_368, %parallel_loop3A_368 : vector<16xf32>
        %parallel_loop3A_386 = arith.addf %parallel_loop3A_348, %parallel_loop3A_385 : vector<16xf32>
        %parallel_loop3A_387 = arith.mulf %parallel_loop3A_374, %parallel_loop3A_374 : vector<16xf32>
        %parallel_loop3A_388 = arith.addf %parallel_loop3A_349, %parallel_loop3A_387 : vector<16xf32>
        %parallel_loop3A_389 = arith.mulf %parallel_loop3A_380, %parallel_loop3A_380 : vector<16xf32>
        %parallel_loop3A_390 = arith.addf %parallel_loop3A_350, %parallel_loop3A_389 : vector<16xf32>
        scf.yield %parallel_loop3A_382, %parallel_loop3A_384, %parallel_loop3A_386, %parallel_loop3A_388, %parallel_loop3A_390 : vector<16xf32>, vector<16xf32>, vector<16xf32>, vector<16xf32>, vector<16xf32>
      } {sc.loop_unroll_factor = 2 : i64, sc.parallel_access}
      %add3A_69 = arith.addf %parallel_loop3A_68#0, %parallel_loop3A_68#1 : vector<16xf32>
      %add3A_70 = arith.addf %add3A_69, %parallel_loop3A_68#2 : vector<16xf32>
      %add3A_71 = arith.addf %add3A_70, %parallel_loop3A_68#3 : vector<16xf32>
      %add3A_72 = arith.addf %add3A_71, %parallel_loop3A_68#4 : vector<16xf32>
      %iota3A_73 = tpu.iota {dimensions = array<i32: 0>} : vector<16xi32>
      %xor3A_74 = arith.constant 8 : i32
      %xor3A_75 = vector.broadcast %xor3A_74 : i32 to vector<16xi32>
      %xor3A_76 = arith.xori %iota3A_73, %xor3A_75 : vector<16xi32>
      %broadcast_in_dim3A_77 = vector.shape_cast %xor3A_76 : vector<16xi32> to vector<16x1xi32>
      %gather3A_78 = vector.shape_cast %broadcast_in_dim3A_77 : vector<16x1xi32> to vector<16xi32>
      %gather3A_79 = tpu.dynamic_gather %add3A_72[%gather3A_78] in [0] : vector<16xf32>, vector<16xi32> -> vector<16xf32>
      %add3A_80 = arith.addf %add3A_72, %gather3A_79 : vector<16xf32>
      %xor3A_81 = arith.constant 4 : i32
      %xor3A_82 = vector.broadcast %xor3A_81 : i32 to vector<16xi32>
      %xor3A_83 = arith.xori %iota3A_73, %xor3A_82 : vector<16xi32>
      %broadcast_in_dim3A_84 = vector.shape_cast %xor3A_83 : vector<16xi32> to vector<16x1xi32>
      %gather3A_85 = vector.shape_cast %broadcast_in_dim3A_84 : vector<16x1xi32> to vector<16xi32>
      %gather3A_86 = tpu.dynamic_gather %add3A_80[%gather3A_85] in [0] : vector<16xf32>, vector<16xi32> -> vector<16xf32>
      %add3A_87 = arith.addf %add3A_80, %gather3A_86 : vector<16xf32>
      %xor3A_88 = arith.constant 2 : i32
      %xor3A_89 = vector.broadcast %xor3A_88 : i32 to vector<16xi32>
      %xor3A_90 = arith.xori %iota3A_73, %xor3A_89 : vector<16xi32>
      %broadcast_in_dim3A_91 = vector.shape_cast %xor3A_90 : vector<16xi32> to vector<16x1xi32>
      %gather3A_92 = vector.shape_cast %broadcast_in_dim3A_91 : vector<16x1xi32> to vector<16xi32>
      %gather3A_93 = tpu.dynamic_gather %add3A_87[%gather3A_92] in [0] : vector<16xf32>, vector<16xi32> -> vector<16xf32>
      %add3A_94 = arith.addf %add3A_87, %gather3A_93 : vector<16xf32>
      %xor3A_95 = arith.constant 1 : i32
      %xor3A_96 = vector.broadcast %xor3A_95 : i32 to vector<16xi32>
      %xor3A_97 = arith.xori %iota3A_73, %xor3A_96 : vector<16xi32>
      %broadcast_in_dim3A_98 = vector.shape_cast %xor3A_97 : vector<16xi32> to vector<16x1xi32>
      %gather3A_99 = vector.shape_cast %broadcast_in_dim3A_98 : vector<16x1xi32> to vector<16xi32>
      %gather3A_100 = tpu.dynamic_gather %add3A_94[%gather3A_99] in [0] : vector<16xf32>, vector<16xi32> -> vector<16xf32>
      %add3A_101 = arith.addf %add3A_94, %gather3A_100 : vector<16xf32>
      %broadcast_in_dim3A_102 = arith.constant 1.000000e-24 : f32
      %broadcast_in_dim3A_103 = vector.broadcast %broadcast_in_dim3A_102 : f32 to vector<16xf32>
      %gt3A = arith.cmpf ogt, %add3A_62, %broadcast_in_dim3A_103 : vector<16xf32>
      %div3A = arith.divf %add3A_101, %add3A_62 : vector<16xf32>
      %broadcast_in_dim3A_104 = arith.constant 1.000000e+00 : f32
      %broadcast_in_dim3A_105 = vector.broadcast %broadcast_in_dim3A_104 : f32 to vector<16xf32>
      %select_n3A = arith.select %gt3A, %div3A, %broadcast_in_dim3A_105 : vector<16xi1>, vector<16xf32>
      %bitcast_convert_type3A = tpu.bitcast %select_n3A : vector<16xf32> -> vector<16xi32>
      %broadcast_in_dim3A_106 = arith.constant 1597463007 : i32
      %broadcast_in_dim3A_107 = vector.broadcast %broadcast_in_dim3A_106 : i32 to vector<16xi32>
      %shift_right_arithmetic3A = arith.constant 1 : i32
      %shift_right_arithmetic3A_108 = vector.broadcast %shift_right_arithmetic3A : i32 to vector<16xi32>
      %shift_right_arithmetic3A_109 = arith.shrsi %bitcast_convert_type3A, %shift_right_arithmetic3A_108 : vector<16xi32>
      %sub3A = arith.subi %broadcast_in_dim3A_107, %shift_right_arithmetic3A_109 : vector<16xi32>
      %bitcast_convert_type3A_110 = tpu.bitcast %sub3A : vector<16xi32> -> vector<16xf32>
      %broadcast_in_dim3A_111 = arith.constant 5.000000e-01 : f32
      %broadcast_in_dim3A_112 = vector.broadcast %broadcast_in_dim3A_111 : f32 to vector<16xf32>
      %broadcast_in_dim3A_113 = arith.constant 1.500000e+00 : f32
      %broadcast_in_dim3A_114 = vector.broadcast %broadcast_in_dim3A_113 : f32 to vector<16xf32>
      %mul3A_115 = arith.mulf %broadcast_in_dim3A_112, %select_n3A : vector<16xf32>
      %mul3A_116 = arith.mulf %mul3A_115, %bitcast_convert_type3A_110 : vector<16xf32>
      %mul3A_117 = arith.mulf %mul3A_116, %bitcast_convert_type3A_110 : vector<16xf32>
      %sub3A_118 = arith.subf %broadcast_in_dim3A_114, %mul3A_117 : vector<16xf32>
      %mul3A_119 = arith.mulf %bitcast_convert_type3A_110, %sub3A_118 : vector<16xf32>
      %mul3A_120 = arith.mulf %broadcast_in_dim3A_112, %select_n3A : vector<16xf32>
      %mul3A_121 = arith.mulf %mul3A_120, %mul3A_119 : vector<16xf32>
      %mul3A_122 = arith.mulf %mul3A_121, %mul3A_119 : vector<16xf32>
      %sub3A_123 = arith.subf %broadcast_in_dim3A_114, %mul3A_122 : vector<16xf32>
      %mul3A_124 = arith.mulf %mul3A_119, %sub3A_123 : vector<16xf32>
      %mul3A_125 = arith.mulf %broadcast_in_dim3A_112, %select_n3A : vector<16xf32>
      %mul3A_126 = arith.mulf %mul3A_125, %mul3A_124 : vector<16xf32>
      %mul3A_127 = arith.mulf %mul3A_126, %mul3A_124 : vector<16xf32>
      %sub3A_128 = arith.subf %broadcast_in_dim3A_114, %mul3A_127 : vector<16xf32>
      %mul3A_129 = arith.mulf %mul3A_124, %sub3A_128 : vector<16xf32>
      %mul3A_130 = arith.mulf %broadcast_in_dim3A_112, %select_n3A : vector<16xf32>
      %mul3A_131 = arith.mulf %mul3A_130, %mul3A_129 : vector<16xf32>
      %mul3A_132 = arith.mulf %mul3A_131, %mul3A_129 : vector<16xf32>
      %sub3A_133 = arith.subf %broadcast_in_dim3A_114, %mul3A_132 : vector<16xf32>
      %mul3A_134 = arith.mulf %mul3A_129, %sub3A_133 : vector<16xf32>
      %mul3A_135 = arith.mulf %select_n3A, %mul3A_134 : vector<16xf32>
      %dma_start3A_136 = tpu.memref_slice %arg4[%mul3A_16] : memref<12800000xf32, #tpu.memory_space<hbm>> -> memref<4000xf32, #tpu.memory_space<hbm>>
      %dma_start3A_137 = tpu.memref_slice %arg4[%mul3A_16] : memref<12800000xf32, #tpu.memory_space<hbm>> -> memref<4000xf32, #tpu.memory_space<hbm>>
      tpu.enqueue_dma source(%dma_start3A_137 : memref<4000xf32, #tpu.memory_space<hbm>>) target(%arg8 : memref<4000xf32, #tpu.memory_space<vmem>>) target_semaphore(%arg11 : memref<!tpu.dma_semaphore, #tpu.memory_space<semaphore_mem>>)
      %scan3A_138 = arith.constant 0 : i32
      %scan3A_139 = arith.constant 12 : i32
      %scan3A_140 = arith.addi %scan3A_138, %scan3A_139 : i32
      %scan3A_141 = arith.constant 1 : i32
      %scan3A_142:5 = scf.for %scan3A_345 = %scan3A_138 to %scan3A_140 step %scan3A_141 iter_args(%scan3A_346 = %broadcast_in_dim3A_3, %scan3A_347 = %broadcast_in_dim3A_3, %scan3A_348 = %broadcast_in_dim3A_3, %scan3A_349 = %broadcast_in_dim3A_3, %scan3A_350 = %broadcast_in_dim3A_3) -> (vector<16xf32>, vector<16xf32>, vector<16xf32>, vector<16xf32>, vector<16xf32>)  : i32 {
        %mul3A_351 = arith.constant 2 : i32
        %mul3A_352 = arith.muli %mul3A_351, %scan3A_345 : i32
        %mul3A_353 = arith.constant 4000 : i32
        %mul3A_354 = arith.muli %mul3A_352, %mul3A_353 : i32
        %add3A_355 = arith.addi %mul3A_16, %mul3A_354 : i32
        %dma_wait3A_356 = tpu.memref_slice %arg4[%add3A_355] : memref<12800000xf32, #tpu.memory_space<hbm>> -> memref<4000xf32, #tpu.memory_space<hbm>>
        %dma_wait3A_357 = tpu.memref_slice %arg4[%add3A_355] : memref<12800000xf32, #tpu.memory_space<hbm>> -> memref<4000xf32, #tpu.memory_space<hbm>>
        tpu.wait_dma2 semaphore(%arg11 : memref<!tpu.dma_semaphore, #tpu.memory_space<semaphore_mem>>) src(%dma_wait3A_357 : memref<4000xf32, #tpu.memory_space<hbm>>) dst(%arg8 : memref<4000xf32, #tpu.memory_space<vmem>>)
        %add3A_358 = arith.constant 1 : i32
        %add3A_359 = arith.addi %mul3A_352, %add3A_358 : i32
        %mul3A_360 = arith.constant 4000 : i32
        %mul3A_361 = arith.muli %add3A_359, %mul3A_360 : i32
        %add3A_362 = arith.addi %mul3A_16, %mul3A_361 : i32
        %dma_start3A_363 = tpu.memref_slice %arg4[%add3A_362] : memref<12800000xf32, #tpu.memory_space<hbm>> -> memref<4000xf32, #tpu.memory_space<hbm>>
        %dma_start3A_364 = tpu.memref_slice %arg4[%add3A_362] : memref<12800000xf32, #tpu.memory_space<hbm>> -> memref<4000xf32, #tpu.memory_space<hbm>>
        tpu.enqueue_dma source(%dma_start3A_364 : memref<4000xf32, #tpu.memory_space<hbm>>) target(%arg9 : memref<4000xf32, #tpu.memory_space<vmem>>) target_semaphore(%arg12 : memref<!tpu.dma_semaphore, #tpu.memory_space<semaphore_mem>>)
        %parallel_loop3A_365 = arith.constant 0 : i32
        %parallel_loop3A_366 = arith.constant 250 : i32
        %parallel_loop3A_367 = arith.constant 5 : i32
        %parallel_loop3A_368:5 = scf.for %parallel_loop3A_389 = %parallel_loop3A_365 to %parallel_loop3A_366 step %parallel_loop3A_367 iter_args(%parallel_loop3A_390 = %scan3A_346, %parallel_loop3A_391 = %scan3A_347, %parallel_loop3A_392 = %scan3A_348, %parallel_loop3A_393 = %scan3A_349, %parallel_loop3A_394 = %scan3A_350) -> (vector<16xf32>, vector<16xf32>, vector<16xf32>, vector<16xf32>, vector<16xf32>)  : i32 {
          %parallel_loop3A_395 = arith.constant 4000 : i32
          %parallel_loop3A_396 = arith.muli %mul3A_352, %parallel_loop3A_395 : i32
          %parallel_loop3A_397 = arith.constant 0 : i32
          %parallel_loop3A_398 = arith.addi %parallel_loop3A_389, %parallel_loop3A_397 : i32
          %parallel_loop3A_399 = arith.constant 16 : i32
          %parallel_loop3A_400 = arith.muli %parallel_loop3A_398, %parallel_loop3A_399 : i32
          %parallel_loop3A_401 = arith.addi %parallel_loop3A_396, %parallel_loop3A_400 : i32
          %parallel_loop3A_402 = arith.index_cast %parallel_loop3A_401 : i32 to index
          %parallel_loop3A_403 = tpu.vector_load %arg6[%parallel_loop3A_402] {strides = array<i32>} : memref<100000xf32, #tpu.memory_space<vmem>>, vector<16xf32>,
          %parallel_loop3A_404 = arith.constant 0 : i32
          %parallel_loop3A_405 = arith.addi %parallel_loop3A_389, %parallel_loop3A_404 : i32
          %parallel_loop3A_406 = arith.constant 16 : i32
          %parallel_loop3A_407 = arith.muli %parallel_loop3A_405, %parallel_loop3A_406 : i32
          %parallel_loop3A_408 = arith.index_cast %parallel_loop3A_407 : i32 to index
          %parallel_loop3A_409 = tpu.vector_load %arg8[%parallel_loop3A_408] {strides = array<i32>} : memref<4000xf32, #tpu.memory_space<vmem>>, vector<16xf32>,
          %parallel_loop3A_410 = arith.mulf %mul3A_135, %parallel_loop3A_409 : vector<16xf32>
          %parallel_loop3A_411 = arith.addf %parallel_loop3A_403, %parallel_loop3A_410 : vector<16xf32>
          %parallel_loop3A_412 = arith.index_cast %parallel_loop3A_401 : i32 to index
          %parallel_loop3A_413 = tpu.vector_load %arg6[%parallel_loop3A_412] {strides = array<i32>} : memref<100000xf32, #tpu.memory_space<vmem>>, vector<16xf32>,
          tpu.vector_store %arg6[%parallel_loop3A_412], %parallel_loop3A_411 {strides = array<i32>} : memref<100000xf32, #tpu.memory_space<vmem>>, vector<16xf32>,
          %parallel_loop3A_414 = arith.maximumf %parallel_loop3A_390, %parallel_loop3A_411 : vector<16xf32>
          %parallel_loop3A_415 = arith.constant 4000 : i32
          %parallel_loop3A_416 = arith.muli %mul3A_352, %parallel_loop3A_415 : i32
          %parallel_loop3A_417 = arith.constant 1 : i32
          %parallel_loop3A_418 = arith.addi %parallel_loop3A_389, %parallel_loop3A_417 : i32
          %parallel_loop3A_419 = arith.constant 16 : i32
          %parallel_loop3A_420 = arith.muli %parallel_loop3A_418, %parallel_loop3A_419 : i32
          %parallel_loop3A_421 = arith.addi %parallel_loop3A_416, %parallel_loop3A_420 : i32
          %parallel_loop3A_422 = arith.index_cast %parallel_loop3A_421 : i32 to index
          %parallel_loop3A_423 = tpu.vector_load %arg6[%parallel_loop3A_422] {strides = array<i32>} : memref<100000xf32, #tpu.memory_space<vmem>>, vector<16xf32>,
          %parallel_loop3A_424 = arith.constant 1 : i32
          %parallel_loop3A_425 = arith.addi %parallel_loop3A_389, %parallel_loop3A_424 : i32
          %parallel_loop3A_426 = arith.constant 16 : i32
          %parallel_loop3A_427 = arith.muli %parallel_loop3A_425, %parallel_loop3A_426 : i32
          %parallel_loop3A_428 = arith.index_cast %parallel_loop3A_427 : i32 to index
          %parallel_loop3A_429 = tpu.vector_load %arg8[%parallel_loop3A_428] {strides = array<i32>} : memref<4000xf32, #tpu.memory_space<vmem>>, vector<16xf32>,
          %parallel_loop3A_430 = arith.mulf %mul3A_135, %parallel_loop3A_429 : vector<16xf32>
          %parallel_loop3A_431 = arith.addf %parallel_loop3A_423, %parallel_loop3A_430 : vector<16xf32>
          %parallel_loop3A_432 = arith.index_cast %parallel_loop3A_421 : i32 to index
          %parallel_loop3A_433 = tpu.vector_load %arg6[%parallel_loop3A_432] {strides = array<i32>} : memref<100000xf32, #tpu.memory_space<vmem>>, vector<16xf32>,
          tpu.vector_store %arg6[%parallel_loop3A_432], %parallel_loop3A_431 {strides = array<i32>} : memref<100000xf32, #tpu.memory_space<vmem>>, vector<16xf32>,
          %parallel_loop3A_434 = arith.maximumf %parallel_loop3A_391, %parallel_loop3A_431 : vector<16xf32>
          %parallel_loop3A_435 = arith.constant 4000 : i32
          %parallel_loop3A_436 = arith.muli %mul3A_352, %parallel_loop3A_435 : i32
          %parallel_loop3A_437 = arith.constant 2 : i32
          %parallel_loop3A_438 = arith.addi %parallel_loop3A_389, %parallel_loop3A_437 : i32
          %parallel_loop3A_439 = arith.constant 16 : i32
          %parallel_loop3A_440 = arith.muli %parallel_loop3A_438, %parallel_loop3A_439 : i32
          %parallel_loop3A_441 = arith.addi %parallel_loop3A_436, %parallel_loop3A_440 : i32
          %parallel_loop3A_442 = arith.index_cast %parallel_loop3A_441 : i32 to index
          %parallel_loop3A_443 = tpu.vector_load %arg6[%parallel_loop3A_442] {strides = array<i32>} : memref<100000xf32, #tpu.memory_space<vmem>>, vector<16xf32>,
          %parallel_loop3A_444 = arith.constant 2 : i32
          %parallel_loop3A_445 = arith.addi %parallel_loop3A_389, %parallel_loop3A_444 : i32
          %parallel_loop3A_446 = arith.constant 16 : i32
          %parallel_loop3A_447 = arith.muli %parallel_loop3A_445, %parallel_loop3A_446 : i32
          %parallel_loop3A_448 = arith.index_cast %parallel_loop3A_447 : i32 to index
          %parallel_loop3A_449 = tpu.vector_load %arg8[%parallel_loop3A_448] {strides = array<i32>} : memref<4000xf32, #tpu.memory_space<vmem>>, vector<16xf32>,
          %parallel_loop3A_450 = arith.mulf %mul3A_135, %parallel_loop3A_449 : vector<16xf32>
          %parallel_loop3A_451 = arith.addf %parallel_loop3A_443, %parallel_loop3A_450 : vector<16xf32>
          %parallel_loop3A_452 = arith.index_cast %parallel_loop3A_441 : i32 to index
          %parallel_loop3A_453 = tpu.vector_load %arg6[%parallel_loop3A_452] {strides = array<i32>} : memref<100000xf32, #tpu.memory_space<vmem>>, vector<16xf32>,
          tpu.vector_store %arg6[%parallel_loop3A_452], %parallel_loop3A_451 {strides = array<i32>} : memref<100000xf32, #tpu.memory_space<vmem>>, vector<16xf32>,
          %parallel_loop3A_454 = arith.maximumf %parallel_loop3A_392, %parallel_loop3A_451 : vector<16xf32>
          %parallel_loop3A_455 = arith.constant 4000 : i32
          %parallel_loop3A_456 = arith.muli %mul3A_352, %parallel_loop3A_455 : i32
          %parallel_loop3A_457 = arith.constant 3 : i32
          %parallel_loop3A_458 = arith.addi %parallel_loop3A_389, %parallel_loop3A_457 : i32
          %parallel_loop3A_459 = arith.constant 16 : i32
          %parallel_loop3A_460 = arith.muli %parallel_loop3A_458, %parallel_loop3A_459 : i32
          %parallel_loop3A_461 = arith.addi %parallel_loop3A_456, %parallel_loop3A_460 : i32
          %parallel_loop3A_462 = arith.index_cast %parallel_loop3A_461 : i32 to index
          %parallel_loop3A_463 = tpu.vector_load %arg6[%parallel_loop3A_462] {strides = array<i32>} : memref<100000xf32, #tpu.memory_space<vmem>>, vector<16xf32>,
          %parallel_loop3A_464 = arith.constant 3 : i32
          %parallel_loop3A_465 = arith.addi %parallel_loop3A_389, %parallel_loop3A_464 : i32
          %parallel_loop3A_466 = arith.constant 16 : i32
          %parallel_loop3A_467 = arith.muli %parallel_loop3A_465, %parallel_loop3A_466 : i32
          %parallel_loop3A_468 = arith.index_cast %parallel_loop3A_467 : i32 to index
          %parallel_loop3A_469 = tpu.vector_load %arg8[%parallel_loop3A_468] {strides = array<i32>} : memref<4000xf32, #tpu.memory_space<vmem>>, vector<16xf32>,
          %parallel_loop3A_470 = arith.mulf %mul3A_135, %parallel_loop3A_469 : vector<16xf32>
          %parallel_loop3A_471 = arith.addf %parallel_loop3A_463, %parallel_loop3A_470 : vector<16xf32>
          %parallel_loop3A_472 = arith.index_cast %parallel_loop3A_461 : i32 to index
          %parallel_loop3A_473 = tpu.vector_load %arg6[%parallel_loop3A_472] {strides = array<i32>} : memref<100000xf32, #tpu.memory_space<vmem>>, vector<16xf32>,
          tpu.vector_store %arg6[%parallel_loop3A_472], %parallel_loop3A_471 {strides = array<i32>} : memref<100000xf32, #tpu.memory_space<vmem>>, vector<16xf32>,
          %parallel_loop3A_474 = arith.maximumf %parallel_loop3A_393, %parallel_loop3A_471 : vector<16xf32>
          %parallel_loop3A_475 = arith.constant 4000 : i32
          %parallel_loop3A_476 = arith.muli %mul3A_352, %parallel_loop3A_475 : i32
          %parallel_loop3A_477 = arith.constant 4 : i32
          %parallel_loop3A_478 = arith.addi %parallel_loop3A_389, %parallel_loop3A_477 : i32
          %parallel_loop3A_479 = arith.constant 16 : i32
          %parallel_loop3A_480 = arith.muli %parallel_loop3A_478, %parallel_loop3A_479 : i32
          %parallel_loop3A_481 = arith.addi %parallel_loop3A_476, %parallel_loop3A_480 : i32
          %parallel_loop3A_482 = arith.index_cast %parallel_loop3A_481 : i32 to index
          %parallel_loop3A_483 = tpu.vector_load %arg6[%parallel_loop3A_482] {strides = array<i32>} : memref<100000xf32, #tpu.memory_space<vmem>>, vector<16xf32>,
          %parallel_loop3A_484 = arith.constant 4 : i32
          %parallel_loop3A_485 = arith.addi %parallel_loop3A_389, %parallel_loop3A_484 : i32
          %parallel_loop3A_486 = arith.constant 16 : i32
          %parallel_loop3A_487 = arith.muli %parallel_loop3A_485, %parallel_loop3A_486 : i32
          %parallel_loop3A_488 = arith.index_cast %parallel_loop3A_487 : i32 to index
          %parallel_loop3A_489 = tpu.vector_load %arg8[%parallel_loop3A_488] {strides = array<i32>} : memref<4000xf32, #tpu.memory_space<vmem>>, vector<16xf32>,
          %parallel_loop3A_490 = arith.mulf %mul3A_135, %parallel_loop3A_489 : vector<16xf32>
          %parallel_loop3A_491 = arith.addf %parallel_loop3A_483, %parallel_loop3A_490 : vector<16xf32>
          %parallel_loop3A_492 = arith.index_cast %parallel_loop3A_481 : i32 to index
          %parallel_loop3A_493 = tpu.vector_load %arg6[%parallel_loop3A_492] {strides = array<i32>} : memref<100000xf32, #tpu.memory_space<vmem>>, vector<16xf32>,
          tpu.vector_store %arg6[%parallel_loop3A_492], %parallel_loop3A_491 {strides = array<i32>} : memref<100000xf32, #tpu.memory_space<vmem>>, vector<16xf32>,
          %parallel_loop3A_494 = arith.maximumf %parallel_loop3A_394, %parallel_loop3A_491 : vector<16xf32>
          scf.yield %parallel_loop3A_414, %parallel_loop3A_434, %parallel_loop3A_454, %parallel_loop3A_474, %parallel_loop3A_494 : vector<16xf32>, vector<16xf32>, vector<16xf32>, vector<16xf32>, vector<16xf32>
        } {sc.loop_unroll_factor = 2 : i64, sc.parallel_access}
        %add3A_369 = arith.constant 1 : i32
        %add3A_370 = arith.addi %mul3A_352, %add3A_369 : i32
        %mul3A_371 = arith.constant 4000 : i32
        %mul3A_372 = arith.muli %add3A_370, %mul3A_371 : i32
        %add3A_373 = arith.addi %mul3A_16, %mul3A_372 : i32
        %dma_wait3A_374 = tpu.memref_slice %arg4[%add3A_373] : memref<12800000xf32, #tpu.memory_space<hbm>> -> memref<4000xf32, #tpu.memory_space<hbm>>
        %dma_wait3A_375 = tpu.memref_slice %arg4[%add3A_373] : memref<12800000xf32, #tpu.memory_space<hbm>> -> memref<4000xf32, #tpu.memory_space<hbm>>
        tpu.wait_dma2 semaphore(%arg12 : memref<!tpu.dma_semaphore, #tpu.memory_space<semaphore_mem>>) src(%dma_wait3A_375 : memref<4000xf32, #tpu.memory_space<hbm>>) dst(%arg9 : memref<4000xf32, #tpu.memory_space<vmem>>)
        %add3A_376 = arith.constant 2 : i32
        %add3A_377 = arith.addi %mul3A_352, %add3A_376 : i32
        %mul3A_378 = arith.constant 4000 : i32
        %mul3A_379 = arith.muli %add3A_377, %mul3A_378 : i32
        %add3A_380 = arith.addi %mul3A_16, %mul3A_379 : i32
        %dma_start3A_381 = tpu.memref_slice %arg4[%add3A_380] : memref<12800000xf32, #tpu.memory_space<hbm>> -> memref<4000xf32, #tpu.memory_space<hbm>>
        %dma_start3A_382 = tpu.memref_slice %arg4[%add3A_380] : memref<12800000xf32, #tpu.memory_space<hbm>> -> memref<4000xf32, #tpu.memory_space<hbm>>
        tpu.enqueue_dma source(%dma_start3A_382 : memref<4000xf32, #tpu.memory_space<hbm>>) target(%arg8 : memref<4000xf32, #tpu.memory_space<vmem>>) target_semaphore(%arg11 : memref<!tpu.dma_semaphore, #tpu.memory_space<semaphore_mem>>)
        %add3A_383 = arith.constant 1 : i32
        %add3A_384 = arith.addi %mul3A_352, %add3A_383 : i32
        %parallel_loop3A_385 = arith.constant 0 : i32
        %parallel_loop3A_386 = arith.constant 250 : i32
        %parallel_loop3A_387 = arith.constant 5 : i32
        %parallel_loop3A_388:5 = scf.for %parallel_loop3A_389 = %parallel_loop3A_385 to %parallel_loop3A_386 step %parallel_loop3A_387 iter_args(%parallel_loop3A_390 = %parallel_loop3A_368#0, %parallel_loop3A_391 = %parallel_loop3A_368#1, %parallel_loop3A_392 = %parallel_loop3A_368#2, %parallel_loop3A_393 = %parallel_loop3A_368#3, %parallel_loop3A_394 = %parallel_loop3A_368#4) -> (vector<16xf32>, vector<16xf32>, vector<16xf32>, vector<16xf32>, vector<16xf32>)  : i32 {
          %parallel_loop3A_395 = arith.constant 4000 : i32
          %parallel_loop3A_396 = arith.muli %add3A_384, %parallel_loop3A_395 : i32
          %parallel_loop3A_397 = arith.constant 0 : i32
          %parallel_loop3A_398 = arith.addi %parallel_loop3A_389, %parallel_loop3A_397 : i32
          %parallel_loop3A_399 = arith.constant 16 : i32
          %parallel_loop3A_400 = arith.muli %parallel_loop3A_398, %parallel_loop3A_399 : i32
          %parallel_loop3A_401 = arith.addi %parallel_loop3A_396, %parallel_loop3A_400 : i32
          %parallel_loop3A_402 = arith.index_cast %parallel_loop3A_401 : i32 to index
          %parallel_loop3A_403 = tpu.vector_load %arg6[%parallel_loop3A_402] {strides = array<i32>} : memref<100000xf32, #tpu.memory_space<vmem>>, vector<16xf32>,
          %parallel_loop3A_404 = arith.constant 0 : i32
          %parallel_loop3A_405 = arith.addi %parallel_loop3A_389, %parallel_loop3A_404 : i32
          %parallel_loop3A_406 = arith.constant 16 : i32
          %parallel_loop3A_407 = arith.muli %parallel_loop3A_405, %parallel_loop3A_406 : i32
          %parallel_loop3A_408 = arith.index_cast %parallel_loop3A_407 : i32 to index
          %parallel_loop3A_409 = tpu.vector_load %arg9[%parallel_loop3A_408] {strides = array<i32>} : memref<4000xf32, #tpu.memory_space<vmem>>, vector<16xf32>,
          %parallel_loop3A_410 = arith.mulf %mul3A_135, %parallel_loop3A_409 : vector<16xf32>
          %parallel_loop3A_411 = arith.addf %parallel_loop3A_403, %parallel_loop3A_410 : vector<16xf32>
          %parallel_loop3A_412 = arith.index_cast %parallel_loop3A_401 : i32 to index
          %parallel_loop3A_413 = tpu.vector_load %arg6[%parallel_loop3A_412] {strides = array<i32>} : memref<100000xf32, #tpu.memory_space<vmem>>, vector<16xf32>,
          tpu.vector_store %arg6[%parallel_loop3A_412], %parallel_loop3A_411 {strides = array<i32>} : memref<100000xf32, #tpu.memory_space<vmem>>, vector<16xf32>,
          %parallel_loop3A_414 = arith.maximumf %parallel_loop3A_390, %parallel_loop3A_411 : vector<16xf32>
          %parallel_loop3A_415 = arith.constant 4000 : i32
          %parallel_loop3A_416 = arith.muli %add3A_384, %parallel_loop3A_415 : i32
          %parallel_loop3A_417 = arith.constant 1 : i32
          %parallel_loop3A_418 = arith.addi %parallel_loop3A_389, %parallel_loop3A_417 : i32
          %parallel_loop3A_419 = arith.constant 16 : i32
          %parallel_loop3A_420 = arith.muli %parallel_loop3A_418, %parallel_loop3A_419 : i32
          %parallel_loop3A_421 = arith.addi %parallel_loop3A_416, %parallel_loop3A_420 : i32
          %parallel_loop3A_422 = arith.index_cast %parallel_loop3A_421 : i32 to index
          %parallel_loop3A_423 = tpu.vector_load %arg6[%parallel_loop3A_422] {strides = array<i32>} : memref<100000xf32, #tpu.memory_space<vmem>>, vector<16xf32>,
          %parallel_loop3A_424 = arith.constant 1 : i32
          %parallel_loop3A_425 = arith.addi %parallel_loop3A_389, %parallel_loop3A_424 : i32
          %parallel_loop3A_426 = arith.constant 16 : i32
          %parallel_loop3A_427 = arith.muli %parallel_loop3A_425, %parallel_loop3A_426 : i32
          %parallel_loop3A_428 = arith.index_cast %parallel_loop3A_427 : i32 to index
          %parallel_loop3A_429 = tpu.vector_load %arg9[%parallel_loop3A_428] {strides = array<i32>} : memref<4000xf32, #tpu.memory_space<vmem>>, vector<16xf32>,
          %parallel_loop3A_430 = arith.mulf %mul3A_135, %parallel_loop3A_429 : vector<16xf32>
          %parallel_loop3A_431 = arith.addf %parallel_loop3A_423, %parallel_loop3A_430 : vector<16xf32>
          %parallel_loop3A_432 = arith.index_cast %parallel_loop3A_421 : i32 to index
          %parallel_loop3A_433 = tpu.vector_load %arg6[%parallel_loop3A_432] {strides = array<i32>} : memref<100000xf32, #tpu.memory_space<vmem>>, vector<16xf32>,
          tpu.vector_store %arg6[%parallel_loop3A_432], %parallel_loop3A_431 {strides = array<i32>} : memref<100000xf32, #tpu.memory_space<vmem>>, vector<16xf32>,
          %parallel_loop3A_434 = arith.maximumf %parallel_loop3A_391, %parallel_loop3A_431 : vector<16xf32>
          %parallel_loop3A_435 = arith.constant 4000 : i32
          %parallel_loop3A_436 = arith.muli %add3A_384, %parallel_loop3A_435 : i32
          %parallel_loop3A_437 = arith.constant 2 : i32
          %parallel_loop3A_438 = arith.addi %parallel_loop3A_389, %parallel_loop3A_437 : i32
          %parallel_loop3A_439 = arith.constant 16 : i32
          %parallel_loop3A_440 = arith.muli %parallel_loop3A_438, %parallel_loop3A_439 : i32
          %parallel_loop3A_441 = arith.addi %parallel_loop3A_436, %parallel_loop3A_440 : i32
          %parallel_loop3A_442 = arith.index_cast %parallel_loop3A_441 : i32 to index
          %parallel_loop3A_443 = tpu.vector_load %arg6[%parallel_loop3A_442] {strides = array<i32>} : memref<100000xf32, #tpu.memory_space<vmem>>, vector<16xf32>,
          %parallel_loop3A_444 = arith.constant 2 : i32
          %parallel_loop3A_445 = arith.addi %parallel_loop3A_389, %parallel_loop3A_444 : i32
          %parallel_loop3A_446 = arith.constant 16 : i32
          %parallel_loop3A_447 = arith.muli %parallel_loop3A_445, %parallel_loop3A_446 : i32
          %parallel_loop3A_448 = arith.index_cast %parallel_loop3A_447 : i32 to index
          %parallel_loop3A_449 = tpu.vector_load %arg9[%parallel_loop3A_448] {strides = array<i32>} : memref<4000xf32, #tpu.memory_space<vmem>>, vector<16xf32>,
          %parallel_loop3A_450 = arith.mulf %mul3A_135, %parallel_loop3A_449 : vector<16xf32>
          %parallel_loop3A_451 = arith.addf %parallel_loop3A_443, %parallel_loop3A_450 : vector<16xf32>
          %parallel_loop3A_452 = arith.index_cast %parallel_loop3A_441 : i32 to index
          %parallel_loop3A_453 = tpu.vector_load %arg6[%parallel_loop3A_452] {strides = array<i32>} : memref<100000xf32, #tpu.memory_space<vmem>>, vector<16xf32>,
          tpu.vector_store %arg6[%parallel_loop3A_452], %parallel_loop3A_451 {strides = array<i32>} : memref<100000xf32, #tpu.memory_space<vmem>>, vector<16xf32>,
          %parallel_loop3A_454 = arith.maximumf %parallel_loop3A_392, %parallel_loop3A_451 : vector<16xf32>
          %parallel_loop3A_455 = arith.constant 4000 : i32
          %parallel_loop3A_456 = arith.muli %add3A_384, %parallel_loop3A_455 : i32
          %parallel_loop3A_457 = arith.constant 3 : i32
          %parallel_loop3A_458 = arith.addi %parallel_loop3A_389, %parallel_loop3A_457 : i32
          %parallel_loop3A_459 = arith.constant 16 : i32
          %parallel_loop3A_460 = arith.muli %parallel_loop3A_458, %parallel_loop3A_459 : i32
          %parallel_loop3A_461 = arith.addi %parallel_loop3A_456, %parallel_loop3A_460 : i32
          %parallel_loop3A_462 = arith.index_cast %parallel_loop3A_461 : i32 to index
          %parallel_loop3A_463 = tpu.vector_load %arg6[%parallel_loop3A_462] {strides = array<i32>} : memref<100000xf32, #tpu.memory_space<vmem>>, vector<16xf32>,
          %parallel_loop3A_464 = arith.constant 3 : i32
          %parallel_loop3A_465 = arith.addi %parallel_loop3A_389, %parallel_loop3A_464 : i32
          %parallel_loop3A_466 = arith.constant 16 : i32
          %parallel_loop3A_467 = arith.muli %parallel_loop3A_465, %parallel_loop3A_466 : i32
          %parallel_loop3A_468 = arith.index_cast %parallel_loop3A_467 : i32 to index
          %parallel_loop3A_469 = tpu.vector_load %arg9[%parallel_loop3A_468] {strides = array<i32>} : memref<4000xf32, #tpu.memory_space<vmem>>, vector<16xf32>,
          %parallel_loop3A_470 = arith.mulf %mul3A_135, %parallel_loop3A_469 : vector<16xf32>
          %parallel_loop3A_471 = arith.addf %parallel_loop3A_463, %parallel_loop3A_470 : vector<16xf32>
          %parallel_loop3A_472 = arith.index_cast %parallel_loop3A_461 : i32 to index
          %parallel_loop3A_473 = tpu.vector_load %arg6[%parallel_loop3A_472] {strides = array<i32>} : memref<100000xf32, #tpu.memory_space<vmem>>, vector<16xf32>,
          tpu.vector_store %arg6[%parallel_loop3A_472], %parallel_loop3A_471 {strides = array<i32>} : memref<100000xf32, #tpu.memory_space<vmem>>, vector<16xf32>,
          %parallel_loop3A_474 = arith.maximumf %parallel_loop3A_393, %parallel_loop3A_471 : vector<16xf32>
          %parallel_loop3A_475 = arith.constant 4000 : i32
          %parallel_loop3A_476 = arith.muli %add3A_384, %parallel_loop3A_475 : i32
          %parallel_loop3A_477 = arith.constant 4 : i32
          %parallel_loop3A_478 = arith.addi %parallel_loop3A_389, %parallel_loop3A_477 : i32
          %parallel_loop3A_479 = arith.constant 16 : i32
          %parallel_loop3A_480 = arith.muli %parallel_loop3A_478, %parallel_loop3A_479 : i32
          %parallel_loop3A_481 = arith.addi %parallel_loop3A_476, %parallel_loop3A_480 : i32
          %parallel_loop3A_482 = arith.index_cast %parallel_loop3A_481 : i32 to index
          %parallel_loop3A_483 = tpu.vector_load %arg6[%parallel_loop3A_482] {strides = array<i32>} : memref<100000xf32, #tpu.memory_space<vmem>>, vector<16xf32>,
          %parallel_loop3A_484 = arith.constant 4 : i32
          %parallel_loop3A_485 = arith.addi %parallel_loop3A_389, %parallel_loop3A_484 : i32
          %parallel_loop3A_486 = arith.constant 16 : i32
          %parallel_loop3A_487 = arith.muli %parallel_loop3A_485, %parallel_loop3A_486 : i32
          %parallel_loop3A_488 = arith.index_cast %parallel_loop3A_487 : i32 to index
          %parallel_loop3A_489 = tpu.vector_load %arg9[%parallel_loop3A_488] {strides = array<i32>} : memref<4000xf32, #tpu.memory_space<vmem>>, vector<16xf32>,
          %parallel_loop3A_490 = arith.mulf %mul3A_135, %parallel_loop3A_489 : vector<16xf32>
          %parallel_loop3A_491 = arith.addf %parallel_loop3A_483, %parallel_loop3A_490 : vector<16xf32>
          %parallel_loop3A_492 = arith.index_cast %parallel_loop3A_481 : i32 to index
          %parallel_loop3A_493 = tpu.vector_load %arg6[%parallel_loop3A_492] {strides = array<i32>} : memref<100000xf32, #tpu.memory_space<vmem>>, vector<16xf32>,
          tpu.vector_store %arg6[%parallel_loop3A_492], %parallel_loop3A_491 {strides = array<i32>} : memref<100000xf32, #tpu.memory_space<vmem>>, vector<16xf32>,
          %parallel_loop3A_494 = arith.maximumf %parallel_loop3A_394, %parallel_loop3A_491 : vector<16xf32>
          scf.yield %parallel_loop3A_414, %parallel_loop3A_434, %parallel_loop3A_454, %parallel_loop3A_474, %parallel_loop3A_494 : vector<16xf32>, vector<16xf32>, vector<16xf32>, vector<16xf32>, vector<16xf32>
        } {sc.loop_unroll_factor = 2 : i64, sc.parallel_access}
        scf.yield %parallel_loop3A_388#0, %parallel_loop3A_388#1, %parallel_loop3A_388#2, %parallel_loop3A_388#3, %parallel_loop3A_388#4 : vector<16xf32>, vector<16xf32>, vector<16xf32>, vector<16xf32>, vector<16xf32>
      }
      %scan3A_143 = arith.constant 12 : i32
      %add3A_144 = arith.constant 96000 : i32
      %add3A_145 = arith.addi %mul3A_16, %add3A_144 : i32
      %dma_wait3A_146 = tpu.memref_slice %arg4[%add3A_145] : memref<12800000xf32, #tpu.memory_space<hbm>> -> memref<4000xf32, #tpu.memory_space<hbm>>
      %dma_wait3A_147 = tpu.memref_slice %arg4[%add3A_145] : memref<12800000xf32, #tpu.memory_space<hbm>> -> memref<4000xf32, #tpu.memory_space<hbm>>
      tpu.wait_dma2 semaphore(%arg11 : memref<!tpu.dma_semaphore, #tpu.memory_space<semaphore_mem>>) src(%dma_wait3A_147 : memref<4000xf32, #tpu.memory_space<hbm>>) dst(%arg8 : memref<4000xf32, #tpu.memory_space<vmem>>)
      %parallel_loop3A_148 = arith.constant 0 : i32
      %parallel_loop3A_149 = arith.constant 250 : i32
      %parallel_loop3A_150 = arith.constant 5 : i32
      %parallel_loop3A_151:5 = scf.for %parallel_loop3A_345 = %parallel_loop3A_148 to %parallel_loop3A_149 step %parallel_loop3A_150 iter_args(%parallel_loop3A_346 = %scan3A_142#0, %parallel_loop3A_347 = %scan3A_142#1, %parallel_loop3A_348 = %scan3A_142#2, %parallel_loop3A_349 = %scan3A_142#3, %parallel_loop3A_350 = %scan3A_142#4) -> (vector<16xf32>, vector<16xf32>, vector<16xf32>, vector<16xf32>, vector<16xf32>)  : i32 {
        %parallel_loop3A_351 = arith.constant 0 : i32
        %parallel_loop3A_352 = arith.addi %parallel_loop3A_345, %parallel_loop3A_351 : i32
        %parallel_loop3A_353 = arith.constant 16 : i32
        %parallel_loop3A_354 = arith.muli %parallel_loop3A_352, %parallel_loop3A_353 : i32
        %parallel_loop3A_355 = arith.constant 96000 : i32
        %parallel_loop3A_356 = arith.addi %parallel_loop3A_355, %parallel_loop3A_354 : i32
        %parallel_loop3A_357 = arith.index_cast %parallel_loop3A_356 : i32 to index
        %parallel_loop3A_358 = tpu.vector_load %arg6[%parallel_loop3A_357] {strides = array<i32>} : memref<100000xf32, #tpu.memory_space<vmem>>, vector<16xf32>,
        %parallel_loop3A_359 = arith.constant 0 : i32
        %parallel_loop3A_360 = arith.addi %parallel_loop3A_345, %parallel_loop3A_359 : i32
        %parallel_loop3A_361 = arith.constant 16 : i32
        %parallel_loop3A_362 = arith.muli %parallel_loop3A_360, %parallel_loop3A_361 : i32
        %parallel_loop3A_363 = arith.index_cast %parallel_loop3A_362 : i32 to index
        %parallel_loop3A_364 = tpu.vector_load %arg8[%parallel_loop3A_363] {strides = array<i32>} : memref<4000xf32, #tpu.memory_space<vmem>>, vector<16xf32>,
        %parallel_loop3A_365 = arith.mulf %mul3A_135, %parallel_loop3A_364 : vector<16xf32>
        %parallel_loop3A_366 = arith.addf %parallel_loop3A_358, %parallel_loop3A_365 : vector<16xf32>
        %parallel_loop3A_367 = arith.index_cast %parallel_loop3A_356 : i32 to index
        %parallel_loop3A_368 = tpu.vector_load %arg6[%parallel_loop3A_367] {strides = array<i32>} : memref<100000xf32, #tpu.memory_space<vmem>>, vector<16xf32>,
        tpu.vector_store %arg6[%parallel_loop3A_367], %parallel_loop3A_366 {strides = array<i32>} : memref<100000xf32, #tpu.memory_space<vmem>>, vector<16xf32>,
        %parallel_loop3A_369 = arith.maximumf %parallel_loop3A_346, %parallel_loop3A_366 : vector<16xf32>
        %parallel_loop3A_370 = arith.constant 1 : i32
        %parallel_loop3A_371 = arith.addi %parallel_loop3A_345, %parallel_loop3A_370 : i32
        %parallel_loop3A_372 = arith.constant 16 : i32
        %parallel_loop3A_373 = arith.muli %parallel_loop3A_371, %parallel_loop3A_372 : i32
        %parallel_loop3A_374 = arith.constant 96000 : i32
        %parallel_loop3A_375 = arith.addi %parallel_loop3A_374, %parallel_loop3A_373 : i32
        %parallel_loop3A_376 = arith.index_cast %parallel_loop3A_375 : i32 to index
        %parallel_loop3A_377 = tpu.vector_load %arg6[%parallel_loop3A_376] {strides = array<i32>} : memref<100000xf32, #tpu.memory_space<vmem>>, vector<16xf32>,
        %parallel_loop3A_378 = arith.constant 1 : i32
        %parallel_loop3A_379 = arith.addi %parallel_loop3A_345, %parallel_loop3A_378 : i32
        %parallel_loop3A_380 = arith.constant 16 : i32
        %parallel_loop3A_381 = arith.muli %parallel_loop3A_379, %parallel_loop3A_380 : i32
        %parallel_loop3A_382 = arith.index_cast %parallel_loop3A_381 : i32 to index
        %parallel_loop3A_383 = tpu.vector_load %arg8[%parallel_loop3A_382] {strides = array<i32>} : memref<4000xf32, #tpu.memory_space<vmem>>, vector<16xf32>,
        %parallel_loop3A_384 = arith.mulf %mul3A_135, %parallel_loop3A_383 : vector<16xf32>
        %parallel_loop3A_385 = arith.addf %parallel_loop3A_377, %parallel_loop3A_384 : vector<16xf32>
        %parallel_loop3A_386 = arith.index_cast %parallel_loop3A_375 : i32 to index
        %parallel_loop3A_387 = tpu.vector_load %arg6[%parallel_loop3A_386] {strides = array<i32>} : memref<100000xf32, #tpu.memory_space<vmem>>, vector<16xf32>,
        tpu.vector_store %arg6[%parallel_loop3A_386], %parallel_loop3A_385 {strides = array<i32>} : memref<100000xf32, #tpu.memory_space<vmem>>, vector<16xf32>,
        %parallel_loop3A_388 = arith.maximumf %parallel_loop3A_347, %parallel_loop3A_385 : vector<16xf32>
        %parallel_loop3A_389 = arith.constant 2 : i32
        %parallel_loop3A_390 = arith.addi %parallel_loop3A_345, %parallel_loop3A_389 : i32
        %parallel_loop3A_391 = arith.constant 16 : i32
        %parallel_loop3A_392 = arith.muli %parallel_loop3A_390, %parallel_loop3A_391 : i32
        %parallel_loop3A_393 = arith.constant 96000 : i32
        %parallel_loop3A_394 = arith.addi %parallel_loop3A_393, %parallel_loop3A_392 : i32
        %parallel_loop3A_395 = arith.index_cast %parallel_loop3A_394 : i32 to index
        %parallel_loop3A_396 = tpu.vector_load %arg6[%parallel_loop3A_395] {strides = array<i32>} : memref<100000xf32, #tpu.memory_space<vmem>>, vector<16xf32>,
        %parallel_loop3A_397 = arith.constant 2 : i32
        %parallel_loop3A_398 = arith.addi %parallel_loop3A_345, %parallel_loop3A_397 : i32
        %parallel_loop3A_399 = arith.constant 16 : i32
        %parallel_loop3A_400 = arith.muli %parallel_loop3A_398, %parallel_loop3A_399 : i32
        %parallel_loop3A_401 = arith.index_cast %parallel_loop3A_400 : i32 to index
        %parallel_loop3A_402 = tpu.vector_load %arg8[%parallel_loop3A_401] {strides = array<i32>} : memref<4000xf32, #tpu.memory_space<vmem>>, vector<16xf32>,
        %parallel_loop3A_403 = arith.mulf %mul3A_135, %parallel_loop3A_402 : vector<16xf32>
        %parallel_loop3A_404 = arith.addf %parallel_loop3A_396, %parallel_loop3A_403 : vector<16xf32>
        %parallel_loop3A_405 = arith.index_cast %parallel_loop3A_394 : i32 to index
        %parallel_loop3A_406 = tpu.vector_load %arg6[%parallel_loop3A_405] {strides = array<i32>} : memref<100000xf32, #tpu.memory_space<vmem>>, vector<16xf32>,
        tpu.vector_store %arg6[%parallel_loop3A_405], %parallel_loop3A_404 {strides = array<i32>} : memref<100000xf32, #tpu.memory_space<vmem>>, vector<16xf32>,
        %parallel_loop3A_407 = arith.maximumf %parallel_loop3A_348, %parallel_loop3A_404 : vector<16xf32>
        %parallel_loop3A_408 = arith.constant 3 : i32
        %parallel_loop3A_409 = arith.addi %parallel_loop3A_345, %parallel_loop3A_408 : i32
        %parallel_loop3A_410 = arith.constant 16 : i32
        %parallel_loop3A_411 = arith.muli %parallel_loop3A_409, %parallel_loop3A_410 : i32
        %parallel_loop3A_412 = arith.constant 96000 : i32
        %parallel_loop3A_413 = arith.addi %parallel_loop3A_412, %parallel_loop3A_411 : i32
        %parallel_loop3A_414 = arith.index_cast %parallel_loop3A_413 : i32 to index
        %parallel_loop3A_415 = tpu.vector_load %arg6[%parallel_loop3A_414] {strides = array<i32>} : memref<100000xf32, #tpu.memory_space<vmem>>, vector<16xf32>,
        %parallel_loop3A_416 = arith.constant 3 : i32
        %parallel_loop3A_417 = arith.addi %parallel_loop3A_345, %parallel_loop3A_416 : i32
        %parallel_loop3A_418 = arith.constant 16 : i32
        %parallel_loop3A_419 = arith.muli %parallel_loop3A_417, %parallel_loop3A_418 : i32
        %parallel_loop3A_420 = arith.index_cast %parallel_loop3A_419 : i32 to index
        %parallel_loop3A_421 = tpu.vector_load %arg8[%parallel_loop3A_420] {strides = array<i32>} : memref<4000xf32, #tpu.memory_space<vmem>>, vector<16xf32>,
        %parallel_loop3A_422 = arith.mulf %mul3A_135, %parallel_loop3A_421 : vector<16xf32>
        %parallel_loop3A_423 = arith.addf %parallel_loop3A_415, %parallel_loop3A_422 : vector<16xf32>
        %parallel_loop3A_424 = arith.index_cast %parallel_loop3A_413 : i32 to index
        %parallel_loop3A_425 = tpu.vector_load %arg6[%parallel_loop3A_424] {strides = array<i32>} : memref<100000xf32, #tpu.memory_space<vmem>>, vector<16xf32>,
        tpu.vector_store %arg6[%parallel_loop3A_424], %parallel_loop3A_423 {strides = array<i32>} : memref<100000xf32, #tpu.memory_space<vmem>>, vector<16xf32>,
        %parallel_loop3A_426 = arith.maximumf %parallel_loop3A_349, %parallel_loop3A_423 : vector<16xf32>
        %parallel_loop3A_427 = arith.constant 4 : i32
        %parallel_loop3A_428 = arith.addi %parallel_loop3A_345, %parallel_loop3A_427 : i32
        %parallel_loop3A_429 = arith.constant 16 : i32
        %parallel_loop3A_430 = arith.muli %parallel_loop3A_428, %parallel_loop3A_429 : i32
        %parallel_loop3A_431 = arith.constant 96000 : i32
        %parallel_loop3A_432 = arith.addi %parallel_loop3A_431, %parallel_loop3A_430 : i32
        %parallel_loop3A_433 = arith.index_cast %parallel_loop3A_432 : i32 to index
        %parallel_loop3A_434 = tpu.vector_load %arg6[%parallel_loop3A_433] {strides = array<i32>} : memref<100000xf32, #tpu.memory_space<vmem>>, vector<16xf32>,
        %parallel_loop3A_435 = arith.constant 4 : i32
        %parallel_loop3A_436 = arith.addi %parallel_loop3A_345, %parallel_loop3A_435 : i32
        %parallel_loop3A_437 = arith.constant 16 : i32
        %parallel_loop3A_438 = arith.muli %parallel_loop3A_436, %parallel_loop3A_437 : i32
        %parallel_loop3A_439 = arith.index_cast %parallel_loop3A_438 : i32 to index
        %parallel_loop3A_440 = tpu.vector_load %arg8[%parallel_loop3A_439] {strides = array<i32>} : memref<4000xf32, #tpu.memory_space<vmem>>, vector<16xf32>,
        %parallel_loop3A_441 = arith.mulf %mul3A_135, %parallel_loop3A_440 : vector<16xf32>
        %parallel_loop3A_442 = arith.addf %parallel_loop3A_434, %parallel_loop3A_441 : vector<16xf32>
        %parallel_loop3A_443 = arith.index_cast %parallel_loop3A_432 : i32 to index
        %parallel_loop3A_444 = tpu.vector_load %arg6[%parallel_loop3A_443] {strides = array<i32>} : memref<100000xf32, #tpu.memory_space<vmem>>, vector<16xf32>,
        tpu.vector_store %arg6[%parallel_loop3A_443], %parallel_loop3A_442 {strides = array<i32>} : memref<100000xf32, #tpu.memory_space<vmem>>, vector<16xf32>,
        %parallel_loop3A_445 = arith.maximumf %parallel_loop3A_350, %parallel_loop3A_442 : vector<16xf32>
        scf.yield %parallel_loop3A_369, %parallel_loop3A_388, %parallel_loop3A_407, %parallel_loop3A_426, %parallel_loop3A_445 : vector<16xf32>, vector<16xf32>, vector<16xf32>, vector<16xf32>, vector<16xf32>
      } {sc.loop_unroll_factor = 2 : i64, sc.parallel_access}
      %max3A = arith.maximumf %parallel_loop3A_151#0, %parallel_loop3A_151#1 : vector<16xf32>
      %max3A_152 = arith.maximumf %parallel_loop3A_151#2, %parallel_loop3A_151#3 : vector<16xf32>
      %max3A_153 = arith.maximumf %max3A, %max3A_152 : vector<16xf32>
      %max3A_154 = arith.maximumf %max3A_153, %parallel_loop3A_151#4 : vector<16xf32>
      %iota3A_155 = tpu.iota {dimensions = array<i32: 0>} : vector<16xi32>
      %xor3A_156 = arith.constant 8 : i32
      %xor3A_157 = vector.broadcast %xor3A_156 : i32 to vector<16xi32>
      %xor3A_158 = arith.xori %iota3A_155, %xor3A_157 : vector<16xi32>
      %broadcast_in_dim3A_159 = vector.shape_cast %xor3A_158 : vector<16xi32> to vector<16x1xi32>
      %gather3A_160 = vector.shape_cast %broadcast_in_dim3A_159 : vector<16x1xi32> to vector<16xi32>
      %gather3A_161 = tpu.dynamic_gather %max3A_154[%gather3A_160] in [0] : vector<16xf32>, vector<16xi32> -> vector<16xf32>
      %max3A_162 = arith.maximumf %max3A_154, %gather3A_161 : vector<16xf32>
      %xor3A_163 = arith.constant 4 : i32
      %xor3A_164 = vector.broadcast %xor3A_163 : i32 to vector<16xi32>
      %xor3A_165 = arith.xori %iota3A_155, %xor3A_164 : vector<16xi32>
      %broadcast_in_dim3A_166 = vector.shape_cast %xor3A_165 : vector<16xi32> to vector<16x1xi32>
      %gather3A_167 = vector.shape_cast %broadcast_in_dim3A_166 : vector<16x1xi32> to vector<16xi32>
      %gather3A_168 = tpu.dynamic_gather %max3A_162[%gather3A_167] in [0] : vector<16xf32>, vector<16xi32> -> vector<16xf32>
      %max3A_169 = arith.maximumf %max3A_162, %gather3A_168 : vector<16xf32>
      %xor3A_170 = arith.constant 2 : i32
      %xor3A_171 = vector.broadcast %xor3A_170 : i32 to vector<16xi32>
      %xor3A_172 = arith.xori %iota3A_155, %xor3A_171 : vector<16xi32>
      %broadcast_in_dim3A_173 = vector.shape_cast %xor3A_172 : vector<16xi32> to vector<16x1xi32>
      %gather3A_174 = vector.shape_cast %broadcast_in_dim3A_173 : vector<16x1xi32> to vector<16xi32>
      %gather3A_175 = tpu.dynamic_gather %max3A_169[%gather3A_174] in [0] : vector<16xf32>, vector<16xi32> -> vector<16xf32>
      %max3A_176 = arith.maximumf %max3A_169, %gather3A_175 : vector<16xf32>
      %xor3A_177 = arith.constant 1 : i32
      %xor3A_178 = vector.broadcast %xor3A_177 : i32 to vector<16xi32>
      %xor3A_179 = arith.xori %iota3A_155, %xor3A_178 : vector<16xi32>
      %broadcast_in_dim3A_180 = vector.shape_cast %xor3A_179 : vector<16xi32> to vector<16x1xi32>
      %gather3A_181 = vector.shape_cast %broadcast_in_dim3A_180 : vector<16x1xi32> to vector<16xi32>
      %gather3A_182 = tpu.dynamic_gather %max3A_176[%gather3A_181] in [0] : vector<16xf32>, vector<16xi32> -> vector<16xf32>
      %max3A_183 = arith.maximumf %max3A_176, %gather3A_182 : vector<16xf32>
      %broadcast_in_dim3A_184 = arith.constant 0 : i32
      %broadcast_in_dim3A_185 = vector.broadcast %broadcast_in_dim3A_184 : i32 to vector<16xi32>
      %broadcast_in_dim3A_186 = arith.constant 1073741824 : i32
      %broadcast_in_dim3A_187 = vector.broadcast %broadcast_in_dim3A_186 : i32 to vector<16xi32>
      %parallel_loop3A_188 = arith.constant 0 : i32
      %parallel_loop3A_189 = arith.constant 1024 : i32
      %parallel_loop3A_190 = arith.constant 8 : i32
      scf.for %parallel_loop3A_345 = %parallel_loop3A_188 to %parallel_loop3A_189 step %parallel_loop3A_190  : i32 {
        %parallel_loop3A_346 = arith.constant 0 : i32
        %parallel_loop3A_347 = arith.addi %parallel_loop3A_345, %parallel_loop3A_346 : i32
        %parallel_loop3A_348 = arith.constant 16 : i32
        %parallel_loop3A_349 = arith.muli %parallel_loop3A_347, %parallel_loop3A_348 : i32
        %parallel_loop3A_350 = arith.index_cast %parallel_loop3A_349 : i32 to index
        %parallel_loop3A_351 = tpu.vector_load %arg7[%parallel_loop3A_350] {strides = array<i32>} : memref<16384xf32, #tpu.memory_space<vmem>>, vector<16xf32>,
        tpu.vector_store %arg7[%parallel_loop3A_350], %broadcast_in_dim3A_1 {strides = array<i32>} : memref<16384xf32, #tpu.memory_space<vmem>>, vector<16xf32>,
        %parallel_loop3A_352 = arith.constant 1 : i32
        %parallel_loop3A_353 = arith.addi %parallel_loop3A_345, %parallel_loop3A_352 : i32
        %parallel_loop3A_354 = arith.constant 16 : i32
        %parallel_loop3A_355 = arith.muli %parallel_loop3A_353, %parallel_loop3A_354 : i32
        %parallel_loop3A_356 = arith.index_cast %parallel_loop3A_355 : i32 to index
        %parallel_loop3A_357 = tpu.vector_load %arg7[%parallel_loop3A_356] {strides = array<i32>} : memref<16384xf32, #tpu.memory_space<vmem>>, vector<16xf32>,
        tpu.vector_store %arg7[%parallel_loop3A_356], %broadcast_in_dim3A_1 {strides = array<i32>} : memref<16384xf32, #tpu.memory_space<vmem>>, vector<16xf32>,
        %parallel_loop3A_358 = arith.constant 2 : i32
        %parallel_loop3A_359 = arith.addi %parallel_loop3A_345, %parallel_loop3A_358 : i32
        %parallel_loop3A_360 = arith.constant 16 : i32
        %parallel_loop3A_361 = arith.muli %parallel_loop3A_359, %parallel_loop3A_360 : i32
        %parallel_loop3A_362 = arith.index_cast %parallel_loop3A_361 : i32 to index
        %parallel_loop3A_363 = tpu.vector_load %arg7[%parallel_loop3A_362] {strides = array<i32>} : memref<16384xf32, #tpu.memory_space<vmem>>, vector<16xf32>,
        tpu.vector_store %arg7[%parallel_loop3A_362], %broadcast_in_dim3A_1 {strides = array<i32>} : memref<16384xf32, #tpu.memory_space<vmem>>, vector<16xf32>,
        %parallel_loop3A_364 = arith.constant 3 : i32
        %parallel_loop3A_365 = arith.addi %parallel_loop3A_345, %parallel_loop3A_364 : i32
        %parallel_loop3A_366 = arith.constant 16 : i32
        %parallel_loop3A_367 = arith.muli %parallel_loop3A_365, %parallel_loop3A_366 : i32
        %parallel_loop3A_368 = arith.index_cast %parallel_loop3A_367 : i32 to index
        %parallel_loop3A_369 = tpu.vector_load %arg7[%parallel_loop3A_368] {strides = array<i32>} : memref<16384xf32, #tpu.memory_space<vmem>>, vector<16xf32>,
        tpu.vector_store %arg7[%parallel_loop3A_368], %broadcast_in_dim3A_1 {strides = array<i32>} : memref<16384xf32, #tpu.memory_space<vmem>>, vector<16xf32>,
        %parallel_loop3A_370 = arith.constant 4 : i32
        %parallel_loop3A_371 = arith.addi %parallel_loop3A_345, %parallel_loop3A_370 : i32
        %parallel_loop3A_372 = arith.constant 16 : i32
        %parallel_loop3A_373 = arith.muli %parallel_loop3A_371, %parallel_loop3A_372 : i32
        %parallel_loop3A_374 = arith.index_cast %parallel_loop3A_373 : i32 to index
        %parallel_loop3A_375 = tpu.vector_load %arg7[%parallel_loop3A_374] {strides = array<i32>} : memref<16384xf32, #tpu.memory_space<vmem>>, vector<16xf32>,
        tpu.vector_store %arg7[%parallel_loop3A_374], %broadcast_in_dim3A_1 {strides = array<i32>} : memref<16384xf32, #tpu.memory_space<vmem>>, vector<16xf32>,
        %parallel_loop3A_376 = arith.constant 5 : i32
        %parallel_loop3A_377 = arith.addi %parallel_loop3A_345, %parallel_loop3A_376 : i32
        %parallel_loop3A_378 = arith.constant 16 : i32
        %parallel_loop3A_379 = arith.muli %parallel_loop3A_377, %parallel_loop3A_378 : i32
        %parallel_loop3A_380 = arith.index_cast %parallel_loop3A_379 : i32 to index
        %parallel_loop3A_381 = tpu.vector_load %arg7[%parallel_loop3A_380] {strides = array<i32>} : memref<16384xf32, #tpu.memory_space<vmem>>, vector<16xf32>,
        tpu.vector_store %arg7[%parallel_loop3A_380], %broadcast_in_dim3A_1 {strides = array<i32>} : memref<16384xf32, #tpu.memory_space<vmem>>, vector<16xf32>,
        %parallel_loop3A_382 = arith.constant 6 : i32
        %parallel_loop3A_383 = arith.addi %parallel_loop3A_345, %parallel_loop3A_382 : i32
        %parallel_loop3A_384 = arith.constant 16 : i32
        %parallel_loop3A_385 = arith.muli %parallel_loop3A_383, %parallel_loop3A_384 : i32
        %parallel_loop3A_386 = arith.index_cast %parallel_loop3A_385 : i32 to index
        %parallel_loop3A_387 = tpu.vector_load %arg7[%parallel_loop3A_386] {strides = array<i32>} : memref<16384xf32, #tpu.memory_space<vmem>>, vector<16xf32>,
        tpu.vector_store %arg7[%parallel_loop3A_386], %broadcast_in_dim3A_1 {strides = array<i32>} : memref<16384xf32, #tpu.memory_space<vmem>>, vector<16xf32>,
        %parallel_loop3A_388 = arith.constant 7 : i32
        %parallel_loop3A_389 = arith.addi %parallel_loop3A_345, %parallel_loop3A_388 : i32
        %parallel_loop3A_390 = arith.constant 16 : i32
        %parallel_loop3A_391 = arith.muli %parallel_loop3A_389, %parallel_loop3A_390 : i32
        %parallel_loop3A_392 = arith.index_cast %parallel_loop3A_391 : i32 to index
        %parallel_loop3A_393 = tpu.vector_load %arg7[%parallel_loop3A_392] {strides = array<i32>} : memref<16384xf32, #tpu.memory_space<vmem>>, vector<16xf32>,
        tpu.vector_store %arg7[%parallel_loop3A_392], %broadcast_in_dim3A_1 {strides = array<i32>} : memref<16384xf32, #tpu.memory_space<vmem>>, vector<16xf32>,
      } {sc.loop_unroll_factor = 2 : i64, sc.parallel_access}
      %parallel_loop3A_191 = arith.constant 0 : i32
      %parallel_loop3A_192 = arith.constant 6250 : i32
      %parallel_loop3A_193 = arith.constant 5 : i32
      scf.for %parallel_loop3A_345 = %parallel_loop3A_191 to %parallel_loop3A_192 step %parallel_loop3A_193  : i32 {
        %parallel_loop3A_346 = arith.constant 0 : i32
        %parallel_loop3A_347 = arith.addi %parallel_loop3A_345, %parallel_loop3A_346 : i32
        %parallel_loop3A_348 = arith.constant 16 : i32
        %parallel_loop3A_349 = arith.muli %parallel_loop3A_347, %parallel_loop3A_348 : i32
        %parallel_loop3A_350 = arith.index_cast %parallel_loop3A_349 : i32 to index
        %parallel_loop3A_351 = tpu.vector_load %arg6[%parallel_loop3A_350] {strides = array<i32>} : memref<100000xf32, #tpu.memory_space<vmem>>, vector<16xf32>,
        %parallel_loop3A_352 = arith.subf %parallel_loop3A_351, %max3A_183 : vector<16xf32>
        %parallel_loop3A_353 = math.exp %parallel_loop3A_352 : vector<16xf32>
        %parallel_loop3A_354 = tpu.bitcast %parallel_loop3A_353 : vector<16xf32> -> vector<16xi32>
        %parallel_loop3A_355 = arith.subi %parallel_loop3A_354, %broadcast_in_dim3A_185 : vector<16xi32>
        %parallel_loop3A_356 = arith.constant 0 : i32
        %parallel_loop3A_357 = vector.broadcast %parallel_loop3A_356 : i32 to vector<16xi32>
        %parallel_loop3A_358 = arith.cmpi sge, %parallel_loop3A_355, %parallel_loop3A_357 : vector<16xi32>
        %parallel_loop3A_359 = arith.cmpi slt, %parallel_loop3A_355, %broadcast_in_dim3A_187 : vector<16xi32>
        %parallel_loop3A_360 = arith.andi %parallel_loop3A_358, %parallel_loop3A_359 : vector<16xi1>
        %parallel_loop3A_361 = arith.constant 20 : i32
        %parallel_loop3A_362 = vector.broadcast %parallel_loop3A_361 : i32 to vector<16xi32>
        %parallel_loop3A_363 = arith.shrsi %parallel_loop3A_355, %parallel_loop3A_362 : vector<16xi32>
        %parallel_loop3A_364 = arith.constant 4 : i32
        %parallel_loop3A_365 = vector.broadcast %parallel_loop3A_364 : i32 to vector<16xi32>
        %parallel_loop3A_366 = arith.shli %parallel_loop3A_363, %parallel_loop3A_365 : vector<16xi32>
        %parallel_loop3A_367 = arith.addi %parallel_loop3A_366, %iota3A : vector<16xi32>
        tpu.vector_store_idx %arg7[%parallel_loop3A_367], %parallel_loop3A_353 masked %parallel_loop3A_360 {add = true} : memref<16384xf32, #tpu.memory_space<vmem>>[vector<16xi32>], vector<16xf32>, vector<16xi1>
        %parallel_loop3A_368 = arith.constant 1 : i32
        %parallel_loop3A_369 = arith.addi %parallel_loop3A_345, %parallel_loop3A_368 : i32
        %parallel_loop3A_370 = arith.constant 16 : i32
        %parallel_loop3A_371 = arith.muli %parallel_loop3A_369, %parallel_loop3A_370 : i32
        %parallel_loop3A_372 = arith.index_cast %parallel_loop3A_371 : i32 to index
        %parallel_loop3A_373 = tpu.vector_load %arg6[%parallel_loop3A_372] {strides = array<i32>} : memref<100000xf32, #tpu.memory_space<vmem>>, vector<16xf32>,
        %parallel_loop3A_374 = arith.subf %parallel_loop3A_373, %max3A_183 : vector<16xf32>
        %parallel_loop3A_375 = math.exp %parallel_loop3A_374 : vector<16xf32>
        %parallel_loop3A_376 = tpu.bitcast %parallel_loop3A_375 : vector<16xf32> -> vector<16xi32>
        %parallel_loop3A_377 = arith.subi %parallel_loop3A_376, %broadcast_in_dim3A_185 : vector<16xi32>
        %parallel_loop3A_378 = arith.constant 0 : i32
        %parallel_loop3A_379 = vector.broadcast %parallel_loop3A_378 : i32 to vector<16xi32>
        %parallel_loop3A_380 = arith.cmpi sge, %parallel_loop3A_377, %parallel_loop3A_379 : vector<16xi32>
        %parallel_loop3A_381 = arith.cmpi slt, %parallel_loop3A_377, %broadcast_in_dim3A_187 : vector<16xi32>
        %parallel_loop3A_382 = arith.andi %parallel_loop3A_380, %parallel_loop3A_381 : vector<16xi1>
        %parallel_loop3A_383 = arith.constant 20 : i32
        %parallel_loop3A_384 = vector.broadcast %parallel_loop3A_383 : i32 to vector<16xi32>
        %parallel_loop3A_385 = arith.shrsi %parallel_loop3A_377, %parallel_loop3A_384 : vector<16xi32>
        %parallel_loop3A_386 = arith.constant 4 : i32
        %parallel_loop3A_387 = vector.broadcast %parallel_loop3A_386 : i32 to vector<16xi32>
        %parallel_loop3A_388 = arith.shli %parallel_loop3A_385, %parallel_loop3A_387 : vector<16xi32>
        %parallel_loop3A_389 = arith.addi %parallel_loop3A_388, %iota3A : vector<16xi32>
        tpu.vector_store_idx %arg7[%parallel_loop3A_389], %parallel_loop3A_375 masked %parallel_loop3A_382 {add = true} : memref<16384xf32, #tpu.memory_space<vmem>>[vector<16xi32>], vector<16xf32>, vector<16xi1>
        %parallel_loop3A_390 = arith.constant 2 : i32
        %parallel_loop3A_391 = arith.addi %parallel_loop3A_345, %parallel_loop3A_390 : i32
        %parallel_loop3A_392 = arith.constant 16 : i32
        %parallel_loop3A_393 = arith.muli %parallel_loop3A_391, %parallel_loop3A_392 : i32
        %parallel_loop3A_394 = arith.index_cast %parallel_loop3A_393 : i32 to index
        %parallel_loop3A_395 = tpu.vector_load %arg6[%parallel_loop3A_394] {strides = array<i32>} : memref<100000xf32, #tpu.memory_space<vmem>>, vector<16xf32>,
        %parallel_loop3A_396 = arith.subf %parallel_loop3A_395, %max3A_183 : vector<16xf32>
        %parallel_loop3A_397 = math.exp %parallel_loop3A_396 : vector<16xf32>
        %parallel_loop3A_398 = tpu.bitcast %parallel_loop3A_397 : vector<16xf32> -> vector<16xi32>
        %parallel_loop3A_399 = arith.subi %parallel_loop3A_398, %broadcast_in_dim3A_185 : vector<16xi32>
        %parallel_loop3A_400 = arith.constant 0 : i32
        %parallel_loop3A_401 = vector.broadcast %parallel_loop3A_400 : i32 to vector<16xi32>
        %parallel_loop3A_402 = arith.cmpi sge, %parallel_loop3A_399, %parallel_loop3A_401 : vector<16xi32>
        %parallel_loop3A_403 = arith.cmpi slt, %parallel_loop3A_399, %broadcast_in_dim3A_187 : vector<16xi32>
        %parallel_loop3A_404 = arith.andi %parallel_loop3A_402, %parallel_loop3A_403 : vector<16xi1>
        %parallel_loop3A_405 = arith.constant 20 : i32
        %parallel_loop3A_406 = vector.broadcast %parallel_loop3A_405 : i32 to vector<16xi32>
        %parallel_loop3A_407 = arith.shrsi %parallel_loop3A_399, %parallel_loop3A_406 : vector<16xi32>
        %parallel_loop3A_408 = arith.constant 4 : i32
        %parallel_loop3A_409 = vector.broadcast %parallel_loop3A_408 : i32 to vector<16xi32>
        %parallel_loop3A_410 = arith.shli %parallel_loop3A_407, %parallel_loop3A_409 : vector<16xi32>
        %parallel_loop3A_411 = arith.addi %parallel_loop3A_410, %iota3A : vector<16xi32>
        tpu.vector_store_idx %arg7[%parallel_loop3A_411], %parallel_loop3A_397 masked %parallel_loop3A_404 {add = true} : memref<16384xf32, #tpu.memory_space<vmem>>[vector<16xi32>], vector<16xf32>, vector<16xi1>
        %parallel_loop3A_412 = arith.constant 3 : i32
        %parallel_loop3A_413 = arith.addi %parallel_loop3A_345, %parallel_loop3A_412 : i32
        %parallel_loop3A_414 = arith.constant 16 : i32
        %parallel_loop3A_415 = arith.muli %parallel_loop3A_413, %parallel_loop3A_414 : i32
        %parallel_loop3A_416 = arith.index_cast %parallel_loop3A_415 : i32 to index
        %parallel_loop3A_417 = tpu.vector_load %arg6[%parallel_loop3A_416] {strides = array<i32>} : memref<100000xf32, #tpu.memory_space<vmem>>, vector<16xf32>,
        %parallel_loop3A_418 = arith.subf %parallel_loop3A_417, %max3A_183 : vector<16xf32>
        %parallel_loop3A_419 = math.exp %parallel_loop3A_418 : vector<16xf32>
        %parallel_loop3A_420 = tpu.bitcast %parallel_loop3A_419 : vector<16xf32> -> vector<16xi32>
        %parallel_loop3A_421 = arith.subi %parallel_loop3A_420, %broadcast_in_dim3A_185 : vector<16xi32>
        %parallel_loop3A_422 = arith.constant 0 : i32
        %parallel_loop3A_423 = vector.broadcast %parallel_loop3A_422 : i32 to vector<16xi32>
        %parallel_loop3A_424 = arith.cmpi sge, %parallel_loop3A_421, %parallel_loop3A_423 : vector<16xi32>
        %parallel_loop3A_425 = arith.cmpi slt, %parallel_loop3A_421, %broadcast_in_dim3A_187 : vector<16xi32>
        %parallel_loop3A_426 = arith.andi %parallel_loop3A_424, %parallel_loop3A_425 : vector<16xi1>
        %parallel_loop3A_427 = arith.constant 20 : i32
        %parallel_loop3A_428 = vector.broadcast %parallel_loop3A_427 : i32 to vector<16xi32>
        %parallel_loop3A_429 = arith.shrsi %parallel_loop3A_421, %parallel_loop3A_428 : vector<16xi32>
        %parallel_loop3A_430 = arith.constant 4 : i32
        %parallel_loop3A_431 = vector.broadcast %parallel_loop3A_430 : i32 to vector<16xi32>
        %parallel_loop3A_432 = arith.shli %parallel_loop3A_429, %parallel_loop3A_431 : vector<16xi32>
        %parallel_loop3A_433 = arith.addi %parallel_loop3A_432, %iota3A : vector<16xi32>
        tpu.vector_store_idx %arg7[%parallel_loop3A_433], %parallel_loop3A_419 masked %parallel_loop3A_426 {add = true} : memref<16384xf32, #tpu.memory_space<vmem>>[vector<16xi32>], vector<16xf32>, vector<16xi1>
        %parallel_loop3A_434 = arith.constant 4 : i32
        %parallel_loop3A_435 = arith.addi %parallel_loop3A_345, %parallel_loop3A_434 : i32
        %parallel_loop3A_436 = arith.constant 16 : i32
        %parallel_loop3A_437 = arith.muli %parallel_loop3A_435, %parallel_loop3A_436 : i32
        %parallel_loop3A_438 = arith.index_cast %parallel_loop3A_437 : i32 to index
        %parallel_loop3A_439 = tpu.vector_load %arg6[%parallel_loop3A_438] {strides = array<i32>} : memref<100000xf32, #tpu.memory_space<vmem>>, vector<16xf32>,
        %parallel_loop3A_440 = arith.subf %parallel_loop3A_439, %max3A_183 : vector<16xf32>
        %parallel_loop3A_441 = math.exp %parallel_loop3A_440 : vector<16xf32>
        %parallel_loop3A_442 = tpu.bitcast %parallel_loop3A_441 : vector<16xf32> -> vector<16xi32>
        %parallel_loop3A_443 = arith.subi %parallel_loop3A_442, %broadcast_in_dim3A_185 : vector<16xi32>
        %parallel_loop3A_444 = arith.constant 0 : i32
        %parallel_loop3A_445 = vector.broadcast %parallel_loop3A_444 : i32 to vector<16xi32>
        %parallel_loop3A_446 = arith.cmpi sge, %parallel_loop3A_443, %parallel_loop3A_445 : vector<16xi32>
        %parallel_loop3A_447 = arith.cmpi slt, %parallel_loop3A_443, %broadcast_in_dim3A_187 : vector<16xi32>
        %parallel_loop3A_448 = arith.andi %parallel_loop3A_446, %parallel_loop3A_447 : vector<16xi1>
        %parallel_loop3A_449 = arith.constant 20 : i32
        %parallel_loop3A_450 = vector.broadcast %parallel_loop3A_449 : i32 to vector<16xi32>
        %parallel_loop3A_451 = arith.shrsi %parallel_loop3A_443, %parallel_loop3A_450 : vector<16xi32>
        %parallel_loop3A_452 = arith.constant 4 : i32
        %parallel_loop3A_453 = vector.broadcast %parallel_loop3A_452 : i32 to vector<16xi32>
        %parallel_loop3A_454 = arith.shli %parallel_loop3A_451, %parallel_loop3A_453 : vector<16xi32>
        %parallel_loop3A_455 = arith.addi %parallel_loop3A_454, %iota3A : vector<16xi32>
        tpu.vector_store_idx %arg7[%parallel_loop3A_455], %parallel_loop3A_441 masked %parallel_loop3A_448 {add = true} : memref<16384xf32, #tpu.memory_space<vmem>>[vector<16xi32>], vector<16xf32>, vector<16xi1>
      } {sc.loop_unroll_factor = 2 : i64, sc.parallel_access}
      %parallel_loop3A_194 = arith.constant 0 : i32
      %parallel_loop3A_195 = arith.constant 1024 : i32
      %parallel_loop3A_196 = arith.constant 8 : i32
      %parallel_loop3A_197:8 = scf.for %parallel_loop3A_345 = %parallel_loop3A_194 to %parallel_loop3A_195 step %parallel_loop3A_196 iter_args(%parallel_loop3A_346 = %broadcast_in_dim3A_1, %parallel_loop3A_347 = %broadcast_in_dim3A_1, %parallel_loop3A_348 = %broadcast_in_dim3A_1, %parallel_loop3A_349 = %broadcast_in_dim3A_1, %parallel_loop3A_350 = %broadcast_in_dim3A_1, %parallel_loop3A_351 = %broadcast_in_dim3A_1, %parallel_loop3A_352 = %broadcast_in_dim3A_1, %parallel_loop3A_353 = %broadcast_in_dim3A_1) -> (vector<16xf32>, vector<16xf32>, vector<16xf32>, vector<16xf32>, vector<16xf32>, vector<16xf32>, vector<16xf32>, vector<16xf32>)  : i32 {
        %parallel_loop3A_354 = arith.constant 0 : i32
        %parallel_loop3A_355 = arith.addi %parallel_loop3A_345, %parallel_loop3A_354 : i32
        %parallel_loop3A_356 = arith.constant 16 : i32
        %parallel_loop3A_357 = arith.muli %parallel_loop3A_355, %parallel_loop3A_356 : i32
        %parallel_loop3A_358 = arith.index_cast %parallel_loop3A_357 : i32 to index
        %parallel_loop3A_359 = tpu.vector_load %arg7[%parallel_loop3A_358] {strides = array<i32>} : memref<16384xf32, #tpu.memory_space<vmem>>, vector<16xf32>,
        %parallel_loop3A_360 = arith.addf %parallel_loop3A_346, %parallel_loop3A_359 : vector<16xf32>
        %parallel_loop3A_361 = arith.constant 1 : i32
        %parallel_loop3A_362 = arith.addi %parallel_loop3A_345, %parallel_loop3A_361 : i32
        %parallel_loop3A_363 = arith.constant 16 : i32
        %parallel_loop3A_364 = arith.muli %parallel_loop3A_362, %parallel_loop3A_363 : i32
        %parallel_loop3A_365 = arith.index_cast %parallel_loop3A_364 : i32 to index
        %parallel_loop3A_366 = tpu.vector_load %arg7[%parallel_loop3A_365] {strides = array<i32>} : memref<16384xf32, #tpu.memory_space<vmem>>, vector<16xf32>,
        %parallel_loop3A_367 = arith.addf %parallel_loop3A_347, %parallel_loop3A_366 : vector<16xf32>
        %parallel_loop3A_368 = arith.constant 2 : i32
        %parallel_loop3A_369 = arith.addi %parallel_loop3A_345, %parallel_loop3A_368 : i32
        %parallel_loop3A_370 = arith.constant 16 : i32
        %parallel_loop3A_371 = arith.muli %parallel_loop3A_369, %parallel_loop3A_370 : i32
        %parallel_loop3A_372 = arith.index_cast %parallel_loop3A_371 : i32 to index
        %parallel_loop3A_373 = tpu.vector_load %arg7[%parallel_loop3A_372] {strides = array<i32>} : memref<16384xf32, #tpu.memory_space<vmem>>, vector<16xf32>,
        %parallel_loop3A_374 = arith.addf %parallel_loop3A_348, %parallel_loop3A_373 : vector<16xf32>
        %parallel_loop3A_375 = arith.constant 3 : i32
        %parallel_loop3A_376 = arith.addi %parallel_loop3A_345, %parallel_loop3A_375 : i32
        %parallel_loop3A_377 = arith.constant 16 : i32
        %parallel_loop3A_378 = arith.muli %parallel_loop3A_376, %parallel_loop3A_377 : i32
        %parallel_loop3A_379 = arith.index_cast %parallel_loop3A_378 : i32 to index
        %parallel_loop3A_380 = tpu.vector_load %arg7[%parallel_loop3A_379] {strides = array<i32>} : memref<16384xf32, #tpu.memory_space<vmem>>, vector<16xf32>,
        %parallel_loop3A_381 = arith.addf %parallel_loop3A_349, %parallel_loop3A_380 : vector<16xf32>
        %parallel_loop3A_382 = arith.constant 4 : i32
        %parallel_loop3A_383 = arith.addi %parallel_loop3A_345, %parallel_loop3A_382 : i32
        %parallel_loop3A_384 = arith.constant 16 : i32
        %parallel_loop3A_385 = arith.muli %parallel_loop3A_383, %parallel_loop3A_384 : i32
        %parallel_loop3A_386 = arith.index_cast %parallel_loop3A_385 : i32 to index
        %parallel_loop3A_387 = tpu.vector_load %arg7[%parallel_loop3A_386] {strides = array<i32>} : memref<16384xf32, #tpu.memory_space<vmem>>, vector<16xf32>,
        %parallel_loop3A_388 = arith.addf %parallel_loop3A_350, %parallel_loop3A_387 : vector<16xf32>
        %parallel_loop3A_389 = arith.constant 5 : i32
        %parallel_loop3A_390 = arith.addi %parallel_loop3A_345, %parallel_loop3A_389 : i32
        %parallel_loop3A_391 = arith.constant 16 : i32
        %parallel_loop3A_392 = arith.muli %parallel_loop3A_390, %parallel_loop3A_391 : i32
        %parallel_loop3A_393 = arith.index_cast %parallel_loop3A_392 : i32 to index
        %parallel_loop3A_394 = tpu.vector_load %arg7[%parallel_loop3A_393] {strides = array<i32>} : memref<16384xf32, #tpu.memory_space<vmem>>, vector<16xf32>,
        %parallel_loop3A_395 = arith.addf %parallel_loop3A_351, %parallel_loop3A_394 : vector<16xf32>
        %parallel_loop3A_396 = arith.constant 6 : i32
        %parallel_loop3A_397 = arith.addi %parallel_loop3A_345, %parallel_loop3A_396 : i32
        %parallel_loop3A_398 = arith.constant 16 : i32
        %parallel_loop3A_399 = arith.muli %parallel_loop3A_397, %parallel_loop3A_398 : i32
        %parallel_loop3A_400 = arith.index_cast %parallel_loop3A_399 : i32 to index
        %parallel_loop3A_401 = tpu.vector_load %arg7[%parallel_loop3A_400] {strides = array<i32>} : memref<16384xf32, #tpu.memory_space<vmem>>, vector<16xf32>,
        %parallel_loop3A_402 = arith.addf %parallel_loop3A_352, %parallel_loop3A_401 : vector<16xf32>
        %parallel_loop3A_403 = arith.constant 7 : i32
        %parallel_loop3A_404 = arith.addi %parallel_loop3A_345, %parallel_loop3A_403 : i32
        %parallel_loop3A_405 = arith.constant 16 : i32
        %parallel_loop3A_406 = arith.muli %parallel_loop3A_404, %parallel_loop3A_405 : i32
        %parallel_loop3A_407 = arith.index_cast %parallel_loop3A_406 : i32 to index
        %parallel_loop3A_408 = tpu.vector_load %arg7[%parallel_loop3A_407] {strides = array<i32>} : memref<16384xf32, #tpu.memory_space<vmem>>, vector<16xf32>,
        %parallel_loop3A_409 = arith.addf %parallel_loop3A_353, %parallel_loop3A_408 : vector<16xf32>
        scf.yield %parallel_loop3A_360, %parallel_loop3A_367, %parallel_loop3A_374, %parallel_loop3A_381, %parallel_loop3A_388, %parallel_loop3A_395, %parallel_loop3A_402, %parallel_loop3A_409 : vector<16xf32>, vector<16xf32>, vector<16xf32>, vector<16xf32>, vector<16xf32>, vector<16xf32>, vector<16xf32>, vector<16xf32>
      } {sc.loop_unroll_factor = 2 : i64, sc.parallel_access}
      %add3A_198 = arith.addf %parallel_loop3A_197#0, %parallel_loop3A_197#1 : vector<16xf32>
      %add3A_199 = arith.addf %parallel_loop3A_197#2, %parallel_loop3A_197#3 : vector<16xf32>
      %add3A_200 = arith.addf %add3A_198, %add3A_199 : vector<16xf32>
      %add3A_201 = arith.addf %parallel_loop3A_197#4, %parallel_loop3A_197#5 : vector<16xf32>
      %add3A_202 = arith.addf %parallel_loop3A_197#6, %parallel_loop3A_197#7 : vector<16xf32>
      %add3A_203 = arith.addf %add3A_201, %add3A_202 : vector<16xf32>
      %add3A_204 = arith.addf %add3A_200, %add3A_203 : vector<16xf32>
      %iota3A_205 = tpu.iota {dimensions = array<i32: 0>} : vector<16xi32>
      %xor3A_206 = arith.constant 8 : i32
      %xor3A_207 = vector.broadcast %xor3A_206 : i32 to vector<16xi32>
      %xor3A_208 = arith.xori %iota3A_205, %xor3A_207 : vector<16xi32>
      %broadcast_in_dim3A_209 = vector.shape_cast %xor3A_208 : vector<16xi32> to vector<16x1xi32>
      %gather3A_210 = vector.shape_cast %broadcast_in_dim3A_209 : vector<16x1xi32> to vector<16xi32>
      %gather3A_211 = tpu.dynamic_gather %add3A_204[%gather3A_210] in [0] : vector<16xf32>, vector<16xi32> -> vector<16xf32>
      %add3A_212 = arith.addf %add3A_204, %gather3A_211 : vector<16xf32>
      %xor3A_213 = arith.constant 4 : i32
      %xor3A_214 = vector.broadcast %xor3A_213 : i32 to vector<16xi32>
      %xor3A_215 = arith.xori %iota3A_205, %xor3A_214 : vector<16xi32>
      %broadcast_in_dim3A_216 = vector.shape_cast %xor3A_215 : vector<16xi32> to vector<16x1xi32>
      %gather3A_217 = vector.shape_cast %broadcast_in_dim3A_216 : vector<16x1xi32> to vector<16xi32>
      %gather3A_218 = tpu.dynamic_gather %add3A_212[%gather3A_217] in [0] : vector<16xf32>, vector<16xi32> -> vector<16xf32>
      %add3A_219 = arith.addf %add3A_212, %gather3A_218 : vector<16xf32>
      %xor3A_220 = arith.constant 2 : i32
      %xor3A_221 = vector.broadcast %xor3A_220 : i32 to vector<16xi32>
      %xor3A_222 = arith.xori %iota3A_205, %xor3A_221 : vector<16xi32>
      %broadcast_in_dim3A_223 = vector.shape_cast %xor3A_222 : vector<16xi32> to vector<16x1xi32>
      %gather3A_224 = vector.shape_cast %broadcast_in_dim3A_223 : vector<16x1xi32> to vector<16xi32>
      %gather3A_225 = tpu.dynamic_gather %add3A_219[%gather3A_224] in [0] : vector<16xf32>, vector<16xi32> -> vector<16xf32>
      %add3A_226 = arith.addf %add3A_219, %gather3A_225 : vector<16xf32>
      %xor3A_227 = arith.constant 1 : i32
      %xor3A_228 = vector.broadcast %xor3A_227 : i32 to vector<16xi32>
      %xor3A_229 = arith.xori %iota3A_205, %xor3A_228 : vector<16xi32>
      %broadcast_in_dim3A_230 = vector.shape_cast %xor3A_229 : vector<16xi32> to vector<16x1xi32>
      %gather3A_231 = vector.shape_cast %broadcast_in_dim3A_230 : vector<16x1xi32> to vector<16xi32>
      %gather3A_232 = tpu.dynamic_gather %add3A_226[%gather3A_231] in [0] : vector<16xf32>, vector<16xi32> -> vector<16xf32>
      %add3A_233 = arith.addf %add3A_226, %gather3A_232 : vector<16xf32>
      %broadcast_in_dim3A_234 = arith.constant 9.800000e-01 : f32
      %broadcast_in_dim3A_235 = vector.broadcast %broadcast_in_dim3A_234 : f32 to vector<16xf32>
      %mul3A_236 = arith.mulf %broadcast_in_dim3A_235, %add3A_233 : vector<16xf32>
      %sub3A_237 = arith.subf %mul3A_236, %broadcast_in_dim3A_1 : vector<16xf32>
      %broadcast_in_dim3A_238 = arith.constant false
      %broadcast_in_dim3A_239 = vector.broadcast %broadcast_in_dim3A_238 : i1 to vector<16xi1>
      %broadcast_in_dim3A_240 = arith.constant 0 : i32
      %broadcast_in_dim3A_241 = vector.broadcast %broadcast_in_dim3A_240 : i32 to vector<16xi32>
      %scan3A_242 = arith.constant 0 : i32
      %scan3A_243 = arith.constant 64 : i32
      %scan3A_244 = arith.addi %scan3A_242, %scan3A_243 : i32
      %scan3A_245 = arith.constant 1 : i32
      %scan3A_246:4 = scf.for %scan3A_345 = %scan3A_242 to %scan3A_244 step %scan3A_245 iter_args(%scan3A_346 = %broadcast_in_dim3A_1, %scan3A_347 = %broadcast_in_dim3A_239, %scan3A_348 = %broadcast_in_dim3A_241, %scan3A_349 = %broadcast_in_dim3A_1) -> (vector<16xf32>, vector<16xi1>, vector<16xi32>, vector<16xf32>)  : i32 {
        %sub3A_350 = arith.constant 63 : i32
        %sub3A_351 = arith.subi %sub3A_350, %scan3A_345 : i32
        %mul3A_352 = arith.constant 256 : i32
        %mul3A_353 = arith.muli %sub3A_351, %mul3A_352 : i32
        %add3A_354 = arith.constant 0 : i32
        %add3A_355 = arith.addi %mul3A_353, %add3A_354 : i32
        %get3A = arith.index_cast %add3A_355 : i32 to index
        %get3A_356 = tpu.vector_load %arg7[%get3A] {strides = array<i32>} : memref<16384xf32, #tpu.memory_space<vmem>>, vector<16xf32>,
        %add3A_357 = arith.addf %broadcast_in_dim3A_1, %get3A_356 : vector<16xf32>
        %mul3A_358 = arith.constant 256 : i32
        %mul3A_359 = arith.muli %sub3A_351, %mul3A_358 : i32
        %add3A_360 = arith.constant 16 : i32
        %add3A_361 = arith.addi %mul3A_359, %add3A_360 : i32
        %get3A_362 = arith.index_cast %add3A_361 : i32 to index
        %get3A_363 = tpu.vector_load %arg7[%get3A_362] {strides = array<i32>} : memref<16384xf32, #tpu.memory_space<vmem>>, vector<16xf32>,
        %add3A_364 = arith.addf %broadcast_in_dim3A_1, %get3A_363 : vector<16xf32>
        %mul3A_365 = arith.constant 256 : i32
        %mul3A_366 = arith.muli %sub3A_351, %mul3A_365 : i32
        %add3A_367 = arith.constant 32 : i32
        %add3A_368 = arith.addi %mul3A_366, %add3A_367 : i32
        %get3A_369 = arith.index_cast %add3A_368 : i32 to index
        %get3A_370 = tpu.vector_load %arg7[%get3A_369] {strides = array<i32>} : memref<16384xf32, #tpu.memory_space<vmem>>, vector<16xf32>,
        %add3A_371 = arith.addf %broadcast_in_dim3A_1, %get3A_370 : vector<16xf32>
        %mul3A_372 = arith.constant 256 : i32
        %mul3A_373 = arith.muli %sub3A_351, %mul3A_372 : i32
        %add3A_374 = arith.constant 48 : i32
        %add3A_375 = arith.addi %mul3A_373, %add3A_374 : i32
        %get3A_376 = arith.index_cast %add3A_375 : i32 to index
        %get3A_377 = tpu.vector_load %arg7[%get3A_376] {strides = array<i32>} : memref<16384xf32, #tpu.memory_space<vmem>>, vector<16xf32>,
        %add3A_378 = arith.addf %broadcast_in_dim3A_1, %get3A_377 : vector<16xf32>
        %mul3A_379 = arith.constant 256 : i32
        %mul3A_380 = arith.muli %sub3A_351, %mul3A_379 : i32
        %add3A_381 = arith.constant 64 : i32
        %add3A_382 = arith.addi %mul3A_380, %add3A_381 : i32
        %get3A_383 = arith.index_cast %add3A_382 : i32 to index
        %get3A_384 = tpu.vector_load %arg7[%get3A_383] {strides = array<i32>} : memref<16384xf32, #tpu.memory_space<vmem>>, vector<16xf32>,
        %add3A_385 = arith.addf %add3A_357, %get3A_384 : vector<16xf32>
        %mul3A_386 = arith.constant 256 : i32
        %mul3A_387 = arith.muli %sub3A_351, %mul3A_386 : i32
        %add3A_388 = arith.constant 80 : i32
        %add3A_389 = arith.addi %mul3A_387, %add3A_388 : i32
        %get3A_390 = arith.index_cast %add3A_389 : i32 to index
        %get3A_391 = tpu.vector_load %arg7[%get3A_390] {strides = array<i32>} : memref<16384xf32, #tpu.memory_space<vmem>>, vector<16xf32>,
        %add3A_392 = arith.addf %add3A_364, %get3A_391 : vector<16xf32>
        %mul3A_393 = arith.constant 256 : i32
        %mul3A_394 = arith.muli %sub3A_351, %mul3A_393 : i32
        %add3A_395 = arith.constant 96 : i32
        %add3A_396 = arith.addi %mul3A_394, %add3A_395 : i32
        %get3A_397 = arith.index_cast %add3A_396 : i32 to index
        %get3A_398 = tpu.vector_load %arg7[%get3A_397] {strides = array<i32>} : memref<16384xf32, #tpu.memory_space<vmem>>, vector<16xf32>,
        %add3A_399 = arith.addf %add3A_371, %get3A_398 : vector<16xf32>
        %mul3A_400 = arith.constant 256 : i32
        %mul3A_401 = arith.muli %sub3A_351, %mul3A_400 : i32
        %add3A_402 = arith.constant 112 : i32
        %add3A_403 = arith.addi %mul3A_401, %add3A_402 : i32
        %get3A_404 = arith.index_cast %add3A_403 : i32 to index
        %get3A_405 = tpu.vector_load %arg7[%get3A_404] {strides = array<i32>} : memref<16384xf32, #tpu.memory_space<vmem>>, vector<16xf32>,
        %add3A_406 = arith.addf %add3A_378, %get3A_405 : vector<16xf32>
        %mul3A_407 = arith.constant 256 : i32
        %mul3A_408 = arith.muli %sub3A_351, %mul3A_407 : i32
        %add3A_409 = arith.constant 128 : i32
        %add3A_410 = arith.addi %mul3A_408, %add3A_409 : i32
        %get3A_411 = arith.index_cast %add3A_410 : i32 to index
        %get3A_412 = tpu.vector_load %arg7[%get3A_411] {strides = array<i32>} : memref<16384xf32, #tpu.memory_space<vmem>>, vector<16xf32>,
        %add3A_413 = arith.addf %add3A_385, %get3A_412 : vector<16xf32>
        %mul3A_414 = arith.constant 256 : i32
        %mul3A_415 = arith.muli %sub3A_351, %mul3A_414 : i32
        %add3A_416 = arith.constant 144 : i32
        %add3A_417 = arith.addi %mul3A_415, %add3A_416 : i32
        %get3A_418 = arith.index_cast %add3A_417 : i32 to index
        %get3A_419 = tpu.vector_load %arg7[%get3A_418] {strides = array<i32>} : memref<16384xf32, #tpu.memory_space<vmem>>, vector<16xf32>,
        %add3A_420 = arith.addf %add3A_392, %get3A_419 : vector<16xf32>
        %mul3A_421 = arith.constant 256 : i32
        %mul3A_422 = arith.muli %sub3A_351, %mul3A_421 : i32
        %add3A_423 = arith.constant 160 : i32
        %add3A_424 = arith.addi %mul3A_422, %add3A_423 : i32
        %get3A_425 = arith.index_cast %add3A_424 : i32 to index
        %get3A_426 = tpu.vector_load %arg7[%get3A_425] {strides = array<i32>} : memref<16384xf32, #tpu.memory_space<vmem>>, vector<16xf32>,
        %add3A_427 = arith.addf %add3A_399, %get3A_426 : vector<16xf32>
        %mul3A_428 = arith.constant 256 : i32
        %mul3A_429 = arith.muli %sub3A_351, %mul3A_428 : i32
        %add3A_430 = arith.constant 176 : i32
        %add3A_431 = arith.addi %mul3A_429, %add3A_430 : i32
        %get3A_432 = arith.index_cast %add3A_431 : i32 to index
        %get3A_433 = tpu.vector_load %arg7[%get3A_432] {strides = array<i32>} : memref<16384xf32, #tpu.memory_space<vmem>>, vector<16xf32>,
        %add3A_434 = arith.addf %add3A_406, %get3A_433 : vector<16xf32>
        %mul3A_435 = arith.constant 256 : i32
        %mul3A_436 = arith.muli %sub3A_351, %mul3A_435 : i32
        %add3A_437 = arith.constant 192 : i32
        %add3A_438 = arith.addi %mul3A_436, %add3A_437 : i32
        %get3A_439 = arith.index_cast %add3A_438 : i32 to index
        %get3A_440 = tpu.vector_load %arg7[%get3A_439] {strides = array<i32>} : memref<16384xf32, #tpu.memory_space<vmem>>, vector<16xf32>,
        %add3A_441 = arith.addf %add3A_413, %get3A_440 : vector<16xf32>
        %mul3A_442 = arith.constant 256 : i32
        %mul3A_443 = arith.muli %sub3A_351, %mul3A_442 : i32
        %add3A_444 = arith.constant 208 : i32
        %add3A_445 = arith.addi %mul3A_443, %add3A_444 : i32
        %get3A_446 = arith.index_cast %add3A_445 : i32 to index
        %get3A_447 = tpu.vector_load %arg7[%get3A_446] {strides = array<i32>} : memref<16384xf32, #tpu.memory_space<vmem>>, vector<16xf32>,
        %add3A_448 = arith.addf %add3A_420, %get3A_447 : vector<16xf32>
        %mul3A_449 = arith.constant 256 : i32
        %mul3A_450 = arith.muli %sub3A_351, %mul3A_449 : i32
        %add3A_451 = arith.constant 224 : i32
        %add3A_452 = arith.addi %mul3A_450, %add3A_451 : i32
        %get3A_453 = arith.index_cast %add3A_452 : i32 to index
        %get3A_454 = tpu.vector_load %arg7[%get3A_453] {strides = array<i32>} : memref<16384xf32, #tpu.memory_space<vmem>>, vector<16xf32>,
        %add3A_455 = arith.addf %add3A_427, %get3A_454 : vector<16xf32>
        %mul3A_456 = arith.constant 256 : i32
        %mul3A_457 = arith.muli %sub3A_351, %mul3A_456 : i32
        %add3A_458 = arith.constant 240 : i32
        %add3A_459 = arith.addi %mul3A_457, %add3A_458 : i32
        %get3A_460 = arith.index_cast %add3A_459 : i32 to index
        %get3A_461 = tpu.vector_load %arg7[%get3A_460] {strides = array<i32>} : memref<16384xf32, #tpu.memory_space<vmem>>, vector<16xf32>,
        %add3A_462 = arith.addf %add3A_434, %get3A_461 : vector<16xf32>
        %add3A_463 = arith.addf %add3A_441, %add3A_448 : vector<16xf32>
        %add3A_464 = arith.addf %add3A_455, %add3A_462 : vector<16xf32>
        %add3A_465 = arith.addf %add3A_463, %add3A_464 : vector<16xf32>
        %iota3A_466 = tpu.iota {dimensions = array<i32: 0>} : vector<16xi32>
        %xor3A_467 = arith.constant 8 : i32
        %xor3A_468 = vector.broadcast %xor3A_467 : i32 to vector<16xi32>
        %xor3A_469 = arith.xori %iota3A_466, %xor3A_468 : vector<16xi32>
        %broadcast_in_dim3A_470 = vector.shape_cast %xor3A_469 : vector<16xi32> to vector<16x1xi32>
        %gather3A_471 = vector.shape_cast %broadcast_in_dim3A_470 : vector<16x1xi32> to vector<16xi32>
        %gather3A_472 = tpu.dynamic_gather %add3A_465[%gather3A_471] in [0] : vector<16xf32>, vector<16xi32> -> vector<16xf32>
        %add3A_473 = arith.addf %add3A_465, %gather3A_472 : vector<16xf32>
        %xor3A_474 = arith.constant 4 : i32
        %xor3A_475 = vector.broadcast %xor3A_474 : i32 to vector<16xi32>
        %xor3A_476 = arith.xori %iota3A_466, %xor3A_475 : vector<16xi32>
        %broadcast_in_dim3A_477 = vector.shape_cast %xor3A_476 : vector<16xi32> to vector<16x1xi32>
        %gather3A_478 = vector.shape_cast %broadcast_in_dim3A_477 : vector<16x1xi32> to vector<16xi32>
        %gather3A_479 = tpu.dynamic_gather %add3A_473[%gather3A_478] in [0] : vector<16xf32>, vector<16xi32> -> vector<16xf32>
        %add3A_480 = arith.addf %add3A_473, %gather3A_479 : vector<16xf32>
        %xor3A_481 = arith.constant 2 : i32
        %xor3A_482 = vector.broadcast %xor3A_481 : i32 to vector<16xi32>
        %xor3A_483 = arith.xori %iota3A_466, %xor3A_482 : vector<16xi32>
        %broadcast_in_dim3A_484 = vector.shape_cast %xor3A_483 : vector<16xi32> to vector<16x1xi32>
        %gather3A_485 = vector.shape_cast %broadcast_in_dim3A_484 : vector<16x1xi32> to vector<16xi32>
        %gather3A_486 = tpu.dynamic_gather %add3A_480[%gather3A_485] in [0] : vector<16xf32>, vector<16xi32> -> vector<16xf32>
        %add3A_487 = arith.addf %add3A_480, %gather3A_486 : vector<16xf32>
        %xor3A_488 = arith.constant 1 : i32
        %xor3A_489 = vector.broadcast %xor3A_488 : i32 to vector<16xi32>
        %xor3A_490 = arith.xori %iota3A_466, %xor3A_489 : vector<16xi32>
        %broadcast_in_dim3A_491 = vector.shape_cast %xor3A_490 : vector<16xi32> to vector<16x1xi32>
        %gather3A_492 = vector.shape_cast %broadcast_in_dim3A_491 : vector<16x1xi32> to vector<16xi32>
        %gather3A_493 = tpu.dynamic_gather %add3A_487[%gather3A_492] in [0] : vector<16xf32>, vector<16xi32> -> vector<16xf32>
        %add3A_494 = arith.addf %add3A_487, %gather3A_493 : vector<16xf32>
        %not3A = arith.constant dense<true> : vector<16xi1>
        %not3A_495 = arith.xori %scan3A_347, %not3A : vector<16xi1>
        %add3A_496 = arith.addf %scan3A_346, %add3A_494 : vector<16xf32>
        %gt3A_497 = arith.cmpf ogt, %add3A_496, %sub3A_237 : vector<16xf32>
        %eq3A = arith.constant 63 : i32
        %eq3A_498 = arith.cmpi eq, %scan3A_345, %eq3A : i32
        %or3A = vector.broadcast %eq3A_498 : i1 to vector<16xi1>
        %or3A_499 = arith.ori %gt3A_497, %or3A : vector<16xi1>
        %and3A = arith.andi %not3A_495, %or3A_499 : vector<16xi1>
        %broadcast_in_dim3A_500 = vector.broadcast %sub3A_351 : i32 to vector<16xi32>
        %select_n3A_501 = arith.select %and3A, %broadcast_in_dim3A_500, %scan3A_348 : vector<16xi1>, vector<16xi32>
        %select_n3A_502 = arith.select %and3A, %scan3A_346, %scan3A_349 : vector<16xi1>, vector<16xf32>
        %add3A_503 = arith.addf %scan3A_346, %add3A_494 : vector<16xf32>
        %or3A_504 = arith.ori %scan3A_347, %and3A : vector<16xi1>
        scf.yield %add3A_503, %or3A_504, %select_n3A_501, %select_n3A_502 : vector<16xf32>, vector<16xi1>, vector<16xi32>, vector<16xf32>
      }
      %scan3A_247 = arith.constant 64 : i32
      %slice3A = vector.extract_strided_slice %scan3A_246#2 {offsets = [0], sizes = [1], strides = [1]} : vector<16xi32> to vector<1xi32>
      %squeeze3A = vector.extract %slice3A[0] : i32 from vector<1xi32>
      %broadcast_in_dim3A_248 = arith.constant false
      %broadcast_in_dim3A_249 = vector.broadcast %broadcast_in_dim3A_248 : i1 to vector<16xi1>
      %broadcast_in_dim3A_250 = arith.constant 0 : i32
      %broadcast_in_dim3A_251 = vector.broadcast %broadcast_in_dim3A_250 : i32 to vector<16xi32>
      %scan3A_252 = arith.constant 0 : i32
      %scan3A_253 = arith.constant 16 : i32
      %scan3A_254 = arith.addi %scan3A_252, %scan3A_253 : i32
      %scan3A_255 = arith.constant 1 : i32
      %scan3A_256:4 = scf.for %scan3A_345 = %scan3A_252 to %scan3A_254 step %scan3A_255 iter_args(%scan3A_346 = %scan3A_246#3, %scan3A_347 = %broadcast_in_dim3A_249, %scan3A_348 = %broadcast_in_dim3A_251, %scan3A_349 = %broadcast_in_dim3A_1) -> (vector<16xf32>, vector<16xi1>, vector<16xi32>, vector<16xf32>)  : i32 {
        %sub3A_350 = arith.constant 15 : i32
        %sub3A_351 = arith.subi %sub3A_350, %scan3A_345 : i32
        %mul3A_352 = arith.constant 256 : i32
        %mul3A_353 = arith.muli %squeeze3A, %mul3A_352 : i32
        %mul3A_354 = arith.constant 16 : i32
        %mul3A_355 = arith.muli %sub3A_351, %mul3A_354 : i32
        %add3A_356 = arith.addi %mul3A_353, %mul3A_355 : i32
        %get3A = arith.index_cast %add3A_356 : i32 to index
        %get3A_357 = tpu.vector_load %arg7[%get3A] {strides = array<i32>} : memref<16384xf32, #tpu.memory_space<vmem>>, vector<16xf32>,
        %iota3A_358 = tpu.iota {dimensions = array<i32: 0>} : vector<16xi32>
        %xor3A_359 = arith.constant 8 : i32
        %xor3A_360 = vector.broadcast %xor3A_359 : i32 to vector<16xi32>
        %xor3A_361 = arith.xori %iota3A_358, %xor3A_360 : vector<16xi32>
        %broadcast_in_dim3A_362 = vector.shape_cast %xor3A_361 : vector<16xi32> to vector<16x1xi32>
        %gather3A_363 = vector.shape_cast %broadcast_in_dim3A_362 : vector<16x1xi32> to vector<16xi32>
        %gather3A_364 = tpu.dynamic_gather %get3A_357[%gather3A_363] in [0] : vector<16xf32>, vector<16xi32> -> vector<16xf32>
        %add3A_365 = arith.addf %get3A_357, %gather3A_364 : vector<16xf32>
        %xor3A_366 = arith.constant 4 : i32
        %xor3A_367 = vector.broadcast %xor3A_366 : i32 to vector<16xi32>
        %xor3A_368 = arith.xori %iota3A_358, %xor3A_367 : vector<16xi32>
        %broadcast_in_dim3A_369 = vector.shape_cast %xor3A_368 : vector<16xi32> to vector<16x1xi32>
        %gather3A_370 = vector.shape_cast %broadcast_in_dim3A_369 : vector<16x1xi32> to vector<16xi32>
        %gather3A_371 = tpu.dynamic_gather %add3A_365[%gather3A_370] in [0] : vector<16xf32>, vector<16xi32> -> vector<16xf32>
        %add3A_372 = arith.addf %add3A_365, %gather3A_371 : vector<16xf32>
        %xor3A_373 = arith.constant 2 : i32
        %xor3A_374 = vector.broadcast %xor3A_373 : i32 to vector<16xi32>
        %xor3A_375 = arith.xori %iota3A_358, %xor3A_374 : vector<16xi32>
        %broadcast_in_dim3A_376 = vector.shape_cast %xor3A_375 : vector<16xi32> to vector<16x1xi32>
        %gather3A_377 = vector.shape_cast %broadcast_in_dim3A_376 : vector<16x1xi32> to vector<16xi32>
        %gather3A_378 = tpu.dynamic_gather %add3A_372[%gather3A_377] in [0] : vector<16xf32>, vector<16xi32> -> vector<16xf32>
        %add3A_379 = arith.addf %add3A_372, %gather3A_378 : vector<16xf32>
        %xor3A_380 = arith.constant 1 : i32
        %xor3A_381 = vector.broadcast %xor3A_380 : i32 to vector<16xi32>
        %xor3A_382 = arith.xori %iota3A_358, %xor3A_381 : vector<16xi32>
        %broadcast_in_dim3A_383 = vector.shape_cast %xor3A_382 : vector<16xi32> to vector<16x1xi32>
        %gather3A_384 = vector.shape_cast %broadcast_in_dim3A_383 : vector<16x1xi32> to vector<16xi32>
        %gather3A_385 = tpu.dynamic_gather %add3A_379[%gather3A_384] in [0] : vector<16xf32>, vector<16xi32> -> vector<16xf32>
        %add3A_386 = arith.addf %add3A_379, %gather3A_385 : vector<16xf32>
        %not3A = arith.constant dense<true> : vector<16xi1>
        %not3A_387 = arith.xori %scan3A_347, %not3A : vector<16xi1>
        %add3A_388 = arith.addf %scan3A_346, %add3A_386 : vector<16xf32>
        %gt3A_389 = arith.cmpf ogt, %add3A_388, %sub3A_237 : vector<16xf32>
        %eq3A = arith.constant 15 : i32
        %eq3A_390 = arith.cmpi eq, %scan3A_345, %eq3A : i32
        %or3A = vector.broadcast %eq3A_390 : i1 to vector<16xi1>
        %or3A_391 = arith.ori %gt3A_389, %or3A : vector<16xi1>
        %and3A = arith.andi %not3A_387, %or3A_391 : vector<16xi1>
        %broadcast_in_dim3A_392 = vector.broadcast %sub3A_351 : i32 to vector<16xi32>
        %select_n3A_393 = arith.select %and3A, %broadcast_in_dim3A_392, %scan3A_348 : vector<16xi1>, vector<16xi32>
        %select_n3A_394 = arith.select %and3A, %scan3A_346, %scan3A_349 : vector<16xi1>, vector<16xf32>
        %add3A_395 = arith.addf %scan3A_346, %add3A_386 : vector<16xf32>
        %or3A_396 = arith.ori %scan3A_347, %and3A : vector<16xi1>
        scf.yield %add3A_395, %or3A_396, %select_n3A_393, %select_n3A_394 : vector<16xf32>, vector<16xi1>, vector<16xi32>, vector<16xf32>
      }
      %scan3A_257 = arith.constant 16 : i32
      %mul3A_258 = arith.constant 16 : i32
      %mul3A_259 = vector.broadcast %mul3A_258 : i32 to vector<16xi32>
      %mul3A_260 = arith.muli %scan3A_246#2, %mul3A_259 : vector<16xi32>
      %add3A_261 = arith.addi %mul3A_260, %scan3A_256#2 : vector<16xi32>
      %shift_left3A = arith.constant 20 : i32
      %shift_left3A_262 = vector.broadcast %shift_left3A : i32 to vector<16xi32>
      %shift_left3A_263 = arith.shli %add3A_261, %shift_left3A_262 : vector<16xi32>
      %add3A_264 = arith.addi %broadcast_in_dim3A_185, %shift_left3A_263 : vector<16xi32>
      %add3A_265 = arith.addf %broadcast_in_dim3A_1, %scan3A_256#3 : vector<16xf32>
      %broadcast_in_dim3A_266 = arith.constant 1048576 : i32
      %broadcast_in_dim3A_267 = vector.broadcast %broadcast_in_dim3A_266 : i32 to vector<16xi32>
      %parallel_loop3A_268 = arith.constant 0 : i32
      %parallel_loop3A_269 = arith.constant 1024 : i32
      %parallel_loop3A_270 = arith.constant 8 : i32
      scf.for %parallel_loop3A_345 = %parallel_loop3A_268 to %parallel_loop3A_269 step %parallel_loop3A_270  : i32 {
        %parallel_loop3A_346 = arith.constant 0 : i32
        %parallel_loop3A_347 = arith.addi %parallel_loop3A_345, %parallel_loop3A_346 : i32
        %parallel_loop3A_348 = arith.constant 16 : i32
        %parallel_loop3A_349 = arith.muli %parallel_loop3A_347, %parallel_loop3A_348 : i32
        %parallel_loop3A_350 = arith.index_cast %parallel_loop3A_349 : i32 to index
        %parallel_loop3A_351 = tpu.vector_load %arg7[%parallel_loop3A_350] {strides = array<i32>} : memref<16384xf32, #tpu.memory_space<vmem>>, vector<16xf32>,
        tpu.vector_store %arg7[%parallel_loop3A_350], %broadcast_in_dim3A_1 {strides = array<i32>} : memref<16384xf32, #tpu.memory_space<vmem>>, vector<16xf32>,
        %parallel_loop3A_352 = arith.constant 1 : i32
        %parallel_loop3A_353 = arith.addi %parallel_loop3A_345, %parallel_loop3A_352 : i32
        %parallel_loop3A_354 = arith.constant 16 : i32
        %parallel_loop3A_355 = arith.muli %parallel_loop3A_353, %parallel_loop3A_354 : i32
        %parallel_loop3A_356 = arith.index_cast %parallel_loop3A_355 : i32 to index
        %parallel_loop3A_357 = tpu.vector_load %arg7[%parallel_loop3A_356] {strides = array<i32>} : memref<16384xf32, #tpu.memory_space<vmem>>, vector<16xf32>,
        tpu.vector_store %arg7[%parallel_loop3A_356], %broadcast_in_dim3A_1 {strides = array<i32>} : memref<16384xf32, #tpu.memory_space<vmem>>, vector<16xf32>,
        %parallel_loop3A_358 = arith.constant 2 : i32
        %parallel_loop3A_359 = arith.addi %parallel_loop3A_345, %parallel_loop3A_358 : i32
        %parallel_loop3A_360 = arith.constant 16 : i32
        %parallel_loop3A_361 = arith.muli %parallel_loop3A_359, %parallel_loop3A_360 : i32
        %parallel_loop3A_362 = arith.index_cast %parallel_loop3A_361 : i32 to index
        %parallel_loop3A_363 = tpu.vector_load %arg7[%parallel_loop3A_362] {strides = array<i32>} : memref<16384xf32, #tpu.memory_space<vmem>>, vector<16xf32>,
        tpu.vector_store %arg7[%parallel_loop3A_362], %broadcast_in_dim3A_1 {strides = array<i32>} : memref<16384xf32, #tpu.memory_space<vmem>>, vector<16xf32>,
        %parallel_loop3A_364 = arith.constant 3 : i32
        %parallel_loop3A_365 = arith.addi %parallel_loop3A_345, %parallel_loop3A_364 : i32
        %parallel_loop3A_366 = arith.constant 16 : i32
        %parallel_loop3A_367 = arith.muli %parallel_loop3A_365, %parallel_loop3A_366 : i32
        %parallel_loop3A_368 = arith.index_cast %parallel_loop3A_367 : i32 to index
        %parallel_loop3A_369 = tpu.vector_load %arg7[%parallel_loop3A_368] {strides = array<i32>} : memref<16384xf32, #tpu.memory_space<vmem>>, vector<16xf32>,
        tpu.vector_store %arg7[%parallel_loop3A_368], %broadcast_in_dim3A_1 {strides = array<i32>} : memref<16384xf32, #tpu.memory_space<vmem>>, vector<16xf32>,
        %parallel_loop3A_370 = arith.constant 4 : i32
        %parallel_loop3A_371 = arith.addi %parallel_loop3A_345, %parallel_loop3A_370 : i32
        %parallel_loop3A_372 = arith.constant 16 : i32
        %parallel_loop3A_373 = arith.muli %parallel_loop3A_371, %parallel_loop3A_372 : i32
        %parallel_loop3A_374 = arith.index_cast %parallel_loop3A_373 : i32 to index
        %parallel_loop3A_375 = tpu.vector_load %arg7[%parallel_loop3A_374] {strides = array<i32>} : memref<16384xf32, #tpu.memory_space<vmem>>, vector<16xf32>,
        tpu.vector_store %arg7[%parallel_loop3A_374], %broadcast_in_dim3A_1 {strides = array<i32>} : memref<16384xf32, #tpu.memory_space<vmem>>, vector<16xf32>,
        %parallel_loop3A_376 = arith.constant 5 : i32
        %parallel_loop3A_377 = arith.addi %parallel_loop3A_345, %parallel_loop3A_376 : i32
        %parallel_loop3A_378 = arith.constant 16 : i32
        %parallel_loop3A_379 = arith.muli %parallel_loop3A_377, %parallel_loop3A_378 : i32
        %parallel_loop3A_380 = arith.index_cast %parallel_loop3A_379 : i32 to index
        %parallel_loop3A_381 = tpu.vector_load %arg7[%parallel_loop3A_380] {strides = array<i32>} : memref<16384xf32, #tpu.memory_space<vmem>>, vector<16xf32>,
        tpu.vector_store %arg7[%parallel_loop3A_380], %broadcast_in_dim3A_1 {strides = array<i32>} : memref<16384xf32, #tpu.memory_space<vmem>>, vector<16xf32>,
        %parallel_loop3A_382 = arith.constant 6 : i32
        %parallel_loop3A_383 = arith.addi %parallel_loop3A_345, %parallel_loop3A_382 : i32
        %parallel_loop3A_384 = arith.constant 16 : i32
        %parallel_loop3A_385 = arith.muli %parallel_loop3A_383, %parallel_loop3A_384 : i32
        %parallel_loop3A_386 = arith.index_cast %parallel_loop3A_385 : i32 to index
        %parallel_loop3A_387 = tpu.vector_load %arg7[%parallel_loop3A_386] {strides = array<i32>} : memref<16384xf32, #tpu.memory_space<vmem>>, vector<16xf32>,
        tpu.vector_store %arg7[%parallel_loop3A_386], %broadcast_in_dim3A_1 {strides = array<i32>} : memref<16384xf32, #tpu.memory_space<vmem>>, vector<16xf32>,
        %parallel_loop3A_388 = arith.constant 7 : i32
        %parallel_loop3A_389 = arith.addi %parallel_loop3A_345, %parallel_loop3A_388 : i32
        %parallel_loop3A_390 = arith.constant 16 : i32
        %parallel_loop3A_391 = arith.muli %parallel_loop3A_389, %parallel_loop3A_390 : i32
        %parallel_loop3A_392 = arith.index_cast %parallel_loop3A_391 : i32 to index
        %parallel_loop3A_393 = tpu.vector_load %arg7[%parallel_loop3A_392] {strides = array<i32>} : memref<16384xf32, #tpu.memory_space<vmem>>, vector<16xf32>,
        tpu.vector_store %arg7[%parallel_loop3A_392], %broadcast_in_dim3A_1 {strides = array<i32>} : memref<16384xf32, #tpu.memory_space<vmem>>, vector<16xf32>,
      } {sc.loop_unroll_factor = 2 : i64, sc.parallel_access}
      %parallel_loop3A_271 = arith.constant 0 : i32
      %parallel_loop3A_272 = arith.constant 6250 : i32
      %parallel_loop3A_273 = arith.constant 5 : i32
      scf.for %parallel_loop3A_345 = %parallel_loop3A_271 to %parallel_loop3A_272 step %parallel_loop3A_273  : i32 {
        %parallel_loop3A_346 = arith.constant 0 : i32
        %parallel_loop3A_347 = arith.addi %parallel_loop3A_345, %parallel_loop3A_346 : i32
        %parallel_loop3A_348 = arith.constant 16 : i32
        %parallel_loop3A_349 = arith.muli %parallel_loop3A_347, %parallel_loop3A_348 : i32
        %parallel_loop3A_350 = arith.index_cast %parallel_loop3A_349 : i32 to index
        %parallel_loop3A_351 = tpu.vector_load %arg6[%parallel_loop3A_350] {strides = array<i32>} : memref<100000xf32, #tpu.memory_space<vmem>>, vector<16xf32>,
        %parallel_loop3A_352 = arith.subf %parallel_loop3A_351, %max3A_183 : vector<16xf32>
        %parallel_loop3A_353 = math.exp %parallel_loop3A_352 : vector<16xf32>
        %parallel_loop3A_354 = tpu.bitcast %parallel_loop3A_353 : vector<16xf32> -> vector<16xi32>
        %parallel_loop3A_355 = arith.subi %parallel_loop3A_354, %add3A_264 : vector<16xi32>
        %parallel_loop3A_356 = arith.constant 0 : i32
        %parallel_loop3A_357 = vector.broadcast %parallel_loop3A_356 : i32 to vector<16xi32>
        %parallel_loop3A_358 = arith.cmpi sge, %parallel_loop3A_355, %parallel_loop3A_357 : vector<16xi32>
        %parallel_loop3A_359 = arith.cmpi slt, %parallel_loop3A_355, %broadcast_in_dim3A_267 : vector<16xi32>
        %parallel_loop3A_360 = arith.andi %parallel_loop3A_358, %parallel_loop3A_359 : vector<16xi1>
        %parallel_loop3A_361 = arith.constant 10 : i32
        %parallel_loop3A_362 = vector.broadcast %parallel_loop3A_361 : i32 to vector<16xi32>
        %parallel_loop3A_363 = arith.shrsi %parallel_loop3A_355, %parallel_loop3A_362 : vector<16xi32>
        %parallel_loop3A_364 = arith.constant 4 : i32
        %parallel_loop3A_365 = vector.broadcast %parallel_loop3A_364 : i32 to vector<16xi32>
        %parallel_loop3A_366 = arith.shli %parallel_loop3A_363, %parallel_loop3A_365 : vector<16xi32>
        %parallel_loop3A_367 = arith.addi %parallel_loop3A_366, %iota3A : vector<16xi32>
        tpu.vector_store_idx %arg7[%parallel_loop3A_367], %parallel_loop3A_353 masked %parallel_loop3A_360 {add = true} : memref<16384xf32, #tpu.memory_space<vmem>>[vector<16xi32>], vector<16xf32>, vector<16xi1>
        %parallel_loop3A_368 = arith.constant 1 : i32
        %parallel_loop3A_369 = arith.addi %parallel_loop3A_345, %parallel_loop3A_368 : i32
        %parallel_loop3A_370 = arith.constant 16 : i32
        %parallel_loop3A_371 = arith.muli %parallel_loop3A_369, %parallel_loop3A_370 : i32
        %parallel_loop3A_372 = arith.index_cast %parallel_loop3A_371 : i32 to index
        %parallel_loop3A_373 = tpu.vector_load %arg6[%parallel_loop3A_372] {strides = array<i32>} : memref<100000xf32, #tpu.memory_space<vmem>>, vector<16xf32>,
        %parallel_loop3A_374 = arith.subf %parallel_loop3A_373, %max3A_183 : vector<16xf32>
        %parallel_loop3A_375 = math.exp %parallel_loop3A_374 : vector<16xf32>
        %parallel_loop3A_376 = tpu.bitcast %parallel_loop3A_375 : vector<16xf32> -> vector<16xi32>
        %parallel_loop3A_377 = arith.subi %parallel_loop3A_376, %add3A_264 : vector<16xi32>
        %parallel_loop3A_378 = arith.constant 0 : i32
        %parallel_loop3A_379 = vector.broadcast %parallel_loop3A_378 : i32 to vector<16xi32>
        %parallel_loop3A_380 = arith.cmpi sge, %parallel_loop3A_377, %parallel_loop3A_379 : vector<16xi32>
        %parallel_loop3A_381 = arith.cmpi slt, %parallel_loop3A_377, %broadcast_in_dim3A_267 : vector<16xi32>
        %parallel_loop3A_382 = arith.andi %parallel_loop3A_380, %parallel_loop3A_381 : vector<16xi1>
        %parallel_loop3A_383 = arith.constant 10 : i32
        %parallel_loop3A_384 = vector.broadcast %parallel_loop3A_383 : i32 to vector<16xi32>
        %parallel_loop3A_385 = arith.shrsi %parallel_loop3A_377, %parallel_loop3A_384 : vector<16xi32>
        %parallel_loop3A_386 = arith.constant 4 : i32
        %parallel_loop3A_387 = vector.broadcast %parallel_loop3A_386 : i32 to vector<16xi32>
        %parallel_loop3A_388 = arith.shli %parallel_loop3A_385, %parallel_loop3A_387 : vector<16xi32>
        %parallel_loop3A_389 = arith.addi %parallel_loop3A_388, %iota3A : vector<16xi32>
        tpu.vector_store_idx %arg7[%parallel_loop3A_389], %parallel_loop3A_375 masked %parallel_loop3A_382 {add = true} : memref<16384xf32, #tpu.memory_space<vmem>>[vector<16xi32>], vector<16xf32>, vector<16xi1>
        %parallel_loop3A_390 = arith.constant 2 : i32
        %parallel_loop3A_391 = arith.addi %parallel_loop3A_345, %parallel_loop3A_390 : i32
        %parallel_loop3A_392 = arith.constant 16 : i32
        %parallel_loop3A_393 = arith.muli %parallel_loop3A_391, %parallel_loop3A_392 : i32
        %parallel_loop3A_394 = arith.index_cast %parallel_loop3A_393 : i32 to index
        %parallel_loop3A_395 = tpu.vector_load %arg6[%parallel_loop3A_394] {strides = array<i32>} : memref<100000xf32, #tpu.memory_space<vmem>>, vector<16xf32>,
        %parallel_loop3A_396 = arith.subf %parallel_loop3A_395, %max3A_183 : vector<16xf32>
        %parallel_loop3A_397 = math.exp %parallel_loop3A_396 : vector<16xf32>
        %parallel_loop3A_398 = tpu.bitcast %parallel_loop3A_397 : vector<16xf32> -> vector<16xi32>
        %parallel_loop3A_399 = arith.subi %parallel_loop3A_398, %add3A_264 : vector<16xi32>
        %parallel_loop3A_400 = arith.constant 0 : i32
        %parallel_loop3A_401 = vector.broadcast %parallel_loop3A_400 : i32 to vector<16xi32>
        %parallel_loop3A_402 = arith.cmpi sge, %parallel_loop3A_399, %parallel_loop3A_401 : vector<16xi32>
        %parallel_loop3A_403 = arith.cmpi slt, %parallel_loop3A_399, %broadcast_in_dim3A_267 : vector<16xi32>
        %parallel_loop3A_404 = arith.andi %parallel_loop3A_402, %parallel_loop3A_403 : vector<16xi1>
        %parallel_loop3A_405 = arith.constant 10 : i32
        %parallel_loop3A_406 = vector.broadcast %parallel_loop3A_405 : i32 to vector<16xi32>
        %parallel_loop3A_407 = arith.shrsi %parallel_loop3A_399, %parallel_loop3A_406 : vector<16xi32>
        %parallel_loop3A_408 = arith.constant 4 : i32
        %parallel_loop3A_409 = vector.broadcast %parallel_loop3A_408 : i32 to vector<16xi32>
        %parallel_loop3A_410 = arith.shli %parallel_loop3A_407, %parallel_loop3A_409 : vector<16xi32>
        %parallel_loop3A_411 = arith.addi %parallel_loop3A_410, %iota3A : vector<16xi32>
        tpu.vector_store_idx %arg7[%parallel_loop3A_411], %parallel_loop3A_397 masked %parallel_loop3A_404 {add = true} : memref<16384xf32, #tpu.memory_space<vmem>>[vector<16xi32>], vector<16xf32>, vector<16xi1>
        %parallel_loop3A_412 = arith.constant 3 : i32
        %parallel_loop3A_413 = arith.addi %parallel_loop3A_345, %parallel_loop3A_412 : i32
        %parallel_loop3A_414 = arith.constant 16 : i32
        %parallel_loop3A_415 = arith.muli %parallel_loop3A_413, %parallel_loop3A_414 : i32
        %parallel_loop3A_416 = arith.index_cast %parallel_loop3A_415 : i32 to index
        %parallel_loop3A_417 = tpu.vector_load %arg6[%parallel_loop3A_416] {strides = array<i32>} : memref<100000xf32, #tpu.memory_space<vmem>>, vector<16xf32>,
        %parallel_loop3A_418 = arith.subf %parallel_loop3A_417, %max3A_183 : vector<16xf32>
        %parallel_loop3A_419 = math.exp %parallel_loop3A_418 : vector<16xf32>
        %parallel_loop3A_420 = tpu.bitcast %parallel_loop3A_419 : vector<16xf32> -> vector<16xi32>
        %parallel_loop3A_421 = arith.subi %parallel_loop3A_420, %add3A_264 : vector<16xi32>
        %parallel_loop3A_422 = arith.constant 0 : i32
        %parallel_loop3A_423 = vector.broadcast %parallel_loop3A_422 : i32 to vector<16xi32>
        %parallel_loop3A_424 = arith.cmpi sge, %parallel_loop3A_421, %parallel_loop3A_423 : vector<16xi32>
        %parallel_loop3A_425 = arith.cmpi slt, %parallel_loop3A_421, %broadcast_in_dim3A_267 : vector<16xi32>
        %parallel_loop3A_426 = arith.andi %parallel_loop3A_424, %parallel_loop3A_425 : vector<16xi1>
        %parallel_loop3A_427 = arith.constant 10 : i32
        %parallel_loop3A_428 = vector.broadcast %parallel_loop3A_427 : i32 to vector<16xi32>
        %parallel_loop3A_429 = arith.shrsi %parallel_loop3A_421, %parallel_loop3A_428 : vector<16xi32>
        %parallel_loop3A_430 = arith.constant 4 : i32
        %parallel_loop3A_431 = vector.broadcast %parallel_loop3A_430 : i32 to vector<16xi32>
        %parallel_loop3A_432 = arith.shli %parallel_loop3A_429, %parallel_loop3A_431 : vector<16xi32>
        %parallel_loop3A_433 = arith.addi %parallel_loop3A_432, %iota3A : vector<16xi32>
        tpu.vector_store_idx %arg7[%parallel_loop3A_433], %parallel_loop3A_419 masked %parallel_loop3A_426 {add = true} : memref<16384xf32, #tpu.memory_space<vmem>>[vector<16xi32>], vector<16xf32>, vector<16xi1>
        %parallel_loop3A_434 = arith.constant 4 : i32
        %parallel_loop3A_435 = arith.addi %parallel_loop3A_345, %parallel_loop3A_434 : i32
        %parallel_loop3A_436 = arith.constant 16 : i32
        %parallel_loop3A_437 = arith.muli %parallel_loop3A_435, %parallel_loop3A_436 : i32
        %parallel_loop3A_438 = arith.index_cast %parallel_loop3A_437 : i32 to index
        %parallel_loop3A_439 = tpu.vector_load %arg6[%parallel_loop3A_438] {strides = array<i32>} : memref<100000xf32, #tpu.memory_space<vmem>>, vector<16xf32>,
        %parallel_loop3A_440 = arith.subf %parallel_loop3A_439, %max3A_183 : vector<16xf32>
        %parallel_loop3A_441 = math.exp %parallel_loop3A_440 : vector<16xf32>
        %parallel_loop3A_442 = tpu.bitcast %parallel_loop3A_441 : vector<16xf32> -> vector<16xi32>
        %parallel_loop3A_443 = arith.subi %parallel_loop3A_442, %add3A_264 : vector<16xi32>
        %parallel_loop3A_444 = arith.constant 0 : i32
        %parallel_loop3A_445 = vector.broadcast %parallel_loop3A_444 : i32 to vector<16xi32>
        %parallel_loop3A_446 = arith.cmpi sge, %parallel_loop3A_443, %parallel_loop3A_445 : vector<16xi32>
        %parallel_loop3A_447 = arith.cmpi slt, %parallel_loop3A_443, %broadcast_in_dim3A_267 : vector<16xi32>
        %parallel_loop3A_448 = arith.andi %parallel_loop3A_446, %parallel_loop3A_447 : vector<16xi1>
        %parallel_loop3A_449 = arith.constant 10 : i32
        %parallel_loop3A_450 = vector.broadcast %parallel_loop3A_449 : i32 to vector<16xi32>
        %parallel_loop3A_451 = arith.shrsi %parallel_loop3A_443, %parallel_loop3A_450 : vector<16xi32>
        %parallel_loop3A_452 = arith.constant 4 : i32
        %parallel_loop3A_453 = vector.broadcast %parallel_loop3A_452 : i32 to vector<16xi32>
        %parallel_loop3A_454 = arith.shli %parallel_loop3A_451, %parallel_loop3A_453 : vector<16xi32>
        %parallel_loop3A_455 = arith.addi %parallel_loop3A_454, %iota3A : vector<16xi32>
        tpu.vector_store_idx %arg7[%parallel_loop3A_455], %parallel_loop3A_441 masked %parallel_loop3A_448 {add = true} : memref<16384xf32, #tpu.memory_space<vmem>>[vector<16xi32>], vector<16xf32>, vector<16xi1>
      } {sc.loop_unroll_factor = 2 : i64, sc.parallel_access}
      %sub3A_274 = arith.subf %mul3A_236, %add3A_265 : vector<16xf32>
      %broadcast_in_dim3A_275 = arith.constant false
      %broadcast_in_dim3A_276 = vector.broadcast %broadcast_in_dim3A_275 : i1 to vector<16xi1>
      %broadcast_in_dim3A_277 = arith.constant 0 : i32
      %broadcast_in_dim3A_278 = vector.broadcast %broadcast_in_dim3A_277 : i32 to vector<16xi32>
      %scan3A_279 = arith.constant 0 : i32
      %scan3A_280 = arith.constant 64 : i32
      %scan3A_281 = arith.addi %scan3A_279, %scan3A_280 : i32
      %scan3A_282 = arith.constant 1 : i32
      %scan3A_283:4 = scf.for %scan3A_345 = %scan3A_279 to %scan3A_281 step %scan3A_282 iter_args(%scan3A_346 = %broadcast_in_dim3A_1, %scan3A_347 = %broadcast_in_dim3A_276, %scan3A_348 = %broadcast_in_dim3A_278, %scan3A_349 = %broadcast_in_dim3A_1) -> (vector<16xf32>, vector<16xi1>, vector<16xi32>, vector<16xf32>)  : i32 {
        %sub3A_350 = arith.constant 63 : i32
        %sub3A_351 = arith.subi %sub3A_350, %scan3A_345 : i32
        %mul3A_352 = arith.constant 256 : i32
        %mul3A_353 = arith.muli %sub3A_351, %mul3A_352 : i32
        %add3A_354 = arith.constant 0 : i32
        %add3A_355 = arith.addi %mul3A_353, %add3A_354 : i32
        %get3A = arith.index_cast %add3A_355 : i32 to index
        %get3A_356 = tpu.vector_load %arg7[%get3A] {strides = array<i32>} : memref<16384xf32, #tpu.memory_space<vmem>>, vector<16xf32>,
        %add3A_357 = arith.addf %broadcast_in_dim3A_1, %get3A_356 : vector<16xf32>
        %mul3A_358 = arith.constant 256 : i32
        %mul3A_359 = arith.muli %sub3A_351, %mul3A_358 : i32
        %add3A_360 = arith.constant 16 : i32
        %add3A_361 = arith.addi %mul3A_359, %add3A_360 : i32
        %get3A_362 = arith.index_cast %add3A_361 : i32 to index
        %get3A_363 = tpu.vector_load %arg7[%get3A_362] {strides = array<i32>} : memref<16384xf32, #tpu.memory_space<vmem>>, vector<16xf32>,
        %add3A_364 = arith.addf %broadcast_in_dim3A_1, %get3A_363 : vector<16xf32>
        %mul3A_365 = arith.constant 256 : i32
        %mul3A_366 = arith.muli %sub3A_351, %mul3A_365 : i32
        %add3A_367 = arith.constant 32 : i32
        %add3A_368 = arith.addi %mul3A_366, %add3A_367 : i32
        %get3A_369 = arith.index_cast %add3A_368 : i32 to index
        %get3A_370 = tpu.vector_load %arg7[%get3A_369] {strides = array<i32>} : memref<16384xf32, #tpu.memory_space<vmem>>, vector<16xf32>,
        %add3A_371 = arith.addf %broadcast_in_dim3A_1, %get3A_370 : vector<16xf32>
        %mul3A_372 = arith.constant 256 : i32
        %mul3A_373 = arith.muli %sub3A_351, %mul3A_372 : i32
        %add3A_374 = arith.constant 48 : i32
        %add3A_375 = arith.addi %mul3A_373, %add3A_374 : i32
        %get3A_376 = arith.index_cast %add3A_375 : i32 to index
        %get3A_377 = tpu.vector_load %arg7[%get3A_376] {strides = array<i32>} : memref<16384xf32, #tpu.memory_space<vmem>>, vector<16xf32>,
        %add3A_378 = arith.addf %broadcast_in_dim3A_1, %get3A_377 : vector<16xf32>
        %mul3A_379 = arith.constant 256 : i32
        %mul3A_380 = arith.muli %sub3A_351, %mul3A_379 : i32
        %add3A_381 = arith.constant 64 : i32
        %add3A_382 = arith.addi %mul3A_380, %add3A_381 : i32
        %get3A_383 = arith.index_cast %add3A_382 : i32 to index
        %get3A_384 = tpu.vector_load %arg7[%get3A_383] {strides = array<i32>} : memref<16384xf32, #tpu.memory_space<vmem>>, vector<16xf32>,
        %add3A_385 = arith.addf %add3A_357, %get3A_384 : vector<16xf32>
        %mul3A_386 = arith.constant 256 : i32
        %mul3A_387 = arith.muli %sub3A_351, %mul3A_386 : i32
        %add3A_388 = arith.constant 80 : i32
        %add3A_389 = arith.addi %mul3A_387, %add3A_388 : i32
        %get3A_390 = arith.index_cast %add3A_389 : i32 to index
        %get3A_391 = tpu.vector_load %arg7[%get3A_390] {strides = array<i32>} : memref<16384xf32, #tpu.memory_space<vmem>>, vector<16xf32>,
        %add3A_392 = arith.addf %add3A_364, %get3A_391 : vector<16xf32>
        %mul3A_393 = arith.constant 256 : i32
        %mul3A_394 = arith.muli %sub3A_351, %mul3A_393 : i32
        %add3A_395 = arith.constant 96 : i32
        %add3A_396 = arith.addi %mul3A_394, %add3A_395 : i32
        %get3A_397 = arith.index_cast %add3A_396 : i32 to index
        %get3A_398 = tpu.vector_load %arg7[%get3A_397] {strides = array<i32>} : memref<16384xf32, #tpu.memory_space<vmem>>, vector<16xf32>,
        %add3A_399 = arith.addf %add3A_371, %get3A_398 : vector<16xf32>
        %mul3A_400 = arith.constant 256 : i32
        %mul3A_401 = arith.muli %sub3A_351, %mul3A_400 : i32
        %add3A_402 = arith.constant 112 : i32
        %add3A_403 = arith.addi %mul3A_401, %add3A_402 : i32
        %get3A_404 = arith.index_cast %add3A_403 : i32 to index
        %get3A_405 = tpu.vector_load %arg7[%get3A_404] {strides = array<i32>} : memref<16384xf32, #tpu.memory_space<vmem>>, vector<16xf32>,
        %add3A_406 = arith.addf %add3A_378, %get3A_405 : vector<16xf32>
        %mul3A_407 = arith.constant 256 : i32
        %mul3A_408 = arith.muli %sub3A_351, %mul3A_407 : i32
        %add3A_409 = arith.constant 128 : i32
        %add3A_410 = arith.addi %mul3A_408, %add3A_409 : i32
        %get3A_411 = arith.index_cast %add3A_410 : i32 to index
        %get3A_412 = tpu.vector_load %arg7[%get3A_411] {strides = array<i32>} : memref<16384xf32, #tpu.memory_space<vmem>>, vector<16xf32>,
        %add3A_413 = arith.addf %add3A_385, %get3A_412 : vector<16xf32>
        %mul3A_414 = arith.constant 256 : i32
        %mul3A_415 = arith.muli %sub3A_351, %mul3A_414 : i32
        %add3A_416 = arith.constant 144 : i32
        %add3A_417 = arith.addi %mul3A_415, %add3A_416 : i32
        %get3A_418 = arith.index_cast %add3A_417 : i32 to index
        %get3A_419 = tpu.vector_load %arg7[%get3A_418] {strides = array<i32>} : memref<16384xf32, #tpu.memory_space<vmem>>, vector<16xf32>,
        %add3A_420 = arith.addf %add3A_392, %get3A_419 : vector<16xf32>
        %mul3A_421 = arith.constant 256 : i32
        %mul3A_422 = arith.muli %sub3A_351, %mul3A_421 : i32
        %add3A_423 = arith.constant 160 : i32
        %add3A_424 = arith.addi %mul3A_422, %add3A_423 : i32
        %get3A_425 = arith.index_cast %add3A_424 : i32 to index
        %get3A_426 = tpu.vector_load %arg7[%get3A_425] {strides = array<i32>} : memref<16384xf32, #tpu.memory_space<vmem>>, vector<16xf32>,
        %add3A_427 = arith.addf %add3A_399, %get3A_426 : vector<16xf32>
        %mul3A_428 = arith.constant 256 : i32
        %mul3A_429 = arith.muli %sub3A_351, %mul3A_428 : i32
        %add3A_430 = arith.constant 176 : i32
        %add3A_431 = arith.addi %mul3A_429, %add3A_430 : i32
        %get3A_432 = arith.index_cast %add3A_431 : i32 to index
        %get3A_433 = tpu.vector_load %arg7[%get3A_432] {strides = array<i32>} : memref<16384xf32, #tpu.memory_space<vmem>>, vector<16xf32>,
        %add3A_434 = arith.addf %add3A_406, %get3A_433 : vector<16xf32>
        %mul3A_435 = arith.constant 256 : i32
        %mul3A_436 = arith.muli %sub3A_351, %mul3A_435 : i32
        %add3A_437 = arith.constant 192 : i32
        %add3A_438 = arith.addi %mul3A_436, %add3A_437 : i32
        %get3A_439 = arith.index_cast %add3A_438 : i32 to index
        %get3A_440 = tpu.vector_load %arg7[%get3A_439] {strides = array<i32>} : memref<16384xf32, #tpu.memory_space<vmem>>, vector<16xf32>,
        %add3A_441 = arith.addf %add3A_413, %get3A_440 : vector<16xf32>
        %mul3A_442 = arith.constant 256 : i32
        %mul3A_443 = arith.muli %sub3A_351, %mul3A_442 : i32
        %add3A_444 = arith.constant 208 : i32
        %add3A_445 = arith.addi %mul3A_443, %add3A_444 : i32
        %get3A_446 = arith.index_cast %add3A_445 : i32 to index
        %get3A_447 = tpu.vector_load %arg7[%get3A_446] {strides = array<i32>} : memref<16384xf32, #tpu.memory_space<vmem>>, vector<16xf32>,
        %add3A_448 = arith.addf %add3A_420, %get3A_447 : vector<16xf32>
        %mul3A_449 = arith.constant 256 : i32
        %mul3A_450 = arith.muli %sub3A_351, %mul3A_449 : i32
        %add3A_451 = arith.constant 224 : i32
        %add3A_452 = arith.addi %mul3A_450, %add3A_451 : i32
        %get3A_453 = arith.index_cast %add3A_452 : i32 to index
        %get3A_454 = tpu.vector_load %arg7[%get3A_453] {strides = array<i32>} : memref<16384xf32, #tpu.memory_space<vmem>>, vector<16xf32>,
        %add3A_455 = arith.addf %add3A_427, %get3A_454 : vector<16xf32>
        %mul3A_456 = arith.constant 256 : i32
        %mul3A_457 = arith.muli %sub3A_351, %mul3A_456 : i32
        %add3A_458 = arith.constant 240 : i32
        %add3A_459 = arith.addi %mul3A_457, %add3A_458 : i32
        %get3A_460 = arith.index_cast %add3A_459 : i32 to index
        %get3A_461 = tpu.vector_load %arg7[%get3A_460] {strides = array<i32>} : memref<16384xf32, #tpu.memory_space<vmem>>, vector<16xf32>,
        %add3A_462 = arith.addf %add3A_434, %get3A_461 : vector<16xf32>
        %add3A_463 = arith.addf %add3A_441, %add3A_448 : vector<16xf32>
        %add3A_464 = arith.addf %add3A_455, %add3A_462 : vector<16xf32>
        %add3A_465 = arith.addf %add3A_463, %add3A_464 : vector<16xf32>
        %iota3A_466 = tpu.iota {dimensions = array<i32: 0>} : vector<16xi32>
        %xor3A_467 = arith.constant 8 : i32
        %xor3A_468 = vector.broadcast %xor3A_467 : i32 to vector<16xi32>
        %xor3A_469 = arith.xori %iota3A_466, %xor3A_468 : vector<16xi32>
        %broadcast_in_dim3A_470 = vector.shape_cast %xor3A_469 : vector<16xi32> to vector<16x1xi32>
        %gather3A_471 = vector.shape_cast %broadcast_in_dim3A_470 : vector<16x1xi32> to vector<16xi32>
        %gather3A_472 = tpu.dynamic_gather %add3A_465[%gather3A_471] in [0] : vector<16xf32>, vector<16xi32> -> vector<16xf32>
        %add3A_473 = arith.addf %add3A_465, %gather3A_472 : vector<16xf32>
        %xor3A_474 = arith.constant 4 : i32
        %xor3A_475 = vector.broadcast %xor3A_474 : i32 to vector<16xi32>
        %xor3A_476 = arith.xori %iota3A_466, %xor3A_475 : vector<16xi32>
        %broadcast_in_dim3A_477 = vector.shape_cast %xor3A_476 : vector<16xi32> to vector<16x1xi32>
        %gather3A_478 = vector.shape_cast %broadcast_in_dim3A_477 : vector<16x1xi32> to vector<16xi32>
        %gather3A_479 = tpu.dynamic_gather %add3A_473[%gather3A_478] in [0] : vector<16xf32>, vector<16xi32> -> vector<16xf32>
        %add3A_480 = arith.addf %add3A_473, %gather3A_479 : vector<16xf32>
        %xor3A_481 = arith.constant 2 : i32
        %xor3A_482 = vector.broadcast %xor3A_481 : i32 to vector<16xi32>
        %xor3A_483 = arith.xori %iota3A_466, %xor3A_482 : vector<16xi32>
        %broadcast_in_dim3A_484 = vector.shape_cast %xor3A_483 : vector<16xi32> to vector<16x1xi32>
        %gather3A_485 = vector.shape_cast %broadcast_in_dim3A_484 : vector<16x1xi32> to vector<16xi32>
        %gather3A_486 = tpu.dynamic_gather %add3A_480[%gather3A_485] in [0] : vector<16xf32>, vector<16xi32> -> vector<16xf32>
        %add3A_487 = arith.addf %add3A_480, %gather3A_486 : vector<16xf32>
        %xor3A_488 = arith.constant 1 : i32
        %xor3A_489 = vector.broadcast %xor3A_488 : i32 to vector<16xi32>
        %xor3A_490 = arith.xori %iota3A_466, %xor3A_489 : vector<16xi32>
        %broadcast_in_dim3A_491 = vector.shape_cast %xor3A_490 : vector<16xi32> to vector<16x1xi32>
        %gather3A_492 = vector.shape_cast %broadcast_in_dim3A_491 : vector<16x1xi32> to vector<16xi32>
        %gather3A_493 = tpu.dynamic_gather %add3A_487[%gather3A_492] in [0] : vector<16xf32>, vector<16xi32> -> vector<16xf32>
        %add3A_494 = arith.addf %add3A_487, %gather3A_493 : vector<16xf32>
        %not3A = arith.constant dense<true> : vector<16xi1>
        %not3A_495 = arith.xori %scan3A_347, %not3A : vector<16xi1>
        %add3A_496 = arith.addf %scan3A_346, %add3A_494 : vector<16xf32>
        %gt3A_497 = arith.cmpf ogt, %add3A_496, %sub3A_274 : vector<16xf32>
        %eq3A = arith.constant 63 : i32
        %eq3A_498 = arith.cmpi eq, %scan3A_345, %eq3A : i32
        %or3A = vector.broadcast %eq3A_498 : i1 to vector<16xi1>
        %or3A_499 = arith.ori %gt3A_497, %or3A : vector<16xi1>
        %and3A = arith.andi %not3A_495, %or3A_499 : vector<16xi1>
        %broadcast_in_dim3A_500 = vector.broadcast %sub3A_351 : i32 to vector<16xi32>
        %select_n3A_501 = arith.select %and3A, %broadcast_in_dim3A_500, %scan3A_348 : vector<16xi1>, vector<16xi32>
        %select_n3A_502 = arith.select %and3A, %scan3A_346, %scan3A_349 : vector<16xi1>, vector<16xf32>
        %add3A_503 = arith.addf %scan3A_346, %add3A_494 : vector<16xf32>
        %or3A_504 = arith.ori %scan3A_347, %and3A : vector<16xi1>
        scf.yield %add3A_503, %or3A_504, %select_n3A_501, %select_n3A_502 : vector<16xf32>, vector<16xi1>, vector<16xi32>, vector<16xf32>
      }
      %scan3A_284 = arith.constant 64 : i32
      %slice3A_285 = vector.extract_strided_slice %scan3A_283#2 {offsets = [0], sizes = [1], strides = [1]} : vector<16xi32> to vector<1xi32>
      %squeeze3A_286 = vector.extract %slice3A_285[0] : i32 from vector<1xi32>
      %broadcast_in_dim3A_287 = arith.constant false
      %broadcast_in_dim3A_288 = vector.broadcast %broadcast_in_dim3A_287 : i1 to vector<16xi1>
      %broadcast_in_dim3A_289 = arith.constant 0 : i32
      %broadcast_in_dim3A_290 = vector.broadcast %broadcast_in_dim3A_289 : i32 to vector<16xi32>
      %scan3A_291 = arith.constant 0 : i32
      %scan3A_292 = arith.constant 16 : i32
      %scan3A_293 = arith.addi %scan3A_291, %scan3A_292 : i32
      %scan3A_294 = arith.constant 1 : i32
      %scan3A_295:4 = scf.for %scan3A_345 = %scan3A_291 to %scan3A_293 step %scan3A_294 iter_args(%scan3A_346 = %scan3A_283#3, %scan3A_347 = %broadcast_in_dim3A_288, %scan3A_348 = %broadcast_in_dim3A_290, %scan3A_349 = %broadcast_in_dim3A_1) -> (vector<16xf32>, vector<16xi1>, vector<16xi32>, vector<16xf32>)  : i32 {
        %sub3A_350 = arith.constant 15 : i32
        %sub3A_351 = arith.subi %sub3A_350, %scan3A_345 : i32
        %mul3A_352 = arith.constant 256 : i32
        %mul3A_353 = arith.muli %squeeze3A_286, %mul3A_352 : i32
        %mul3A_354 = arith.constant 16 : i32
        %mul3A_355 = arith.muli %sub3A_351, %mul3A_354 : i32
        %add3A_356 = arith.addi %mul3A_353, %mul3A_355 : i32
        %get3A = arith.index_cast %add3A_356 : i32 to index
        %get3A_357 = tpu.vector_load %arg7[%get3A] {strides = array<i32>} : memref<16384xf32, #tpu.memory_space<vmem>>, vector<16xf32>,
        %iota3A_358 = tpu.iota {dimensions = array<i32: 0>} : vector<16xi32>
        %xor3A_359 = arith.constant 8 : i32
        %xor3A_360 = vector.broadcast %xor3A_359 : i32 to vector<16xi32>
        %xor3A_361 = arith.xori %iota3A_358, %xor3A_360 : vector<16xi32>
        %broadcast_in_dim3A_362 = vector.shape_cast %xor3A_361 : vector<16xi32> to vector<16x1xi32>
        %gather3A_363 = vector.shape_cast %broadcast_in_dim3A_362 : vector<16x1xi32> to vector<16xi32>
        %gather3A_364 = tpu.dynamic_gather %get3A_357[%gather3A_363] in [0] : vector<16xf32>, vector<16xi32> -> vector<16xf32>
        %add3A_365 = arith.addf %get3A_357, %gather3A_364 : vector<16xf32>
        %xor3A_366 = arith.constant 4 : i32
        %xor3A_367 = vector.broadcast %xor3A_366 : i32 to vector<16xi32>
        %xor3A_368 = arith.xori %iota3A_358, %xor3A_367 : vector<16xi32>
        %broadcast_in_dim3A_369 = vector.shape_cast %xor3A_368 : vector<16xi32> to vector<16x1xi32>
        %gather3A_370 = vector.shape_cast %broadcast_in_dim3A_369 : vector<16x1xi32> to vector<16xi32>
        %gather3A_371 = tpu.dynamic_gather %add3A_365[%gather3A_370] in [0] : vector<16xf32>, vector<16xi32> -> vector<16xf32>
        %add3A_372 = arith.addf %add3A_365, %gather3A_371 : vector<16xf32>
        %xor3A_373 = arith.constant 2 : i32
        %xor3A_374 = vector.broadcast %xor3A_373 : i32 to vector<16xi32>
        %xor3A_375 = arith.xori %iota3A_358, %xor3A_374 : vector<16xi32>
        %broadcast_in_dim3A_376 = vector.shape_cast %xor3A_375 : vector<16xi32> to vector<16x1xi32>
        %gather3A_377 = vector.shape_cast %broadcast_in_dim3A_376 : vector<16x1xi32> to vector<16xi32>
        %gather3A_378 = tpu.dynamic_gather %add3A_372[%gather3A_377] in [0] : vector<16xf32>, vector<16xi32> -> vector<16xf32>
        %add3A_379 = arith.addf %add3A_372, %gather3A_378 : vector<16xf32>
        %xor3A_380 = arith.constant 1 : i32
        %xor3A_381 = vector.broadcast %xor3A_380 : i32 to vector<16xi32>
        %xor3A_382 = arith.xori %iota3A_358, %xor3A_381 : vector<16xi32>
        %broadcast_in_dim3A_383 = vector.shape_cast %xor3A_382 : vector<16xi32> to vector<16x1xi32>
        %gather3A_384 = vector.shape_cast %broadcast_in_dim3A_383 : vector<16x1xi32> to vector<16xi32>
        %gather3A_385 = tpu.dynamic_gather %add3A_379[%gather3A_384] in [0] : vector<16xf32>, vector<16xi32> -> vector<16xf32>
        %add3A_386 = arith.addf %add3A_379, %gather3A_385 : vector<16xf32>
        %not3A = arith.constant dense<true> : vector<16xi1>
        %not3A_387 = arith.xori %scan3A_347, %not3A : vector<16xi1>
        %add3A_388 = arith.addf %scan3A_346, %add3A_386 : vector<16xf32>
        %gt3A_389 = arith.cmpf ogt, %add3A_388, %sub3A_274 : vector<16xf32>
        %eq3A = arith.constant 15 : i32
        %eq3A_390 = arith.cmpi eq, %scan3A_345, %eq3A : i32
        %or3A = vector.broadcast %eq3A_390 : i1 to vector<16xi1>
        %or3A_391 = arith.ori %gt3A_389, %or3A : vector<16xi1>
        %and3A = arith.andi %not3A_387, %or3A_391 : vector<16xi1>
        %broadcast_in_dim3A_392 = vector.broadcast %sub3A_351 : i32 to vector<16xi32>
        %select_n3A_393 = arith.select %and3A, %broadcast_in_dim3A_392, %scan3A_348 : vector<16xi1>, vector<16xi32>
        %select_n3A_394 = arith.select %and3A, %scan3A_346, %scan3A_349 : vector<16xi1>, vector<16xf32>
        %add3A_395 = arith.addf %scan3A_346, %add3A_386 : vector<16xf32>
        %or3A_396 = arith.ori %scan3A_347, %and3A : vector<16xi1>
        scf.yield %add3A_395, %or3A_396, %select_n3A_393, %select_n3A_394 : vector<16xf32>, vector<16xi1>, vector<16xi32>, vector<16xf32>
      }
      %scan3A_296 = arith.constant 16 : i32
      %mul3A_297 = arith.constant 16 : i32
      %mul3A_298 = vector.broadcast %mul3A_297 : i32 to vector<16xi32>
      %mul3A_299 = arith.muli %scan3A_283#2, %mul3A_298 : vector<16xi32>
      %add3A_300 = arith.addi %mul3A_299, %scan3A_295#2 : vector<16xi32>
      %shift_left3A_301 = arith.constant 10 : i32
      %shift_left3A_302 = vector.broadcast %shift_left3A_301 : i32 to vector<16xi32>
      %shift_left3A_303 = arith.shli %add3A_300, %shift_left3A_302 : vector<16xi32>
      %add3A_304 = arith.addi %add3A_264, %shift_left3A_303 : vector<16xi32>
      %add3A_305 = arith.addf %add3A_265, %scan3A_295#3 : vector<16xf32>
      %broadcast_in_dim3A_306 = arith.constant -2147483648 : i32
      %broadcast_in_dim3A_307 = vector.broadcast %broadcast_in_dim3A_306 : i32 to vector<16xi32>
      %broadcast_in_dim3A_308 = arith.constant -2.000000e+02 : f32
      %broadcast_in_dim3A_309 = vector.broadcast %broadcast_in_dim3A_308 : f32 to vector<16xf32>
      %bitcast_convert_type3A_310 = tpu.bitcast %broadcast_in_dim3A_309 : vector<16xf32> -> vector<16xi32>
      %scan3A_311 = arith.constant 0 : i32
      %scan3A_312 = arith.constant 32 : i32
      %scan3A_313 = arith.addi %scan3A_311, %scan3A_312 : i32
      %scan3A_314 = arith.constant 1 : i32
      %scan3A_315:2 = scf.for %scan3A_345 = %scan3A_311 to %scan3A_313 step %scan3A_314 iter_args(%scan3A_346 = %broadcast_in_dim3A_307, %scan3A_347 = %bitcast_convert_type3A_310) -> (vector<16xi32>, vector<16xi32>)  : i32 {
        %sub3A_348 = arith.subi %scan3A_347, %scan3A_346 : vector<16xi32>
        %shift_right_arithmetic3A_349 = arith.constant 1 : i32
        %shift_right_arithmetic3A_350 = vector.broadcast %shift_right_arithmetic3A_349 : i32 to vector<16xi32>
        %shift_right_arithmetic3A_351 = arith.shrsi %sub3A_348, %shift_right_arithmetic3A_350 : vector<16xi32>
        %add3A_352 = arith.addi %scan3A_346, %shift_right_arithmetic3A_351 : vector<16xi32>
        %bitcast_convert_type3A_353 = tpu.bitcast %add3A_352 : vector<16xi32> -> vector<16xf32>
        %exp3A = math.exp %bitcast_convert_type3A_353 : vector<16xf32>
        %bitcast_convert_type3A_354 = tpu.bitcast %exp3A : vector<16xf32> -> vector<16xi32>
        %ge3A = arith.cmpi sge, %bitcast_convert_type3A_354, %add3A_304 : vector<16xi32>
        %select_n3A_355 = arith.select %ge3A, %add3A_352, %scan3A_346 : vector<16xi1>, vector<16xi32>
        %select_n3A_356 = arith.select %ge3A, %scan3A_347, %add3A_352 : vector<16xi1>, vector<16xi32>
        scf.yield %select_n3A_355, %select_n3A_356 : vector<16xi32>, vector<16xi32>
      }
      %scan3A_316 = arith.constant 32 : i32
      %bitcast_convert_type3A_317 = tpu.bitcast %scan3A_315#0 : vector<16xi32> -> vector<16xf32>
      %scan3A_318 = arith.constant 0 : i32
      %scan3A_319 = arith.constant 0 : i32
      %scan3A_320 = arith.constant 12 : i32
      %scan3A_321 = arith.addi %scan3A_319, %scan3A_320 : i32
      %scan3A_322 = arith.constant 1 : i32
      %scan3A_323 = scf.for %scan3A_345 = %scan3A_319 to %scan3A_321 step %scan3A_322 iter_args(%scan3A_346 = %scan3A_318) -> (i32)  : i32 {
        %mul3A_347 = arith.constant 2 : i32
        %mul3A_348 = arith.muli %mul3A_347, %scan3A_345 : i32
        %gt3A_349 = arith.constant 0 : i32
        %gt3A_350 = arith.cmpi sgt, %scan3A_345, %gt3A_349 : i32
        %convert_element_type3A = arith.extui %gt3A_350 : i1 to i32
        %cond3A = arith.constant 0 : i32
        %cond3A_351 = arith.cmpi ne, %convert_element_type3A, %cond3A : i32
        scf.if %cond3A_351 {
          %sub3A_378 = arith.constant 2 : i32
          %sub3A_379 = arith.subi %mul3A_348, %sub3A_378 : i32
          %mul3A_380 = arith.constant 4000 : i32
          %mul3A_381 = arith.muli %sub3A_379, %mul3A_380 : i32
          %add3A_382 = arith.addi %mul3A_16, %mul3A_381 : i32
          %dma_wait3A_383 = tpu.memref_slice %arg5[%add3A_382] : memref<12800000xf32, #tpu.memory_space<hbm>> -> memref<4000xf32, #tpu.memory_space<hbm>>
          %dma_wait3A_384 = tpu.memref_slice %arg5[%add3A_382] : memref<12800000xf32, #tpu.memory_space<hbm>> -> memref<4000xf32, #tpu.memory_space<hbm>>
          tpu.wait_dma2 semaphore(%arg11 : memref<!tpu.dma_semaphore, #tpu.memory_space<semaphore_mem>>) src(%arg8 : memref<4000xf32, #tpu.memory_space<vmem>>) dst(%dma_wait3A_384 : memref<4000xf32, #tpu.memory_space<hbm>>)
        } else {
        }
        %parallel_loop3A_352 = arith.constant 0 : i32
        %parallel_loop3A_353 = arith.constant 250 : i32
        %parallel_loop3A_354 = arith.constant 5 : i32
        scf.for %parallel_loop3A_378 = %parallel_loop3A_352 to %parallel_loop3A_353 step %parallel_loop3A_354  : i32 {
          %parallel_loop3A_379 = arith.constant 4000 : i32
          %parallel_loop3A_380 = arith.muli %mul3A_348, %parallel_loop3A_379 : i32
          %parallel_loop3A_381 = arith.constant 0 : i32
          %parallel_loop3A_382 = arith.addi %parallel_loop3A_378, %parallel_loop3A_381 : i32
          %parallel_loop3A_383 = arith.constant 16 : i32
          %parallel_loop3A_384 = arith.muli %parallel_loop3A_382, %parallel_loop3A_383 : i32
          %parallel_loop3A_385 = arith.addi %parallel_loop3A_380, %parallel_loop3A_384 : i32
          %parallel_loop3A_386 = arith.index_cast %parallel_loop3A_385 : i32 to index
          %parallel_loop3A_387 = tpu.vector_load %arg6[%parallel_loop3A_386] {strides = array<i32>} : memref<100000xf32, #tpu.memory_space<vmem>>, vector<16xf32>,
          %parallel_loop3A_388 = arith.subf %parallel_loop3A_387, %max3A_183 : vector<16xf32>
          %parallel_loop3A_389 = arith.cmpf oge, %parallel_loop3A_388, %bitcast_convert_type3A_317 : vector<16xf32>
          %parallel_loop3A_390 = arith.select %parallel_loop3A_389, %parallel_loop3A_387, %broadcast_in_dim3A_3 : vector<16xi1>, vector<16xf32>
          %parallel_loop3A_391 = arith.constant 0 : i32
          %parallel_loop3A_392 = arith.addi %parallel_loop3A_378, %parallel_loop3A_391 : i32
          %parallel_loop3A_393 = arith.constant 16 : i32
          %parallel_loop3A_394 = arith.muli %parallel_loop3A_392, %parallel_loop3A_393 : i32
          %parallel_loop3A_395 = arith.index_cast %parallel_loop3A_394 : i32 to index
          %parallel_loop3A_396 = tpu.vector_load %arg8[%parallel_loop3A_395] {strides = array<i32>} : memref<4000xf32, #tpu.memory_space<vmem>>, vector<16xf32>,
          tpu.vector_store %arg8[%parallel_loop3A_395], %parallel_loop3A_390 {strides = array<i32>} : memref<4000xf32, #tpu.memory_space<vmem>>, vector<16xf32>,
          %parallel_loop3A_397 = arith.constant 4000 : i32
          %parallel_loop3A_398 = arith.muli %mul3A_348, %parallel_loop3A_397 : i32
          %parallel_loop3A_399 = arith.constant 1 : i32
          %parallel_loop3A_400 = arith.addi %parallel_loop3A_378, %parallel_loop3A_399 : i32
          %parallel_loop3A_401 = arith.constant 16 : i32
          %parallel_loop3A_402 = arith.muli %parallel_loop3A_400, %parallel_loop3A_401 : i32
          %parallel_loop3A_403 = arith.addi %parallel_loop3A_398, %parallel_loop3A_402 : i32
          %parallel_loop3A_404 = arith.index_cast %parallel_loop3A_403 : i32 to index
          %parallel_loop3A_405 = tpu.vector_load %arg6[%parallel_loop3A_404] {strides = array<i32>} : memref<100000xf32, #tpu.memory_space<vmem>>, vector<16xf32>,
          %parallel_loop3A_406 = arith.subf %parallel_loop3A_405, %max3A_183 : vector<16xf32>
          %parallel_loop3A_407 = arith.cmpf oge, %parallel_loop3A_406, %bitcast_convert_type3A_317 : vector<16xf32>
          %parallel_loop3A_408 = arith.select %parallel_loop3A_407, %parallel_loop3A_405, %broadcast_in_dim3A_3 : vector<16xi1>, vector<16xf32>
          %parallel_loop3A_409 = arith.constant 1 : i32
          %parallel_loop3A_410 = arith.addi %parallel_loop3A_378, %parallel_loop3A_409 : i32
          %parallel_loop3A_411 = arith.constant 16 : i32
          %parallel_loop3A_412 = arith.muli %parallel_loop3A_410, %parallel_loop3A_411 : i32
          %parallel_loop3A_413 = arith.index_cast %parallel_loop3A_412 : i32 to index
          %parallel_loop3A_414 = tpu.vector_load %arg8[%parallel_loop3A_413] {strides = array<i32>} : memref<4000xf32, #tpu.memory_space<vmem>>, vector<16xf32>,
          tpu.vector_store %arg8[%parallel_loop3A_413], %parallel_loop3A_408 {strides = array<i32>} : memref<4000xf32, #tpu.memory_space<vmem>>, vector<16xf32>,
          %parallel_loop3A_415 = arith.constant 4000 : i32
          %parallel_loop3A_416 = arith.muli %mul3A_348, %parallel_loop3A_415 : i32
          %parallel_loop3A_417 = arith.constant 2 : i32
          %parallel_loop3A_418 = arith.addi %parallel_loop3A_378, %parallel_loop3A_417 : i32
          %parallel_loop3A_419 = arith.constant 16 : i32
          %parallel_loop3A_420 = arith.muli %parallel_loop3A_418, %parallel_loop3A_419 : i32
          %parallel_loop3A_421 = arith.addi %parallel_loop3A_416, %parallel_loop3A_420 : i32
          %parallel_loop3A_422 = arith.index_cast %parallel_loop3A_421 : i32 to index
          %parallel_loop3A_423 = tpu.vector_load %arg6[%parallel_loop3A_422] {strides = array<i32>} : memref<100000xf32, #tpu.memory_space<vmem>>, vector<16xf32>,
          %parallel_loop3A_424 = arith.subf %parallel_loop3A_423, %max3A_183 : vector<16xf32>
          %parallel_loop3A_425 = arith.cmpf oge, %parallel_loop3A_424, %bitcast_convert_type3A_317 : vector<16xf32>
          %parallel_loop3A_426 = arith.select %parallel_loop3A_425, %parallel_loop3A_423, %broadcast_in_dim3A_3 : vector<16xi1>, vector<16xf32>
          %parallel_loop3A_427 = arith.constant 2 : i32
          %parallel_loop3A_428 = arith.addi %parallel_loop3A_378, %parallel_loop3A_427 : i32
          %parallel_loop3A_429 = arith.constant 16 : i32
          %parallel_loop3A_430 = arith.muli %parallel_loop3A_428, %parallel_loop3A_429 : i32
          %parallel_loop3A_431 = arith.index_cast %parallel_loop3A_430 : i32 to index
          %parallel_loop3A_432 = tpu.vector_load %arg8[%parallel_loop3A_431] {strides = array<i32>} : memref<4000xf32, #tpu.memory_space<vmem>>, vector<16xf32>,
          tpu.vector_store %arg8[%parallel_loop3A_431], %parallel_loop3A_426 {strides = array<i32>} : memref<4000xf32, #tpu.memory_space<vmem>>, vector<16xf32>,
          %parallel_loop3A_433 = arith.constant 4000 : i32
          %parallel_loop3A_434 = arith.muli %mul3A_348, %parallel_loop3A_433 : i32
          %parallel_loop3A_435 = arith.constant 3 : i32
          %parallel_loop3A_436 = arith.addi %parallel_loop3A_378, %parallel_loop3A_435 : i32
          %parallel_loop3A_437 = arith.constant 16 : i32
          %parallel_loop3A_438 = arith.muli %parallel_loop3A_436, %parallel_loop3A_437 : i32
          %parallel_loop3A_439 = arith.addi %parallel_loop3A_434, %parallel_loop3A_438 : i32
          %parallel_loop3A_440 = arith.index_cast %parallel_loop3A_439 : i32 to index
          %parallel_loop3A_441 = tpu.vector_load %arg6[%parallel_loop3A_440] {strides = array<i32>} : memref<100000xf32, #tpu.memory_space<vmem>>, vector<16xf32>,
          %parallel_loop3A_442 = arith.subf %parallel_loop3A_441, %max3A_183 : vector<16xf32>
          %parallel_loop3A_443 = arith.cmpf oge, %parallel_loop3A_442, %bitcast_convert_type3A_317 : vector<16xf32>
          %parallel_loop3A_444 = arith.select %parallel_loop3A_443, %parallel_loop3A_441, %broadcast_in_dim3A_3 : vector<16xi1>, vector<16xf32>
          %parallel_loop3A_445 = arith.constant 3 : i32
          %parallel_loop3A_446 = arith.addi %parallel_loop3A_378, %parallel_loop3A_445 : i32
          %parallel_loop3A_447 = arith.constant 16 : i32
          %parallel_loop3A_448 = arith.muli %parallel_loop3A_446, %parallel_loop3A_447 : i32
          %parallel_loop3A_449 = arith.index_cast %parallel_loop3A_448 : i32 to index
          %parallel_loop3A_450 = tpu.vector_load %arg8[%parallel_loop3A_449] {strides = array<i32>} : memref<4000xf32, #tpu.memory_space<vmem>>, vector<16xf32>,
          tpu.vector_store %arg8[%parallel_loop3A_449], %parallel_loop3A_444 {strides = array<i32>} : memref<4000xf32, #tpu.memory_space<vmem>>, vector<16xf32>,
          %parallel_loop3A_451 = arith.constant 4000 : i32
          %parallel_loop3A_452 = arith.muli %mul3A_348, %parallel_loop3A_451 : i32
          %parallel_loop3A_453 = arith.constant 4 : i32
          %parallel_loop3A_454 = arith.addi %parallel_loop3A_378, %parallel_loop3A_453 : i32
          %parallel_loop3A_455 = arith.constant 16 : i32
          %parallel_loop3A_456 = arith.muli %parallel_loop3A_454, %parallel_loop3A_455 : i32
          %parallel_loop3A_457 = arith.addi %parallel_loop3A_452, %parallel_loop3A_456 : i32
          %parallel_loop3A_458 = arith.index_cast %parallel_loop3A_457 : i32 to index
          %parallel_loop3A_459 = tpu.vector_load %arg6[%parallel_loop3A_458] {strides = array<i32>} : memref<100000xf32, #tpu.memory_space<vmem>>, vector<16xf32>,
          %parallel_loop3A_460 = arith.subf %parallel_loop3A_459, %max3A_183 : vector<16xf32>
          %parallel_loop3A_461 = arith.cmpf oge, %parallel_loop3A_460, %bitcast_convert_type3A_317 : vector<16xf32>
          %parallel_loop3A_462 = arith.select %parallel_loop3A_461, %parallel_loop3A_459, %broadcast_in_dim3A_3 : vector<16xi1>, vector<16xf32>
          %parallel_loop3A_463 = arith.constant 4 : i32
          %parallel_loop3A_464 = arith.addi %parallel_loop3A_378, %parallel_loop3A_463 : i32
          %parallel_loop3A_465 = arith.constant 16 : i32
          %parallel_loop3A_466 = arith.muli %parallel_loop3A_464, %parallel_loop3A_465 : i32
          %parallel_loop3A_467 = arith.index_cast %parallel_loop3A_466 : i32 to index
          %parallel_loop3A_468 = tpu.vector_load %arg8[%parallel_loop3A_467] {strides = array<i32>} : memref<4000xf32, #tpu.memory_space<vmem>>, vector<16xf32>,
          tpu.vector_store %arg8[%parallel_loop3A_467], %parallel_loop3A_462 {strides = array<i32>} : memref<4000xf32, #tpu.memory_space<vmem>>, vector<16xf32>,
        } {sc.loop_unroll_factor = 2 : i64, sc.parallel_access}
        %mul3A_355 = arith.constant 4000 : i32
        %mul3A_356 = arith.muli %mul3A_348, %mul3A_355 : i32
        %add3A_357 = arith.addi %mul3A_16, %mul3A_356 : i32
        %dma_start3A_358 = tpu.memref_slice %arg5[%add3A_357] : memref<12800000xf32, #tpu.memory_space<hbm>> -> memref<4000xf32, #tpu.memory_space<hbm>>
        %dma_start3A_359 = tpu.memref_slice %arg5[%add3A_357] : memref<12800000xf32, #tpu.memory_space<hbm>> -> memref<4000xf32, #tpu.memory_space<hbm>>
        tpu.enqueue_dma source(%arg8 : memref<4000xf32, #tpu.memory_space<vmem>>) target(%dma_start3A_359 : memref<4000xf32, #tpu.memory_space<hbm>>) target_semaphore(%arg11 : memref<!tpu.dma_semaphore, #tpu.memory_space<semaphore_mem>>)
        %gt3A_360 = arith.constant 0 : i32
        %gt3A_361 = arith.cmpi sgt, %scan3A_345, %gt3A_360 : i32
        %convert_element_type3A_362 = arith.extui %gt3A_361 : i1 to i32
        %cond3A_363 = arith.constant 0 : i32
        %cond3A_364 = arith.cmpi ne, %convert_element_type3A_362, %cond3A_363 : i32
        scf.if %cond3A_364 {
          %sub3A_378 = arith.constant 1 : i32
          %sub3A_379 = arith.subi %mul3A_348, %sub3A_378 : i32
          %mul3A_380 = arith.constant 4000 : i32
          %mul3A_381 = arith.muli %sub3A_379, %mul3A_380 : i32
          %add3A_382 = arith.addi %mul3A_16, %mul3A_381 : i32
          %dma_wait3A_383 = tpu.memref_slice %arg5[%add3A_382] : memref<12800000xf32, #tpu.memory_space<hbm>> -> memref<4000xf32, #tpu.memory_space<hbm>>
          %dma_wait3A_384 = tpu.memref_slice %arg5[%add3A_382] : memref<12800000xf32, #tpu.memory_space<hbm>> -> memref<4000xf32, #tpu.memory_space<hbm>>
          tpu.wait_dma2 semaphore(%arg12 : memref<!tpu.dma_semaphore, #tpu.memory_space<semaphore_mem>>) src(%arg9 : memref<4000xf32, #tpu.memory_space<vmem>>) dst(%dma_wait3A_384 : memref<4000xf32, #tpu.memory_space<hbm>>)
        } else {
        }
        %add3A_365 = arith.constant 1 : i32
        %add3A_366 = arith.addi %mul3A_348, %add3A_365 : i32
        %parallel_loop3A_367 = arith.constant 0 : i32
        %parallel_loop3A_368 = arith.constant 250 : i32
        %parallel_loop3A_369 = arith.constant 5 : i32
        scf.for %parallel_loop3A_378 = %parallel_loop3A_367 to %parallel_loop3A_368 step %parallel_loop3A_369  : i32 {
          %parallel_loop3A_379 = arith.constant 4000 : i32
          %parallel_loop3A_380 = arith.muli %add3A_366, %parallel_loop3A_379 : i32
          %parallel_loop3A_381 = arith.constant 0 : i32
          %parallel_loop3A_382 = arith.addi %parallel_loop3A_378, %parallel_loop3A_381 : i32
          %parallel_loop3A_383 = arith.constant 16 : i32
          %parallel_loop3A_384 = arith.muli %parallel_loop3A_382, %parallel_loop3A_383 : i32
          %parallel_loop3A_385 = arith.addi %parallel_loop3A_380, %parallel_loop3A_384 : i32
          %parallel_loop3A_386 = arith.index_cast %parallel_loop3A_385 : i32 to index
          %parallel_loop3A_387 = tpu.vector_load %arg6[%parallel_loop3A_386] {strides = array<i32>} : memref<100000xf32, #tpu.memory_space<vmem>>, vector<16xf32>,
          %parallel_loop3A_388 = arith.subf %parallel_loop3A_387, %max3A_183 : vector<16xf32>
          %parallel_loop3A_389 = arith.cmpf oge, %parallel_loop3A_388, %bitcast_convert_type3A_317 : vector<16xf32>
          %parallel_loop3A_390 = arith.select %parallel_loop3A_389, %parallel_loop3A_387, %broadcast_in_dim3A_3 : vector<16xi1>, vector<16xf32>
          %parallel_loop3A_391 = arith.constant 0 : i32
          %parallel_loop3A_392 = arith.addi %parallel_loop3A_378, %parallel_loop3A_391 : i32
          %parallel_loop3A_393 = arith.constant 16 : i32
          %parallel_loop3A_394 = arith.muli %parallel_loop3A_392, %parallel_loop3A_393 : i32
          %parallel_loop3A_395 = arith.index_cast %parallel_loop3A_394 : i32 to index
          %parallel_loop3A_396 = tpu.vector_load %arg9[%parallel_loop3A_395] {strides = array<i32>} : memref<4000xf32, #tpu.memory_space<vmem>>, vector<16xf32>,
          tpu.vector_store %arg9[%parallel_loop3A_395], %parallel_loop3A_390 {strides = array<i32>} : memref<4000xf32, #tpu.memory_space<vmem>>, vector<16xf32>,
          %parallel_loop3A_397 = arith.constant 4000 : i32
          %parallel_loop3A_398 = arith.muli %add3A_366, %parallel_loop3A_397 : i32
          %parallel_loop3A_399 = arith.constant 1 : i32
          %parallel_loop3A_400 = arith.addi %parallel_loop3A_378, %parallel_loop3A_399 : i32
          %parallel_loop3A_401 = arith.constant 16 : i32
          %parallel_loop3A_402 = arith.muli %parallel_loop3A_400, %parallel_loop3A_401 : i32
          %parallel_loop3A_403 = arith.addi %parallel_loop3A_398, %parallel_loop3A_402 : i32
          %parallel_loop3A_404 = arith.index_cast %parallel_loop3A_403 : i32 to index
          %parallel_loop3A_405 = tpu.vector_load %arg6[%parallel_loop3A_404] {strides = array<i32>} : memref<100000xf32, #tpu.memory_space<vmem>>, vector<16xf32>,
          %parallel_loop3A_406 = arith.subf %parallel_loop3A_405, %max3A_183 : vector<16xf32>
          %parallel_loop3A_407 = arith.cmpf oge, %parallel_loop3A_406, %bitcast_convert_type3A_317 : vector<16xf32>
          %parallel_loop3A_408 = arith.select %parallel_loop3A_407, %parallel_loop3A_405, %broadcast_in_dim3A_3 : vector<16xi1>, vector<16xf32>
          %parallel_loop3A_409 = arith.constant 1 : i32
          %parallel_loop3A_410 = arith.addi %parallel_loop3A_378, %parallel_loop3A_409 : i32
          %parallel_loop3A_411 = arith.constant 16 : i32
          %parallel_loop3A_412 = arith.muli %parallel_loop3A_410, %parallel_loop3A_411 : i32
          %parallel_loop3A_413 = arith.index_cast %parallel_loop3A_412 : i32 to index
          %parallel_loop3A_414 = tpu.vector_load %arg9[%parallel_loop3A_413] {strides = array<i32>} : memref<4000xf32, #tpu.memory_space<vmem>>, vector<16xf32>,
          tpu.vector_store %arg9[%parallel_loop3A_413], %parallel_loop3A_408 {strides = array<i32>} : memref<4000xf32, #tpu.memory_space<vmem>>, vector<16xf32>,
          %parallel_loop3A_415 = arith.constant 4000 : i32
          %parallel_loop3A_416 = arith.muli %add3A_366, %parallel_loop3A_415 : i32
          %parallel_loop3A_417 = arith.constant 2 : i32
          %parallel_loop3A_418 = arith.addi %parallel_loop3A_378, %parallel_loop3A_417 : i32
          %parallel_loop3A_419 = arith.constant 16 : i32
          %parallel_loop3A_420 = arith.muli %parallel_loop3A_418, %parallel_loop3A_419 : i32
          %parallel_loop3A_421 = arith.addi %parallel_loop3A_416, %parallel_loop3A_420 : i32
          %parallel_loop3A_422 = arith.index_cast %parallel_loop3A_421 : i32 to index
          %parallel_loop3A_423 = tpu.vector_load %arg6[%parallel_loop3A_422] {strides = array<i32>} : memref<100000xf32, #tpu.memory_space<vmem>>, vector<16xf32>,
          %parallel_loop3A_424 = arith.subf %parallel_loop3A_423, %max3A_183 : vector<16xf32>
          %parallel_loop3A_425 = arith.cmpf oge, %parallel_loop3A_424, %bitcast_convert_type3A_317 : vector<16xf32>
          %parallel_loop3A_426 = arith.select %parallel_loop3A_425, %parallel_loop3A_423, %broadcast_in_dim3A_3 : vector<16xi1>, vector<16xf32>
          %parallel_loop3A_427 = arith.constant 2 : i32
          %parallel_loop3A_428 = arith.addi %parallel_loop3A_378, %parallel_loop3A_427 : i32
          %parallel_loop3A_429 = arith.constant 16 : i32
          %parallel_loop3A_430 = arith.muli %parallel_loop3A_428, %parallel_loop3A_429 : i32
          %parallel_loop3A_431 = arith.index_cast %parallel_loop3A_430 : i32 to index
          %parallel_loop3A_432 = tpu.vector_load %arg9[%parallel_loop3A_431] {strides = array<i32>} : memref<4000xf32, #tpu.memory_space<vmem>>, vector<16xf32>,
          tpu.vector_store %arg9[%parallel_loop3A_431], %parallel_loop3A_426 {strides = array<i32>} : memref<4000xf32, #tpu.memory_space<vmem>>, vector<16xf32>,
          %parallel_loop3A_433 = arith.constant 4000 : i32
          %parallel_loop3A_434 = arith.muli %add3A_366, %parallel_loop3A_433 : i32
          %parallel_loop3A_435 = arith.constant 3 : i32
          %parallel_loop3A_436 = arith.addi %parallel_loop3A_378, %parallel_loop3A_435 : i32
          %parallel_loop3A_437 = arith.constant 16 : i32
          %parallel_loop3A_438 = arith.muli %parallel_loop3A_436, %parallel_loop3A_437 : i32
          %parallel_loop3A_439 = arith.addi %parallel_loop3A_434, %parallel_loop3A_438 : i32
          %parallel_loop3A_440 = arith.index_cast %parallel_loop3A_439 : i32 to index
          %parallel_loop3A_441 = tpu.vector_load %arg6[%parallel_loop3A_440] {strides = array<i32>} : memref<100000xf32, #tpu.memory_space<vmem>>, vector<16xf32>,
          %parallel_loop3A_442 = arith.subf %parallel_loop3A_441, %max3A_183 : vector<16xf32>
          %parallel_loop3A_443 = arith.cmpf oge, %parallel_loop3A_442, %bitcast_convert_type3A_317 : vector<16xf32>
          %parallel_loop3A_444 = arith.select %parallel_loop3A_443, %parallel_loop3A_441, %broadcast_in_dim3A_3 : vector<16xi1>, vector<16xf32>
          %parallel_loop3A_445 = arith.constant 3 : i32
          %parallel_loop3A_446 = arith.addi %parallel_loop3A_378, %parallel_loop3A_445 : i32
          %parallel_loop3A_447 = arith.constant 16 : i32
          %parallel_loop3A_448 = arith.muli %parallel_loop3A_446, %parallel_loop3A_447 : i32
          %parallel_loop3A_449 = arith.index_cast %parallel_loop3A_448 : i32 to index
          %parallel_loop3A_450 = tpu.vector_load %arg9[%parallel_loop3A_449] {strides = array<i32>} : memref<4000xf32, #tpu.memory_space<vmem>>, vector<16xf32>,
          tpu.vector_store %arg9[%parallel_loop3A_449], %parallel_loop3A_444 {strides = array<i32>} : memref<4000xf32, #tpu.memory_space<vmem>>, vector<16xf32>,
          %parallel_loop3A_451 = arith.constant 4000 : i32
          %parallel_loop3A_452 = arith.muli %add3A_366, %parallel_loop3A_451 : i32
          %parallel_loop3A_453 = arith.constant 4 : i32
          %parallel_loop3A_454 = arith.addi %parallel_loop3A_378, %parallel_loop3A_453 : i32
          %parallel_loop3A_455 = arith.constant 16 : i32
          %parallel_loop3A_456 = arith.muli %parallel_loop3A_454, %parallel_loop3A_455 : i32
          %parallel_loop3A_457 = arith.addi %parallel_loop3A_452, %parallel_loop3A_456 : i32
          %parallel_loop3A_458 = arith.index_cast %parallel_loop3A_457 : i32 to index
          %parallel_loop3A_459 = tpu.vector_load %arg6[%parallel_loop3A_458] {strides = array<i32>} : memref<100000xf32, #tpu.memory_space<vmem>>, vector<16xf32>,
          %parallel_loop3A_460 = arith.subf %parallel_loop3A_459, %max3A_183 : vector<16xf32>
          %parallel_loop3A_461 = arith.cmpf oge, %parallel_loop3A_460, %bitcast_convert_type3A_317 : vector<16xf32>
          %parallel_loop3A_462 = arith.select %parallel_loop3A_461, %parallel_loop3A_459, %broadcast_in_dim3A_3 : vector<16xi1>, vector<16xf32>
          %parallel_loop3A_463 = arith.constant 4 : i32
          %parallel_loop3A_464 = arith.addi %parallel_loop3A_378, %parallel_loop3A_463 : i32
          %parallel_loop3A_465 = arith.constant 16 : i32
          %parallel_loop3A_466 = arith.muli %parallel_loop3A_464, %parallel_loop3A_465 : i32
          %parallel_loop3A_467 = arith.index_cast %parallel_loop3A_466 : i32 to index
          %parallel_loop3A_468 = tpu.vector_load %arg9[%parallel_loop3A_467] {strides = array<i32>} : memref<4000xf32, #tpu.memory_space<vmem>>, vector<16xf32>,
          tpu.vector_store %arg9[%parallel_loop3A_467], %parallel_loop3A_462 {strides = array<i32>} : memref<4000xf32, #tpu.memory_space<vmem>>, vector<16xf32>,
        } {sc.loop_unroll_factor = 2 : i64, sc.parallel_access}
        %add3A_370 = arith.constant 1 : i32
        %add3A_371 = arith.addi %mul3A_348, %add3A_370 : i32
        %mul3A_372 = arith.constant 4000 : i32
        %mul3A_373 = arith.muli %add3A_371, %mul3A_372 : i32
        %add3A_374 = arith.addi %mul3A_16, %mul3A_373 : i32
        %dma_start3A_375 = tpu.memref_slice %arg5[%add3A_374] : memref<12800000xf32, #tpu.memory_space<hbm>> -> memref<4000xf32, #tpu.memory_space<hbm>>
        %dma_start3A_376 = tpu.memref_slice %arg5[%add3A_374] : memref<12800000xf32, #tpu.memory_space<hbm>> -> memref<4000xf32, #tpu.memory_space<hbm>>
        tpu.enqueue_dma source(%arg9 : memref<4000xf32, #tpu.memory_space<vmem>>) target(%dma_start3A_376 : memref<4000xf32, #tpu.memory_space<hbm>>) target_semaphore(%arg12 : memref<!tpu.dma_semaphore, #tpu.memory_space<semaphore_mem>>)
        %scan3A_377 = arith.constant 0 : i32
        scf.yield %scan3A_377 : i32
      }
      %scan3A_324 = arith.constant 12 : i32
      %add3A_325 = arith.constant 88000 : i32
      %add3A_326 = arith.addi %mul3A_16, %add3A_325 : i32
      %dma_wait3A_327 = tpu.memref_slice %arg5[%add3A_326] : memref<12800000xf32, #tpu.memory_space<hbm>> -> memref<4000xf32, #tpu.memory_space<hbm>>
      %dma_wait3A_328 = tpu.memref_slice %arg5[%add3A_326] : memref<12800000xf32, #tpu.memory_space<hbm>> -> memref<4000xf32, #tpu.memory_space<hbm>>
      tpu.wait_dma2 semaphore(%arg11 : memref<!tpu.dma_semaphore, #tpu.memory_space<semaphore_mem>>) src(%arg8 : memref<4000xf32, #tpu.memory_space<vmem>>) dst(%dma_wait3A_328 : memref<4000xf32, #tpu.memory_space<hbm>>)
      %parallel_loop3A_329 = arith.constant 0 : i32
      %parallel_loop3A_330 = arith.constant 250 : i32
      %parallel_loop3A_331 = arith.constant 5 : i32
      scf.for %parallel_loop3A_345 = %parallel_loop3A_329 to %parallel_loop3A_330 step %parallel_loop3A_331  : i32 {
        %parallel_loop3A_346 = arith.constant 0 : i32
        %parallel_loop3A_347 = arith.addi %parallel_loop3A_345, %parallel_loop3A_346 : i32
        %parallel_loop3A_348 = arith.constant 16 : i32
        %parallel_loop3A_349 = arith.muli %parallel_loop3A_347, %parallel_loop3A_348 : i32
        %parallel_loop3A_350 = arith.constant 96000 : i32
        %parallel_loop3A_351 = arith.addi %parallel_loop3A_350, %parallel_loop3A_349 : i32
        %parallel_loop3A_352 = arith.index_cast %parallel_loop3A_351 : i32 to index
        %parallel_loop3A_353 = tpu.vector_load %arg6[%parallel_loop3A_352] {strides = array<i32>} : memref<100000xf32, #tpu.memory_space<vmem>>, vector<16xf32>,
        %parallel_loop3A_354 = arith.subf %parallel_loop3A_353, %max3A_183 : vector<16xf32>
        %parallel_loop3A_355 = arith.cmpf oge, %parallel_loop3A_354, %bitcast_convert_type3A_317 : vector<16xf32>
        %parallel_loop3A_356 = arith.select %parallel_loop3A_355, %parallel_loop3A_353, %broadcast_in_dim3A_3 : vector<16xi1>, vector<16xf32>
        %parallel_loop3A_357 = arith.constant 0 : i32
        %parallel_loop3A_358 = arith.addi %parallel_loop3A_345, %parallel_loop3A_357 : i32
        %parallel_loop3A_359 = arith.constant 16 : i32
        %parallel_loop3A_360 = arith.muli %parallel_loop3A_358, %parallel_loop3A_359 : i32
        %parallel_loop3A_361 = arith.index_cast %parallel_loop3A_360 : i32 to index
        %parallel_loop3A_362 = tpu.vector_load %arg8[%parallel_loop3A_361] {strides = array<i32>} : memref<4000xf32, #tpu.memory_space<vmem>>, vector<16xf32>,
        tpu.vector_store %arg8[%parallel_loop3A_361], %parallel_loop3A_356 {strides = array<i32>} : memref<4000xf32, #tpu.memory_space<vmem>>, vector<16xf32>,
        %parallel_loop3A_363 = arith.constant 1 : i32
        %parallel_loop3A_364 = arith.addi %parallel_loop3A_345, %parallel_loop3A_363 : i32
        %parallel_loop3A_365 = arith.constant 16 : i32
        %parallel_loop3A_366 = arith.muli %parallel_loop3A_364, %parallel_loop3A_365 : i32
        %parallel_loop3A_367 = arith.constant 96000 : i32
        %parallel_loop3A_368 = arith.addi %parallel_loop3A_367, %parallel_loop3A_366 : i32
        %parallel_loop3A_369 = arith.index_cast %parallel_loop3A_368 : i32 to index
        %parallel_loop3A_370 = tpu.vector_load %arg6[%parallel_loop3A_369] {strides = array<i32>} : memref<100000xf32, #tpu.memory_space<vmem>>, vector<16xf32>,
        %parallel_loop3A_371 = arith.subf %parallel_loop3A_370, %max3A_183 : vector<16xf32>
        %parallel_loop3A_372 = arith.cmpf oge, %parallel_loop3A_371, %bitcast_convert_type3A_317 : vector<16xf32>
        %parallel_loop3A_373 = arith.select %parallel_loop3A_372, %parallel_loop3A_370, %broadcast_in_dim3A_3 : vector<16xi1>, vector<16xf32>
        %parallel_loop3A_374 = arith.constant 1 : i32
        %parallel_loop3A_375 = arith.addi %parallel_loop3A_345, %parallel_loop3A_374 : i32
        %parallel_loop3A_376 = arith.constant 16 : i32
        %parallel_loop3A_377 = arith.muli %parallel_loop3A_375, %parallel_loop3A_376 : i32
        %parallel_loop3A_378 = arith.index_cast %parallel_loop3A_377 : i32 to index
        %parallel_loop3A_379 = tpu.vector_load %arg8[%parallel_loop3A_378] {strides = array<i32>} : memref<4000xf32, #tpu.memory_space<vmem>>, vector<16xf32>,
        tpu.vector_store %arg8[%parallel_loop3A_378], %parallel_loop3A_373 {strides = array<i32>} : memref<4000xf32, #tpu.memory_space<vmem>>, vector<16xf32>,
        %parallel_loop3A_380 = arith.constant 2 : i32
        %parallel_loop3A_381 = arith.addi %parallel_loop3A_345, %parallel_loop3A_380 : i32
        %parallel_loop3A_382 = arith.constant 16 : i32
        %parallel_loop3A_383 = arith.muli %parallel_loop3A_381, %parallel_loop3A_382 : i32
        %parallel_loop3A_384 = arith.constant 96000 : i32
        %parallel_loop3A_385 = arith.addi %parallel_loop3A_384, %parallel_loop3A_383 : i32
        %parallel_loop3A_386 = arith.index_cast %parallel_loop3A_385 : i32 to index
        %parallel_loop3A_387 = tpu.vector_load %arg6[%parallel_loop3A_386] {strides = array<i32>} : memref<100000xf32, #tpu.memory_space<vmem>>, vector<16xf32>,
        %parallel_loop3A_388 = arith.subf %parallel_loop3A_387, %max3A_183 : vector<16xf32>
        %parallel_loop3A_389 = arith.cmpf oge, %parallel_loop3A_388, %bitcast_convert_type3A_317 : vector<16xf32>
        %parallel_loop3A_390 = arith.select %parallel_loop3A_389, %parallel_loop3A_387, %broadcast_in_dim3A_3 : vector<16xi1>, vector<16xf32>
        %parallel_loop3A_391 = arith.constant 2 : i32
        %parallel_loop3A_392 = arith.addi %parallel_loop3A_345, %parallel_loop3A_391 : i32
        %parallel_loop3A_393 = arith.constant 16 : i32
        %parallel_loop3A_394 = arith.muli %parallel_loop3A_392, %parallel_loop3A_393 : i32
        %parallel_loop3A_395 = arith.index_cast %parallel_loop3A_394 : i32 to index
        %parallel_loop3A_396 = tpu.vector_load %arg8[%parallel_loop3A_395] {strides = array<i32>} : memref<4000xf32, #tpu.memory_space<vmem>>, vector<16xf32>,
        tpu.vector_store %arg8[%parallel_loop3A_395], %parallel_loop3A_390 {strides = array<i32>} : memref<4000xf32, #tpu.memory_space<vmem>>, vector<16xf32>,
        %parallel_loop3A_397 = arith.constant 3 : i32
        %parallel_loop3A_398 = arith.addi %parallel_loop3A_345, %parallel_loop3A_397 : i32
        %parallel_loop3A_399 = arith.constant 16 : i32
        %parallel_loop3A_400 = arith.muli %parallel_loop3A_398, %parallel_loop3A_399 : i32
        %parallel_loop3A_401 = arith.constant 96000 : i32
        %parallel_loop3A_402 = arith.addi %parallel_loop3A_401, %parallel_loop3A_400 : i32
        %parallel_loop3A_403 = arith.index_cast %parallel_loop3A_402 : i32 to index
        %parallel_loop3A_404 = tpu.vector_load %arg6[%parallel_loop3A_403] {strides = array<i32>} : memref<100000xf32, #tpu.memory_space<vmem>>, vector<16xf32>,
        %parallel_loop3A_405 = arith.subf %parallel_loop3A_404, %max3A_183 : vector<16xf32>
        %parallel_loop3A_406 = arith.cmpf oge, %parallel_loop3A_405, %bitcast_convert_type3A_317 : vector<16xf32>
        %parallel_loop3A_407 = arith.select %parallel_loop3A_406, %parallel_loop3A_404, %broadcast_in_dim3A_3 : vector<16xi1>, vector<16xf32>
        %parallel_loop3A_408 = arith.constant 3 : i32
        %parallel_loop3A_409 = arith.addi %parallel_loop3A_345, %parallel_loop3A_408 : i32
        %parallel_loop3A_410 = arith.constant 16 : i32
        %parallel_loop3A_411 = arith.muli %parallel_loop3A_409, %parallel_loop3A_410 : i32
        %parallel_loop3A_412 = arith.index_cast %parallel_loop3A_411 : i32 to index
        %parallel_loop3A_413 = tpu.vector_load %arg8[%parallel_loop3A_412] {strides = array<i32>} : memref<4000xf32, #tpu.memory_space<vmem>>, vector<16xf32>,
        tpu.vector_store %arg8[%parallel_loop3A_412], %parallel_loop3A_407 {strides = array<i32>} : memref<4000xf32, #tpu.memory_space<vmem>>, vector<16xf32>,
        %parallel_loop3A_414 = arith.constant 4 : i32
        %parallel_loop3A_415 = arith.addi %parallel_loop3A_345, %parallel_loop3A_414 : i32
        %parallel_loop3A_416 = arith.constant 16 : i32
        %parallel_loop3A_417 = arith.muli %parallel_loop3A_415, %parallel_loop3A_416 : i32
        %parallel_loop3A_418 = arith.constant 96000 : i32
        %parallel_loop3A_419 = arith.addi %parallel_loop3A_418, %parallel_loop3A_417 : i32
        %parallel_loop3A_420 = arith.index_cast %parallel_loop3A_419 : i32 to index
        %parallel_loop3A_421 = tpu.vector_load %arg6[%parallel_loop3A_420] {strides = array<i32>} : memref<100000xf32, #tpu.memory_space<vmem>>, vector<16xf32>,
        %parallel_loop3A_422 = arith.subf %parallel_loop3A_421, %max3A_183 : vector<16xf32>
        %parallel_loop3A_423 = arith.cmpf oge, %parallel_loop3A_422, %bitcast_convert_type3A_317 : vector<16xf32>
        %parallel_loop3A_424 = arith.select %parallel_loop3A_423, %parallel_loop3A_421, %broadcast_in_dim3A_3 : vector<16xi1>, vector<16xf32>
        %parallel_loop3A_425 = arith.constant 4 : i32
        %parallel_loop3A_426 = arith.addi %parallel_loop3A_345, %parallel_loop3A_425 : i32
        %parallel_loop3A_427 = arith.constant 16 : i32
        %parallel_loop3A_428 = arith.muli %parallel_loop3A_426, %parallel_loop3A_427 : i32
        %parallel_loop3A_429 = arith.index_cast %parallel_loop3A_428 : i32 to index
        %parallel_loop3A_430 = tpu.vector_load %arg8[%parallel_loop3A_429] {strides = array<i32>} : memref<4000xf32, #tpu.memory_space<vmem>>, vector<16xf32>,
        tpu.vector_store %arg8[%parallel_loop3A_429], %parallel_loop3A_424 {strides = array<i32>} : memref<4000xf32, #tpu.memory_space<vmem>>, vector<16xf32>,
      } {sc.loop_unroll_factor = 2 : i64, sc.parallel_access}
      %add3A_332 = arith.constant 96000 : i32
      %add3A_333 = arith.addi %mul3A_16, %add3A_332 : i32
      %dma_start3A_334 = tpu.memref_slice %arg5[%add3A_333] : memref<12800000xf32, #tpu.memory_space<hbm>> -> memref<4000xf32, #tpu.memory_space<hbm>>
      %dma_start3A_335 = tpu.memref_slice %arg5[%add3A_333] : memref<12800000xf32, #tpu.memory_space<hbm>> -> memref<4000xf32, #tpu.memory_space<hbm>>
      tpu.enqueue_dma source(%arg8 : memref<4000xf32, #tpu.memory_space<vmem>>) target(%dma_start3A_335 : memref<4000xf32, #tpu.memory_space<hbm>>) target_semaphore(%arg11 : memref<!tpu.dma_semaphore, #tpu.memory_space<semaphore_mem>>)
      %add3A_336 = arith.constant 96000 : i32
      %add3A_337 = arith.addi %mul3A_16, %add3A_336 : i32
      %dma_wait3A_338 = tpu.memref_slice %arg5[%add3A_337] : memref<12800000xf32, #tpu.memory_space<hbm>> -> memref<4000xf32, #tpu.memory_space<hbm>>
      %dma_wait3A_339 = tpu.memref_slice %arg5[%add3A_337] : memref<12800000xf32, #tpu.memory_space<hbm>> -> memref<4000xf32, #tpu.memory_space<hbm>>
      tpu.wait_dma2 semaphore(%arg11 : memref<!tpu.dma_semaphore, #tpu.memory_space<semaphore_mem>>) src(%arg8 : memref<4000xf32, #tpu.memory_space<vmem>>) dst(%dma_wait3A_339 : memref<4000xf32, #tpu.memory_space<hbm>>)
      %add3A_340 = arith.constant 92000 : i32
      %add3A_341 = arith.addi %mul3A_16, %add3A_340 : i32
      %dma_wait3A_342 = tpu.memref_slice %arg5[%add3A_341] : memref<12800000xf32, #tpu.memory_space<hbm>> -> memref<4000xf32, #tpu.memory_space<hbm>>
      %dma_wait3A_343 = tpu.memref_slice %arg5[%add3A_341] : memref<12800000xf32, #tpu.memory_space<hbm>> -> memref<4000xf32, #tpu.memory_space<hbm>>
      tpu.wait_dma2 semaphore(%arg12 : memref<!tpu.dma_semaphore, #tpu.memory_space<semaphore_mem>>) src(%arg9 : memref<4000xf32, #tpu.memory_space<vmem>>) dst(%dma_wait3A_343 : memref<4000xf32, #tpu.memory_space<hbm>>)
      %scan3A_344 = arith.constant 0 : i32
      scf.yield %scan3A_344 : i32
    }
    %scan3A_9 = arith.constant 4 : i32
    return
  }
}

</mosaic_0001>

<sc_bundles>
// kernel: kernel.3.cloned.1.call-start
scs
__scs_entry_jumppad:
0x0: {  	(pc) =	sbr.rel $0x88, $3  }
0x1: {  	(tag) =	ssettag $0x0;
	lr =	simm.s32 $0x1  }
0x2: {  	[smem:$0x3F9E] =	sst lr;
	_ =	strace $0xD0000000  }
0x3: {  	_ = 	snop  }
0x4: {  	_ = 	snop  }
0x5: {  	_ = 	snop  }
0x6: {  	_ = 	snop  }
0x7: {  	_ = 	snop  }
__scs_overlays_trampoline_lowered:
0x8: {  	[smem:$0x3FAD] =	sst s0  }
0x9: {  	[smem:$0x3FAE] =	sst s1  }
0xa: {  	[smem:$0x3FAF] =	sst s2  }
0xb: {  	[smem:$0x3FB0] =	sst s3  }
0xc: {  	[smem:$0x3FB1] =	sst s4  }
0xd: {  	[smem:$0x3FB2] =	sst s5  }
0xe: {  	[smem:$0x3FB3] =	sst s6  }
0xf: {  	[smem:$0x3FB4] =	sst s7  }
0x10: {  	[smem:$0x3FB5] =	sst s8  }
0x11: {  	[smem:$0x3FB6] =	sst s9;
	s0 =	simm.s32 @!p0 $0x0  }
0x12: {  	s1 =	sld [smem:$0x3F9C];
	s0 =	simm.s32 @p0 $0x1  }
0x13: {  	[smem:$0x3FB7] =	sst s0;
	s0 =	simm.s32 @!p1 $0x0  }
0x14: {  	s2 =	sld [smem:$0x3F9B];
	s0 =	simm.s32 @p1 $0x1  }
0x15: {  	[smem:$0x3FB8] =	sst s0;
	s0 =	simm.s32 @!p2 $0x0  }
0x16: {  	s3 =	sld [smem:$0x3FDB];
	s0 =	simm.s32 @p2 $0x1  }
0x17: {  	s4 =	simm.s32 $0x1BF5;
	[smem:$0x3FBA] =	sst s0  }
0x18: {  	s0 =	sld [smem:$0x3F9D];
	_ =	swait.ge [sflag:s4], $0x0  }
0x19: {  	s7 =	sld [smem:$0x3F9E]  }
0x1a: {  	s8 =	sadd.s32 $0xFFFFE003, lr  }
0x1b: {  	s9 =	sadd.s32 $0xFFFFFEF7, lr;
	s5 =	simm.s32 $0xFFFFFFFF;
	p2 =	slt.u32 s8, $0xFFFFF086  }
0x1c: {  	p1 =	slt.u32 s9, $0xF7A;
	s5 =	simm.s32 @!p2 $0x0  }
0x1d: {  	s5 =	simm.s32 @p1 $0x1;
	p0 =	seq.s32 s7, s2  }
0x1e: {  	s7 =	smul.u32 @!p0 $0xF7A, s2;
	p2 =	seq.s32 @!p0 s5, $0x0  }
0x1f: {  	s9 =	smul.u32 $0xF7A, s1;
	s8 =	simm.s32 @!p0 $0x1BF5;
	p2 =	por !p2, p0  }
0x20: {  	[sflag:s8] =	ssyncset.s32 @!p0 $0xFFFFF086;
	s6 =	sadd.s32 @!p0 s3, s7;
	s7 =	simm.s32 @!p0 $0x108  }
0x21: {  	s3 =	sadd.s32 s3, s9;
	s6 =	sadd.s32 @!p0 $0x88, s6;
	s7 =	simm.s32 @p2 $0x1082  }
0x22: {  	[simem:s7], [sflag:s8] =	dma.local @!p0 [hbm:s6], $0xF7A  }
0x23: {  	s9 =	sor.u32 $0xD0000000, s2;
	s6 =	simm.s32 $0x108;
	_ =	swait.ge @!p0 [sflag:s8], $0x0  }
0x24: {  	s3 =	sadd.s32 $0x88, s3;
	s6 =	simm.s32 @!p1 $0x1082;
	[sflag:s4] =	ssyncset.s32 $0xFFFFF086  }
0x25: {  	[simem:s6], [sflag:s4] =	dma.local [hbm:s3], $0xF7A  }
0x26: {  	[smem:$0x3F9E] =	sst s1;
	(tag) =	ssettag s2;
	_ =	strace s9  }
0x27: {  	s1 =	sld [smem:$0x3FAE]  }
0x28: {  	s2 =	sld [smem:$0x3FAF]  }
0x29: {  	s4 =	sld [smem:$0x3FB1]  }
0x2a: {  	p0 =	seq.s32 s5, $0x0;
	s5 =	sld [smem:$0x3FB2]  }
0x2b: {  	s6 =	sld [smem:$0x3FB3]  }
0x2c: {  	s7 =	sld [smem:$0x3FB4]  }
0x2d: {  	s3 =	simm.s32 $0x108;
	s8 =	sld [smem:$0x3FB5]  }
0x2e: {  	s3 =	simm.s32 @!p0 $0x1082;
	s9 =	sld [smem:$0x3FB6]  }
0x2f: {  	lr =	sadd.s32 s0, s3;
	s0 =	sld [smem:$0x3FAD]  }
0x30: {  	s3 =	sld [smem:$0x3FB0]  }
0x31: {  	[smem:$0x3FB9] =	sst s10  }
0x32: {  	s10 =	sld [smem:$0x3FB7];
	_ =	sdelay $0x3  }
0x33: {  	p0 =	seq.s32 s10, $0x1;
	s10 =	sld [smem:$0x3FB9];
	_ =	sdelay $0x3  }
0x34: {  	[smem:$0x3FB9] =	sst s10  }
0x35: {  	s10 =	sld [smem:$0x3FB8];
	_ =	sdelay $0x3  }
0x36: {  	p1 =	seq.s32 s10, $0x1;
	s10 =	sld [smem:$0x3FB9];
	_ =	sdelay $0x3  }
0x37: {  	[smem:$0x3FB9] =	sst s10  }
0x38: {  	s10 =	sld [smem:$0x3FBA]  }
0x39: {  	_ = 	snop;
	(pc) =	sbr.ind lr, $3  }
0x3a: {  	_ = 	snop  }
0x3b: {  	_ = 	snop  }
0x3c: {  	p2 =	seq.s32 s10, $0x1;
	s10 =	sld [smem:$0x3FB9]  }
0x3d: {  	_ =	shalt  }
0x3e: {  	_ =	shalt  }
0x3f: {  	_ =	shalt  }
0x40: {  	_ =	shalt  }
0x41: {  	_ =	shalt  }
0x42: {  	_ =	shalt  }
0x43: {  	_ =	shalt  }
0x44: {  	_ =	shalt  }
0x45: {  	_ =	shalt  }
0x46: {  	_ =	shalt  }
0x47: {  	_ =	shalt  }
0x48: {  	_ =	shalt  }
0x49: {  	_ =	shalt  }
0x4a: {  	_ =	shalt  }
0x4b: {  	_ =	shalt  }
0x4c: {  	_ =	shalt  }
0x4d: {  	_ =	shalt  }
0x4e: {  	_ =	shalt  }
0x4f: {  	_ =	shalt  }
0x50: {  	_ =	shalt  }
0x51: {  	_ =	shalt  }
0x52: {  	_ =	shalt  }
0x53: {  	_ =	shalt  }
0x54: {  	_ =	shalt  }
0x55: {  	_ =	shalt  }
0x56: {  	_ =	shalt  }
0x57: {  	_ =	shalt  }
0x58: {  	_ =	shalt  }
0x59: {  	_ =	shalt  }
0x5a: {  	_ =	shalt  }
0x5b: {  	_ =	shalt  }
0x5c: {  	_ =	shalt  }
0x5d: {  	_ =	shalt  }
0x5e: {  	_ =	shalt  }
0x5f: {  	_ =	shalt  }
0x60: {  	_ =	shalt  }
0x61: {  	_ =	shalt  }
0x62: {  	_ =	shalt  }
0x63: {  	_ =	shalt  }
0x64: {  	_ =	shalt  }
0x65: {  	_ =	shalt  }
0x66: {  	_ =	shalt  }
0x67: {  	_ =	shalt  }
0x68: {  	_ =	shalt  }
0x69: {  	_ =	shalt  }
0x6a: {  	_ =	shalt  }
0x6b: {  	_ =	shalt  }
0x6c: {  	_ =	shalt  }
0x6d: {  	_ =	shalt  }
0x6e: {  	_ =	shalt  }
0x6f: {  	_ =	shalt  }
0x70: {  	_ =	shalt  }
0x71: {  	_ =	shalt  }
0x72: {  	_ =	shalt  }
0x73: {  	_ =	shalt  }
0x74: {  	_ =	shalt  }
0x75: {  	_ =	shalt  }
0x76: {  	_ =	shalt  }
0x77: {  	_ =	shalt  }
0x78: {  	_ =	shalt  }
0x79: {  	_ =	shalt  }
0x7a: {  	_ =	shalt  }
0x7b: {  	_ =	shalt  }
0x7c: {  	_ =	shalt  }
0x7d: {  	_ =	shalt  }
0x7e: {  	_ =	shalt  }
0x7f: {  	_ =	shalt  }
0x80: {  	_ =	shalt  }
0x81: {  	_ =	shalt  }
0x82: {  	_ =	shalt  }
0x83: {  	_ =	shalt  }
0x84: {  	_ =	shalt  }
0x85: {  	_ =	shalt  }
0x86: {  	_ =	shalt  }
0x87: {  	_ =	shalt  }
.Lfunc_end0:
.L_simem_size_0:
called_computation.1_lowered:
.L_overlay_start_0:
0x88: {  	s2 =	sld [smem:$0x3FD9]  }
0x89: {  	s3 =	sld [smem:$0x3FFE];
	_ =	sdelay $0x1  }
0x8a: {  	s1 =	srdreg.scid  }
0x8b: {  	s0 =	sand.u32 $0x1, s1  }
0x8c: {  	s17 =	sshll.u32 s0, $0xA;
	s2 =	sadd.s32 s3, s2  }
0x8d: {  	s2 =	sadd.s32 s2, s17  }
0x8e: {  	[smem:$0x3FC5] =	sst s2  }
0x8f: {  	_ = 	snop  }
0x90: {  	s2 =	sld [smem:$0x3FD0];
	(tm) =	ssettm $0x1  }
0x91: {  	s18 =	sld [smem:$0x3FFB];
	_ =	sdelay $0x3  }
0x92: {  	_ =	strace s18  }
0x93: {  	s3 =	sld [smem:$0x3FFC];
	_ =	sdelay $0x3  }
0x94: {  	_ =	strace s3  }
0x95: {  	s3 =	sld [smem:$0x3FFD];
	_ =	sdelay $0x3  }
0x96: {  	_ =	strace s3  }
0x97: {  	_ =	strace $0x8FFFFFFF  }
0x98: {  	s19 =	sld [smem:$0x3FDB];
	_ =	sdelay $0x1  }
0x99: {  	s4 =	simm.s32 $_scs_section_size  }
0x9a: {  	s5 =	simm.s32 $_size__tile_overlayer_lowered;
	s6 =	simm.s32 $_tile_overlayer_lowered  }
0x9b: {  	s22 =	simm.s32 $0x1BFF;
	s21 =	sshll.u32 s6, $0x1;
	s3 =	sadd.s32 s4, s19  }
0x9c: {  	s7 =	simm.s32 $0x0;
	s20 =	sshll.u32 s5, $0x1;
	s5 =	sadd.s32 s21, s3  }
0x9d: {  	[timem:s7], [sflag:s22] =	dma.local [hbm:s5], s20  }
0x9e: {  	_ =	swait.ge [sflag:s22], s20  }
0x9f: {  	s4 =	ssub.s32 $0x0, s20;
	[sflag:s22] =	ssyncset.done $0x0  }
0xa0: {  	[sflag:s22] =	ssyncadd.s32 s4;
	_ =	sdelay $0x1  }
0xa1: {  	s23 =	simm.s32 $0x1B8B  }
0xa2: {  	_ =	swait.ge [sflag:s23], $0x1  }
0xa3: {  	[sflag:s23] =	ssyncset.done $0x0  }
0xa4: {  	s25 =	simm.s32 $0x1B8E;
	s24 =	sld [smem:$0x3FFE];
	[sflag:s23] =	ssyncadd.s32 $0xFFFFFFFF  }
0xa5: {  	s26 =	simm.s32 $execute0_lowered;
	[smem:$0x3FD2] =	sst s25  }
0xa6: {  	s5 =	sshll.u32 s26, $0x1;
	_ =	strace $0x80000046;
	[dreg:$0x1] =	wrdreg $0xFFFFFFFF  }
0xa7: {  	s28 =	simm.s32 $_size_execute0_lowered;
	s3 =	sadd.s32 s3, s5;
	[dreg:$0x0] =	wrdreg $0x0  }
0xa8: {  	s5 =	sshll.u32 s28, $0x1;
	[dreg:$0x2] =	wrdreg s3  }
0xa9: {  	[dreg:$0x3] =	wrdreg s5  }
0xaa: {  	[dreg:$0x4] =	wrdreg $0xC0  }
0xab: {  	_ =	task [dreg:s7], $0x5FFFF  }
0xac: {  	[dreg:$0x1] =	wrdreg $0xFFFFFFFF  }
0xad: {  	[dreg:$0x0] =	wrdreg $0x60  }
0xae: {  	[dreg:$0x2] =	wrdreg s2  }
0xaf: {  	[dreg:$0x3] =	wrdreg s24  }
0xb0: {  	[dreg:$0x4] =	wrdreg $0x9  }
0xb1: {  	_ =	task.clear_ibuf [dreg:s7], $0x5FFFF;
	_ =	strace $0x90000046  }
0xb2: {  	s29 =	simm.s32 $0x9;
	_ =	strace $0x80000048  }
0xb3: {  	_ =	swait.ge [sflag:s29], $0x1  }
0xb4: {  	[sflag:s29] =	ssyncadd.s32 $0xFFFFFFFF  }
0xb5: {  	_ =	strace $0x90000048  }
0xb6: {  	_ =	sfence  }
0xb7: {  	s30 =	sld [smem:$0x0];
	_ =	sdelay $0x2  }
0xb8: {  	s31 =	sshll.u32 s1, $0xD;
	s1 =	sshrl.u32 s1, $0x2  }
0xb9: {  	s3 =	sand.u32 $0x4000, s31;
	s1 =	sadd.s32 s1, s30  }
0xba: {  	s0 =	sor.u32 s3, s0;
	s1 =	sshll.u32 s1, $0x11  }
0xbb: {  	s0 =	sor.u32 s1, s0  }
0xbc: {  	s0 =	sadd.s32 $0x8F2B, s0  }
0xbd: {  	[sflag:s0] =	ssyncadd.remote.s32 $0x1  }
0xbe: {  	_ =	sfence.sel $0xFFFF  }
0xbf: {  	[dreg:$0x0] =	wrdreg $0xFFFFFFFF;
	(pc) =	sbr.abs _section_cstart, $3  }
0xc0: {  	[dreg:$0x1] =	wrdreg $0xFFFFFFFF  }
0xc1: {  	_ =	task.clear_ibuf [dreg:s7], $0x2FFFF;
	_ =	strace $0x9FFFFFFF  }
0xc2: {  	(tm) =	ssettm $0x7FFFFFFF  }
0xc3: {  	_ =	shalt  }
tec
execute0_lowered:
.L_overlay_start_1:
0x0: {  	(tag) =	ssettag $0x1  }
0x1: {  	v0 =	vimm.s32 $0xFEDCBA98;
	v1 =	vimm.s32 $0x76543210  }
0x2: {  	v2 =	vimm.s32 $0xBA98FEDC;
	v3 =	vimm.s32 $0x32107654;
	v4 =	vimm.s32 $0xDCFE98BA  }
0x3: {  	s0 =	rddreg [dreg:$0x1];
	v5 =	vimm.s32 $0x54761032;
	v6 =	vimm.s32 $0xEFCDAB89;
	v7 =	vimm.s32 $0x67452301  }
0x4: {  	s2 =	simm.s32 $0x0;
	s1 =	srdreg.scid;
	s7 =	stileid.u32;
	v0 =	vunpack.c.l.s4.s8 v0;
	v1 =	vunpack.c.l.s4.s8 v1;
	v2 =	vunpack.c.l.s4.s8 v2  }
0x5: {  	s9 =	simm.s32 $0x1C700;
	s10 =	simm.s32 $0x2;
	s11 =	simm.s32 $0x1D700;
	v3 =	vunpack.c.l.s4.s8 v3;
	v4 =	vunpack.c.l.s4.s8 v4;
	v5 =	vunpack.c.l.s4.s8 v5  }
0x6: {  	s12 =	simm.s32 $0x3;
	[smem:$0x7FF] =	sst s2;
	s1 =	sand.u32 $0x1, s1;
	v6 =	vunpack.c.l.s4.s8 v6;
	v7 =	vunpack.c.l.s4.s8 v7;
	v0 =	vunpack.c.0.s8.s32 v0  }
0x7: {  	s3 =	sadd.s32 $0x187800, s0;
	s4 =	sadd.s32 $0x30E200, s0;
	s5 =	ssub.s32 $0x2, s1;
	v1 =	vunpack.c.0.s8.s32 v1;
	v2 =	vunpack.c.0.s8.s32 v2;
	v3 =	vunpack.c.0.s8.s32 v3  }
0x8: {  	s31 =	sshll.u32 s7, $0x3;
	s1 =	sshll.u32 s1, $0x2;
	s30 =	sshrl.u32 s5, $0x1;
	v4 =	vunpack.c.0.s8.s32 v4;
	v5 =	vunpack.c.0.s8.s32 v5;
	v0 =	vand.u32 $0xF, v0  }
0x9: {  	s6 =	sadd.s32 $0x800, s0;
	v6 =	vunpack.c.0.s8.s32 v6;
	v7 =	vunpack.c.0.s8.s32 v7;
	s1 =	sor.u32 s1, s31;
	s0 =	ssub.s32 s5, s30;
	v0 =	vcombine.low v0, v1  }
0xa: {  	vm0 =	vmxor vm0, vm0;
	_ =	strace $0x80000047;
	[dreg:$0x3] =	wrdreg s1;
	s0 =	smax.u32 s0, $0x1;
	v1 =	vcombine.low v3, v2;
	v2 =	vcombine.low v5, v4  }
0xb: {  	s14 =	simm.s32 $0x18700;
	s1 =	simm.s32 $0x0;
	[dreg:$0x4] =	wrdreg s0;
	v3 =	vcombine.low v7, v6;
	v4 =	vimm.f32 $0.0e+00;
	v5 =	vlaneseq.u32  }
.LBB2_1:
0xc: {  	[dreg:$0x5] =	wrdreg s1;
	s16 =	simm.s32 $0x0  }
.LBB2_2:
0xd: {  	s0 =	rddreg [dreg:$0x3]  }
0xe: {  	s0 =	sadd.s32 s0, s16  }
0xf: {  	s18 =	smul.u32 $0x186A0, s0;
	_ =	sdelay $0x1  }
0x10: {  	s30 =	rddreg [dreg:$0x0];
	s17 =	sshrl.u32 s18, $0x3  }
0x11: {  	s1 =	simm.s32 $0x0;
	s21 =	simm.s32 $0x0;
	s0 =	sadd.s32 s30, s17  }
0x12: {  	[tilespmem:s1], [sflag:$0x1] =	stream.linear.gather [hbm4b:s0+s1], $0x186A0, $0x38;
	[tilespmem:$0x1E700] =	vst v63  }
0x13: {  	v6 =	vimm.f32 $0.0e+00;
	v7 =	vimm.f32 $0.0e+00;
	s20 =	sadd.s32 $0xFA0, s18;
	s19 =	sadd.s32 $0x1F40, s18;
	s31 =	sadd.s32 s3, s17  }
0x14: {  	v8 =	vimm.f32 $0.0e+00;
	v9 =	vimm.f32 $0.0e+00;
	v10 =	vimm.f32 $0.0e+00;
	[tilespmem:s9], [sflag:$0x2] =	stream.linear.gather [hbm4b:s31+s1], $0xFA0, $0x38;
	[tilespmem:$0x1E700] =	vst v63  }
.LBB2_3:
0x15: {  	s5 =	smul.u32 $0x1F40, s21;
	_ =	sdelay $0x1  }
0x16: {  	_ =	swait.ge [sflag:s10], $0xFA0;
	s0 =	sadd.s32 s5, s20  }
0x17: {  	[sflag:s10] =	ssyncset.done $0x0;
	s0 =	sshrl.u32 s0, $0x3  }
0x18: {  	s31 =	simm.s32 $0x1C750;
	[sflag:s10] =	ssyncadd.s32 $0xFFFFF060;
	s0 =	sadd.s32 s3, s0  }
0x19: {  	[tilespmem:s11], [sflag:$0x3] =	stream.linear.gather [hbm4b:s0+s1], $0xFA0, $0x38;
	[tilespmem:$0x1E700] =	vst v63  }
0x1a: {  	v13 =	vld [tilespmem:s31+$0x0]  }
0x1b: {  	v11 =	vld [tilespmem:s31+$0x10]  }
0x1c: {  	v12 =	vld [tilespmem:s31+$0x20]  }
0x1d: {  	v16 =	vld [tilespmem:s31+$0xFFFFFFB0]  }
0x1e: {  	v15 =	vld [tilespmem:s31+$0xFFFFFFC0]  }
0x1f: {  	v19 =	vld [tilespmem:s31+$0xFFFFFFD0]  }
0x20: {  	v17 =	vld [tilespmem:s31+$0xFFFFFFE0]  }
0x21: {  	v18 =	vld [tilespmem:s31+$0xFFFFFFF0]  }
0x22: {  	s7 =	sand.u32 $0xFE0, s1;
	v14 =	vld [tilespmem:s31+$0x40];
	v21 =	vmul.f32 v16, v16  }
0x23: {  	s8 =	simm.s32 $0x0;
	s0 =	simm.s32 $0x0;
	v16 =	vld [tilespmem:s7+$0x1C780];
	v20 =	vmul.f32 v13, v13;
	s7 =	simm.s32 $0x1C7F0  }
.LBB2_4:
0x24: {  	v13 =	vld [tilespmem:s7+$0x0];
	v10 =	vadd.f32 v21, v10;
	v21 =	vmul.f32 v11, v11;
	v22 =	vmul.f32 v12, v12  }
0x25: {  	v15 =	vmul.f32 v15, v15;
	v19 =	vmul.f32 v19, v19;
	v11 =	vld [tilespmem:s7+$0x10]  }
0x26: {  	v17 =	vmul.f32 v17, v17;
	v12 =	vld [tilespmem:s7+$0x20];
	v18 =	vmul.f32 v18, v18;
	v10 =	vadd.f32 v20, v10  }
0x27: {  	s0 =	sadd.s32 $0xA, s0;
	v9 =	vadd.f32 v15, v9;
	v8 =	vadd.f32 v19, v8;
	v20 =	vld [tilespmem:s7+$0xFFFFFFB0];
	v14 =	vmul.f32 v14, v14  }
0x28: {  	p0 =	slt.u32 s0, $0xF0;
	v7 =	vadd.f32 v17, v7;
	v15 =	vld [tilespmem:s7+$0xFFFFFFC0];
	v6 =	vadd.f32 v18, v6;
	v16 =	vmul.f32 v16, v16  }
.Ltmp0:
0x29: {  	v9 =	vadd.f32 v21, v9;
	v8 =	vadd.f32 v22, v8;
	v19 =	vld [tilespmem:s7+$0xFFFFFFD0];
	(pc) =	sbr.rel @p0 .LBB2_4-.Ltmp0, $4  }
0x2a: {  	v17 =	vld [tilespmem:s7+$0xFFFFFFE0];
	v7 =	vadd.f32 v16, v7;
	v6 =	vadd.f32 v14, v6  }
0x2b: {  	s8 =	sadd.s32 $0xA0, s8;
	v18 =	vld [tilespmem:s7+$0xFFFFFFF0]  }
0x2c: {  	s15 =	sand.u32 $0xFE0, s8;
	v21 =	vmul.f32 v20, v20;
	v14 =	vld [tilespmem:s7+$0x40]  }
0x2d: {  	v20 =	vmul.f32 v13, v13;
	s7 =	sadd.s32 $0xA0, s7;
	v16 =	vld [tilespmem:s15+$0x1C780]  }
0x2e: {  	_ =	swait.ge [sflag:s12], $0xFA0;
	s0 =	sadd.s32 s5, s19  }
0x2f: {  	s5 =	simm.s32 $0x0;
	[sflag:s12] =	ssyncset.done $0x0;
	s0 =	sshrl.u32 s0, $0x3  }
0x30: {  	s31 =	simm.s32 $0x1D750;
	[sflag:s12] =	ssyncadd.s32 $0xFFFFF060;
	s0 =	sadd.s32 s3, s0  }
0x31: {  	[tilespmem:s9], [sflag:$0x2] =	stream.linear.gather [hbm4b:s0+s5], $0xFA0, $0x38;
	[tilespmem:$0x1E700] =	vst v63  }
0x32: {  	v22 =	vld [tilespmem:s31+$0x0]  }
0x33: {  	v13 =	vld [tilespmem:s31+$0x10]  }
0x34: {  	v21 =	vadd.f32 v21, v10;
	v23 =	vmul.f32 v15, v15;
	v10 =	vld [tilespmem:s31+$0x20]  }
0x35: {  	v19 =	vmul.f32 v19, v19;
	v24 =	vld [tilespmem:s31+$0xFFFFFFB0]  }
0x36: {  	v15 =	vadd.f32 v20, v21;
	v20 =	vmul.f32 v17, v17;
	v21 =	vadd.f32 v23, v9;
	v9 =	vld [tilespmem:s31+$0xFFFFFFC0]  }
0x37: {  	v11 =	vmul.f32 v11, v11;
	v18 =	vmul.f32 v18, v18;
	v8 =	vadd.f32 v19, v8;
	v17 =	vld [tilespmem:s31+$0xFFFFFFD0]  }
0x38: {  	v19 =	vmul.f32 v12, v12;
	v20 =	vadd.f32 v20, v7;
	v23 =	vmul.f32 v16, v16;
	v12 =	vld [tilespmem:s31+$0xFFFFFFE0]  }
0x39: {  	v14 =	vmul.f32 v14, v14;
	v25 =	vadd.f32 v18, v6;
	v16 =	vld [tilespmem:s31+$0xFFFFFFF0]  }
0x3a: {  	s7 =	sand.u32 $0xFE0, s5;
	v7 =	vadd.f32 v11, v21;
	v18 =	vld [tilespmem:s31+$0x40];
	v6 =	vadd.f32 v23, v20;
	v20 =	vmul.f32 v24, v24  }
0x3b: {  	s0 =	simm.s32 $0x0;
	v8 =	vadd.f32 v19, v8;
	v11 =	vadd.f32 v14, v25;
	v14 =	vld [tilespmem:s7+$0x1D780];
	s7 =	simm.s32 $0x1D7F0;
	v19 =	vmul.f32 v22, v22  }
.LBB2_6:
0x3c: {  	v21 =	vld [tilespmem:s7+$0x0];
	v15 =	vadd.f32 v20, v15;
	v20 =	vmul.f32 v13, v13;
	v22 =	vmul.f32 v10, v10  }
0x3d: {  	v9 =	vmul.f32 v9, v9;
	v17 =	vmul.f32 v17, v17;
	v13 =	vld [tilespmem:s7+$0x10]  }
0x3e: {  	v12 =	vmul.f32 v12, v12;
	v10 =	vld [tilespmem:s7+$0x20];
	v16 =	vmul.f32 v16, v16;
	v15 =	vadd.f32 v19, v15  }
0x3f: {  	s0 =	sadd.s32 $0xA, s0;
	v7 =	vadd.f32 v9, v7;
	v8 =	vadd.f32 v17, v8;
	v19 =	vld [tilespmem:s7+$0xFFFFFFB0];
	v18 =	vmul.f32 v18, v18  }
0x40: {  	p0 =	slt.u32 s0, $0xF0;
	v6 =	vadd.f32 v12, v6;
	v9 =	vld [tilespmem:s7+$0xFFFFFFC0];
	v11 =	vadd.f32 v16, v11;
	v14 =	vmul.f32 v14, v14  }
.Ltmp1:
0x41: {  	v7 =	vadd.f32 v20, v7;
	v8 =	vadd.f32 v22, v8;
	v17 =	vld [tilespmem:s7+$0xFFFFFFD0];
	(pc) =	sbr.rel @p0 .LBB2_6-.Ltmp1, $4  }
0x42: {  	v12 =	vld [tilespmem:s7+$0xFFFFFFE0];
	v6 =	vadd.f32 v14, v6;
	v11 =	vadd.f32 v18, v11  }
0x43: {  	s5 =	sadd.s32 $0xA0, s5;
	v16 =	vld [tilespmem:s7+$0xFFFFFFF0]  }
0x44: {  	s8 =	sand.u32 $0xFE0, s5;
	v20 =	vmul.f32 v19, v19;
	v18 =	vld [tilespmem:s7+$0x40]  }
0x45: {  	v19 =	vmul.f32 v21, v21;
	s7 =	sadd.s32 $0xA0, s7;
	v14 =	vld [tilespmem:s8+$0x1D780]  }
0x46: {  	v15 =	vadd.f32 v20, v15;
	v13 =	vmul.f32 v13, v13;
	v61 =	vmul.f32 v10, v10;
	s21 =	sadd.s32 $0x1, s21  }
0x47: {  	v9 =	vmul.f32 v9, v9;
	v17 =	vmul.f32 v17, v17;
	p0 =	sne.s32 s21, $0xC  }
.Ltmp2:
0x48: {  	v12 =	vmul.f32 v12, v12;
	v16 =	vmul.f32 v16, v16;
	v10 =	vadd.f32 v19, v15;
	(pc) =	sbr.rel @p0 .LBB2_3-.Ltmp2, $4  }
0x49: {  	v7 =	vadd.f32 v9, v7;
	v8 =	vadd.f32 v17, v8;
	v62 =	vmul.f32 v18, v18  }
0x4a: {  	v6 =	vadd.f32 v12, v6;
	v11 =	vadd.f32 v16, v11;
	v63 =	vmul.f32 v14, v14  }
0x4b: {  	v9 =	vadd.f32 v13, v7;
	v8 =	vadd.f32 v61, v8  }
0x4c: {  	v7 =	vadd.f32 v63, v6;
	v6 =	vadd.f32 v62, v11  }
0x4d: {  	_ =	swait.ge [sflag:s10], $0xFA0  }
0x4e: {  	[sflag:s10] =	ssyncset.done $0x0  }
0x4f: {  	s1 =	simm.s32 $0x1C750;
	[sflag:s10] =	ssyncadd.s32 $0xFFFFF060  }
0x50: {  	v19 =	vld [tilespmem:s1+$0x0]  }
0x51: {  	v12 =	vld [tilespmem:s1+$0x10]  }
0x52: {  	v11 =	vld [tilespmem:s1+$0x20]  }
0x53: {  	v18 =	vld [tilespmem:s1+$0xFFFFFFB0]  }
0x54: {  	v14 =	vld [tilespmem:s1+$0xFFFFFFC0]  }
0x55: {  	v15 =	vld [tilespmem:s1+$0xFFFFFFD0]  }
0x56: {  	v16 =	vld [tilespmem:s1+$0xFFFFFFE0]  }
0x57: {  	s0 =	simm.s32 $0x0;
	v17 =	vld [tilespmem:s1+$0xFFFFFFF0]  }
0x58: {  	s5 =	sand.u32 $0xFE0, s0;
	v13 =	vld [tilespmem:s1+$0x40];
	v20 =	vmul.f32 v18, v18  }
0x59: {  	s1 =	simm.s32 $0x0;
	v18 =	vld [tilespmem:s5+$0x1C780];
	v19 =	vmul.f32 v19, v19;
	s5 =	simm.s32 $0x1C7F0  }
.LBB2_9:
0x5a: {  	v21 =	vld [tilespmem:s5+$0x0];
	v10 =	vadd.f32 v20, v10;
	v20 =	vmul.f32 v12, v12;
	v22 =	vmul.f32 v11, v11  }
0x5b: {  	v14 =	vmul.f32 v14, v14;
	v15 =	vmul.f32 v15, v15;
	v12 =	vld [tilespmem:s5+$0x10]  }
0x5c: {  	v16 =	vmul.f32 v16, v16;
	v11 =	vld [tilespmem:s5+$0x20];
	v17 =	vmul.f32 v17, v17;
	v10 =	vadd.f32 v19, v10  }
0x5d: {  	s1 =	sadd.s32 $0xA, s1;
	v9 =	vadd.f32 v14, v9;
	v8 =	vadd.f32 v15, v8;
	v19 =	vld [tilespmem:s5+$0xFFFFFFB0];
	v13 =	vmul.f32 v13, v13  }
0x5e: {  	p0 =	slt.u32 s1, $0xF0;
	v7 =	vadd.f32 v16, v7;
	v14 =	vld [tilespmem:s5+$0xFFFFFFC0];
	v6 =	vadd.f32 v17, v6;
	v17 =	vmul.f32 v18, v18  }
.Ltmp3:
0x5f: {  	v9 =	vadd.f32 v20, v9;
	v8 =	vadd.f32 v22, v8;
	v15 =	vld [tilespmem:s5+$0xFFFFFFD0];
	(pc) =	sbr.rel @p0 .LBB2_9-.Ltmp3, $4  }
0x60: {  	v16 =	vld [tilespmem:s5+$0xFFFFFFE0];
	v7 =	vadd.f32 v17, v7;
	v6 =	vadd.f32 v13, v6  }
0x61: {  	s0 =	sadd.s32 $0xA0, s0;
	v17 =	vld [tilespmem:s5+$0xFFFFFFF0]  }
0x62: {  	s7 =	sand.u32 $0xFE0, s0;
	v20 =	vmul.f32 v19, v19;
	v13 =	vld [tilespmem:s5+$0x40]  }
0x63: {  	v19 =	vmul.f32 v21, v21;
	s5 =	sadd.s32 $0xA0, s5;
	v18 =	vld [tilespmem:s7+$0x1C780]  }
0x64: {  	v14 =	vmul.f32 v14, v14  }
0x65: {  	v10 =	vadd.f32 v20, v10  }
0x66: {  	v12 =	vmul.f32 v12, v12;
	v15 =	vmul.f32 v15, v15;
	v9 =	vadd.f32 v14, v9  }
0x67: {  	v14 =	vmul.f32 v16, v16;
	v10 =	vadd.f32 v19, v10  }
0x68: {  	v11 =	vmul.f32 v11, v11;
	v8 =	vadd.f32 v15, v8;
	v9 =	vadd.f32 v12, v9  }
0x69: {  	v12 =	vmul.f32 v17, v17;
	v7 =	vadd.f32 v14, v7  }
0x6a: {  	v14 =	vmul.f32 v18, v18;
	v8 =	vadd.f32 v11, v8;
	v9 =	vadd.f32 v9, v10  }
0x6b: {  	v6 =	vadd.f32 v12, v6  }
0x6c: {  	v10 =	vmul.f32 v13, v13;
	v7 =	vadd.f32 v14, v7;
	v8 =	vadd.f32 v8, v9;
	_ =	sdelay $0x1  }
0x6d: {  	v6 =	vadd.f32 v10, v6;
	v7 =	vadd.f32 v7, v8;
	_ =	sdelay $0x1  }
0x6e: {  	v6 =	vadd.f32 v6, v7  }
0x6f: {  	s0 =	simm.s32 $0x1  }
0x70: {  	_ =	swait.ge [sflag:s0], $0x186A0;
	v7 =	vperm.xlane v6, v0  }
0x71: {  	[sflag:s0] =	ssyncset.done $0x0  }
0x72: {  	s1 =	simm.s32 $0x50;
	[sflag:s0] =	ssyncadd.s32 $0xFFFE7960;
	v6 =	vadd.f32 v7, v6  }
0x73: {  	v11 =	vld [tilespmem:s1+$0xFFFFFFC0]  }
0x74: {  	v15 =	vld [tilespmem:s1+$0xFFFFFFD0];
	v7 =	vperm.xlane v6, v1  }
0x75: {  	v13 =	vld [tilespmem:s1+$0xFFFFFFB0]  }
0x76: {  	v10 =	vld [tilespmem:s1+$0x0];
	v6 =	vadd.f32 v7, v6  }
0x77: {  	v9 =	vld [tilespmem:s1+$0x10]  }
0x78: {  	v8 =	vld [tilespmem:s1+$0x20];
	v7 =	vperm.xlane v6, v2  }
0x79: {  	v16 =	vld [tilespmem:s1+$0xFFFFFFE0]  }
0x7a: {  	v19 =	vimm.f32 $0.0e+00;
	s0 =	simm.s32 $0x0;
	v17 =	vld [tilespmem:s1+$0xFFFFFFF0];
	v18 =	vimm.f32 $0.0e+00;
	v6 =	vadd.f32 v7, v6  }
0x7b: {  	s5 =	sand.u32 $0x1FFE0, s0;
	v12 =	vimm.f32 $0.0e+00;
	v14 =	vimm.f32 $0.0e+00;
	v22 =	vmul.f32 v13, v13;
	v13 =	vld [tilespmem:s1+$0x40]  }
0x7c: {  	v20 =	vld [tilespmem:s5+$0x80];
	s5 =	simm.s32 $0xF0;
	s1 =	simm.s32 $0x0;
	v21 =	vmul.f32 v10, v10;
	v10 =	vimm.f32 $0.0e+00;
	v7 =	vperm.xlane v6, v3  }
.LBB2_11:
0x7d: {  	v23 =	vld [tilespmem:s5+$0x0];
	v12 =	vadd.f32 v22, v12;
	v22 =	vmul.f32 v9, v9;
	v24 =	vmul.f32 v8, v8  }
0x7e: {  	v11 =	vmul.f32 v11, v11;
	v15 =	vmul.f32 v15, v15;
	v9 =	vld [tilespmem:s5+$0x10]  }
0x7f: {  	v16 =	vmul.f32 v16, v16;
	v8 =	vld [tilespmem:s5+$0x20];
	v17 =	vmul.f32 v17, v17;
	v12 =	vadd.f32 v21, v12  }
0x80: {  	s1 =	sadd.s32 $0xA, s1;
	v18 =	vadd.f32 v11, v18;
	v19 =	vadd.f32 v15, v19;
	v21 =	vld [tilespmem:s5+$0xFFFFFFB0];
	v13 =	vmul.f32 v13, v13  }
0x81: {  	p0 =	slt.u32 s1, $0x1860;
	v14 =	vadd.f32 v16, v14;
	v11 =	vld [tilespmem:s5+$0xFFFFFFC0];
	v10 =	vadd.f32 v17, v10;
	v17 =	vmul.f32 v20, v20  }
.Ltmp4:
0x82: {  	v18 =	vadd.f32 v22, v18;
	v19 =	vadd.f32 v24, v19;
	v15 =	vld [tilespmem:s5+$0xFFFFFFD0];
	(pc) =	sbr.rel @p0 .LBB2_11-.Ltmp4, $4  }
0x83: {  	v16 =	vld [tilespmem:s5+$0xFFFFFFE0];
	v14 =	vadd.f32 v17, v14;
	v10 =	vadd.f32 v13, v10  }
0x84: {  	s0 =	sadd.s32 $0xA0, s0;
	v17 =	vld [tilespmem:s5+$0xFFFFFFF0]  }
0x85: {  	s7 =	sand.u32 $0x1FFE0, s0;
	v22 =	vmul.f32 v21, v21;
	v13 =	vld [tilespmem:s5+$0x40]  }
0x86: {  	v21 =	vmul.f32 v23, v23;
	s5 =	sadd.s32 $0xA0, s5;
	v20 =	vld [tilespmem:s7+$0x80]  }
0x87: {  	v11 =	vmul.f32 v11, v11  }
0x88: {  	v12 =	vadd.f32 v22, v12  }
0x89: {  	v9 =	vmul.f32 v9, v9;
	v15 =	vmul.f32 v15, v15;
	v11 =	vadd.f32 v11, v18  }
0x8a: {  	v16 =	vmul.f32 v16, v16;
	v12 =	vadd.f32 v21, v12  }
0x8b: {  	v8 =	vmul.f32 v8, v8;
	v15 =	vadd.f32 v15, v19;
	v9 =	vadd.f32 v9, v11  }
0x8c: {  	v14 =	vadd.f32 v16, v14;
	v11 =	vmul.f32 v17, v17  }
0x8d: {  	v62 =	vmul.f32 v20, v20;
	v8 =	vadd.f32 v8, v15;
	v9 =	vadd.f32 v9, v12  }
0x8e: {  	v10 =	vadd.f32 v11, v10  }
0x8f: {  	v11 =	vmul.f32 v13, v13;
	v63 =	vadd.f32 v62, v14;
	v8 =	vadd.f32 v8, v9;
	_ =	sdelay $0x1  }
0x90: {  	v9 =	vadd.f32 v11, v10;
	v8 =	vadd.f32 v63, v8;
	_ =	sdelay $0x1  }
0x91: {  	v8 =	vadd.f32 v9, v8;
	_ =	sdelay $0x1  }
0x92: {  	v9 =	vperm.xlane v8, v0;
	_ =	sdelay $0x1  }
0x93: {  	v8 =	vadd.f32 v9, v8;
	_ =	sdelay $0x1  }
0x94: {  	v6 =	vadd.f32 v7, v6;
	v7 =	vperm.xlane v8, v1;
	_ =	sdelay $0x1  }
0x95: {  	v7 =	vadd.f32 v7, v8  }
0x96: {  	(erf) = vrcp.f32 v6  }
0x97: {  	v8 =	vperm.xlane v7, v2;
	_ =	sdelay $0x1  }
0x98: {  	v7 =	vadd.f32 v8, v7;
	_ =	sdelay $0x1  }
0x99: {  	v8 =	vperm.xlane v7, v3;
	_ =	sdelay $0x2  }
0x9a: {  	v7 =	vadd.f32 v8, v7  }
0x9b: {  	v8 =	vpop (erf)  }
0x9c: {  	v7 =	vmul.f32 v7, v8  }
0x9d: {  	vm1 =	vgt.f32 v6, $1.000000020e-24  }
0x9e: {  	v6 =	vnsel vm1, $0x3F800000, v7  }
0x9f: {  	v7 =	vshra.s32 v6, $0x1;
	v8 =	vmul.f32 $5.000000000e-01, v6  }
0xa0: {  	v7 =	vsub.s32 $0x5F3759DF, v7  }
0xa1: {  	v9 =	vmul.f32 v7, v8;
	_ =	sdelay $0x1  }
0xa2: {  	v9 =	vmul.f32 v7, v9;
	_ =	sdelay $0x1  }
0xa3: {  	v9 =	vsub.f32 $1.500000000e+00, v9;
	_ =	sdelay $0x1  }
0xa4: {  	v7 =	vmul.f32 v7, v9;
	_ =	sdelay $0x1  }
0xa5: {  	v9 =	vmul.f32 v7, v8;
	_ =	sdelay $0x1  }
0xa6: {  	v9 =	vmul.f32 v9, v7;
	_ =	sdelay $0x1  }
0xa7: {  	v9 =	vsub.f32 $1.500000000e+00, v9;
	_ =	sdelay $0x1  }
0xa8: {  	v7 =	vmul.f32 v9, v7;
	_ =	sdelay $0x1  }
0xa9: {  	v9 =	vmul.f32 v7, v8;
	_ =	sdelay $0x1  }
0xaa: {  	v9 =	vmul.f32 v9, v7;
	_ =	sdelay $0x1  }
0xab: {  	v9 =	vsub.f32 $1.500000000e+00, v9;
	_ =	sdelay $0x1  }
0xac: {  	v7 =	vmul.f32 v9, v7;
	_ =	sdelay $0x1  }
0xad: {  	v8 =	vmul.f32 v7, v8;
	_ =	sdelay $0x1  }
0xae: {  	v8 =	vmul.f32 v8, v7;
	_ =	sdelay $0x1  }
0xaf: {  	v8 =	vsub.f32 $1.500000000e+00, v8;
	_ =	sdelay $0x1  }
0xb0: {  	v7 =	vmul.f32 v8, v7  }
0xb1: {  	s0 =	sadd.s32 s4, s17  }
0xb2: {  	s20 =	simm.s32 $0x0;
	s21 =	simm.s32 $0x50;
	s22 =	simm.s32 $0x1030;
	v10 =	vimm.f32 $-Inf;
	v11 =	vimm.f32 $-Inf;
	v6 =	vmul.f32 v7, v6  }
0xb3: {  	[tilespmem:s9], [sflag:$0x2] =	stream.linear.gather [hbm4b:s0+s20], $0xFA0, $0x38;
	v9 =	vimm.f32 $-Inf;
	v8 =	vimm.f32 $-Inf;
	v7 =	vimm.f32 $-Inf;
	[tilespmem:$0x1E700] =	vst v63  }
.LBB2_13:
0xb4: {  	s1 =	smul.u32 $0x1F40, s20;
	_ =	sdelay $0x1  }
0xb5: {  	s0 =	sadd.s32 s18, s1  }
0xb6: {  	_ =	swait.ge [sflag:s10], $0xFA0;
	s0 =	sshrl.u32 s0, $0x3  }
0xb7: {  	[sflag:s10] =	ssyncset.done $0x0;
	s0 =	sadd.s32 s4, s0  }
0xb8: {  	s24 =	simm.s32 $0x1C750;
	[sflag:s10] =	ssyncadd.s32 $0xFFFFF060;
	s0 =	sadd.s32 $0x1F4, s0  }
0xb9: {  	[tilespmem:s11], [sflag:$0x3] =	stream.linear.gather [hbm4b:s0+s2], $0xFA0, $0x38;
	[tilespmem:$0x1E700] =	vst v63  }
0xba: {  	v12 =	vld [tilespmem:s24+$0xFFFFFFB0]  }
0xbb: {  	v13 =	vld [tilespmem:s24+$0x0]  }
0xbc: {  	v14 =	vld [tilespmem:s21+$0xFFFFFFB0]  }
0xbd: {  	v15 =	vld [tilespmem:s21+$0x0];
	_ =	sdelay $0x1  }
0xbe: {  	v12 =	vmul.f32 v12, v6  }
0xbf: {  	v13 =	vmul.f32 v13, v6  }
0xc0: {  	v16 =	vadd.f32 v12, v14  }
0xc1: {  	v14 =	vadd.f32 v13, v15  }
0xc2: {  	[tilespmem:s21+$0xFFFFFFB0] =	vst v16  }
0xc3: {  	[tilespmem:s21+$0x0] =	vst v14;
	v15 =	vld [tilespmem:s24+$0xFFFFFFC0]  }
0xc4: {  	v17 =	vld [tilespmem:s24+$0x10]  }
0xc5: {  	v12 =	vld [tilespmem:s21+$0xFFFFFFC0]  }
0xc6: {  	v13 =	vld [tilespmem:s21+$0x10];
	_ =	sdelay $0x1  }
0xc7: {  	s23 =	sadd.s32 $0xA0, s21;
	v15 =	vmul.f32 v15, v6  }
0xc8: {  	v21 =	vld [tilespmem:s23+$0x0];
	v17 =	vmul.f32 v17, v6  }
0xc9: {  	s26 =	simm.s32 $0x1C7F0;
	v22 =	vld [tilespmem:s23+$0xFFFFFFB0];
	v18 =	vadd.f32 v15, v12  }
0xca: {  	v15 =	vadd.f32 v17, v13;
	v12 =	vld [tilespmem:s26+$0x0]  }
0xcb: {  	v13 =	vld [tilespmem:s26+$0xFFFFFFB0];
	[tilespmem:s21+$0xFFFFFFC0] =	vst v18  }
0xcc: {  	[tilespmem:s21+$0x10] =	vst v15;
	v17 =	vld [tilespmem:s24+$0xFFFFFFD0]  }
0xcd: {  	v23 =	vld [tilespmem:s24+$0x20]  }
0xce: {  	v19 =	vld [tilespmem:s21+$0xFFFFFFD0]  }
0xcf: {  	v24 =	vld [tilespmem:s21+$0x20];
	v12 =	vmul.f32 v12, v6  }
0xd0: {  	v20 =	vld [tilespmem:s21+$0x30];
	v13 =	vmul.f32 v13, v6  }
0xd1: {  	v12 =	vadd.f32 v12, v21;
	v21 =	vld [tilespmem:s21+$0xFFFFFFE0];
	v17 =	vmul.f32 v17, v6  }
0xd2: {  	v13 =	vadd.f32 v13, v22;
	v22 =	vld [tilespmem:s23+$0x10];
	v25 =	vmul.f32 v23, v6  }
0xd3: {  	v23 =	vld [tilespmem:s23+$0xFFFFFFC0];
	[tilespmem:s23+$0x0] =	vst v12;
	v19 =	vadd.f32 v17, v19  }
0xd4: {  	s28 =	simm.s32 $0x80;
	s31 =	simm.s32 $0x0;
	[tilespmem:s23+$0xFFFFFFB0] =	vst v13;
	v17 =	vadd.f32 v25, v24;
	v29 =	vld [tilespmem:s26+$0x10]  }
0xd5: {  	s5 =	sand.u32 $0x1F80, s28;
	s0 =	sand.u32 $0x60, s31;
	v28 =	vld [tilespmem:s26+$0xFFFFFFC0];
	[tilespmem:s21+$0xFFFFFFD0] =	vst v19  }
0xd6: {  	s0 =	sor.u32 s0, s5;
	[tilespmem:s21+$0x20] =	vst v17;
	v26 =	vld [tilespmem:s24+$0xFFFFFFE0]  }
0xd7: {  	v27 =	vld [tilespmem:s0+$0x1C700]  }
0xd8: {  	s29 =	simm.s32 $0xA;
	v24 =	vld [tilespmem:s23+$0x20]  }
0xd9: {  	s25 =	smov.u32 s21;
	s30 =	sadd.s32 $0xA0, s23;
	s5 =	simm.s32 $0x1C7F0;
	v25 =	vld [tilespmem:s23+$0xFFFFFFD0];
	v29 =	vmul.f32 v29, v6  }
.LBB2_14:
0xda: {  	v30 =	vld [tilespmem:s30+$0x0];
	v28 =	vmul.f32 v28, v6  }
0xdb: {  	s26 =	sadd.s32 $0xA0, s26;
	v31 =	vld [tilespmem:s30+$0xFFFFFFB0];
	v29 =	vadd.f32 v29, v22;
	v22 =	vmul.f32 v26, v6  }
0xdc: {  	v26 =	vld [tilespmem:s26+$0x0];
	v32 =	vadd.f32 v28, v23;
	v23 =	vmul.f32 v27, v6  }
0xdd: {  	v27 =	vld [tilespmem:s26+$0xFFFFFFB0];
	[tilespmem:s23+$0x10] =	vst v29;
	v33 =	vadd.f32 v22, v21  }
0xde: {  	[tilespmem:s23+$0xFFFFFFC0] =	vst v32;
	v21 =	vld [tilespmem:s5+$0x20];
	v34 =	vadd.f32 v23, v20  }
0xdf: {  	v20 =	vld [tilespmem:s5+$0xFFFFFFD0];
	[tilespmem:s25+$0xFFFFFFE0] =	vst v33  }
0xe0: {  	s29 =	sadd.s32 $0xA, s29;
	v22 =	vld [tilespmem:s24+$0xFFFFFFF0];
	[tilespmem:s25+$0x30] =	vst v34  }
0xe1: {  	p0 =	slt.u32 s29, $0xF0;
	v23 =	vld [tilespmem:s24+$0x40];
	s24 =	smov.u32 s5;
	s5 =	smov.u32 s26  }
0xe2: {  	v28 =	vld [tilespmem:s25+$0xFFFFFFF0]  }
0xe3: {  	v26 =	vmul.f32 v26, v6;
	v27 =	vmul.f32 v27, v6;
	v35 =	vld [tilespmem:s25+$0x40]  }
0xe4: {  	v37 =	vmul.f32 v21, v6;
	v36 =	vmul.f32 v20, v6;
	v20 =	vld [tilespmem:s23+$0x30]  }
0xe5: {  	v30 =	vadd.f32 v26, v30;
	v31 =	vadd.f32 v27, v31;
	v21 =	vld [tilespmem:s23+$0xFFFFFFE0];
	v26 =	vmul.f32 v22, v6  }
0xe6: {  	v22 =	vld [tilespmem:s30+$0x10];
	v25 =	vadd.f32 v36, v25;
	v36 =	vadd.f32 v37, v24;
	v24 =	vmul.f32 v23, v6  }
0xe7: {  	v11 =	vmax.f32 v11, v16;
	v10 =	vmax.f32 v10, v18;
	s28 =	sadd.s32 $0xA0, s28;
	v23 =	vld [tilespmem:s30+$0xFFFFFFC0];
	[tilespmem:s30+$0x0] =	vst v30;
	v16 =	vadd.f32 v26, v28  }
0xe8: {  	s0 =	sadd.s32 $0xFFFFFF80, s28;
	v11 =	vmax.f32 v11, v14;
	v10 =	vmax.f32 v10, v15;
	[tilespmem:s30+$0xFFFFFFB0] =	vst v31;
	v37 =	vld [tilespmem:s26+$0x10];
	v35 =	vadd.f32 v24, v35  }
.Ltmp5:
0xe9: {  	v9 =	vmax.f32 v9, v19;
	s7 =	sand.u32 $0x1F80, s28;
	s0 =	sand.u32 $0x60, s0;
	v8 =	vmax.f32 v8, v33;
	v28 =	vld [tilespmem:s26+$0xFFFFFFC0];
	[tilespmem:s23+$0xFFFFFFD0] =	vst v25;
	v7 =	vmax.f32 v7, v16;
	(pc) =	sbr.rel @p0 .LBB2_14-.Ltmp5, $4  }
0xea: {  	v9 =	vmax.f32 v9, v17;
	s0 =	sor.u32 s0, s7;
	v8 =	vmax.f32 v8, v34;
	v26 =	vld [tilespmem:s24+$0xFFFFFFE0];
	[tilespmem:s23+$0x20] =	vst v36;
	v7 =	vmax.f32 v7, v35  }
0xeb: {  	v14 =	vmovc v12;
	v15 =	vmovc v29;
	v18 =	vmov v32;
	v27 =	vld [tilespmem:s0+$0x1C700];
	[tilespmem:s25+$0xFFFFFFF0] =	vst v16;
	v16 =	vmov v13;
	v13 =	vmov v31  }
0xec: {  	v12 =	vmov v30;
	v19 =	vmov v25;
	v17 =	vmov v36;
	v24 =	vld [tilespmem:s30+$0x20];
	[tilespmem:s25+$0x40] =	vst v35;
	s25 =	smov.u32 s23;
	s23 =	smov.u32 s30  }
0xed: {  	s30 =	sadd.s32 $0xA0, s30;
	v25 =	vld [tilespmem:s23+$0xFFFFFFD0];
	v29 =	vmul.f32 v37, v6  }
0xee: {  	v28 =	vmul.f32 v28, v6;
	_ =	sdelay $0x1  }
0xef: {  	v30 =	vadd.f32 v28, v23  }
0xf0: {  	v29 =	vadd.f32 v29, v22  }
0xf1: {  	[tilespmem:s23+$0xFFFFFFC0] =	vst v30  }
0xf2: {  	[tilespmem:s23+$0x10] =	vst v29;
	v22 =	vld [tilespmem:s5+$0xFFFFFFD0]  }
0xf3: {  	v23 =	vld [tilespmem:s5+$0x20];
	_ =	sdelay $0x3  }
0xf4: {  	v22 =	vmul.f32 v22, v6  }
0xf5: {  	v23 =	vmul.f32 v23, v6  }
0xf6: {  	s0 =	sadd.s32 $0xA0, s28;
	v31 =	vadd.f32 v22, v25  }
0xf7: {  	s7 =	sadd.s32 $0xFFFFFF80, s0;
	v32 =	vadd.f32 v23, v24  }
0xf8: {  	s0 =	sand.u32 $0x1F80, s0;
	s7 =	sand.u32 $0x60, s7;
	[tilespmem:s23+$0xFFFFFFD0] =	vst v31  }
0xf9: {  	s0 =	sor.u32 s7, s0;
	[tilespmem:s23+$0x20] =	vst v32;
	v24 =	vld [tilespmem:s5+$0xFFFFFFE0]  }
0xfa: {  	v27 =	vmul.f32 v27, v6;
	v25 =	vmul.f32 v26, v6;
	v26 =	vld [tilespmem:s0+$0x1C700]  }
0xfb: {  	v22 =	vld [tilespmem:s23+$0xFFFFFFE0]  }
0xfc: {  	v27 =	vadd.f32 v27, v20;
	v23 =	vld [tilespmem:s23+$0x30]  }
0xfd: {  	v28 =	vadd.f32 v25, v21  }
0xfe: {  	[tilespmem:s25+$0x30] =	vst v27;
	v20 =	vmul.f32 v24, v6  }
0xff: {  	v25 =	vld [tilespmem:s24+$0x40];
	[tilespmem:s25+$0xFFFFFFE0] =	vst v28;
	v24 =	vmul.f32 v26, v6  }
0x100: {  	v21 =	vld [tilespmem:s24+$0xFFFFFFF0];
	v33 =	vadd.f32 v20, v22  }
0x101: {  	v20 =	vld [tilespmem:s25+$0xFFFFFFF0];
	v34 =	vadd.f32 v24, v23  }
0x102: {  	v22 =	vld [tilespmem:s25+$0x40];
	[tilespmem:s23+$0xFFFFFFE0] =	vst v33  }
0x103: {  	[tilespmem:s23+$0x30] =	vst v34;
	v23 =	vld [tilespmem:s5+$0xFFFFFFF0]  }
0x104: {  	v24 =	vld [tilespmem:s5+$0x40]  }
0x105: {  	v26 =	vld [tilespmem:s23+$0xFFFFFFF0]  }
0x106: {  	v35 =	vld [tilespmem:s23+$0x40];
	v21 =	vmul.f32 v21, v6  }
0x107: {  	v25 =	vmul.f32 v25, v6  }
0x108: {  	v36 =	vadd.f32 v21, v20;
	v20 =	vmul.f32 v23, v6  }
0x109: {  	v37 =	vadd.f32 v25, v22;
	v21 =	vmul.f32 v24, v6  }
0x10a: {  	[tilespmem:s25+$0xFFFFFFF0] =	vst v36;
	v38 =	vadd.f32 v20, v26  }
0x10b: {  	[tilespmem:s25+$0x40] =	vst v37;
	v35 =	vadd.f32 v21, v35  }
0x10c: {  	[tilespmem:s23+$0xFFFFFFF0] =	vst v38  }
0x10d: {  	[tilespmem:s23+$0x40] =	vst v35  }
0x10e: {  	s26 =	sadd.s32 s1, s19;
	_ =	swait.ge [sflag:s12], $0xFA0  }
0x10f: {  	s0 =	sshrl.u32 s26, $0x3;
	[sflag:s12] =	ssyncset.done $0x0  }
0x110: {  	s1 =	simm.s32 $0x1D750;
	s0 =	sadd.s32 s4, s0;
	[sflag:s12] =	ssyncadd.s32 $0xFFFFF060  }
0x111: {  	[tilespmem:s9], [sflag:$0x2] =	stream.linear.gather [hbm4b:s0+s2], $0xFA0, $0x38;
	[tilespmem:$0x1E700] =	vst v63  }
0x112: {  	v20 =	vld [tilespmem:s1+$0xFFFFFFB0]  }
0x113: {  	v21 =	vld [tilespmem:s1+$0x0]  }
0x114: {  	v22 =	vld [tilespmem:s22+$0xFFFFFF70]  }
0x115: {  	v23 =	vld [tilespmem:s22+$0xFFFFFFC0];
	_ =	sdelay $0x1  }
0x116: {  	v20 =	vmul.f32 v20, v6  }
0x117: {  	v24 =	vmul.f32 v21, v6  }
0x118: {  	v21 =	vadd.f32 v20, v22  }
0x119: {  	v20 =	vadd.f32 v24, v23  }
0x11a: {  	[tilespmem:s22+$0xFFFFFF70] =	vst v21  }
0x11b: {  	[tilespmem:s22+$0xFFFFFFC0] =	vst v20;
	v23 =	vld [tilespmem:s1+$0xFFFFFFC0]  }
0x11c: {  	v25 =	vld [tilespmem:s1+$0x10]  }
0x11d: {  	v22 =	vld [tilespmem:s22+$0xFFFFFF80]  }
0x11e: {  	v24 =	vld [tilespmem:s22+$0xFFFFFFD0];
	_ =	sdelay $0x1  }
0x11f: {  	s23 =	sadd.s32 $0xA0, s22;
	v23 =	vmul.f32 v23, v6  }
0x120: {  	v40 =	vld [tilespmem:s23+$0xFFFFFFC0];
	v25 =	vmul.f32 v25, v6  }
0x121: {  	s24 =	simm.s32 $0x1D7F0;
	v41 =	vld [tilespmem:s23+$0xFFFFFF70];
	v23 =	vadd.f32 v23, v22  }
0x122: {  	v22 =	vadd.f32 v25, v24;
	v24 =	vld [tilespmem:s24+$0x0]  }
0x123: {  	v25 =	vld [tilespmem:s24+$0xFFFFFFB0];
	[tilespmem:s22+$0xFFFFFF80] =	vst v23  }
0x124: {  	[tilespmem:s22+$0xFFFFFFD0] =	vst v22;
	v42 =	vld [tilespmem:s1+$0xFFFFFFD0]  }
0x125: {  	v45 =	vmax.f32 v11, v16;
	v43 =	vld [tilespmem:s1+$0x20]  }
0x126: {  	v61 =	vmax.f32 v10, v18;
	v9 =	vmax.f32 v9, v19;
	v62 =	vmax.f32 v45, v14;
	v39 =	vld [tilespmem:s22+$0xFFFFFF90]  }
0x127: {  	v9 =	vmax.f32 v9, v17;
	v13 =	vmax.f32 v62, v13;
	v26 =	vld [tilespmem:s22+$0xFFFFFFE0];
	v44 =	vmul.f32 v24, v6  }
0x128: {  	v13 =	vmax.f32 v13, v12;
	v19 =	vmax.f32 v8, v28;
	v16 =	vld [tilespmem:s22+$0xFFFFFFA0];
	v25 =	vmul.f32 v25, v6  }
0x129: {  	v17 =	vmax.f32 v19, v27;
	v18 =	vld [tilespmem:s23+$0xFFFFFFD0];
	v11 =	vadd.f32 v44, v40;
	v42 =	vmul.f32 v42, v6  }
0x12a: {  	v12 =	vmax.f32 v17, v33;
	v17 =	vld [tilespmem:s23+$0xFFFFFFE0];
	v10 =	vadd.f32 v25, v41;
	v43 =	vmul.f32 v43, v6  }
0x12b: {  	v25 =	vld [tilespmem:s23+$0xFFFFFF80];
	[tilespmem:s23+$0xFFFFFFC0] =	vst v11;
	v14 =	vadd.f32 v42, v39  }
0x12c: {  	s30 =	simm.s32 $0x0;
	s26 =	simm.s32 $0x80;
	[tilespmem:s23+$0xFFFFFF70] =	vst v10;
	v8 =	vadd.f32 v43, v26;
	v63 =	vld [tilespmem:s24+$0x10]  }
0x12d: {  	s31 =	sand.u32 $0x1F80, s26;
	v7 =	vmax.f32 v7, v36;
	s0 =	sand.u32 $0x60, s30;
	v28 =	vld [tilespmem:s24+$0xFFFFFFC0];
	[tilespmem:s22+$0xFFFFFF90] =	vst v14  }
0x12e: {  	v15 =	vmax.f32 v61, v15;
	v7 =	vmax.f32 v7, v37;
	s0 =	sor.u32 s0, s31;
	[tilespmem:s22+$0xFFFFFFE0] =	vst v8;
	v19 =	vld [tilespmem:s1+$0xFFFFFFE0]  }
0x12f: {  	v15 =	vmax.f32 v15, v30;
	v9 =	vmax.f32 v9, v31;
	v27 =	vmax.f32 v7, v38;
	v26 =	vld [tilespmem:s0+$0x1D700]  }
0x130: {  	s28 =	simm.s32 $0x1D7F0;
	v7 =	vmax.f32 v9, v32;
	v9 =	vmax.f32 v12, v34;
	v12 =	vmax.f32 v27, v35;
	v27 =	vld [tilespmem:s23+$0xFFFFFF90]  }
0x131: {  	v15 =	vmax.f32 v15, v29;
	s5 =	simm.s32 $0xA;
	s25 =	smov.u32 s22;
	s29 =	sadd.s32 $0xA0, s23;
	v24 =	vld [tilespmem:s22+$0xFFFFFFF0];
	v29 =	vmul.f32 v63, v6  }
.LBB2_16:
0x132: {  	v30 =	vld [tilespmem:s29+$0xFFFFFFC0];
	v28 =	vmul.f32 v28, v6  }
0x133: {  	s24 =	sadd.s32 $0xA0, s24;
	v31 =	vld [tilespmem:s29+$0xFFFFFF70];
	v29 =	vadd.f32 v29, v18;
	v18 =	vmul.f32 v19, v6  }
0x134: {  	v19 =	vld [tilespmem:s24+$0x0];
	v32 =	vadd.f32 v28, v25;
	v25 =	vmul.f32 v26, v6  }
0x135: {  	v26 =	vld [tilespmem:s24+$0xFFFFFFB0];
	[tilespmem:s23+$0xFFFFFFD0] =	vst v29;
	v33 =	vadd.f32 v18, v16  }
0x136: {  	[tilespmem:s23+$0xFFFFFF80] =	vst v32;
	v16 =	vld [tilespmem:s28+$0x20];
	v34 =	vadd.f32 v25, v24  }
0x137: {  	v18 =	vld [tilespmem:s28+$0xFFFFFFD0];
	[tilespmem:s25+$0xFFFFFFA0] =	vst v33  }
0x138: {  	s5 =	sadd.s32 $0xA, s5;
	v25 =	vld [tilespmem:s1+$0xFFFFFFF0];
	[tilespmem:s25+$0xFFFFFFF0] =	vst v34  }
0x139: {  	p0 =	slt.u32 s5, $0xF0;
	v28 =	vld [tilespmem:s1+$0x40];
	s1 =	smov.u32 s28;
	s28 =	smov.u32 s24  }
0x13a: {  	v35 =	vld [tilespmem:s25+$0xFFFFFFB0]  }
0x13b: {  	v19 =	vmul.f32 v19, v6;
	v26 =	vmul.f32 v26, v6;
	v36 =	vld [tilespmem:s25+$0x0]  }
0x13c: {  	v38 =	vmul.f32 v16, v6;
	v37 =	vmul.f32 v18, v6;
	v24 =	vld [tilespmem:s23+$0xFFFFFFF0]  }
0x13d: {  	v30 =	vadd.f32 v19, v30;
	v31 =	vadd.f32 v26, v31;
	v16 =	vld [tilespmem:s23+$0xFFFFFFA0];
	v19 =	vmul.f32 v25, v6  }
0x13e: {  	v18 =	vld [tilespmem:s29+$0xFFFFFFD0];
	v27 =	vadd.f32 v37, v27;
	v37 =	vadd.f32 v38, v17;
	v17 =	vmul.f32 v28, v6  }
0x13f: {  	v13 =	vmax.f32 v13, v21;
	v15 =	vmax.f32 v15, v23;
	s26 =	sadd.s32 $0xA0, s26;
	v25 =	vld [tilespmem:s29+$0xFFFFFF80];
	[tilespmem:s29+$0xFFFFFFC0] =	vst v30;
	v21 =	vadd.f32 v19, v35  }
0x140: {  	s0 =	sadd.s32 $0xFFFFFF80, s26;
	v13 =	vmax.f32 v13, v20;
	v15 =	vmax.f32 v15, v22;
	[tilespmem:s29+$0xFFFFFF70] =	vst v31;
	v35 =	vld [tilespmem:s24+$0x10];
	v36 =	vadd.f32 v17, v36  }
.Ltmp6:
0x141: {  	v7 =	vmax.f32 v7, v14;
	s7 =	sand.u32 $0x1F80, s26;
	s0 =	sand.u32 $0x60, s0;
	v9 =	vmax.f32 v9, v33;
	v28 =	vld [tilespmem:s24+$0xFFFFFFC0];
	[tilespmem:s23+$0xFFFFFF90] =	vst v27;
	v12 =	vmax.f32 v12, v21;
	(pc) =	sbr.rel @p0 .LBB2_16-.Ltmp6, $4  }
0x142: {  	v7 =	vmax.f32 v7, v8;
	s0 =	sor.u32 s0, s7;
	v9 =	vmax.f32 v9, v34;
	v19 =	vld [tilespmem:s1+$0xFFFFFFE0];
	[tilespmem:s23+$0xFFFFFFE0] =	vst v37;
	v12 =	vmax.f32 v12, v36  }
0x143: {  	v20 =	vmovc v11;
	v22 =	vmovc v29;
	v23 =	vmov v32;
	v26 =	vld [tilespmem:s0+$0x1D700];
	[tilespmem:s25+$0xFFFFFFB0] =	vst v21;
	v21 =	vmov v10;
	v10 =	vmov v31  }
0x144: {  	v11 =	vmov v30;
	v14 =	vmov v27;
	v8 =	vmov v37;
	v17 =	vld [tilespmem:s29+$0xFFFFFFE0];
	[tilespmem:s25+$0x0] =	vst v36;
	s25 =	smov.u32 s23;
	s23 =	smov.u32 s29  }
0x145: {  	s29 =	sadd.s32 $0xA0, s29;
	v27 =	vld [tilespmem:s23+$0xFFFFFF90];
	v29 =	vmul.f32 v35, v6  }
0x146: {  	v28 =	vmul.f32 v28, v6  }
0x147: {  	v18 =	vadd.f32 v29, v18  }
0x148: {  	v25 =	vadd.f32 v28, v25  }
0x149: {  	[tilespmem:s23+$0xFFFFFFD0] =	vst v18  }
0x14a: {  	[tilespmem:s23+$0xFFFFFF80] =	vst v25;
	v46 =	vld [tilespmem:s28+$0x20]  }
0x14b: {  	v45 =	vld [tilespmem:s28+$0xFFFFFFD0];
	_ =	sdelay $0x3  }
0x14c: {  	v29 =	vmul.f32 v46, v6  }
0x14d: {  	s0 =	sadd.s32 $0xA0, s26;
	v28 =	vmul.f32 v45, v6  }
0x14e: {  	s5 =	sadd.s32 $0xFFFFFF80, s0;
	v17 =	vadd.f32 v29, v17  }
0x14f: {  	s0 =	sand.u32 $0x1F80, s0;
	s5 =	sand.u32 $0x60, s5;
	v27 =	vadd.f32 v28, v27  }
0x150: {  	s0 =	sor.u32 s5, s0;
	[tilespmem:s23+$0xFFFFFFE0] =	vst v17  }
0x151: {  	[tilespmem:s23+$0xFFFFFF90] =	vst v27;
	v31 =	vld [tilespmem:s0+$0x1D700]  }
0x152: {  	v30 =	vld [tilespmem:s28+$0xFFFFFFE0]  }
0x153: {  	v48 =	vld [tilespmem:s23+$0xFFFFFFF0]  }
0x154: {  	v47 =	vld [tilespmem:s23+$0xFFFFFFA0];
	v19 =	vmul.f32 v19, v6  }
0x155: {  	v26 =	vmul.f32 v26, v6  }
0x156: {  	v16 =	vadd.f32 v19, v16;
	v52 =	vmul.f32 v31, v6  }
0x157: {  	v54 =	vld [tilespmem:s25+$0xFFFFFFB0];
	v49 =	vadd.f32 v26, v24;
	v50 =	vmul.f32 v30, v6  }
0x158: {  	v55 =	vld [tilespmem:s25+$0x0];
	[tilespmem:s25+$0xFFFFFFA0] =	vst v16;
	v29 =	vadd.f32 v52, v48  }
0x159: {  	v51 =	vld [tilespmem:s1+$0xFFFFFFF0];
	[tilespmem:s25+$0xFFFFFFF0] =	vst v49;
	v24 =	vadd.f32 v50, v47  }
0x15a: {  	v53 =	vld [tilespmem:s1+$0x40];
	[tilespmem:s23+$0xFFFFFFF0] =	vst v29  }
0x15b: {  	[tilespmem:s23+$0xFFFFFFA0] =	vst v24;
	v33 =	vld [tilespmem:s28+$0x40]  }
0x15c: {  	v32 =	vld [tilespmem:s28+$0xFFFFFFF0]  }
0x15d: {  	v13 =	vmax.f32 v13, v21;
	v56 =	vld [tilespmem:s23+$0xFFFFFFB0]  }
0x15e: {  	v15 =	vmax.f32 v15, v23;
	v58 =	vld [tilespmem:s23+$0x0];
	v7 =	vmax.f32 v7, v14;
	v13 =	vmax.f32 v13, v20  }
0x15f: {  	v15 =	vmax.f32 v15, v22;
	v10 =	vmax.f32 v13, v10;
	v26 =	vmul.f32 v51, v6  }
0x160: {  	s20 =	sadd.s32 $0x1, s20;
	v7 =	vmax.f32 v7, v8;
	v11 =	vmax.f32 v10, v11;
	v31 =	vmul.f32 v53, v6  }
0x161: {  	p0 =	sne.s32 s20, $0xC;
	v57 =	vadd.f32 v26, v54;
	v60 =	vmul.f32 v33, v6;
	v8 =	vmul.f32 v32, v6  }
.Ltmp7:
0x162: {  	v61 =	vmax.f32 v15, v25;
	v9 =	vmax.f32 v9, v16;
	v59 =	vadd.f32 v31, v55;
	(pc) =	sbr.rel @p0 .LBB2_13-.Ltmp7, $4  }
0x163: {  	v12 =	vmax.f32 v12, v57;
	[tilespmem:s25+$0xFFFFFFB0] =	vst v57;
	v62 =	vadd.f32 v60, v58;
	v8 =	vadd.f32 v8, v56  }
0x164: {  	v10 =	vmax.f32 v61, v18;
	v9 =	vmax.f32 v9, v49;
	v12 =	vmax.f32 v12, v59;
	[tilespmem:s25+$0x0] =	vst v59  }
0x165: {  	v7 =	vmax.f32 v7, v27;
	v63 =	vmax.f32 v9, v24;
	[tilespmem:s23+$0x0] =	vst v62;
	v12 =	vmax.f32 v12, v8  }
0x166: {  	s21 =	sadd.s32 $0x1F40, s21;
	s22 =	sadd.s32 $0x1F40, s22;
	v9 =	vmax.f32 v7, v17;
	[tilespmem:s23+$0xFFFFFFB0] =	vst v8;
	v8 =	vmax.f32 v63, v29;
	v7 =	vmax.f32 v12, v62  }
0x167: {  	_ =	swait.ge [sflag:s10], $0xFA0  }
0x168: {  	[sflag:s10] =	ssyncset.done $0x0  }
0x169: {  	s19 =	simm.s32 $0x0;
	[sflag:s10] =	ssyncadd.s32 $0xFFFFF060  }
0x16a: {  	s0 =	simm.s32 $0x50;
	v12 =	vld [tilespmem:s19+$0x1C750]  }
0x16b: {  	s0 =	sand.u32 $0x1FF0, s0  }
0x16c: {  	v13 =	vld [tilespmem:s0+$0x17700];
	_ =	sdelay $0x2  }
0x16d: {  	v12 =	vmul.f32 v12, v6;
	_ =	sdelay $0x1  }
0x16e: {  	s1 =	simm.s32 $0x0;
	v12 =	vadd.f32 v12, v13  }
0x16f: {  	s7 =	sand.u32 $0xFE0, s1;
	v13 =	vld [tilespmem:s19+$0x1C700]  }
0x170: {  	v14 =	vld [tilespmem:s7+$0x17700];
	[tilespmem:s0+$0x17700] =	vst v12  }
0x171: {  	v15 =	vld [tilespmem:s19+$0x1C760]  }
0x172: {  	v17 =	vld [tilespmem:s19+$0x1C770]  }
0x173: {  	v18 =	vld [tilespmem:s19+$0x17760]  }
0x174: {  	s1 =	simm.s32 $0xA0;
	v19 =	vld [tilespmem:s19+$0x17770];
	v13 =	vmul.f32 v13, v6  }
0x175: {  	s8 =	simm.s32 $0xA0;
	v28 =	vld [tilespmem:s1+$0x1C700]  }
0x176: {  	s5 =	simm.s32 $0xF0;
	s20 =	sand.u32 $0xFE0, s8;
	v23 =	vld [tilespmem:s1+$0x1C750];
	v16 =	vadd.f32 v13, v14;
	v13 =	vmul.f32 v15, v6  }
0x177: {  	s31 =	sand.u32 $0x1FF0, s5;
	v22 =	vld [tilespmem:s20+$0x17700];
	v17 =	vmul.f32 v17, v6  }
0x178: {  	v14 =	vld [tilespmem:s31+$0x17700];
	[tilespmem:s7+$0x17700] =	vst v16;
	v15 =	vadd.f32 v13, v18  }
0x179: {  	v13 =	vadd.f32 v17, v19;
	v20 =	vld [tilespmem:s19+$0x17710]  }
0x17a: {  	v18 =	vld [tilespmem:s19+$0x17720];
	[tilespmem:s19+$0x17760] =	vst v15  }
0x17b: {  	v19 =	vld [tilespmem:s19+$0x17730];
	[tilespmem:s19+$0x17770] =	vst v13  }
0x17c: {  	v17 =	vld [tilespmem:s7+$0x1C780]  }
0x17d: {  	v21 =	vld [tilespmem:s19+$0x17740]  }
0x17e: {  	v23 =	vmul.f32 v23, v6;
	v26 =	vld [tilespmem:s7+$0x17780]  }
0x17f: {  	v30 =	vld [tilespmem:s19+$0x1C710]  }
0x180: {  	v25 =	vld [tilespmem:s19+$0x1C720];
	v14 =	vadd.f32 v23, v14  }
0x181: {  	v24 =	vld [tilespmem:s19+$0x1C730];
	v17 =	vmul.f32 v17, v6  }
0x182: {  	v23 =	vld [tilespmem:s19+$0x1C740];
	[tilespmem:s31+$0x17700] =	vst v14  }
0x183: {  	v27 =	vld [tilespmem:s1+$0x17760];
	v17 =	vadd.f32 v17, v26  }
0x184: {  	v31 =	vld [tilespmem:s1+$0x1C760]  }
0x185: {  	v29 =	vld [tilespmem:s1+$0x1C770];
	[tilespmem:s7+$0x17780] =	vst v17  }
0x186: {  	v32 =	vmul.f32 v28, v6;
	v26 =	vld [tilespmem:s19+$0x1C790]  }
0x187: {  	s21 =	simm.s32 $0xA;
	s22 =	simm.s32 $0x500;
	v28 =	vld [tilespmem:s1+$0x17770];
	v30 =	vmul.f32 v30, v6  }
.LBB2_19:
0x188: {  	s8 =	sshra.s32 s22, $0x2;
	v32 =	vadd.f32 v32, v22;
	s5 =	sadd.s32 $0xA0, s5;
	v22 =	vmul.f32 v25, v6;
	v24 =	vmul.f32 v24, v6;
	v25 =	vld [tilespmem:s19+$0x17790]  }
0x189: {  	v23 =	vmul.f32 v23, v6;
	v33 =	vld [tilespmem:s8+$0x1C700];
	s0 =	sand.u32 $0x1FF0, s5;
	v31 =	vmul.f32 v31, v6;
	v20 =	vadd.f32 v30, v20  }
0x18a: {  	s7 =	sadd.s32 $0xFFFFFFB0, s5;
	v30 =	vld [tilespmem:s0+$0x17700];
	v29 =	vmul.f32 v29, v6;
	v34 =	vadd.f32 v22, v18;
	v24 =	vadd.f32 v24, v19  }
0x18b: {  	s7 =	sand.u32 $0xFE0, s7;
	v23 =	vadd.f32 v23, v21;
	v35 =	vld [tilespmem:s8+$0x1C750];
	v27 =	vadd.f32 v31, v27;
	[tilespmem:s19+$0x17710] =	vst v20;
	v18 =	vmul.f32 v26, v6  }
0x18c: {  	v11 =	vmax.f32 v11, v16;
	v10 =	vmax.f32 v10, v20;
	v22 =	vld [tilespmem:s7+$0x17700];
	[tilespmem:s20+$0x17700] =	vst v32;
	v21 =	vadd.f32 v29, v28  }
0x18d: {  	v11 =	vmax.f32 v11, v12;
	v10 =	vmax.f32 v10, v15;
	v20 =	vld [tilespmem:s1+$0x17710];
	[tilespmem:s19+$0x17720] =	vst v34;
	v25 =	vadd.f32 v18, v25  }
0x18e: {  	v9 =	vmax.f32 v9, v34;
	v8 =	vmax.f32 v8, v24;
	v7 =	vmax.f32 v7, v23;
	v18 =	vld [tilespmem:s1+$0x17720];
	[tilespmem:s1+$0x17760] =	vst v27  }
0x18f: {  	s21 =	sadd.s32 $0xA, s21;
	v9 =	vmax.f32 v9, v13;
	v8 =	vmax.f32 v8, v17;
	v19 =	vld [tilespmem:s1+$0x17730];
	[tilespmem:s1+$0x17770] =	vst v21;
	v7 =	vmax.f32 v7, v25  }
0x190: {  	p0 =	slt.u32 s21, $0xF0;
	v12 =	vmovc v14;
	v16 =	vmov v32;
	v15 =	vmov v27;
	v13 =	vmov v21;
	v17 =	vld [tilespmem:s20+$0x1C780];
	[tilespmem:s19+$0x17790] =	vst v25  }
0x191: {  	v21 =	vld [tilespmem:s1+$0x17740];
	[tilespmem:s19+$0x17730] =	vst v24  }
0x192: {  	v14 =	vmul.f32 v35, v6;
	v26 =	vld [tilespmem:s20+$0x17780];
	[tilespmem:s19+$0x17740] =	vst v23;
	s19 =	smov.u32 s1;
	s1 =	smov.u32 s8  }
0x193: {  	v34 =	vld [tilespmem:s19+$0x1C710]  }
0x194: {  	v14 =	vadd.f32 v14, v30;
	v25 =	vld [tilespmem:s19+$0x1C720]  }
0x195: {  	v24 =	vld [tilespmem:s19+$0x1C730];
	v17 =	vmul.f32 v17, v6  }
0x196: {  	[tilespmem:s0+$0x17700] =	vst v14;
	v23 =	vld [tilespmem:s19+$0x1C740]  }
.Ltmp8:
0x197: {  	v27 =	vld [tilespmem:s1+$0x17760];
	v17 =	vadd.f32 v17, v26;
	(pc) =	sbr.rel @p0 .LBB2_19-.Ltmp8, $4  }
0x198: {  	v31 =	vld [tilespmem:s1+$0x1C760]  }
0x199: {  	v29 =	vld [tilespmem:s1+$0x1C770];
	[tilespmem:s20+$0x17780] =	vst v17;
	s20 =	smov.u32 s7  }
0x19a: {  	v32 =	vmul.f32 v33, v6;
	v26 =	vld [tilespmem:s19+$0x1C790]  }
0x19b: {  	s22 =	sadd.s32 $0x280, s22;
	v30 =	vmul.f32 v34, v6;
	v28 =	vld [tilespmem:s1+$0x17770]  }
0x19c: {  	_ = 	snop  }
0x19d: {  	v31 =	vmul.f32 v31, v6  }
0x19e: {  	v29 =	vmul.f32 v29, v6  }
0x19f: {  	v27 =	vadd.f32 v31, v27  }
0x1a0: {  	v28 =	vadd.f32 v29, v28  }
0x1a1: {  	[tilespmem:s1+$0x17760] =	vst v27  }
0x1a2: {  	[tilespmem:s1+$0x17770] =	vst v28  }
0x1a3: {  	v51 =	vld [tilespmem:s20+$0x1C780]  }
0x1a4: {  	v22 =	vadd.f32 v32, v22  }
0x1a5: {  	v52 =	vld [tilespmem:s20+$0x17780]  }
0x1a6: {  	v53 =	vld [tilespmem:s19+$0x17790];
	[tilespmem:s20+$0x17700] =	vst v22  }
0x1a7: {  	v33 =	vld [tilespmem:s1+$0x17710]  }
0x1a8: {  	v34 =	vld [tilespmem:s1+$0x17720];
	v29 =	vmul.f32 v51, v6  }
0x1a9: {  	v35 =	vld [tilespmem:s1+$0x1C710]  }
0x1aa: {  	v54 =	vld [tilespmem:s1+$0x1C720];
	v29 =	vadd.f32 v29, v52  }
0x1ab: {  	v25 =	vmul.f32 v25, v6;
	v36 =	vld [tilespmem:s1+$0x1C730]  }
0x1ac: {  	v24 =	vmul.f32 v24, v6;
	v20 =	vadd.f32 v30, v20;
	v56 =	vld [tilespmem:s1+$0x1C740];
	[tilespmem:s20+$0x17780] =	vst v29  }
0x1ad: {  	v23 =	vmul.f32 v23, v6;
	v18 =	vadd.f32 v25, v18;
	v55 =	vld [tilespmem:s1+$0x1C790]  }
0x1ae: {  	v19 =	vadd.f32 v24, v19;
	v26 =	vmul.f32 v26, v6;
	[tilespmem:s19+$0x17710] =	vst v20;
	v58 =	vld [tilespmem:s1+$0x17730]  }
0x1af: {  	v21 =	vadd.f32 v23, v21;
	[tilespmem:s19+$0x17720] =	vst v18;
	v35 =	vmul.f32 v35, v6;
	v57 =	vld [tilespmem:s1+$0x17790]  }
0x1b0: {  	v59 =	vld [tilespmem:s1+$0x17740];
	[tilespmem:s19+$0x17730] =	vst v19;
	v26 =	vadd.f32 v26, v53;
	v31 =	vmul.f32 v54, v6  }
0x1b1: {  	[tilespmem:s19+$0x17740] =	vst v21;
	v61 =	vmul.f32 v36, v6;
	v33 =	vadd.f32 v35, v33  }
0x1b2: {  	v11 =	vmax.f32 v11, v16;
	[tilespmem:s19+$0x17790] =	vst v26;
	v60 =	vadd.f32 v31, v34;
	v30 =	vmul.f32 v55, v6  }
0x1b3: {  	v11 =	vmax.f32 v11, v12;
	v63 =	vadd.f32 v61, v58;
	[tilespmem:s1+$0x17710] =	vst v33;
	v6 =	vmul.f32 v56, v6  }
0x1b4: {  	v11 =	vmax.f32 v11, v22;
	v10 =	vmax.f32 v10, v20;
	[tilespmem:s1+$0x17720] =	vst v60;
	v62 =	vadd.f32 v30, v57  }
0x1b5: {  	v11 =	vmax.f32 v11, v14;
	v10 =	vmax.f32 v10, v15;
	[tilespmem:s1+$0x17730] =	vst v63;
	v6 =	vadd.f32 v6, v59  }
0x1b6: {  	v9 =	vmax.f32 v9, v18;
	v8 =	vmax.f32 v8, v19;
	v7 =	vmax.f32 v7, v21;
	[tilespmem:s1+$0x17790] =	vst v62  }
0x1b7: {  	v9 =	vmax.f32 v9, v13;
	v8 =	vmax.f32 v8, v17;
	v7 =	vmax.f32 v7, v26;
	[tilespmem:s1+$0x17740] =	vst v6;
	s1 =	simm.s32 $0x18780  }
0x1b8: {  	v10 =	vmax.f32 v10, v33;
	v9 =	vmax.f32 v9, v60;
	v8 =	vmax.f32 v8, v63;
	[tilespmem:s1+$0xFFFFFF80] =	vst v4  }
0x1b9: {  	v10 =	vmax.f32 v10, v27;
	v9 =	vmax.f32 v9, v28;
	v8 =	vmax.f32 v8, v29;
	[tilespmem:s1+$0x70] =	vst v4  }
0x1ba: {  	v8 =	vmax.f32 v9, v8;
	v6 =	vmax.f32 v7, v6;
	v7 =	vmax.f32 v11, v10;
	[tilespmem:s1+$0x60] =	vst v4  }
0x1bb: {  	v6 =	vmax.f32 v6, v62;
	v7 =	vmax.f32 v7, v8;
	[tilespmem:s1+$0x50] =	vst v4  }
0x1bc: {  	[tilespmem:s1+$0x40] =	vst v4;
	v6 =	vmax.f32 v7, v6  }
0x1bd: {  	[tilespmem:s1+$0x30] =	vst v4;
	v7 =	vperm.xlane v6, v0  }
0x1be: {  	[tilespmem:s1+$0x20] =	vst v4  }
0x1bf: {  	[tilespmem:s1+$0x10] =	vst v4;
	v6 =	vmax.f32 v6, v7  }
0x1c0: {  	[tilespmem:s1+$0x0] =	vst v4;
	v7 =	vperm.xlane v6, v1  }
0x1c1: {  	[tilespmem:s1+$0xFFFFFFF0] =	vst v4  }
0x1c2: {  	[tilespmem:s1+$0xFFFFFFE0] =	vst v4;
	v6 =	vmax.f32 v6, v7  }
0x1c3: {  	[tilespmem:s1+$0xFFFFFFD0] =	vst v4;
	v7 =	vperm.xlane v6, v2  }
0x1c4: {  	[tilespmem:s1+$0xFFFFFFC0] =	vst v4  }
0x1c5: {  	[tilespmem:s1+$0xFFFFFFB0] =	vst v4;
	v6 =	vmax.f32 v6, v7  }
0x1c6: {  	s0 =	simm.s32 $0x0;
	[tilespmem:s1+$0xFFFFFFA0] =	vst v4;
	v7 =	vperm.xlane v6, v3  }
.LBB2_21:
0x1c7: {  	s0 =	sadd.s32 $0x10, s0;
	[tilespmem:s1+$0xFFFFFF90] =	vst v4;
	s1 =	sadd.s32 $0x100, s1  }
0x1c8: {  	[tilespmem:s1+$0xFFFFFF80] =	vst v4;
	p0 =	slt.u32 s0, $0x3F0  }
0x1c9: {  	[tilespmem:s1+$0x70] =	vst v4  }
0x1ca: {  	[tilespmem:s1+$0x60] =	vst v4  }
0x1cb: {  	[tilespmem:s1+$0x50] =	vst v4  }
0x1cc: {  	[tilespmem:s1+$0x40] =	vst v4  }
0x1cd: {  	[tilespmem:s1+$0x30] =	vst v4  }
0x1ce: {  	[tilespmem:s1+$0x20] =	vst v4  }
0x1cf: {  	[tilespmem:s1+$0x10] =	vst v4  }
0x1d0: {  	[tilespmem:s1+$0x0] =	vst v4  }
0x1d1: {  	[tilespmem:s1+$0xFFFFFFF0] =	vst v4  }
.Ltmp9:
0x1d2: {  	[tilespmem:s1+$0xFFFFFFE0] =	vst v4;
	(pc) =	sbr.rel @p0 .LBB2_21-.Ltmp9, $4  }
0x1d3: {  	[tilespmem:s1+$0xFFFFFFD0] =	vst v4  }
0x1d4: {  	[tilespmem:s1+$0xFFFFFFC0] =	vst v4  }
0x1d5: {  	[tilespmem:s1+$0xFFFFFFB0] =	vst v4  }
0x1d6: {  	[tilespmem:s1+$0xFFFFFFA0] =	vst v4  }
0x1d7: {  	[tilespmem:s1+$0xFFFFFF90] =	vst v4;
	s23 =	simm.s32 $0x50  }
0x1d8: {  	v8 =	vld [tilespmem:s23+$0x0];
	_ =	sdelay $0x3  }
0x1d9: {  	v6 =	vmax.f32 v6, v7  }
0x1da: {  	v7 =	vsub.f32 v8, v6;
	_ =	sdelay $0x1  }
0x1db: {  	v7 =	vmul.f32 $1.442695020e+00, v7;
	_ =	sdelay $0x1  }
0x1dc: {  	(erf) = vpow2.f32 v7  }
0x1dd: {  	v7 =	vld [tilespmem:s23+$0xFFFFFFB0];
	_ =	sdelay $0x4  }
0x1de: {  	v7 =	vsub.f32 v7, v6;
	_ =	sdelay $0x1  }
0x1df: {  	v7 =	vmul.f32 $1.442695020e+00, v7  }
0x1e0: {  	v8 =	vpop (erf)  }
0x1e1: {  	(erf) = vpow2.f32 v7;
	v7 =	vshra.s32 v8, $0x10  }
0x1e2: {  	vm1 =	vlt.u32 v8, $0x40000000;
	v7 =	vand.u32 $0xFFFFFFF0, v7  }
0x1e3: {  	s24 =	simm.s32 $0xF0;
	v7 =	vor.u32 v5, v7  }
0x1e4: {  	v9 =	vld [tilespmem:s24+$0x0];
	_ =	sdelay $0x2  }
0x1e5: {  	v10 =	vld [tilespmem:s24+$0xFFFFFFB0]  }
0x1e6: {  	[tilespmem:v7+s14+$0x0] =	vst.idx.add.f32.msk vm1, v8  }
0x1e7: {  	v8 =	vsub.f32 v9, v6;
	v7 =	vld [tilespmem:s23+$0x10]  }
0x1e8: {  	v9 =	vpop (erf)  }
0x1e9: {  	v11 =	vshra.s32 v9, $0x10;
	v8 =	vmul.f32 $1.442695020e+00, v8  }
0x1ea: {  	vm1 =	vlt.u32 v9, $0x40000000;
	v11 =	vand.u32 $0xFFFFFFF0, v11  }
0x1eb: {  	v10 =	vsub.f32 v10, v6;
	v11 =	vor.u32 v5, v11;
	(erf) = vpow2.f32 v8  }
0x1ec: {  	v7 =	vsub.f32 v7, v6  }
0x1ed: {  	v8 =	vmul.f32 $1.442695020e+00, v10  }
0x1ee: {  	v7 =	vmul.f32 $1.442695020e+00, v7  }
0x1ef: {  	(erf) = vpow2.f32 v8  }
0x1f0: {  	[tilespmem:v11+s14+$0x0] =	vst.idx.add.f32.msk vm1, v9;
	(erf) = vpow2.f32 v7  }
0x1f1: {  	v7 =	vld [tilespmem:s23+$0xFFFFFFC0];
	_ =	sdelay $0x2  }
0x1f2: {  	v8 =	vpop (erf)  }
0x1f3: {  	v9 =	vshra.s32 v8, $0x10  }
0x1f4: {  	vm1 =	vlt.u32 v8, $0x40000000;
	v7 =	vsub.f32 v7, v6;
	v9 =	vand.u32 $0xFFFFFFF0, v9  }
0x1f5: {  	v9 =	vor.u32 v5, v9  }
0x1f6: {  	v10 =	vpop (erf);
	v7 =	vmul.f32 $1.442695020e+00, v7  }
0x1f7: {  	s21 =	simm.s32 $0x190;
	v11 =	vpop (erf)  }
0x1f8: {  	v12 =	vld [tilespmem:s21+$0x0];
	(erf) = vpow2.f32 v7;
	v7 =	vshra.s32 v11, $0x10  }
0x1f9: {  	v13 =	vld [tilespmem:s21+$0xFFFFFFB0];
	vm2 =	vlt.u32 v11, $0x40000000;
	v7 =	vand.u32 $0xFFFFFFF0, v7  }
0x1fa: {  	[tilespmem:v9+s14+$0x0] =	vst.idx.add.f32.msk vm1, v8;
	v7 =	vor.u32 v5, v7  }
0x1fb: {  	v8 =	vld [tilespmem:s24+$0x10]  }
0x1fc: {  	v9 =	vshra.s32 v10, $0x10  }
0x1fd: {  	vm1 =	vlt.u32 v10, $0x40000000;
	v9 =	vand.u32 $0xFFFFFFF0, v9  }
0x1fe: {  	v12 =	vsub.f32 v12, v6;
	v9 =	vor.u32 v5, v9  }
0x1ff: {  	[tilespmem:v7+s14+$0x0] =	vst.idx.add.f32.msk vm2, v11;
	v7 =	vsub.f32 v13, v6  }
0x200: {  	v11 =	vmul.f32 $1.442695020e+00, v12;
	v8 =	vsub.f32 v8, v6;
	v12 =	vld [tilespmem:s23+$0x20]  }
0x201: {  	v13 =	vpop (erf);
	v7 =	vmul.f32 $1.442695020e+00, v7  }
0x202: {  	(erf) = vpow2.f32 v11;
	v11 =	vshra.s32 v13, $0x10;
	v8 =	vmul.f32 $1.442695020e+00, v8  }
0x203: {  	[tilespmem:v9+s14+$0x0] =	vst.idx.add.f32.msk vm1, v10;
	vm2 =	vlt.u32 v13, $0x40000000;
	v11 =	vand.u32 $0xFFFFFFF0, v11;
	(erf) = vpow2.f32 v7  }
0x204: {  	v7 =	vor.u32 v5, v11;
	(erf) = vpow2.f32 v8;
	v8 =	vld [tilespmem:s24+$0xFFFFFFC0]  }
0x205: {  	v9 =	vsub.f32 v12, v6;
	_ =	sdelay $0x1  }
0x206: {  	v9 =	vmul.f32 $1.442695020e+00, v9;
	_ =	sdelay $0x1  }
0x207: {  	[tilespmem:v7+s14+$0x0] =	vst.idx.add.f32.msk vm2, v13;
	v7 =	vsub.f32 v8, v6  }
0x208: {  	(erf) = vpow2.f32 v9;
	v8 =	vld [tilespmem:s23+$0xFFFFFFD0]  }
0x209: {  	v9 =	vpop (erf);
	v7 =	vmul.f32 $1.442695020e+00, v7  }
0x20a: {  	v10 =	vshra.s32 v9, $0x10  }
0x20b: {  	vm1 =	vlt.u32 v9, $0x40000000;
	v11 =	vpop (erf);
	v10 =	vand.u32 $0xFFFFFFF0, v10;
	(erf) = vpow2.f32 v7  }
0x20c: {  	v12 =	vpop (erf);
	v14 =	vshra.s32 v11, $0x10;
	vm3 =	vlt.u32 v11, $0x40000000;
	v10 =	vor.u32 v5, v10  }
0x20d: {  	s19 =	simm.s32 $0x230;
	v7 =	vshra.s32 v12, $0x10;
	v8 =	vsub.f32 v8, v6;
	v14 =	vand.u32 $0xFFFFFFF0, v14  }
0x20e: {  	v13 =	vld [tilespmem:s19+$0x0];
	vm2 =	vlt.u32 v12, $0x40000000;
	v7 =	vand.u32 $0xFFFFFFF0, v7;
	v14 =	vor.u32 v5, v14  }
0x20f: {  	v15 =	vld [tilespmem:s19+$0xFFFFFFB0];
	v7 =	vor.u32 v5, v7  }
0x210: {  	v8 =	vmul.f32 $1.442695020e+00, v8  }
0x211: {  	v16 =	vpop (erf);
	[tilespmem:v10+s14+$0x0] =	vst.idx.add.f32.msk vm1, v9  }
0x212: {  	(erf) = vpow2.f32 v8;
	v8 =	vshra.s32 v16, $0x10;
	v9 =	vld [tilespmem:s21+$0x10]  }
0x213: {  	v10 =	vsub.f32 v13, v6;
	vm1 =	vlt.u32 v16, $0x40000000;
	v8 =	vand.u32 $0xFFFFFFF0, v8;
	[tilespmem:v14+s14+$0x0] =	vst.idx.add.f32.msk vm3, v11  }
0x214: {  	v11 =	vsub.f32 v15, v6;
	v8 =	vor.u32 v5, v8;
	[tilespmem:v7+s14+$0x0] =	vst.idx.add.f32.msk vm2, v12  }
0x215: {  	v7 =	vmul.f32 $1.442695020e+00, v10;
	v10 =	vld [tilespmem:s24+$0x20]  }
0x216: {  	v12 =	vpop (erf);
	v11 =	vmul.f32 $1.442695020e+00, v11  }
0x217: {  	(erf) = vpow2.f32 v7;
	v7 =	vshra.s32 v12, $0x10;
	v9 =	vsub.f32 v9, v6  }
0x218: {  	v13 =	vld [tilespmem:s21+$0xFFFFFFC0];
	vm2 =	vlt.u32 v12, $0x40000000;
	v7 =	vand.u32 $0xFFFFFFF0, v7  }
0x219: {  	s0 =	simm.s32 $0x0;
	v7 =	vor.u32 v5, v7;
	[tilespmem:v8+s14+$0x0] =	vst.idx.add.f32.msk vm1, v16;
	v8 =	vmul.f32 $1.442695020e+00, v9  }
0x21a: {  	s0 =	sand.u32 $0x1FFE0, s0;
	(erf) = vpow2.f32 v11;
	v10 =	vsub.f32 v10, v6  }
0x21b: {  	v9 =	vld [tilespmem:s0+$0x80];
	v11 =	vpop (erf);
	(erf) = vpow2.f32 v8  }
0x21c: {  	v8 =	vshra.s32 v11, $0x10;
	v10 =	vmul.f32 $1.442695020e+00, v10  }
0x21d: {  	v13 =	vsub.f32 v13, v6;
	vm1 =	vlt.u32 v11, $0x40000000;
	v8 =	vand.u32 $0xFFFFFFF0, v8  }
0x21e: {  	[tilespmem:v7+s14+$0x0] =	vst.idx.add.f32.msk vm2, v12;
	v7 =	vor.u32 v5, v8;
	(erf) = vpow2.f32 v10  }
0x21f: {  	v8 =	vmul.f32 $1.442695020e+00, v13;
	v10 =	vld [tilespmem:s24+$0xFFFFFFD0]  }
0x220: {  	v9 =	vsub.f32 v9, v6;
	v12 =	vpop (erf)  }
0x221: {  	(erf) = vpow2.f32 v8;
	v8 =	vshra.s32 v12, $0x10  }
0x222: {  	vm2 =	vlt.u32 v12, $0x40000000;
	v9 =	vmul.f32 $1.442695020e+00, v9;
	v8 =	vand.u32 $0xFFFFFFF0, v8  }
0x223: {  	v8 =	vor.u32 v5, v8;
	[tilespmem:v7+s14+$0x0] =	vst.idx.add.f32.msk vm1, v11;
	v7 =	vpop (erf)  }
0x224: {  	(erf) = vpow2.f32 v9;
	v9 =	vsub.f32 v10, v6;
	v10 =	vld [tilespmem:s23+$0xFFFFFFE0];
	v11 =	vshra.s32 v7, $0x10;
	v13 =	vpop (erf)  }
0x225: {  	s20 =	simm.s32 $0x2D0;
	vm1 =	vlt.u32 v7, $0x40000000;
	v11 =	vand.u32 $0xFFFFFFF0, v11;
	v14 =	vshra.s32 v13, $0x10  }
0x226: {  	v15 =	vld [tilespmem:s20+$0x0];
	v11 =	vor.u32 v5, v11;
	vm3 =	vlt.u32 v13, $0x40000000;
	v14 =	vand.u32 $0xFFFFFFF0, v14  }
0x227: {  	v16 =	vld [tilespmem:s20+$0xFFFFFFB0];
	v9 =	vmul.f32 $1.442695020e+00, v9;
	v17 =	vpop (erf);
	v14 =	vor.u32 v5, v14  }
0x228: {  	[tilespmem:v8+s14+$0x0] =	vst.idx.add.f32.msk vm2, v12;
	v8 =	vshra.s32 v17, $0x10  }
0x229: {  	v12 =	vld [tilespmem:s19+$0x10];
	vm2 =	vlt.u32 v17, $0x40000000;
	v8 =	vand.u32 $0xFFFFFFF0, v8;
	v10 =	vsub.f32 v10, v6  }
0x22a: {  	v8 =	vor.u32 v5, v8  }
0x22b: {  	(erf) = vpow2.f32 v9;
	v9 =	vpop (erf);
	[tilespmem:v11+s14+$0x0] =	vst.idx.add.f32.msk vm1, v7;
	v10 =	vmul.f32 $1.442695020e+00, v10  }
0x22c: {  	v18 =	vshra.s32 v9, $0x10;
	vm4 =	vlt.u32 v9, $0x40000000;
	v7 =	vsub.f32 v15, v6;
	[tilespmem:v14+s14+$0x0] =	vst.idx.add.f32.msk vm3, v13  }
0x22d: {  	v18 =	vand.u32 $0xFFFFFFF0, v18;
	v11 =	vpop (erf);
	v13 =	vsub.f32 v16, v6;
	(erf) = vpow2.f32 v10;
	v10 =	vld [tilespmem:s19+$0xFFFFFFC0]  }
0x22e: {  	s29 =	simm.s32 $0xA0;
	v14 =	vshra.s32 v11, $0x10;
	v7 =	vmul.f32 $1.442695020e+00, v7;
	v12 =	vsub.f32 v12, v6;
	v16 =	vld [tilespmem:s21+$0x20]  }
0x22f: {  	s0 =	sand.u32 $0x1FFE0, s29;
	vm1 =	vlt.u32 v11, $0x40000000;
	v14 =	vand.u32 $0xFFFFFFF0, v14;
	v13 =	vmul.f32 $1.442695020e+00, v13;
	[tilespmem:v8+s14+$0x0] =	vst.idx.add.f32.msk vm2, v17  }
0x230: {  	(erf) = vpow2.f32 v7;
	v7 =	vmul.f32 $1.442695020e+00, v12;
	v8 =	vor.u32 v5, v14;
	v12 =	vld [tilespmem:s0+$0x80]  }
0x231: {  	v15 =	vor.u32 v5, v18  }
0x232: {  	(erf) = vpow2.f32 v13  }
0x233: {  	(erf) = vpow2.f32 v7;
	v10 =	vsub.f32 v10, v6;
	v7 =	vsub.f32 v16, v6;
	_ =	sdelay $0x1  }
0x234: {  	v13 =	vpop (erf);
	[tilespmem:v8+s14+$0x0] =	vst.idx.add.f32.msk vm1, v11;
	v8 =	vmul.f32 $1.442695020e+00, v10;
	v7 =	vmul.f32 $1.442695020e+00, v7;
	v10 =	vsub.f32 v12, v6  }
0x235: {  	[tilespmem:v15+s14+$0x0] =	vst.idx.add.f32.msk vm4, v9;
	v9 =	vshra.s32 v13, $0x10  }
0x236: {  	vm1 =	vlt.u32 v13, $0x40000000;
	v9 =	vand.u32 $0xFFFFFFF0, v9;
	v11 =	vld [tilespmem:s23+$0x40];
	(erf) = vpow2.f32 v7  }
0x237: {  	v12 =	vpop (erf);
	v7 =	vor.u32 v5, v9;
	v9 =	vld [tilespmem:s21+$0xFFFFFFD0];
	(erf) = vpow2.f32 v8;
	v8 =	vmul.f32 $1.442695020e+00, v10  }
0x238: {  	v10 =	vpop (erf)  }
0x239: {  	(erf) = vpow2.f32 v8;
	v8 =	vshra.s32 v10, $0x10  }
0x23a: {  	v14 =	vpop (erf);
	v8 =	vand.u32 $0xFFFFFFF0, v8  }
0x23b: {  	vm2 =	vlt.u32 v10, $0x40000000;
	v11 =	vsub.f32 v11, v6;
	v15 =	vpop (erf);
	v8 =	vor.u32 v5, v8  }
0x23c: {  	s22 =	simm.s32 $0x370;
	v16 =	vshra.s32 v15, $0x10;
	[tilespmem:v7+s14+$0x0] =	vst.idx.add.f32.msk vm1, v13;
	v7 =	vsub.f32 v9, v6;
	vm1 =	vlt.u32 v15, $0x40000000  }
0x23d: {  	v17 =	vld [tilespmem:s22+$0x0];
	v11 =	vmul.f32 $1.442695020e+00, v11;
	v9 =	vand.u32 $0xFFFFFFF0, v16;
	v16 =	vshra.s32 v14, $0x10  }
0x23e: {  	v13 =	vld [tilespmem:s24+$0xFFFFFFE0];
	v9 =	vor.u32 v5, v9;
	v7 =	vmul.f32 $1.442695020e+00, v7  }
0x23f: {  	vm3 =	vlt.u32 v14, $0x40000000;
	(erf) = vpow2.f32 v11;
	v11 =	vand.u32 $0xFFFFFFF0, v16  }
0x240: {  	v18 =	vld [tilespmem:s22+$0xFFFFFFB0];
	v11 =	vor.u32 v5, v11;
	v16 =	vpop (erf)  }
0x241: {  	v19 =	vshra.s32 v16, $0x10;
	[tilespmem:v8+s14+$0x0] =	vst.idx.add.f32.msk vm2, v10  }
0x242: {  	v17 =	vsub.f32 v17, v6;
	(erf) = vpow2.f32 v7;
	v7 =	vpop (erf);
	v10 =	vand.u32 $0xFFFFFFF0, v19;
	v19 =	vld [tilespmem:s20+$0x10]  }
0x243: {  	vm2 =	vlt.u32 v16, $0x40000000;
	v13 =	vsub.f32 v13, v6;
	v8 =	vshra.s32 v7, $0x10;
	[tilespmem:v9+s14+$0x0] =	vst.idx.add.f32.msk vm1, v15  }
0x244: {  	v10 =	vor.u32 v5, v10;
	v20 =	vpop (erf);
	vm1 =	vlt.u32 v7, $0x40000000;
	v8 =	vand.u32 $0xFFFFFFF0, v8;
	v15 =	vld [tilespmem:s19+$0x20]  }
0x245: {  	v9 =	vshra.s32 v20, $0x10;
	vm4 =	vlt.u32 v20, $0x40000000;
	[tilespmem:v11+s14+$0x0] =	vst.idx.add.f32.msk vm3, v14;
	v11 =	vmul.f32 $1.442695020e+00, v13  }
0x246: {  	v14 =	vmul.f32 $1.442695020e+00, v17;
	v8 =	vor.u32 v5, v8;
	v9 =	vand.u32 $0xFFFFFFF0, v9;
	v17 =	vld [tilespmem:s20+$0xFFFFFFC0]  }
0x247: {  	v13 =	vsub.f32 v18, v6;
	v9 =	vor.u32 v5, v9  }
0x248: {  	s30 =	simm.s32 $0x140;
	(erf) = vpow2.f32 v11;
	v11 =	vsub.f32 v19, v6  }
0x249: {  	s0 =	sand.u32 $0x1FFE0, s30;
	[tilespmem:v10+s14+$0x0] =	vst.idx.add.f32.msk vm2, v16;
	v10 =	vmul.f32 $1.442695020e+00, v13  }
0x24a: {  	(erf) = vpow2.f32 v14;
	v13 =	vld [tilespmem:s0+$0x80];
	v14 =	vsub.f32 v15, v6;
	v11 =	vmul.f32 $1.442695020e+00, v11  }
0x24b: {  	[tilespmem:v8+s14+$0x0] =	vst.idx.add.f32.msk vm1, v7;
	(erf) = vpow2.f32 v10;
	v7 =	vpop (erf);
	v10 =	vsub.f32 v17, v6  }
0x24c: {  	[tilespmem:v9+s14+$0x0] =	vst.idx.add.f32.msk vm4, v20;
	v8 =	vmul.f32 $1.442695020e+00, v14;
	v9 =	vpop (erf);
	(erf) = vpow2.f32 v11  }
0x24d: {  	v11 =	vld [tilespmem:s24+$0x40];
	vm1 =	vlt.u32 v9, $0x40000000;
	v14 =	vshra.s32 v9, $0x10;
	v10 =	vmul.f32 $1.442695020e+00, v10  }
0x24e: {  	v15 =	vld [tilespmem:s19+$0xFFFFFFD0];
	(erf) = vpow2.f32 v8;
	v8 =	vand.u32 $0xFFFFFFF0, v14;
	v14 =	vshra.s32 v12, $0x10  }
0x24f: {  	v13 =	vsub.f32 v13, v6;
	v8 =	vor.u32 v5, v8;
	v14 =	vand.u32 $0xFFFFFFF0, v14;
	_ =	sdelay $0x1  }
0x250: {  	vm2 =	vlt.u32 v12, $0x40000000;
	(erf) = vpow2.f32 v10;
	v10 =	vmul.f32 $1.442695020e+00, v13  }
0x251: {  	v16 =	vshra.s32 v7, $0x10;
	v13 =	vor.u32 v5, v14;
	v14 =	vpop (erf);
	v11 =	vsub.f32 v11, v6  }
0x252: {  	v16 =	vand.u32 $0xFFFFFFF0, v16;
	v15 =	vsub.f32 v15, v6;
	v17 =	vpop (erf);
	(erf) = vpow2.f32 v10  }
0x253: {  	v10 =	vshra.s32 v17, $0x10;
	v11 =	vmul.f32 $1.442695020e+00, v11;
	vm3 =	vlt.u32 v17, $0x40000000;
	v18 =	vpop (erf);
	[tilespmem:v8+s14+$0x0] =	vst.idx.add.f32.msk vm1, v9  }
0x254: {  	v9 =	vmul.f32 $1.442695020e+00, v15;
	v8 =	vand.u32 $0xFFFFFFF0, v10;
	v10 =	vshra.s32 v18, $0x10;
	v15 =	vld [tilespmem:s21+$0xFFFFFFE0]  }
0x255: {  	v19 =	vpop (erf);
	v8 =	vor.u32 v5, v8;
	(erf) = vpow2.f32 v11;
	v10 =	vand.u32 $0xFFFFFFF0, v10  }
0x256: {  	[tilespmem:v13+s14+$0x0] =	vst.idx.add.f32.msk vm2, v12;
	vm2 =	vlt.u32 v18, $0x40000000;
	v11 =	vshra.s32 v19, $0x10;
	vm4 =	vlt.u32 v19, $0x40000000;
	v12 =	vpop (erf)  }
0x257: {  	v10 =	vor.u32 v5, v10;
	v13 =	vld [tilespmem:s23+$0xFFFFFFF0];
	s23 =	simm.s32 $0x410;
	v11 =	vand.u32 $0xFFFFFFF0, v11;
	v61 =	vshra.s32 v12, $0x10  }
0x258: {  	v21 =	vld [tilespmem:s23+$0x0];
	v11 =	vor.u32 v5, v11;
	vm5 =	vlt.u32 v12, $0x40000000;
	v20 =	vand.u32 $0xFFFFFFF0, v61  }
0x259: {  	v22 =	vld [tilespmem:s23+$0xFFFFFFB0];
	v23 =	vpop (erf);
	(erf) = vpow2.f32 v9;
	v20 =	vor.u32 v5, v20;
	v9 =	vsub.f32 v15, v6  }
0x25a: {  	vm1 =	vlt.u32 v7, $0x40000000;
	v15 =	vor.u32 v5, v16;
	[tilespmem:v8+s14+$0x0] =	vst.idx.add.f32.msk vm3, v17;
	v8 =	vshra.s32 v23, $0x10  }
0x25b: {  	vm3 =	vlt.u32 v23, $0x40000000;
	v16 =	vld [tilespmem:s22+$0x10];
	v8 =	vand.u32 $0xFFFFFFF0, v8;
	v9 =	vmul.f32 $1.442695020e+00, v9  }
0x25c: {  	v17 =	vpop (erf);
	[tilespmem:v10+s14+$0x0] =	vst.idx.add.f32.msk vm2, v18;
	v18 =	vshra.s32 v14, $0x10;
	v13 =	vsub.f32 v13, v6;
	v8 =	vor.u32 v5, v8  }
0x25d: {  	v10 =	vshra.s32 v17, $0x10;
	[tilespmem:v11+s14+$0x0] =	vst.idx.add.f32.msk vm4, v19;
	v11 =	vsub.f32 v21, v6;
	vm4 =	vlt.u32 v17, $0x40000000  }
0x25e: {  	v10 =	vand.u32 $0xFFFFFFF0, v10;
	(erf) = vpow2.f32 v9;
	v9 =	vsub.f32 v22, v6;
	[tilespmem:v20+s14+$0x0] =	vst.idx.add.f32.msk vm5, v12  }
0x25f: {  	s1 =	simm.s32 $0x1E0;
	v18 =	vand.u32 $0xFFFFFFF0, v18;
	v10 =	vor.u32 v5, v10;
	v12 =	vld [tilespmem:s20+$0x20];
	v11 =	vmul.f32 $1.442695020e+00, v11  }
0x260: {  	s31 =	sand.u32 $0x1FFE0, s1;
	vm2 =	vlt.u32 v14, $0x40000000;
	v19 =	vld [tilespmem:s22+$0xFFFFFFC0];
	v18 =	vor.u32 v5, v18;
	v9 =	vmul.f32 $1.442695020e+00, v9  }
0x261: {  	v13 =	vmul.f32 $1.442695020e+00, v13;
	v62 =	vpop (erf);
	v16 =	vsub.f32 v16, v6;
	(erf) = vpow2.f32 v11;
	v11 =	vld [tilespmem:s31+$0x80]  }
0x262: {  	v63 =	vpop (erf);
	[tilespmem:v8+s14+$0x0] =	vst.idx.add.f32.msk vm3, v23;
	v8 =	vshra.s32 v62, $0x10;
	vm3 =	vlt.u32 v62, $0x40000000;
	(erf) = vpow2.f32 v9  }
0x263: {  	v9 =	vshra.s32 v63, $0x10;
	v16 =	vmul.f32 $1.442695020e+00, v16;
	v8 =	vand.u32 $0xFFFFFFF0, v8  }
0x264: {  	v9 =	vand.u32 $0xFFFFFFF0, v9;
	[tilespmem:v10+s14+$0x0] =	vst.idx.add.f32.msk vm4, v17;
	v10 =	vsub.f32 v12, v6;
	v8 =	vor.u32 v5, v8  }
0x265: {  	vm4 =	vlt.u32 v63, $0x40000000;
	(erf) = vpow2.f32 v16;
	v12 =	vld [tilespmem:s21+$0x40];
	v16 =	vsub.f32 v19, v6  }
0x266: {  	v17 =	vld [tilespmem:s20+$0xFFFFFFD0];
	v10 =	vmul.f32 $1.442695020e+00, v10;
	(erf) = vpow2.f32 v13;
	v13 =	vor.u32 v5, v9  }
0x267: {  	v11 =	vsub.f32 v11, v6;
	v9 =	vmul.f32 $1.442695020e+00, v16  }
0x268: {  	[tilespmem:v15+s14+$0x0] =	vst.idx.add.f32.msk vm1, v7;
	v19 =	vpop (erf);
	(erf) = vpow2.f32 v10  }
0x269: {  	[tilespmem:v18+s14+$0x0] =	vst.idx.add.f32.msk vm2, v14;
	v10 =	vmul.f32 $1.442695020e+00, v11;
	v11 =	vshra.s32 v19, $0x10;
	(erf) = vpow2.f32 v9  }
0x26a: {  	vm5 =	vlt.u32 v19, $0x40000000;
	v7 =	vand.u32 $0xFFFFFFF0, v11;
	[tilespmem:v8+s14+$0x0] =	vst.idx.add.f32.msk vm3, v62;
	v11 =	vsub.f32 v12, v6  }
0x26b: {  	v12 =	vsub.f32 v17, v6;
	v17 =	vor.u32 v5, v7;
	v9 =	vpop (erf);
	(erf) = vpow2.f32 v10;
	[tilespmem:v13+s14+$0x0] =	vst.idx.add.f32.msk vm4, v63  }
0x26c: {  	v7 =	vshra.s32 v9, $0x10;
	v15 =	vmul.f32 $1.442695020e+00, v11;
	v13 =	vld [tilespmem:s19+$0xFFFFFFE0]  }
0x26d: {  	v8 =	vld [tilespmem:s24+$0xFFFFFFF0];
	vm1 =	vlt.u32 v9, $0x40000000;
	v10 =	vpop (erf);
	v12 =	vmul.f32 $1.442695020e+00, v12;
	v7 =	vand.u32 $0xFFFFFFF0, v7  }
0x26e: {  	v16 =	vshra.s32 v10, $0x10;
	v14 =	vor.u32 v5, v7;
	v11 =	vpop (erf);
	(erf) = vpow2.f32 v15  }
0x26f: {  	vm2 =	vlt.u32 v10, $0x40000000;
	v15 =	vand.u32 $0xFFFFFFF0, v16;
	v16 =	vshra.s32 v11, $0x10  }
0x270: {  	s5 =	simm.s32 $0x3C;
	s24 =	simm.s32 $0x4B0;
	v15 =	vor.u32 v5, v15;
	vm3 =	vlt.u32 v11, $0x40000000;
	[tilespmem:v17+s14+$0x0] =	vst.idx.add.f32.msk vm5, v19;
	v7 =	vpop (erf);
	v16 =	vand.u32 $0xFFFFFFF0, v16  }
.LBB2_23:
0x271: {  	v17 =	vld [tilespmem:s24+$0x0];
	s5 =	sadd.s32 $0xA, s5;
	v16 =	vor.u32 v5, v16;
	(erf) = vpow2.f32 v12;
	v12 =	vpop (erf);
	v13 =	vsub.f32 v13, v6  }
0x272: {  	v8 =	vsub.f32 v8, v6;
	v21 =	vshra.s32 v7, $0x10;
	v18 =	vld [tilespmem:s24+$0xFFFFFFB0];
	p0 =	slt.u32 s5, $0x1860;
	v19 =	vpop (erf);
	v20 =	vshra.s32 v12, $0x10  }
0x273: {  	vm4 =	vlt.u32 v12, $0x40000000;
	[tilespmem:v14+s14+$0x0] =	vst.idx.add.f32.msk vm1, v9;
	v9 =	vshra.s32 v19, $0x10;
	v14 =	vand.u32 $0xFFFFFFF0, v20  }
0x274: {  	vm1 =	vlt.u32 v19, $0x40000000;
	v20 =	vld [tilespmem:s23+$0x10];
	v9 =	vand.u32 $0xFFFFFFF0, v9;
	v14 =	vor.u32 v5, v14;
	v22 =	vpop (erf)  }
0x275: {  	v23 =	vmul.f32 $1.442695020e+00, v13;
	[tilespmem:v15+s14+$0x0] =	vst.idx.add.f32.msk vm2, v10;
	v9 =	vor.u32 v5, v9;
	v13 =	vshra.s32 v22, $0x10  }
0x276: {  	vm2 =	vlt.u32 v22, $0x40000000;
	v15 =	vsub.f32 v17, v6;
	[tilespmem:v16+s14+$0x0] =	vst.idx.add.f32.msk vm3, v11;
	v11 =	vand.u32 $0xFFFFFFF0, v13  }
0x277: {  	v13 =	vsub.f32 v18, v6;
	v16 =	vld [tilespmem:s22+$0x20];
	v11 =	vor.u32 v5, v11;
	(erf) = vpow2.f32 v23;
	v10 =	vpop (erf)  }
0x278: {  	s1 =	sadd.s32 $0xA0, s1;
	v8 =	vmul.f32 $1.442695020e+00, v8;
	v23 =	vmul.f32 $1.442695020e+00, v15;
	v17 =	vld [tilespmem:s23+$0xFFFFFFC0];
	v18 =	vshra.s32 v10, $0x10  }
0x279: {  	s0 =	sand.u32 $0x1FFE0, s1;
	vm3 =	vlt.u32 v10, $0x40000000;
	v20 =	vsub.f32 v20, v6;
	[tilespmem:v14+s14+$0x0] =	vst.idx.add.f32.msk vm4, v12;
	v12 =	vand.u32 $0xFFFFFFF0, v18  }
0x27a: {  	v13 =	vmul.f32 $1.442695020e+00, v13;
	(erf) = vpow2.f32 v23;
	v14 =	vld [tilespmem:s0+$0x80];
	v15 =	vpop (erf);
	v12 =	vor.u32 v5, v12  }
0x27b: {  	v18 =	vmul.f32 $1.442695020e+00, v20;
	[tilespmem:v9+s14+$0x0] =	vst.idx.add.f32.msk vm1, v19;
	vm1 =	vlt.u32 v15, $0x40000000;
	v9 =	vshra.s32 v15, $0x10  }
0x27c: {  	(erf) = vpow2.f32 v13;
	v13 =	vsub.f32 v16, v6;
	v9 =	vand.u32 $0xFFFFFFF0, v9;
	[tilespmem:v11+s14+$0x0] =	vst.idx.add.f32.msk vm2, v22  }
0x27d: {  	v11 =	vsub.f32 v17, v6;
	(erf) = vpow2.f32 v18;
	v9 =	vor.u32 v5, v9;
	v16 =	vld [tilespmem:s19+$0x40]  }
0x27e: {  	v17 =	vld [tilespmem:s22+$0xFFFFFFD0];
	v13 =	vmul.f32 $1.442695020e+00, v13;
	(erf) = vpow2.f32 v8;
	v8 =	vand.u32 $0xFFFFFFF0, v21  }
0x27f: {  	v11 =	vmul.f32 $1.442695020e+00, v11;
	v14 =	vsub.f32 v14, v6;
	[tilespmem:v12+s14+$0x0] =	vst.idx.add.f32.msk vm3, v10;
	v18 =	vor.u32 v5, v8  }
0x280: {  	vm2 =	vlt.u32 v7, $0x40000000;
	(erf) = vpow2.f32 v13;
	v19 =	vpop (erf);
	v8 =	vld [tilespmem:s21+$0xFFFFFFF0];
	s21 =	smov.u32 s19;
	s19 =	smov.u32 s20;
	s20 =	smov.u32 s22  }
0x281: {  	s22 =	smov.u32 s23;
	s23 =	smov.u32 s24;
	(erf) = vpow2.f32 v11;
	v10 =	vmul.f32 $1.442695020e+00, v14;
	v11 =	vshra.s32 v19, $0x10  }
0x282: {  	vm4 =	vlt.u32 v19, $0x40000000;
	[tilespmem:v9+s14+$0x0] =	vst.idx.add.f32.msk vm1, v15;
	v11 =	vand.u32 $0xFFFFFFF0, v11;
	v12 =	vsub.f32 v16, v6  }
0x283: {  	v9 =	vpop (erf);
	v14 =	vsub.f32 v17, v6;
	v13 =	vld [tilespmem:s19+$0xFFFFFFE0];
	(erf) = vpow2.f32 v10;
	v17 =	vor.u32 v5, v11  }
.Ltmp10:
0x284: {  	v16 =	vshra.s32 v9, $0x10;
	v15 =	vmul.f32 $1.442695020e+00, v12;
	(pc) =	sbr.rel @p0 .LBB2_23-.Ltmp10, $4  }
0x285: {  	vm1 =	vlt.u32 v9, $0x40000000;
	v20 =	vand.u32 $0xFFFFFFF0, v16;
	v10 =	vpop (erf);
	v12 =	vmul.f32 $1.442695020e+00, v14  }
0x286: {  	v16 =	vshra.s32 v10, $0x10;
	v14 =	vor.u32 v5, v20;
	v11 =	vpop (erf);
	(erf) = vpow2.f32 v15;
	[tilespmem:v18+s14+$0x0] =	vst.idx.add.f32.msk vm2, v7  }
0x287: {  	vm2 =	vlt.u32 v10, $0x40000000;
	v15 =	vand.u32 $0xFFFFFFF0, v16;
	v16 =	vshra.s32 v11, $0x10;
	v7 =	vpop (erf)  }
0x288: {  	s24 =	sadd.s32 $0xA0, s24;
	vm3 =	vlt.u32 v11, $0x40000000;
	v15 =	vor.u32 v5, v15;
	v16 =	vand.u32 $0xFFFFFFF0, v16;
	[tilespmem:v17+s14+$0x0] =	vst.idx.add.f32.msk vm4, v19  }
0x289: {  	_ =	sdelay $0x2  }
0x28a: {  	v16 =	vor.u32 v5, v16;
	_ =	sdelay $0x1  }
0x28b: {  	[tilespmem:v14+s14+$0x0] =	vst.idx.add.f32.msk vm1, v9  }
0x28c: {  	v17 =	vpop (erf);
	[tilespmem:v15+s14+$0x0] =	vst.idx.add.f32.msk vm2, v10  }
0x28d: {  	v18 =	vshra.s32 v17, $0x10;
	v14 =	vld [tilespmem:s23+$0x10]  }
0x28e: {  	vm1 =	vlt.u32 v17, $0x40000000;
	v9 =	vand.u32 $0xFFFFFFF0, v18;
	[tilespmem:v16+s14+$0x0] =	vst.idx.add.f32.msk vm3, v11  }
0x28f: {  	v9 =	vor.u32 v5, v9;
	v10 =	vld [tilespmem:s22+$0x20];
	_ =	sdelay $0x3  }
0x290: {  	v13 =	vsub.f32 v13, v6  }
0x291: {  	[tilespmem:v9+s14+$0x0] =	vst.idx.add.f32.msk vm1, v17;
	v9 =	vsub.f32 v14, v6;
	v10 =	vsub.f32 v10, v6  }
0x292: {  	v13 =	vmul.f32 $1.442695020e+00, v13  }
0x293: {  	(erf) = vpow2.f32 v12;
	v9 =	vmul.f32 $1.442695020e+00, v9  }
0x294: {  	s0 =	sadd.s32 $0xA0, s1;
	v8 =	vsub.f32 v8, v6;
	(erf) = vpow2.f32 v13  }
0x295: {  	s1 =	sand.u32 $0x1FFE0, s0;
	v11 =	vld [tilespmem:s23+$0xFFFFFFC0];
	(erf) = vpow2.f32 v9;
	v9 =	vmul.f32 $1.442695020e+00, v10;
	v10 =	vpop (erf)  }
0x296: {  	v8 =	vmul.f32 $1.442695020e+00, v8;
	v14 =	vld [tilespmem:s1+$0x80];
	v12 =	vshra.s32 v10, $0x10;
	_ =	sdelay $0x1  }
0x297: {  	(erf) = vpow2.f32 v8  }
0x298: {  	(erf) = vpow2.f32 v9;
	v9 =	vand.u32 $0xFFFFFFF0, v12;
	v12 =	vpop (erf)  }
0x299: {  	v11 =	vsub.f32 v11, v6;
	v13 =	vor.u32 v5, v9;
	v9 =	vshra.s32 v12, $0x10  }
0x29a: {  	v8 =	vsub.f32 v14, v6;
	v9 =	vand.u32 $0xFFFFFFF0, v9  }
0x29b: {  	v11 =	vmul.f32 $1.442695020e+00, v11  }
0x29c: {  	v8 =	vmul.f32 $1.442695020e+00, v8  }
0x29d: {  	vm1 =	vlt.u32 v10, $0x40000000;
	(erf) = vpow2.f32 v11;
	v11 =	vor.u32 v5, v9;
	v9 =	vpop (erf)  }
0x29e: {  	vm2 =	vlt.u32 v12, $0x40000000;
	(erf) = vpow2.f32 v8;
	v14 =	vpop (erf)  }
0x29f: {  	v8 =	vshra.s32 v14, $0x10  }
0x2a0: {  	v8 =	vand.u32 $0xFFFFFFF0, v8  }
0x2a1: {  	v15 =	vpop (erf)  }
0x2a2: {  	vm3 =	vlt.u32 v14, $0x40000000;
	v16 =	vpop (erf)  }
0x2a3: {  	[tilespmem:v13+s14+$0x0] =	vst.idx.add.f32.msk vm1, v10;
	v10 =	vor.u32 v5, v8;
	v13 =	vshra.s32 v16, $0x10;
	v8 =	vpop (erf)  }
0x2a4: {  	[tilespmem:v11+s14+$0x0] =	vst.idx.add.f32.msk vm2, v12;
	vm1 =	vlt.u32 v16, $0x40000000;
	v11 =	vand.u32 $0xFFFFFFF0, v13;
	v12 =	vpop (erf)  }
0x2a5: {  	v20 =	vld [tilespmem:s21+$0xFFFFFFF0];
	v11 =	vor.u32 v5, v11;
	v17 =	vshra.s32 v12, $0x10  }
0x2a6: {  	v18 =	vld [tilespmem:s22+$0xFFFFFFD0];
	v19 =	vpop (erf);
	vm2 =	vlt.u32 v12, $0x40000000;
	v17 =	vand.u32 $0xFFFFFFF0, v17  }
0x2a7: {  	v13 =	vld [tilespmem:s19+$0x40];
	v21 =	vshra.s32 v19, $0x10;
	v22 =	vpop (erf);
	v17 =	vor.u32 v5, v17  }
0x2a8: {  	[tilespmem:v10+s14+$0x0] =	vst.idx.add.f32.msk vm3, v14;
	vm3 =	vlt.u32 v19, $0x40000000;
	v10 =	vand.u32 $0xFFFFFFF0, v21;
	v14 =	vshra.s32 v22, $0x10  }
0x2a9: {  	v21 =	vld [tilespmem:s20+$0xFFFFFFE0];
	vm4 =	vlt.u32 v22, $0x40000000;
	v10 =	vor.u32 v5, v10;
	v14 =	vand.u32 $0xFFFFFFF0, v14  }
0x2aa: {  	[tilespmem:v11+s14+$0x0] =	vst.idx.add.f32.msk vm1, v16;
	v11 =	vor.u32 v5, v14  }
0x2ab: {  	s0 =	sadd.s32 $0xA0, s0;
	v14 =	vld [tilespmem:s23+$0x20]  }
0x2ac: {  	s30 =	sand.u32 $0x1FFE0, s0;
	[tilespmem:v17+s14+$0x0] =	vst.idx.add.f32.msk vm2, v12  }
0x2ad: {  	v13 =	vsub.f32 v13, v6;
	v12 =	vld [tilespmem:s30+$0x80]  }
0x2ae: {  	[tilespmem:v10+s14+$0x0] =	vst.idx.add.f32.msk vm3, v19;
	v10 =	vsub.f32 v18, v6  }
0x2af: {  	[tilespmem:v11+s14+$0x0] =	vst.idx.add.f32.msk vm4, v22;
	v11 =	vmul.f32 $1.442695020e+00, v13;
	v13 =	vsub.f32 v21, v6  }
0x2b0: {  	v17 =	vsub.f32 v20, v6;
	v18 =	vld [tilespmem:s23+$0xFFFFFFD0];
	v10 =	vmul.f32 $1.442695020e+00, v10  }
0x2b1: {  	v16 =	vld [tilespmem:s20+$0x40];
	(erf) = vpow2.f32 v11;
	v11 =	vmul.f32 $1.442695020e+00, v13;
	v13 =	vsub.f32 v14, v6  }
0x2b2: {  	(erf) = vpow2.f32 v10;
	v10 =	vmul.f32 $1.442695020e+00, v17  }
0x2b3: {  	(erf) = vpow2.f32 v11;
	v11 =	vmul.f32 $1.442695020e+00, v13;
	v12 =	vsub.f32 v12, v6  }
0x2b4: {  	(erf) = vpow2.f32 v10  }
0x2b5: {  	(erf) = vpow2.f32 v11;
	v11 =	vmul.f32 $1.442695020e+00, v12;
	v12 =	vsub.f32 v18, v6  }
0x2b6: {  	v10 =	vsub.f32 v16, v6  }
0x2b7: {  	(erf) = vpow2.f32 v11;
	v11 =	vmul.f32 $1.442695020e+00, v12  }
0x2b8: {  	v10 =	vmul.f32 $1.442695020e+00, v10;
	_ =	sdelay $0x1  }
0x2b9: {  	(erf) = vpow2.f32 v10;
	v10 =	vshra.s32 v15, $0x10  }
0x2ba: {  	(erf) = vpow2.f32 v11;
	v10 =	vand.u32 $0xFFFFFFF0, v10;
	v11 =	vpop (erf)  }
0x2bb: {  	v12 =	vpop (erf)  }
0x2bc: {  	vm1 =	vlt.u32 v15, $0x40000000;
	v13 =	vpop (erf)  }
0x2bd: {  	v14 =	vor.u32 v5, v10;
	v16 =	vshra.s32 v12, $0x10;
	v10 =	vpop (erf)  }
0x2be: {  	vm2 =	vlt.u32 v12, $0x40000000;
	v16 =	vand.u32 $0xFFFFFFF0, v16;
	v17 =	vpop (erf)  }
0x2bf: {  	v16 =	vor.u32 v5, v16;
	v18 =	vshra.s32 v17, $0x10  }
0x2c0: {  	vm3 =	vlt.u32 v17, $0x40000000;
	v18 =	vand.u32 $0xFFFFFFF0, v18  }
0x2c1: {  	v19 =	vpop (erf);
	v18 =	vor.u32 v5, v18  }
0x2c2: {  	[tilespmem:v14+s14+$0x0] =	vst.idx.add.f32.msk vm1, v15;
	v20 =	vshra.s32 v19, $0x10;
	v21 =	vpop (erf)  }
0x2c3: {  	vm1 =	vlt.u32 v19, $0x40000000;
	v14 =	vand.u32 $0xFFFFFFF0, v20;
	v20 =	vld [tilespmem:s19+$0xFFFFFFF0];
	v15 =	vpop (erf)  }
0x2c4: {  	v14 =	vor.u32 v5, v14;
	v22 =	vshra.s32 v15, $0x10;
	[tilespmem:v16+s14+$0x0] =	vst.idx.add.f32.msk vm2, v12  }
0x2c5: {  	s0 =	sadd.s32 $0xA0, s0;
	vm2 =	vlt.u32 v15, $0x40000000;
	v12 =	vand.u32 $0xFFFFFFF0, v22;
	v16 =	vld [tilespmem:s22+$0xFFFFFFE0]  }
0x2c6: {  	s0 =	sand.u32 $0x1FFE0, s0;
	v12 =	vor.u32 v5, v12;
	[tilespmem:v18+s14+$0x0] =	vst.idx.add.f32.msk vm3, v17  }
0x2c7: {  	v17 =	vld [tilespmem:s0+$0x80];
	_ =	sdelay $0x1  }
0x2c8: {  	[tilespmem:v14+s14+$0x0] =	vst.idx.add.f32.msk vm1, v19  }
0x2c9: {  	v14 =	vld [tilespmem:s22+$0x40];
	v16 =	vsub.f32 v16, v6  }
0x2ca: {  	[tilespmem:v12+s14+$0x0] =	vst.idx.add.f32.msk vm2, v15;
	v12 =	vsub.f32 v20, v6  }
0x2cb: {  	v15 =	vld [tilespmem:s23+$0xFFFFFFE0];
	v16 =	vmul.f32 $1.442695020e+00, v16;
	v17 =	vsub.f32 v17, v6  }
0x2cc: {  	v12 =	vmul.f32 $1.442695020e+00, v12  }
0x2cd: {  	(erf) = vpow2.f32 v16;
	v16 =	vmul.f32 $1.442695020e+00, v17  }
0x2ce: {  	(erf) = vpow2.f32 v12  }
0x2cf: {  	v12 =	vsub.f32 v14, v6;
	(erf) = vpow2.f32 v16  }
0x2d0: {  	v14 =	vsub.f32 v15, v6  }
0x2d1: {  	v12 =	vmul.f32 $1.442695020e+00, v12  }
0x2d2: {  	v14 =	vmul.f32 $1.442695020e+00, v14  }
0x2d3: {  	(erf) = vpow2.f32 v12  }
0x2d4: {  	(erf) = vpow2.f32 v14;
	_ =	sdelay $0x1  }
0x2d5: {  	v12 =	vpop (erf)  }
0x2d6: {  	v14 =	vshra.s32 v13, $0x10;
	v15 =	vpop (erf)  }
0x2d7: {  	vm1 =	vlt.u32 v13, $0x40000000;
	v14 =	vand.u32 $0xFFFFFFF0, v14;
	v16 =	vpop (erf)  }
0x2d8: {  	v14 =	vor.u32 v5, v14;
	v17 =	vshra.s32 v16, $0x10  }
0x2d9: {  	vm2 =	vlt.u32 v16, $0x40000000;
	v17 =	vand.u32 $0xFFFFFFF0, v17  }
0x2da: {  	v17 =	vor.u32 v5, v17  }
0x2db: {  	v18 =	vshra.s32 v12, $0x10;
	v19 =	vpop (erf)  }
0x2dc: {  	vm3 =	vlt.u32 v12, $0x40000000;
	v18 =	vand.u32 $0xFFFFFFF0, v18;
	v20 =	vpop (erf)  }
0x2dd: {  	v18 =	vor.u32 v5, v18;
	[tilespmem:v14+s14+$0x0] =	vst.idx.add.f32.msk vm1, v13;
	v22 =	vshra.s32 v20, $0x10  }
0x2de: {  	v14 =	vld [tilespmem:s20+$0xFFFFFFF0];
	vm1 =	vlt.u32 v20, $0x40000000;
	v13 =	vand.u32 $0xFFFFFFF0, v22  }
0x2df: {  	v13 =	vor.u32 v5, v13;
	[tilespmem:v17+s14+$0x0] =	vst.idx.add.f32.msk vm2, v16  }
0x2e0: {  	v16 =	vld [tilespmem:s23+$0x40];
	_ =	sdelay $0x1  }
0x2e1: {  	[tilespmem:v18+s14+$0x0] =	vst.idx.add.f32.msk vm3, v12  }
0x2e2: {  	v12 =	vld [tilespmem:s22+$0xFFFFFFF0]  }
0x2e3: {  	[tilespmem:v13+s14+$0x0] =	vst.idx.add.f32.msk vm1, v20;
	v13 =	vsub.f32 v14, v6  }
0x2e4: {  	v14 =	vld [tilespmem:s23+$0xFFFFFFF0];
	v16 =	vsub.f32 v16, v6  }
0x2e5: {  	v13 =	vmul.f32 $1.442695020e+00, v13  }
0x2e6: {  	vm13 =	vlt.u32 v8, $0x40000000;
	v16 =	vmul.f32 $1.442695020e+00, v16  }
0x2e7: {  	vm6 =	vlt.u32 v10, $0x40000000;
	vm7 =	vlt.u32 v19, $0x40000000;
	(erf) = vpow2.f32 v13  }
0x2e8: {  	v18 =	vshra.s32 v9, $0x10;
	v12 =	vsub.f32 v12, v6;
	(erf) = vpow2.f32 v16  }
0x2e9: {  	v18 =	vand.u32 $0xFFFFFFF0, v18;
	vm1 =	vlt.u32 v9, $0x40000000;
	v14 =	vsub.f32 v14, v6  }
0x2ea: {  	v22 =	vshra.s32 v19, $0x10;
	v18 =	vor.u32 v5, v18;
	v12 =	vmul.f32 $1.442695020e+00, v12  }
0x2eb: {  	vm3 =	vlt.u32 v11, $0x40000000;
	v22 =	vand.u32 $0xFFFFFFF0, v22;
	v14 =	vmul.f32 $1.442695020e+00, v14  }
0x2ec: {  	v17 =	vshra.s32 v7, $0x10;
	vm2 =	vlt.u32 v7, $0x40000000;
	(erf) = vpow2.f32 v12  }
0x2ed: {  	v20 =	vshra.s32 v15, $0x10;
	v13 =	vand.u32 $0xFFFFFFF0, v17;
	(erf) = vpow2.f32 v14  }
0x2ee: {  	v20 =	vand.u32 $0xFFFFFFF0, v20;
	v17 =	vshra.s32 v11, $0x10;
	v13 =	vor.u32 v5, v13  }
0x2ef: {  	v17 =	vand.u32 $0xFFFFFFF0, v17;
	v16 =	vshra.s32 v8, $0x10;
	[tilespmem:v18+s14+$0x0] =	vst.idx.add.f32.msk vm1, v9;
	v9 =	vor.u32 v5, v22  }
0x2f0: {  	v18 =	vor.u32 v5, v20;
	v12 =	vor.u32 v5, v17;
	v16 =	vand.u32 $0xFFFFFFF0, v16;
	v23 =	vpop (erf)  }
0x2f1: {  	vm1 =	vlt.u32 v15, $0x40000000;
	v14 =	vor.u32 v5, v16;
	v16 =	vshra.s32 v10, $0x10;
	v24 =	vpop (erf)  }
0x2f2: {  	v17 =	vshra.s32 v21, $0x10;
	v16 =	vand.u32 $0xFFFFFFF0, v16;
	v20 =	vshra.s32 v24, $0x10  }
0x2f3: {  	v17 =	vand.u32 $0xFFFFFFF0, v17;
	[tilespmem:v13+s14+$0x0] =	vst.idx.add.f32.msk vm2, v7;
	v16 =	vor.u32 v5, v16;
	v13 =	vand.u32 $0xFFFFFFF0, v20  }
0x2f4: {  	vm5 =	vlt.u32 v21, $0x40000000;
	v17 =	vor.u32 v5, v17;
	v7 =	vshra.s32 v23, $0x10  }
0x2f5: {  	[tilespmem:v12+s14+$0x0] =	vst.idx.add.f32.msk vm3, v11;
	vm3 =	vlt.u32 v23, $0x40000000;
	v7 =	vand.u32 $0xFFFFFFF0, v7;
	vm2 =	vlt.u32 v24, $0x40000000;
	v12 =	vpop (erf)  }
0x2f6: {  	[tilespmem:v14+s14+$0x0] =	vst.idx.add.f32.msk vm13, v8;
	v7 =	vor.u32 v5, v7;
	v8 =	vshra.s32 v12, $0x10;
	v11 =	vor.u32 v5, v13;
	v13 =	vpop (erf)  }
0x2f7: {  	[tilespmem:v9+s14+$0x0] =	vst.idx.add.f32.msk vm7, v19;
	vm14 =	vlt.u32 v12, $0x40000000;
	v8 =	vand.u32 $0xFFFFFFF0, v8;
	v14 =	vshra.s32 v13, $0x10  }
0x2f8: {  	[tilespmem:v16+s14+$0x0] =	vst.idx.add.f32.msk vm6, v10;
	v8 =	vor.u32 v5, v8;
	vm15 =	vlt.u32 v13, $0x40000000;
	v10 =	vand.u32 $0xFFFFFFF0, v14  }
0x2f9: {  	[tilespmem:v18+s14+$0x0] =	vst.idx.add.f32.msk vm1, v15;
	v9 =	vor.u32 v5, v10  }
0x2fa: {  	[tilespmem:v17+s14+$0x0] =	vst.idx.add.f32.msk vm5, v21  }
0x2fb: {  	[tilespmem:v7+s14+$0x0] =	vst.idx.add.f32.msk vm3, v23  }
0x2fc: {  	[tilespmem:v11+s14+$0x0] =	vst.idx.add.f32.msk vm2, v24  }
0x2fd: {  	[tilespmem:v8+s14+$0x0] =	vst.idx.add.f32.msk vm14, v12  }
0x2fe: {  	s31 =	simm.s32 $0x18780;
	[tilespmem:v9+s14+$0x0] =	vst.idx.add.f32.msk vm15, v13  }
0x2ff: {  	v12 =	vld [tilespmem:s31+$0x0]  }
0x300: {  	v13 =	vld [tilespmem:s31+$0x10]  }
0x301: {  	v10 =	vld [tilespmem:s31+$0x20]  }
0x302: {  	v11 =	vld [tilespmem:s31+$0x30]  }
0x303: {  	v7 =	vld [tilespmem:s31+$0x40]  }
0x304: {  	v14 =	vld [tilespmem:s31+$0xFFFFFF80]  }
0x305: {  	v15 =	vld [tilespmem:s31+$0xFFFFFF90]  }
0x306: {  	v16 =	vld [tilespmem:s31+$0xFFFFFFA0]  }
0x307: {  	v17 =	vld [tilespmem:s31+$0xFFFFFFB0]  }
0x308: {  	v9 =	vld [tilespmem:s31+$0x50]  }
0x309: {  	p0 =	por $0x1, $0x1;
	v18 =	vld [tilespmem:s31+$0xFFFFFFC0]  }
.Ltmp11:
0x30a: {  	v8 =	vimm.f32 $0.0e+00;
	v21 =	vld [tilespmem:s31+$0xFFFFFFD0];
	(pc) =	sbr.rel @!p0 .LBB2_26-.Ltmp11, $4  }
0x30b: {  	v19 =	vld [tilespmem:s31+$0xFFFFFFE0];
	v14 =	vadd.f32 v14, v8;
	v15 =	vadd.f32 v15, v8  }
0x30c: {  	v22 =	vld [tilespmem:s31+$0xFFFFFFF0];
	v24 =	vadd.f32 v16, v8;
	v25 =	vadd.f32 v17, v8  }
0x30d: {  	v20 =	vld [tilespmem:s31+$0x60];
	v17 =	vimm.f32 $0.0e+00;
	v16 =	vimm.f32 $0.0e+00;
	v12 =	vadd.f32 v12, v14  }
0x30e: {  	s1 =	simm.s32 $0x18880;
	s0 =	simm.s32 $0x0;
	v23 =	vld [tilespmem:s31+$0x70];
	v13 =	vadd.f32 v13, v15;
	v14 =	vimm.f32 $0.0e+00;
	v15 =	vimm.f32 $0.0e+00  }
.LBB2_25:
0x30f: {  	v26 =	vld [tilespmem:s1+$0x0];
	v24 =	vadd.f32 v10, v24;
	v25 =	vadd.f32 v11, v25  }
0x310: {  	v14 =	vadd.f32 v18, v14;
	v17 =	vadd.f32 v21, v17;
	v27 =	vld [tilespmem:s1+$0x10]  }
0x311: {  	v15 =	vadd.f32 v19, v15;
	v10 =	vld [tilespmem:s1+$0x20];
	v16 =	vadd.f32 v22, v16  }
0x312: {  	v14 =	vadd.f32 v7, v14;
	v17 =	vadd.f32 v9, v17;
	v11 =	vld [tilespmem:s1+$0x30]  }
0x313: {  	v15 =	vadd.f32 v20, v15;
	v7 =	vld [tilespmem:s1+$0x40];
	v16 =	vadd.f32 v23, v16  }
0x314: {  	v9 =	vld [tilespmem:s1+$0x50]  }
0x315: {  	v20 =	vld [tilespmem:s1+$0xFFFFFF80]  }
0x316: {  	v22 =	vld [tilespmem:s1+$0xFFFFFF90]  }
0x317: {  	v23 =	vld [tilespmem:s1+$0xFFFFFFA0]  }
0x318: {  	s0 =	sadd.s32 $0x10, s0;
	v28 =	vld [tilespmem:s1+$0xFFFFFFB0]  }
0x319: {  	p0 =	slt.u32 s0, $0x3F0;
	v18 =	vld [tilespmem:s1+$0xFFFFFFC0]  }
.Ltmp12:
0x31a: {  	v21 =	vld [tilespmem:s1+$0xFFFFFFD0];
	(pc) =	sbr.rel @p0 .LBB2_25-.Ltmp12, $4  }
0x31b: {  	v19 =	vld [tilespmem:s1+$0xFFFFFFE0]  }
0x31c: {  	v12 =	vadd.f32 v20, v12;
	v13 =	vadd.f32 v22, v13;
	v22 =	vld [tilespmem:s1+$0xFFFFFFF0]  }
0x31d: {  	v24 =	vadd.f32 v23, v24;
	v25 =	vadd.f32 v28, v25;
	v20 =	vld [tilespmem:s1+$0x60]  }
0x31e: {  	v12 =	vadd.f32 v26, v12;
	v13 =	vadd.f32 v27, v13;
	v23 =	vld [tilespmem:s1+$0x70];
	s1 =	sadd.s32 $0x100, s1  }
.LBB2_26:
0x31f: {  	s0 =	simm.s32 $0x1C6F0  }
0x320: {  	v26 =	vld [tilespmem:s0+$0xFFFFFFD0]  }
0x321: {  	v27 =	vld [tilespmem:s0+$0xFFFFFFE0]  }
0x322: {  	v28 =	vld [tilespmem:s0+$0xFFFFFF90]  }
0x323: {  	v29 =	vld [tilespmem:s0+$0xFFFFFF10]  }
0x324: {  	v59 =	vld [tilespmem:s0+$0xFFFFFF20]  }
0x325: {  	v14 =	vadd.f32 v18, v14;
	v18 =	vld [tilespmem:s0+$0xFFFFFF30]  }
0x326: {  	v15 =	vadd.f32 v19, v15;
	v19 =	vld [tilespmem:s0+$0xFFFFFF40]  }
0x327: {  	v12 =	vadd.f32 v13, v12;
	v13 =	vld [tilespmem:s0+$0xFFFFFF80]  }
0x328: {  	v17 =	vadd.f32 v21, v17;
	s29 =	simm.s32 $0x1C5F0;
	v21 =	vld [tilespmem:s0+$0x0]  }
0x329: {  	v10 =	vadd.f32 v10, v24;
	v11 =	vadd.f32 v11, v25;
	v60 =	vld [tilespmem:s29+$0xFFFFFFC0]  }
0x32a: {  	v16 =	vadd.f32 v22, v16;
	v7 =	vadd.f32 v7, v14;
	v14 =	vld [tilespmem:s0+$0xFFFFFF50]  }
0x32b: {  	v9 =	vadd.f32 v9, v17;
	v17 =	vld [tilespmem:s0+$0xFFFFFF60];
	v10 =	vadd.f32 v11, v10  }
0x32c: {  	v11 =	vld [tilespmem:s0+$0xFFFFFF70];
	v15 =	vadd.f32 v20, v15;
	v16 =	vadd.f32 v23, v16  }
0x32d: {  	v22 =	vld [tilespmem:s29+$0xFFFFFFD0];
	v7 =	vadd.f32 v9, v7  }
0x32e: {  	v10 =	vadd.f32 v10, v12;
	v12 =	vld [tilespmem:s0+$0xFFFFFFC0];
	v9 =	vadd.f32 v16, v15  }
0x32f: {  	v15 =	vld [tilespmem:s0+$0xFFFFFFA0];
	v16 =	vadd.f32 $0.0e+00, v29;
	v20 =	vadd.f32 $0.0e+00, v59  }
0x330: {  	v18 =	vadd.f32 $0.0e+00, v18;
	v7 =	vadd.f32 v9, v7;
	v9 =	vld [tilespmem:s0+$0xFFFFFFB0]  }
0x331: {  	v23 =	vld [tilespmem:s29+$0xFFFFFFB0];
	v19 =	vadd.f32 $0.0e+00, v19;
	v14 =	vadd.f32 v14, v16  }
0x332: {  	v16 =	vadd.f32 v17, v20;
	v7 =	vadd.f32 v7, v10;
	v10 =	vld [tilespmem:s0+$0xFFFFFFF0]  }
0x333: {  	v11 =	vadd.f32 v11, v18;
	v13 =	vadd.f32 v13, v19;
	v18 =	vld [tilespmem:s29+$0xFFFFFF90]  }
0x334: {  	v19 =	vld [tilespmem:s29+$0xFFFFFF30];
	v14 =	vadd.f32 v28, v14;
	v15 =	vadd.f32 v15, v16  }
0x335: {  	v16 =	vld [tilespmem:s29+$0xFFFFFF10];
	v9 =	vadd.f32 v9, v11;
	v11 =	vadd.f32 v12, v13  }
0x336: {  	v14 =	vadd.f32 v26, v14;
	v12 =	vld [tilespmem:s29+$0xFFFFFF20];
	v13 =	vperm.xlane v7, v0;
	v15 =	vadd.f32 v27, v15  }
0x337: {  	v9 =	vadd.f32 v10, v9;
	v10 =	vadd.f32 v21, v11;
	v11 =	vld [tilespmem:s29+$0xFFFFFF40]  }
0x338: {  	v7 =	vadd.f32 v13, v7;
	v13 =	vld [tilespmem:s29+$0xFFFFFF50]  }
0x339: {  	v14 =	vadd.f32 v15, v14;
	v15 =	vld [tilespmem:s29+$0xFFFFFF70];
	v9 =	vadd.f32 v10, v9  }
0x33a: {  	v10 =	vld [tilespmem:s29+$0xFFFFFF60]  }
0x33b: {  	v19 =	vadd.f32 $0.0e+00, v19;
	v20 =	vperm.xlane v7, v1;
	v9 =	vadd.f32 v9, v14;
	v14 =	vld [tilespmem:s29+$0xFFFFFF80]  }
0x33c: {  	v21 =	vld [tilespmem:s29+$0xFFFFFFA0];
	v16 =	vadd.f32 $0.0e+00, v16;
	v12 =	vadd.f32 $0.0e+00, v12  }
0x33d: {  	v17 =	vld [tilespmem:s29+$0xFFFFFFE0];
	v7 =	vadd.f32 v20, v7;
	v11 =	vadd.f32 $0.0e+00, v11;
	v20 =	vperm.xlane v9, v0  }
0x33e: {  	v13 =	vadd.f32 v13, v16;
	v16 =	vld [tilespmem:s29+$0x0];
	v15 =	vadd.f32 v15, v19  }
0x33f: {  	s30 =	simm.s32 $0x1C4F0;
	v10 =	vadd.f32 v10, v12;
	v9 =	vadd.f32 v9, v20;
	v20 =	vld [tilespmem:s29+$0xFFFFFFF0]  }
0x340: {  	v61 =	vld [tilespmem:s30+$0xFFFFFFA0];
	v13 =	vadd.f32 v18, v13;
	v11 =	vadd.f32 v14, v11  }
0x341: {  	v19 =	vld [tilespmem:s30+$0xFFFFFFD0];
	v15 =	vadd.f32 v23, v15;
	v10 =	vadd.f32 v21, v10;
	v12 =	vperm.xlane v9, v1  }
0x342: {  	v18 =	vld [tilespmem:s30+$0xFFFFFFE0];
	v13 =	vadd.f32 v22, v13;
	v11 =	vadd.f32 v60, v11  }
0x343: {  	v14 =	vld [tilespmem:s30+$0xFFFFFF90];
	v10 =	vadd.f32 v17, v10;
	v9 =	vadd.f32 v9, v12  }
0x344: {  	v21 =	vld [tilespmem:s30+$0xFFFFFF10];
	v12 =	vperm.xlane v7, v2;
	v15 =	vadd.f32 v20, v15;
	v11 =	vadd.f32 v16, v11  }
0x345: {  	v17 =	vld [tilespmem:s30+$0xFFFFFF20];
	v10 =	vadd.f32 v10, v13;
	v22 =	vperm.xlane v9, v2  }
0x346: {  	v16 =	vld [tilespmem:s30+$0xFFFFFF30];
	v7 =	vadd.f32 v12, v7;
	v11 =	vadd.f32 v11, v15  }
0x347: {  	v13 =	vld [tilespmem:s30+$0xFFFFFF50];
	v9 =	vadd.f32 v9, v22  }
0x348: {  	v20 =	vld [tilespmem:s30+$0xFFFFFF60];
	v22 =	vperm.xlane v7, v3;
	v10 =	vadd.f32 v11, v10  }
0x349: {  	v12 =	vld [tilespmem:s30+$0xFFFFFF40];
	v21 =	vadd.f32 $0.0e+00, v21;
	v15 =	vperm.xlane v9, v3  }
0x34a: {  	v23 =	vld [tilespmem:s30+$0xFFFFFF70];
	v17 =	vadd.f32 $0.0e+00, v17;
	v7 =	vadd.f32 v22, v7;
	v22 =	vperm.xlane v10, v0  }
0x34b: {  	v16 =	vadd.f32 $0.0e+00, v16;
	v9 =	vadd.f32 v9, v15;
	v15 =	vld [tilespmem:s30+$0xFFFFFF80]  }
0x34c: {  	v13 =	vadd.f32 v13, v21;
	v10 =	vadd.f32 v10, v22;
	v22 =	vld [tilespmem:s30+$0xFFFFFFC0]  }
0x34d: {  	v17 =	vadd.f32 v20, v17;
	v11 =	vadd.f32 v9, v8;
	v9 =	vld [tilespmem:s30+$0xFFFFFFB0]  }
0x34e: {  	v21 =	vld [tilespmem:s30+$0xFFFFFFF0];
	v12 =	vadd.f32 $0.0e+00, v12;
	v62 =	vadd.f32 v14, v13  }
0x34f: {  	s5 =	simm.s32 $0x1C3F0;
	v16 =	vadd.f32 v23, v16;
	v23 =	vld [tilespmem:s30+$0x0];
	v17 =	vadd.f32 v61, v17;
	v20 =	vperm.xlane v10, v1  }
0x350: {  	v13 =	vld [tilespmem:s5+$0xFFFFFFE0];
	v19 =	vadd.f32 v19, v62;
	v15 =	vadd.f32 v15, v12  }
0x351: {  	v14 =	vld [tilespmem:s5+$0xFFFFFF90];
	v18 =	vadd.f32 v18, v17;
	v10 =	vadd.f32 v10, v20  }
0x352: {  	v17 =	vld [tilespmem:s5+$0xFFFFFF30];
	v9 =	vadd.f32 v9, v16;
	v15 =	vadd.f32 v22, v15  }
0x353: {  	v7 =	vmul.f32 $9.800000190e-01, v7;
	v18 =	vadd.f32 v18, v19;
	v19 =	vld [tilespmem:s5+$0xFFFFFF50];
	v20 =	vperm.xlane v10, v2  }
0x354: {  	p0 =	por $0x0, $0x0;
	vm2 =	vmmov vm0;
	v22 =	vld [tilespmem:s5+$0xFFFFFF10];
	v9 =	vadd.f32 v21, v9;
	v15 =	vadd.f32 v23, v15  }
0x355: {  	vm2 =	vmneg @p0 vm2;
	vm3 =	vgt.f32 v11, v7;
	v16 =	vld [tilespmem:s5+$0xFFFFFF20];
	v10 =	vadd.f32 v10, v20  }
0x356: {  	vm1 =	vmneg vm0;
	v12 =	vld [tilespmem:s5+$0xFFFFFFD0];
	vm2 =	vmor vm2, vm3;
	v15 =	vadd.f32 v15, v9  }
0x357: {  	v63 =	vimm.s32 $0x0;
	s31 =	simm.s32 $0x3F;
	vm3 =	vmand vm2, vm1;
	v20 =	vld [tilespmem:s5+$0xFFFFFF40];
	v23 =	vperm.xlane v10, v3  }
0x358: {  	s1 =	simm.s32 $0x3E;
	v21 =	vld [tilespmem:s5+$0xFFFFFF60];
	v9 =	vsel vm3, v8, v8;
	v8 =	vsel vm3, s31, v63;
	v15 =	vadd.f32 v15, v18  }
0x359: {  	s20 =	simm.s32 $0x3D;
	s19 =	simm.s32 $0x3C;
	s8 =	simm.s32 $0x3B;
	vm3 =	vmmov vm0;
	v18 =	vadd.f32 v10, v23;
	v23 =	vadd.f32 $0.0e+00, v22;
	v22 =	vld [tilespmem:s5+$0xFFFFFF70];
	v10 =	vmovc v11  }
.LBB2_27:
0x35a: {  	v16 =	vadd.f32 $0.0e+00, v16  }
0x35b: {  	p0 =	sne.s32 s8, $0x0;
	v24 =	vld [tilespmem:s5+$0xFFFFFF80];
	v25 =	vperm.xlane v15, v0;
	v11 =	vadd.f32 v18, v11;
	p1 =	seq.s32 s1, $0x0;
	vm4 =	vmmov vm0  }
0x35c: {  	v17 =	vadd.f32 $0.0e+00, v17;
	v18 =	vadd.f32 $0.0e+00, v20;
	v20 =	vld [tilespmem:s5+$0xFFFFFFA0];
	vm4 =	vmneg @p1 vm4  }
0x35d: {  	vm3 =	vmor vm3, vm2;
	v26 =	vld [tilespmem:s5+$0xFFFFFFB0];
	v15 =	vadd.f32 v15, v25;
	vm5 =	vgt.f32 v11, v7  }
0x35e: {  	vm6 =	vmneg vm3;
	v19 =	vadd.f32 v19, v23;
	v23 =	vld [tilespmem:s5+$0xFFFFFFC0];
	vm2 =	vmor vm4, vm5  }
0x35f: {  	v16 =	vadd.f32 v21, v16;
	v21 =	vld [tilespmem:s5+$0xFFFFFFF0];
	v25 =	vperm.xlane v15, v1;
	vm4 =	vmand vm2, vm6  }
0x360: {  	v17 =	vadd.f32 v22, v17;
	v18 =	vadd.f32 v24, v18;
	v22 =	vld [tilespmem:s5+$0x0];
	s5 =	sadd.s32 $0xFFFFFF00, s5;
	v9 =	vsel vm4, v10, v9;
	v10 =	vmovc v11  }
0x361: {  	v19 =	vadd.f32 v14, v19;
	v8 =	vsel vm4, s1, v8;
	s1 =	smov.u32 s20;
	s20 =	smov.u32 s19;
	s19 =	smov.u32 s8;
	v24 =	vld [tilespmem:s5+$0xFFFFFFD0];
	v15 =	vadd.f32 v15, v25  }
0x362: {  	v16 =	vadd.f32 v20, v16;
	v25 =	vld [tilespmem:s5+$0xFFFFFFE0];
	v17 =	vadd.f32 v26, v17  }
0x363: {  	v19 =	vadd.f32 v12, v19;
	v14 =	vld [tilespmem:s5+$0xFFFFFF90];
	v18 =	vadd.f32 v23, v18;
	v20 =	vperm.xlane v15, v2  }
0x364: {  	v26 =	vadd.f32 v13, v16;
	v23 =	vld [tilespmem:s5+$0xFFFFFF10];
	v21 =	vadd.f32 v21, v17  }
0x365: {  	v16 =	vld [tilespmem:s5+$0xFFFFFF20];
	v18 =	vadd.f32 v22, v18;
	v22 =	vadd.f32 v15, v20  }
.Ltmp13:
0x366: {  	v17 =	vld [tilespmem:s5+$0xFFFFFF30];
	v12 =	vmov v24;
	(pc) =	sbr.rel @p0 .LBB2_27-.Ltmp13, $4  }
0x367: {  	v15 =	vadd.f32 v26, v19;
	v20 =	vld [tilespmem:s5+$0xFFFFFF40];
	v18 =	vadd.f32 v18, v21;
	v24 =	vperm.xlane v22, v3;
	v13 =	vmovc v25  }
0x368: {  	v19 =	vld [tilespmem:s5+$0xFFFFFF50]  }
0x369: {  	v21 =	vld [tilespmem:s5+$0xFFFFFF60];
	v15 =	vadd.f32 v18, v15;
	v18 =	vadd.f32 v22, v24  }
0x36a: {  	s8 =	sadd.s32 $0xFFFFFFFF, s8;
	v23 =	vadd.f32 $0.0e+00, v23;
	v22 =	vld [tilespmem:s5+$0xFFFFFF70]  }
0x36b: {  	v24 =	vld [tilespmem:s5+$0xFFFFFF80]  }
0x36c: {  	v25 =	vld [tilespmem:s5+$0xFFFFFFA0]  }
0x36d: {  	v26 =	vld [tilespmem:s5+$0xFFFFFFB0]  }
0x36e: {  	v16 =	vadd.f32 $0.0e+00, v16;
	v27 =	vld [tilespmem:s5+$0xFFFFFFC0]  }
0x36f: {  	v17 =	vadd.f32 $0.0e+00, v17;
	v28 =	vld [tilespmem:s5+$0xFFFFFFF0];
	v20 =	vadd.f32 $0.0e+00, v20  }
0x370: {  	v63 =	vld [tilespmem:s5+$0x0];
	v19 =	vadd.f32 v19, v23;
	v16 =	vadd.f32 v21, v16  }
0x371: {  	v17 =	vadd.f32 v22, v17;
	v20 =	vadd.f32 v24, v20  }
0x372: {  	v14 =	vadd.f32 v14, v19;
	v16 =	vadd.f32 v25, v16  }
0x373: {  	v17 =	vadd.f32 v26, v17;
	v19 =	vadd.f32 v27, v20  }
0x374: {  	v12 =	vadd.f32 v12, v14;
	v13 =	vadd.f32 v13, v16  }
0x375: {  	v14 =	vadd.f32 v28, v17;
	v16 =	vadd.f32 v63, v19;
	_ =	sdelay $0x1  }
0x376: {  	v12 =	vadd.f32 v13, v12;
	v13 =	vadd.f32 v16, v14;
	_ =	sdelay $0x1  }
0x377: {  	v14 =	vperm.xlane v15, v0;
	v12 =	vadd.f32 v13, v12;
	_ =	sdelay $0x1  }
0x378: {  	v13 =	vadd.f32 v15, v14;
	v14 =	vperm.xlane v12, v0;
	_ =	sdelay $0x1  }
0x379: {  	v15 =	vperm.xlane v13, v1;
	v12 =	vadd.f32 v12, v14;
	_ =	sdelay $0x1  }
0x37a: {  	v13 =	vadd.f32 v13, v15;
	v14 =	vperm.xlane v12, v1;
	_ =	sdelay $0x1  }
0x37b: {  	v15 =	vperm.xlane v13, v2;
	v12 =	vadd.f32 v12, v14;
	_ =	sdelay $0x1  }
0x37c: {  	v13 =	vadd.f32 v13, v15;
	v14 =	vperm.xlane v12, v2  }
0x37d: {  	v11 =	vadd.f32 v18, v11  }
0x37e: {  	p0 =	seq.s32 s1, $0x0;
	vm4 =	vmmov vm0;
	v15 =	vperm.xlane v13, v3;
	v12 =	vadd.f32 v12, v14  }
0x37f: {  	vm2 =	vmor vm3, vm2;
	vm4 =	vmneg @p0 vm4  }
0x380: {  	vm5 =	vgt.f32 v11, v7;
	v13 =	vadd.f32 v13, v15;
	v14 =	vperm.xlane v12, v3  }
0x381: {  	vm3 =	vmneg vm2;
	vm4 =	vmor vm4, vm5  }
0x382: {  	p0 =	seq.s32 s20, $0x0;
	vm5 =	vmmov vm0;
	v13 =	vadd.f32 v13, v11;
	v12 =	vadd.f32 v12, v14  }
0x383: {  	vm5 =	vmneg @p0 vm5;
	vm7 =	vmor vm2, vm4;
	vm3 =	vmand vm4, vm3  }
0x384: {  	p0 =	seq.s32 s19, $0x0;
	vm4 =	vmmov vm0;
	vm6 =	vgt.f32 v13, v7;
	v12 =	vadd.f32 v12, v13  }
0x385: {  	vm2 =	vmneg vm7;
	vm4 =	vmneg @p0 vm4;
	vm5 =	vmor vm5, vm6  }
0x386: {  	vm2 =	vmand vm5, vm2;
	vm5 =	vmor vm7, vm5;
	vm6 =	vgt.f32 v12, v7  }
0x387: {  	v8 =	vsel vm3, s1, v8;
	vm5 =	vmneg vm5;
	vm4 =	vmor vm4, vm6  }
0x388: {  	v8 =	vsel vm2, s20, v8;
	vm4 =	vmand vm4, vm5  }
0x389: {  	v8 =	vsel vm4, s19, v8  }
0x38a: {  	(v2sf) =	vpush v8, $0x0;
	_ =	sdelay $0xe  }
0x38b: {  	s0 =	spop (v2sf)  }
0x38c: {  	s0 =	sshll.u32 s0, $0xA  }
0x38d: {  	s23 =	simm.s32 $0xF0;
	s0 =	sshra.s32 s0, $0x2  }
0x38e: {  	s24 =	sand.u32 $0x80, s23;
	s21 =	sadd.s32 $0x18700, s0  }
0x38f: {  	s1 =	sand.u32 $0x70, s23;
	s0 =	sadd.s32 s24, s21  }
0x390: {  	s0 =	sadd.s32 s1, s0  }
0x391: {  	v12 =	vld [tilespmem:s0+$0x0];
	_ =	sdelay $0x1  }
0x392: {  	s25 =	simm.s32 $0xE0  }
0x393: {  	s26 =	sand.u32 $0x80, s25  }
0x394: {  	s1 =	sadd.s32 s26, s21;
	s0 =	sand.u32 $0x70, s25  }
0x395: {  	s0 =	sadd.s32 s0, s1;
	v14 =	vperm.xlane v12, v0  }
0x396: {  	v15 =	vld [tilespmem:s0+$0x0]  }
0x397: {  	v12 =	vadd.f32 v14, v12;
	_ =	sdelay $0x1  }
0x398: {  	s28 =	simm.s32 $0xD0;
	v14 =	vperm.xlane v12, v1  }
0x399: {  	s29 =	sand.u32 $0x80, s28  }
0x39a: {  	s1 =	sadd.s32 s29, s21;
	s0 =	sand.u32 $0x70, s28;
	v12 =	vadd.f32 v14, v12;
	v14 =	vperm.xlane v15, v0  }
0x39b: {  	s0 =	sadd.s32 s0, s1  }
0x39c: {  	v17 =	vld [tilespmem:s0+$0x0];
	v16 =	vperm.xlane v12, v2;
	v14 =	vadd.f32 v14, v15;
	_ =	sdelay $0x1  }
0x39d: {  	v12 =	vadd.f32 v16, v12;
	v15 =	vperm.xlane v14, v1;
	_ =	sdelay $0x1  }
0x39e: {  	s30 =	simm.s32 $0xC0;
	v9 =	vsel vm3, v10, v9;
	v16 =	vperm.xlane v12, v3;
	v14 =	vadd.f32 v15, v14  }
0x39f: {  	s31 =	sand.u32 $0x80, s30;
	v9 =	vsel vm2, v11, v9;
	v11 =	vperm.xlane v17, v0  }
0x3a0: {  	v10 =	vsel vm4, v13, v9;
	s1 =	sadd.s32 s31, s21;
	s0 =	sand.u32 $0x70, s30;
	v12 =	vadd.f32 v16, v12;
	v13 =	vperm.xlane v14, v2  }
0x3a1: {  	s7 =	sadd.s32 s0, s1;
	v15 =	vadd.f32 v11, v17  }
0x3a2: {  	p0 =	por $0x0, $0x0;
	vm2 =	vmmov vm0;
	v9 =	vadd.f32 v12, v10;
	v13 =	vadd.f32 v13, v14;
	v14 =	vld [tilespmem:s7+$0x0]  }
0x3a3: {  	vm2 =	vmneg @p0 vm2  }
0x3a4: {  	s8 =	simm.s32 $0xF;
	s5 =	simm.s32 $0xC;
	v11 =	vimm.s32 $0x0;
	v17 =	vperm.xlane v15, v1;
	vm3 =	vgt.f32 v9, v7  }
0x3a5: {  	s20 =	simm.s32 $0xD;
	s19 =	simm.s32 $0xE;
	s0 =	simm.s32 $0xB0;
	v12 =	vimm.f32 $0.0e+00;
	v16 =	vperm.xlane v13, v3;
	vm2 =	vmor vm2, vm3  }
0x3a6: {  	s1 =	simm.s32 $0xB;
	s15 =	sand.u32 $0x80, s0;
	s7 =	simm.s32 $0xA;
	v15 =	vadd.f32 v17, v15;
	vm3 =	vmmov vm0;
	vm4 =	vmand vm2, vm1  }
.LBB2_29:
0x3a7: {  	p0 =	sne.s32 s7, $0x0;
	s22 =	sand.u32 $0x70, s0;
	s15 =	sadd.s32 s15, s21;
	v17 =	vperm.xlane v14, v0;
	v13 =	vadd.f32 v16, v13;
	v12 =	vsel vm4, v10, v12;
	v10 =	vmovc v9  }
0x3a8: {  	v11 =	vsel vm4, s8, v11;
	s8 =	smov.u32 s19;
	s19 =	smov.u32 s20;
	s15 =	sadd.s32 s22, s15;
	v16 =	vperm.xlane v15, v2  }
.Ltmp14:
0x3a9: {  	s20 =	smov.u32 s5;
	vm4 =	vmmov vm0;
	p1 =	seq.s32 s8, $0x0;
	v17 =	vadd.f32 v17, v14;
	v14 =	vld [tilespmem:s15+$0x0];
	v9 =	vadd.f32 v13, v9;
	(pc) =	sbr.rel @p0 .LBB2_29-.Ltmp14, $4  }
0x3aa: {  	s5 =	smov.u32 s1;
	s1 =	smov.u32 s7;
	vm4 =	vmneg @p1 vm4;
	v13 =	vadd.f32 v16, v15  }
0x3ab: {  	vm3 =	vmor vm3, vm2;
	v15 =	vperm.xlane v17, v1;
	vm5 =	vgt.f32 v9, v7  }
0x3ac: {  	s0 =	sadd.s32 $0xFFFFFFF0, s0;
	vm6 =	vmneg vm3;
	v16 =	vperm.xlane v13, v3;
	vm2 =	vmor vm4, vm5  }
0x3ad: {  	s7 =	sadd.s32 $0xFFFFFFFF, s7;
	s15 =	sand.u32 $0x80, s0;
	v15 =	vadd.f32 v15, v17;
	vm4 =	vmand vm2, vm6  }
0x3ae: {  	s0 =	sand.u32 $0x70, s0;
	s7 =	sadd.s32 s15, s21  }
0x3af: {  	s0 =	sadd.s32 s0, s7  }
0x3b0: {  	v17 =	vld [tilespmem:s0+$0x0];
	_ =	sdelay $0x2  }
0x3b1: {  	v18 =	vperm.xlane v14, v0;
	_ =	sdelay $0x1  }
0x3b2: {  	v14 =	vadd.f32 v18, v14;
	v55 =	vperm.xlane v17, v0  }
0x3b3: {  	v13 =	vadd.f32 v16, v13;
	v10 =	vsel vm4, v10, v12  }
0x3b4: {  	v19 =	vperm.xlane v15, v2;
	v56 =	vperm.xlane v14, v1;
	v17 =	vadd.f32 v55, v17  }
0x3b5: {  	v11 =	vsel vm4, s8, v11;
	vm4 =	vmmov vm0;
	v13 =	vadd.f32 v13, v9  }
0x3b6: {  	p0 =	seq.s32 s19, $0x0;
	v15 =	vadd.f32 v19, v15;
	v14 =	vadd.f32 v56, v14;
	v57 =	vperm.xlane v17, v1  }
0x3b7: {  	vm2 =	vmor vm3, vm2;
	vm4 =	vmneg @p0 vm4;
	vm3 =	vgt.f32 v13, v7  }
0x3b8: {  	s21 =	simm.s32 $0x18780;
	v58 =	vperm.xlane v15, v3;
	v60 =	vperm.xlane v14, v2;
	v59 =	vadd.f32 v57, v17  }
0x3b9: {  	vm5 =	vmneg vm2;
	[tilespmem:s21+$0xFFFFFF80] =	vst v4;
	vm3 =	vmor vm4, vm3  }
0x3ba: {  	[tilespmem:s21+$0x70] =	vst v4;
	v12 =	vadd.f32 v58, v15;
	v14 =	vadd.f32 v60, v14;
	v61 =	vperm.xlane v59, v2  }
0x3bb: {  	[tilespmem:s21+$0x60] =	vst v4;
	vm4 =	vmmov vm0;
	vm5 =	vmand vm3, vm5;
	vm2 =	vmor vm2, vm3  }
0x3bc: {  	p0 =	seq.s32 s20, $0x0;
	[tilespmem:s21+$0x50] =	vst v4;
	v12 =	vadd.f32 v12, v13;
	v17 =	vperm.xlane v14, v3;
	v15 =	vadd.f32 v61, v59  }
0x3bd: {  	[tilespmem:s21+$0x40] =	vst v4;
	vm4 =	vmneg @p0 vm4;
	v9 =	vsel vm5, v9, v10;
	vm3 =	vmneg vm2  }
0x3be: {  	[tilespmem:s21+$0x30] =	vst v4;
	vm6 =	vgt.f32 v12, v7;
	v14 =	vadd.f32 v17, v14;
	v16 =	vperm.xlane v15, v3  }
0x3bf: {  	[tilespmem:s21+$0x20] =	vst v4;
	v11 =	vsel vm5, s19, v11;
	vm5 =	vmmov vm0;
	vm4 =	vmor vm4, vm6  }
0x3c0: {  	[tilespmem:s21+$0x10] =	vst v4;
	p0 =	seq.s32 s5, $0x0;
	vm6 =	vmmov vm0;
	v10 =	vadd.f32 v14, v12;
	v62 =	vadd.f32 v16, v15  }
0x3c1: {  	[tilespmem:s21+$0x0] =	vst v4;
	vm3 =	vmand vm4, vm3;
	vm6 =	vmneg @p0 vm6;
	vm2 =	vmor vm2, vm4  }
0x3c2: {  	[tilespmem:s21+$0xFFFFFFF0] =	vst v4;
	v9 =	vsel vm3, v13, v9;
	vm12 =	vgt.f32 v10, v7;
	v63 =	vadd.f32 v62, v10  }
0x3c3: {  	[tilespmem:s21+$0xFFFFFFE0] =	vst v4;
	p0 =	seq.s32 s1, $0x0;
	v11 =	vsel vm3, s20, v11;
	vm3 =	vmneg vm2;
	vm13 =	vmor vm6, vm12  }
0x3c4: {  	[tilespmem:s21+$0xFFFFFFD0] =	vst v4;
	vm5 =	vmneg @p0 vm5;
	vm2 =	vmor vm2, vm13;
	vm14 =	vgt.f32 v63, v7  }
0x3c5: {  	[tilespmem:s21+$0xFFFFFFC0] =	vst v4;
	vm3 =	vmand vm13, vm3;
	vm2 =	vmneg vm2;
	vm15 =	vmor vm5, vm14  }
0x3c6: {  	[tilespmem:s21+$0xFFFFFFB0] =	vst v4;
	v9 =	vsel vm3, v12, v9;
	v11 =	vsel vm3, s5, v11;
	vm2 =	vmand vm15, vm2  }
0x3c7: {  	s0 =	simm.s32 $0x0;
	[tilespmem:s21+$0xFFFFFFA0] =	vst v4;
	v9 =	vsel vm2, v10, v9;
	v10 =	vsel vm2, s1, v11  }
.LBB2_31:
0x3c8: {  	s0 =	sadd.s32 $0x10, s0;
	[tilespmem:s21+$0xFFFFFF90] =	vst v4;
	s21 =	sadd.s32 $0x100, s21  }
0x3c9: {  	[tilespmem:s21+$0xFFFFFF80] =	vst v4;
	p0 =	slt.u32 s0, $0x3F0  }
0x3ca: {  	[tilespmem:s21+$0x70] =	vst v4  }
0x3cb: {  	[tilespmem:s21+$0x60] =	vst v4  }
0x3cc: {  	[tilespmem:s21+$0x50] =	vst v4  }
0x3cd: {  	[tilespmem:s21+$0x40] =	vst v4  }
0x3ce: {  	[tilespmem:s21+$0x30] =	vst v4  }
0x3cf: {  	[tilespmem:s21+$0x20] =	vst v4  }
0x3d0: {  	[tilespmem:s21+$0x10] =	vst v4  }
0x3d1: {  	[tilespmem:s21+$0x0] =	vst v4  }
0x3d2: {  	[tilespmem:s21+$0xFFFFFFF0] =	vst v4  }
.Ltmp15:
0x3d3: {  	[tilespmem:s21+$0xFFFFFFE0] =	vst v4;
	(pc) =	sbr.rel @p0 .LBB2_31-.Ltmp15, $4  }
0x3d4: {  	[tilespmem:s21+$0xFFFFFFD0] =	vst v4  }
0x3d5: {  	[tilespmem:s21+$0xFFFFFFC0] =	vst v4  }
0x3d6: {  	[tilespmem:s21+$0xFFFFFFB0] =	vst v4  }
0x3d7: {  	[tilespmem:s21+$0xFFFFFFA0] =	vst v4  }
0x3d8: {  	[tilespmem:s21+$0xFFFFFF90] =	vst v4;
	s22 =	simm.s32 $0x50  }
0x3d9: {  	v11 =	vld [tilespmem:s22+$0x0];
	_ =	sdelay $0x4  }
0x3da: {  	v11 =	vsub.f32 v11, v6;
	_ =	sdelay $0x1  }
0x3db: {  	v11 =	vmul.f32 $1.442695020e+00, v11;
	_ =	sdelay $0x1  }
0x3dc: {  	(erf) = vpow2.f32 v11;
	_ =	sdelay $0x5  }
0x3dd: {  	v10 =	vshll.u32 v10, $0x14  }
0x3de: {  	v11 =	vld [tilespmem:s22+$0xFFFFFFB0]  }
0x3df: {  	v8 =	vshll.u32 v8, $0x18  }
0x3e0: {  	v8 =	vadd.s32 v8, v10;
	v10 =	vpop (erf)  }
0x3e1: {  	v12 =	vsub.s32 v10, v8  }
0x3e2: {  	v13 =	vshra.s32 v12, $0x6  }
0x3e3: {  	v11 =	vsub.f32 v11, v6;
	vm2 =	vlt.u32 v12, $0x100000;
	v12 =	vand.u32 $0xFFFFFFF0, v13  }
0x3e4: {  	v12 =	vor.u32 v5, v12  }
0x3e5: {  	v11 =	vmul.f32 $1.442695020e+00, v11  }
0x3e6: {  	s23 =	simm.s32 $0xF0  }
0x3e7: {  	(erf) = vpow2.f32 v11;
	v11 =	vld [tilespmem:s23+$0x0];
	_ =	sdelay $0x1  }
0x3e8: {  	[tilespmem:v12+s14+$0x0] =	vst.idx.add.f32.msk vm2, v10  }
0x3e9: {  	v10 =	vld [tilespmem:s22+$0x10];
	_ =	sdelay $0x1  }
0x3ea: {  	v11 =	vsub.f32 v11, v6;
	_ =	sdelay $0x1  }
0x3eb: {  	v11 =	vmul.f32 $1.442695020e+00, v11  }
0x3ec: {  	v10 =	vsub.f32 v10, v6  }
0x3ed: {  	v13 =	vld [tilespmem:s23+$0xFFFFFFB0];
	v12 =	vpop (erf);
	(erf) = vpow2.f32 v11  }
0x3ee: {  	v11 =	vsub.s32 v12, v8;
	v10 =	vmul.f32 $1.442695020e+00, v10  }
0x3ef: {  	v14 =	vshra.s32 v11, $0x6  }
0x3f0: {  	vm2 =	vlt.u32 v11, $0x100000;
	(erf) = vpow2.f32 v10;
	v10 =	vand.u32 $0xFFFFFFF0, v14  }
0x3f1: {  	v10 =	vor.u32 v5, v10  }
0x3f2: {  	v11 =	vsub.f32 v13, v6;
	_ =	sdelay $0x1  }
0x3f3: {  	v11 =	vmul.f32 $1.442695020e+00, v11;
	_ =	sdelay $0x1  }
0x3f4: {  	(erf) = vpow2.f32 v11;
	[tilespmem:v10+s14+$0x0] =	vst.idx.add.f32.msk vm2, v12;
	v10 =	vpop (erf)  }
0x3f5: {  	v11 =	vld [tilespmem:s22+$0xFFFFFFC0];
	v12 =	vsub.s32 v10, v8  }
0x3f6: {  	v13 =	vshra.s32 v12, $0x6  }
0x3f7: {  	vm2 =	vlt.u32 v12, $0x100000;
	v12 =	vand.u32 $0xFFFFFFF0, v13  }
0x3f8: {  	v14 =	vpop (erf);
	v12 =	vor.u32 v5, v12  }
0x3f9: {  	v13 =	vsub.s32 v14, v8  }
0x3fa: {  	v15 =	vshra.s32 v13, $0x6;
	v11 =	vsub.f32 v11, v6  }
0x3fb: {  	vm3 =	vlt.u32 v13, $0x100000;
	v13 =	vand.u32 $0xFFFFFFF0, v15  }
0x3fc: {  	v13 =	vor.u32 v5, v13;
	v11 =	vmul.f32 $1.442695020e+00, v11  }
0x3fd: {  	s20 =	simm.s32 $0x190;
	[tilespmem:v12+s14+$0x0] =	vst.idx.add.f32.msk vm2, v10;
	v10 =	vpop (erf)  }
0x3fe: {  	v15 =	vld [tilespmem:s20+$0x0];
	(erf) = vpow2.f32 v11;
	v11 =	vsub.s32 v10, v8  }
0x3ff: {  	v16 =	vshra.s32 v11, $0x6  }
0x400: {  	v12 =	vld [tilespmem:s23+$0x10];
	vm2 =	vlt.u32 v11, $0x100000;
	v11 =	vand.u32 $0xFFFFFFF0, v16  }
0x401: {  	[tilespmem:v13+s14+$0x0] =	vst.idx.add.f32.msk vm3, v14;
	v11 =	vor.u32 v5, v11  }
0x402: {  	v13 =	vld [tilespmem:s22+$0x20]  }
0x403: {  	v14 =	vsub.f32 v15, v6;
	_ =	sdelay $0x1  }
0x404: {  	v14 =	vmul.f32 $1.442695020e+00, v14;
	v12 =	vsub.f32 v12, v6  }
0x405: {  	[tilespmem:v11+s14+$0x0] =	vst.idx.add.f32.msk vm2, v10  }
0x406: {  	(erf) = vpow2.f32 v14;
	v12 =	vmul.f32 $1.442695020e+00, v12;
	v13 =	vsub.f32 v13, v6;
	v11 =	vld [tilespmem:s23+$0xFFFFFFC0]  }
0x407: {  	v15 =	vld [tilespmem:s20+$0xFFFFFFB0];
	v10 =	vpop (erf)  }
0x408: {  	(erf) = vpow2.f32 v12;
	v12 =	vmul.f32 $1.442695020e+00, v13;
	v13 =	vsub.s32 v10, v8  }
0x409: {  	v14 =	vshra.s32 v13, $0x6  }
0x40a: {  	vm2 =	vlt.u32 v13, $0x100000;
	(erf) = vpow2.f32 v12;
	v12 =	vand.u32 $0xFFFFFFF0, v14  }
0x40b: {  	v12 =	vor.u32 v5, v12;
	v11 =	vsub.f32 v11, v6  }
0x40c: {  	v13 =	vsub.f32 v15, v6  }
0x40d: {  	v11 =	vmul.f32 $1.442695020e+00, v11  }
0x40e: {  	v13 =	vmul.f32 $1.442695020e+00, v13  }
0x40f: {  	v14 =	vpop (erf)  }
0x410: {  	(erf) = vpow2.f32 v13;
	v13 =	vsub.s32 v14, v8;
	[tilespmem:v12+s14+$0x0] =	vst.idx.add.f32.msk vm2, v10  }
0x411: {  	v10 =	vshra.s32 v13, $0x6;
	(erf) = vpow2.f32 v11;
	v12 =	vld [tilespmem:s22+$0xFFFFFFD0];
	v11 =	vpop (erf)  }
0x412: {  	vm2 =	vlt.u32 v13, $0x100000;
	v10 =	vand.u32 $0xFFFFFFF0, v10;
	v13 =	vsub.s32 v11, v8  }
0x413: {  	v10 =	vor.u32 v5, v10;
	v15 =	vshra.s32 v13, $0x6  }
0x414: {  	v16 =	vpop (erf);
	vm3 =	vlt.u32 v13, $0x100000;
	v13 =	vand.u32 $0xFFFFFFF0, v15  }
0x415: {  	v15 =	vsub.s32 v16, v8;
	v13 =	vor.u32 v5, v13  }
0x416: {  	s19 =	simm.s32 $0x230;
	v17 =	vshra.s32 v15, $0x6;
	v12 =	vsub.f32 v12, v6  }
0x417: {  	vm4 =	vlt.u32 v15, $0x100000;
	v15 =	vand.u32 $0xFFFFFFF0, v17;
	v17 =	vld [tilespmem:s19+$0x0]  }
0x418: {  	[tilespmem:v10+s14+$0x0] =	vst.idx.add.f32.msk vm2, v14  }
0x419: {  	v15 =	vor.u32 v5, v15;
	v14 =	vld [tilespmem:s20+$0x10]  }
0x41a: {  	v10 =	vmul.f32 $1.442695020e+00, v12;
	v12 =	vpop (erf);
	[tilespmem:v13+s14+$0x0] =	vst.idx.add.f32.msk vm3, v11  }
0x41b: {  	v18 =	vsub.s32 v12, v8;
	v13 =	vld [tilespmem:s23+$0x20]  }
0x41c: {  	(erf) = vpow2.f32 v10;
	v11 =	vpop (erf);
	v10 =	vshra.s32 v18, $0x6  }
0x41d: {  	s0 =	simm.s32 $0x0;
	v19 =	vsub.s32 v11, v8;
	vm2 =	vlt.u32 v18, $0x100000;
	v10 =	vand.u32 $0xFFFFFFF0, v10  }
0x41e: {  	s0 =	sand.u32 $0x1FFE0, s0;
	[tilespmem:v15+s14+$0x0] =	vst.idx.add.f32.msk vm4, v16;
	v15 =	vsub.f32 v17, v6;
	v16 =	vshra.s32 v19, $0x6;
	v10 =	vor.u32 v5, v10  }
0x41f: {  	v14 =	vsub.f32 v14, v6;
	vm3 =	vlt.u32 v19, $0x100000;
	v17 =	vld [tilespmem:s0+$0x80];
	v16 =	vand.u32 $0xFFFFFFF0, v16  }
0x420: {  	v15 =	vmul.f32 $1.442695020e+00, v15;
	v16 =	vor.u32 v5, v16;
	v13 =	vsub.f32 v13, v6  }
0x421: {  	v14 =	vmul.f32 $1.442695020e+00, v14  }
0x422: {  	(erf) = vpow2.f32 v15;
	v15 =	vld [tilespmem:s19+$0xFFFFFFB0];
	v13 =	vmul.f32 $1.442695020e+00, v13  }
0x423: {  	[tilespmem:v10+s14+$0x0] =	vst.idx.add.f32.msk vm2, v12  }
0x424: {  	(erf) = vpow2.f32 v14;
	v14 =	vsub.f32 v17, v6;
	v10 =	vld [tilespmem:s20+$0xFFFFFFC0]  }
0x425: {  	[tilespmem:v16+s14+$0x0] =	vst.idx.add.f32.msk vm3, v11  }
0x426: {  	(erf) = vpow2.f32 v13;
	v12 =	vmul.f32 $1.442695020e+00, v14;
	v14 =	vld [tilespmem:s23+$0xFFFFFFD0];
	v13 =	vpop (erf)  }
0x427: {  	v15 =	vsub.f32 v15, v6;
	v11 =	vsub.s32 v13, v8  }
0x428: {  	(erf) = vpow2.f32 v12;
	v12 =	vshra.s32 v11, $0x6  }
0x429: {  	vm2 =	vlt.u32 v11, $0x100000;
	v11 =	vand.u32 $0xFFFFFFF0, v12;
	v12 =	vmul.f32 $1.442695020e+00, v15  }
0x42a: {  	v10 =	vsub.f32 v10, v6  }
0x42b: {  	v15 =	vpop (erf);
	v14 =	vsub.f32 v14, v6;
	v11 =	vor.u32 v5, v11;
	(erf) = vpow2.f32 v12  }
0x42c: {  	v12 =	vsub.s32 v15, v8  }
0x42d: {  	v10 =	vmul.f32 $1.442695020e+00, v10;
	v17 =	vpop (erf);
	v14 =	vmul.f32 $1.442695020e+00, v14;
	v16 =	vshra.s32 v12, $0x6  }
0x42e: {  	vm3 =	vlt.u32 v12, $0x100000;
	v12 =	vand.u32 $0xFFFFFFF0, v16;
	v16 =	vsub.s32 v17, v8  }
0x42f: {  	(erf) = vpow2.f32 v10;
	v18 =	vpop (erf);
	v10 =	vor.u32 v5, v12;
	v12 =	vshra.s32 v16, $0x6  }
0x430: {  	[tilespmem:v11+s14+$0x0] =	vst.idx.add.f32.msk vm2, v13;
	vm2 =	vlt.u32 v16, $0x100000;
	v11 =	vand.u32 $0xFFFFFFF0, v12;
	v12 =	vsub.s32 v18, v8  }
0x431: {  	v19 =	vpop (erf);
	v11 =	vor.u32 v5, v11;
	v16 =	vshra.s32 v12, $0x6  }
0x432: {  	s21 =	simm.s32 $0x2D0;
	v13 =	vld [tilespmem:s22+$0xFFFFFFE0];
	vm4 =	vlt.u32 v12, $0x100000;
	v12 =	vand.u32 $0xFFFFFFF0, v16;
	v16 =	vsub.s32 v19, v8  }
0x433: {  	v20 =	vld [tilespmem:s21+$0x0];
	v12 =	vor.u32 v5, v12;
	v21 =	vshra.s32 v16, $0x6  }
0x434: {  	(erf) = vpow2.f32 v14;
	[tilespmem:v10+s14+$0x0] =	vst.idx.add.f32.msk vm3, v15;
	vm3 =	vlt.u32 v16, $0x100000;
	v10 =	vand.u32 $0xFFFFFFF0, v21;
	v14 =	vpop (erf)  }
0x435: {  	v15 =	vld [tilespmem:s19+$0x10];
	v10 =	vor.u32 v5, v10;
	v16 =	vsub.s32 v14, v8  }
0x436: {  	[tilespmem:v11+s14+$0x0] =	vst.idx.add.f32.msk vm2, v17;
	v11 =	vshra.s32 v16, $0x6  }
0x437: {  	s30 =	simm.s32 $0xA0;
	v13 =	vsub.f32 v13, v6;
	v17 =	vld [tilespmem:s20+$0x20];
	vm2 =	vlt.u32 v16, $0x100000;
	v11 =	vand.u32 $0xFFFFFFF0, v11  }
0x438: {  	s0 =	sand.u32 $0x1FFE0, s30;
	[tilespmem:v12+s14+$0x0] =	vst.idx.add.f32.msk vm4, v18;
	v11 =	vor.u32 v5, v11  }
0x439: {  	v21 =	vpop (erf);
	v13 =	vmul.f32 $1.442695020e+00, v13;
	v18 =	vld [tilespmem:s0+$0x80]  }
0x43a: {  	v16 =	vsub.f32 v20, v6;
	v12 =	vsub.s32 v21, v8;
	[tilespmem:v10+s14+$0x0] =	vst.idx.add.f32.msk vm3, v19  }
0x43b: {  	(erf) = vpow2.f32 v13;
	v13 =	vshra.s32 v12, $0x6;
	vm3 =	vlt.u32 v12, $0x100000;
	v12 =	vld [tilespmem:s21+$0xFFFFFFB0]  }
0x43c: {  	v15 =	vsub.f32 v15, v6;
	v10 =	vand.u32 $0xFFFFFFF0, v13;
	v13 =	vmul.f32 $1.442695020e+00, v16;
	v16 =	vld [tilespmem:s22+$0x40]  }
0x43d: {  	v10 =	vor.u32 v5, v10;
	[tilespmem:v11+s14+$0x0] =	vst.idx.add.f32.msk vm2, v14  }
0x43e: {  	v19 =	vpop (erf);
	(erf) = vpow2.f32 v13;
	v13 =	vmul.f32 $1.442695020e+00, v15;
	v15 =	vsub.f32 v17, v6;
	v11 =	vld [tilespmem:s19+$0xFFFFFFC0]  }
0x43f: {  	v17 =	vsub.s32 v19, v8;
	v14 =	vsub.f32 v18, v6  }
0x440: {  	vm2 =	vlt.u32 v17, $0x100000;
	(erf) = vpow2.f32 v13;
	v13 =	vmul.f32 $1.442695020e+00, v15  }
0x441: {  	v15 =	vshra.s32 v17, $0x6;
	v12 =	vsub.f32 v12, v6;
	v16 =	vsub.f32 v16, v6  }
0x442: {  	(erf) = vpow2.f32 v13;
	v13 =	vmul.f32 $1.442695020e+00, v14;
	v14 =	vand.u32 $0xFFFFFFF0, v15;
	[tilespmem:v10+s14+$0x0] =	vst.idx.add.f32.msk vm3, v21  }
0x443: {  	v12 =	vmul.f32 $1.442695020e+00, v12;
	v14 =	vor.u32 v5, v14;
	v15 =	vld [tilespmem:s20+$0xFFFFFFD0];
	v11 =	vsub.f32 v11, v6  }
0x444: {  	v10 =	vmul.f32 $1.442695020e+00, v16  }
0x445: {  	(erf) = vpow2.f32 v13;
	v16 =	vpop (erf);
	v11 =	vmul.f32 $1.442695020e+00, v11  }
0x446: {  	(erf) = vpow2.f32 v10;
	v13 =	vsub.s32 v16, v8  }
0x447: {  	(erf) = vpow2.f32 v12;
	v10 =	vshra.s32 v13, $0x6;
	vm3 =	vlt.u32 v13, $0x100000;
	v12 =	vpop (erf)  }
0x448: {  	v10 =	vand.u32 $0xFFFFFFF0, v10;
	v13 =	vsub.s32 v12, v8;
	[tilespmem:v14+s14+$0x0] =	vst.idx.add.f32.msk vm2, v19;
	v14 =	vsub.f32 v15, v6  }
0x449: {  	v10 =	vor.u32 v5, v10;
	v15 =	vshra.s32 v13, $0x6;
	(erf) = vpow2.f32 v11;
	v11 =	vpop (erf)  }
0x44a: {  	v17 =	vld [tilespmem:s23+$0xFFFFFFE0];
	vm2 =	vlt.u32 v13, $0x100000;
	v13 =	vand.u32 $0xFFFFFFF0, v15;
	v15 =	vsub.s32 v11, v8  }
0x44b: {  	v18 =	vshra.s32 v15, $0x6  }
0x44c: {  	v14 =	vmul.f32 $1.442695020e+00, v14;
	vm4 =	vlt.u32 v15, $0x100000;
	v15 =	vand.u32 $0xFFFFFFF0, v18  }
0x44d: {  	v13 =	vor.u32 v5, v13;
	v19 =	vpop (erf)  }
0x44e: {  	(erf) = vpow2.f32 v14;
	v18 =	vsub.s32 v19, v8  }
0x44f: {  	[tilespmem:v10+s14+$0x0] =	vst.idx.add.f32.msk vm3, v16;
	v17 =	vsub.f32 v17, v6;
	v10 =	vor.u32 v5, v15;
	v14 =	vshra.s32 v18, $0x6;
	v15 =	vpop (erf)  }
0x450: {  	v16 =	vld [tilespmem:s22+$0xFFFFFFF0];
	s22 =	simm.s32 $0x370;
	vm3 =	vlt.u32 v18, $0x100000;
	v14 =	vand.u32 $0xFFFFFFF0, v14;
	v18 =	vsub.s32 v15, v8  }
0x451: {  	v21 =	vld [tilespmem:s22+$0x0];
	v14 =	vor.u32 v5, v14;
	v22 =	vshra.s32 v18, $0x6  }
0x452: {  	[tilespmem:v13+s14+$0x0] =	vst.idx.add.f32.msk vm2, v12;
	v17 =	vmul.f32 $1.442695020e+00, v17;
	v20 =	vpop (erf);
	vm2 =	vlt.u32 v18, $0x100000;
	v12 =	vand.u32 $0xFFFFFFF0, v22  }
0x453: {  	v23 =	vpop (erf);
	v18 =	vld [tilespmem:s21+$0x10];
	v12 =	vor.u32 v5, v12  }
0x454: {  	(erf) = vpow2.f32 v17;
	v13 =	vsub.s32 v23, v8;
	[tilespmem:v10+s14+$0x0] =	vst.idx.add.f32.msk vm4, v11  }
0x455: {  	s24 =	simm.s32 $0x140;
	v10 =	vpop (erf);
	v16 =	vsub.f32 v16, v6;
	v22 =	vshra.s32 v13, $0x6;
	vm4 =	vlt.u32 v13, $0x100000;
	v13 =	vld [tilespmem:s19+$0x20]  }
0x456: {  	s31 =	sand.u32 $0x1FFE0, s24;
	v11 =	vand.u32 $0xFFFFFFF0, v22;
	v22 =	vsub.s32 v10, v8;
	[tilespmem:v14+s14+$0x0] =	vst.idx.add.f32.msk vm3, v19;
	v14 =	vsub.f32 v21, v6  }
0x457: {  	v11 =	vor.u32 v5, v11;
	v17 =	vshra.s32 v22, $0x6;
	vm3 =	vlt.u32 v22, $0x100000;
	v19 =	vld [tilespmem:s31+$0x80]  }
0x458: {  	v21 =	vpop (erf);
	v17 =	vand.u32 $0xFFFFFFF0, v17;
	[tilespmem:v12+s14+$0x0] =	vst.idx.add.f32.msk vm2, v15;
	v12 =	vmul.f32 $1.442695020e+00, v14;
	v14 =	vsub.f32 v18, v6  }
0x459: {  	v16 =	vmul.f32 $1.442695020e+00, v16;
	v15 =	vor.u32 v5, v17;
	v18 =	vsub.s32 v21, v8  }
0x45a: {  	v13 =	vsub.f32 v13, v6;
	v22 =	vld [tilespmem:s23+$0x40];
	(erf) = vpow2.f32 v12;
	v12 =	vmul.f32 $1.442695020e+00, v14  }
0x45b: {  	v24 =	vld [tilespmem:s22+$0xFFFFFFB0];
	v17 =	vsub.s32 v20, v8;
	v25 =	vshra.s32 v18, $0x6;
	(erf) = vpow2.f32 v16  }
0x45c: {  	[tilespmem:v11+s14+$0x0] =	vst.idx.add.f32.msk vm4, v23;
	(erf) = vpow2.f32 v12;
	v12 =	vmul.f32 $1.442695020e+00, v13;
	v13 =	vsub.f32 v19, v6  }
0x45d: {  	vm2 =	vlt.u32 v17, $0x100000;
	v14 =	vshra.s32 v17, $0x6;
	vm4 =	vlt.u32 v18, $0x100000;
	v11 =	vld [tilespmem:s21+$0xFFFFFFC0]  }
0x45e: {  	v14 =	vand.u32 $0xFFFFFFF0, v14;
	v18 =	vpop (erf);
	[tilespmem:v15+s14+$0x0] =	vst.idx.add.f32.msk vm3, v10;
	(erf) = vpow2.f32 v12;
	v12 =	vmul.f32 $1.442695020e+00, v13  }
0x45f: {  	v16 =	vand.u32 $0xFFFFFFF0, v25;
	v17 =	vsub.s32 v18, v8;
	v15 =	vld [tilespmem:s19+$0xFFFFFFD0];
	v13 =	vsub.f32 v22, v6  }
0x460: {  	v10 =	vor.u32 v5, v16;
	(erf) = vpow2.f32 v12;
	v12 =	vshra.s32 v17, $0x6  }
0x461: {  	v16 =	vor.u32 v5, v14;
	v14 =	vsub.f32 v24, v6;
	v13 =	vmul.f32 $1.442695020e+00, v13  }
0x462: {  	vm3 =	vlt.u32 v17, $0x100000;
	v11 =	vsub.f32 v11, v6  }
0x463: {  	v14 =	vmul.f32 $1.442695020e+00, v14;
	v19 =	vand.u32 $0xFFFFFFF0, v12;
	(erf) = vpow2.f32 v13;
	v12 =	vpop (erf)  }
0x464: {  	v11 =	vmul.f32 $1.442695020e+00, v11;
	v13 =	vsub.f32 v15, v6;
	v17 =	vsub.s32 v12, v8  }
0x465: {  	[tilespmem:v10+s14+$0x0] =	vst.idx.add.f32.msk vm4, v21;
	v15 =	vor.u32 v5, v19;
	(erf) = vpow2.f32 v14;
	v21 =	vshra.s32 v17, $0x6  }
0x466: {  	v19 =	vld [tilespmem:s20+$0xFFFFFFE0];
	v10 =	vpop (erf);
	(erf) = vpow2.f32 v11;
	v11 =	vmul.f32 $1.442695020e+00, v13;
	v13 =	vand.u32 $0xFFFFFFF0, v21  }
0x467: {  	v14 =	vpop (erf)  }
0x468: {  	vm4 =	vlt.u32 v17, $0x100000;
	v21 =	vsub.s32 v14, v8  }
0x469: {  	v17 =	vor.u32 v5, v13;
	v22 =	vshra.s32 v21, $0x6;
	(erf) = vpow2.f32 v11;
	v13 =	vpop (erf)  }
0x46a: {  	[tilespmem:v16+s14+$0x0] =	vst.idx.add.f32.msk vm2, v20;
	vm2 =	vlt.u32 v21, $0x100000;
	v11 =	vand.u32 $0xFFFFFFF0, v22;
	v20 =	vsub.s32 v13, v8  }
0x46b: {  	[tilespmem:v15+s14+$0x0] =	vst.idx.add.f32.msk vm3, v18;
	v19 =	vsub.f32 v19, v6;
	v18 =	vor.u32 v5, v11;
	v15 =	vpop (erf);
	v11 =	vshra.s32 v20, $0x6  }
0x46c: {  	s1 =	simm.s32 $0x32;
	v16 =	vld [tilespmem:s23+$0xFFFFFFF0];
	s23 =	simm.s32 $0x410;
	vm5 =	vlt.u32 v20, $0x100000;
	v20 =	vsub.s32 v15, v8;
	v21 =	vand.u32 $0xFFFFFFF0, v11  }
.LBB2_33:
0x46d: {  	v11 =	vld [tilespmem:s23+$0x0];
	v21 =	vor.u32 v5, v21;
	v19 =	vmul.f32 $1.442695020e+00, v19;
	v22 =	vshra.s32 v20, $0x6;
	v23 =	vpop (erf)  }
0x46e: {  	[tilespmem:v17+s14+$0x0] =	vst.idx.add.f32.msk vm4, v12;
	v12 =	vpop (erf);
	vm4 =	vlt.u32 v20, $0x100000;
	v17 =	vand.u32 $0xFFFFFFF0, v22;
	v20 =	vsub.s32 v23, v8  }
0x46f: {  	v22 =	vsub.s32 v12, v8;
	v24 =	vld [tilespmem:s22+$0x10];
	v17 =	vor.u32 v5, v17;
	v25 =	vshra.s32 v20, $0x6  }
0x470: {  	vm6 =	vlt.u32 v20, $0x100000;
	v26 =	vshra.s32 v22, $0x6;
	[tilespmem:v18+s14+$0x0] =	vst.idx.add.f32.msk vm2, v14;
	v14 =	vpop (erf);
	v18 =	vand.u32 $0xFFFFFFF0, v25  }
0x471: {  	s24 =	sadd.s32 $0xA0, s24;
	vm3 =	vlt.u32 v22, $0x100000;
	v20 =	vand.u32 $0xFFFFFFF0, v26;
	v22 =	vld [tilespmem:s21+$0x20];
	v18 =	vor.u32 v5, v18  }
0x472: {  	s1 =	sadd.s32 $0xA, s1;
	s0 =	sand.u32 $0x1FFE0, s24;
	v25 =	vsub.s32 v14, v8;
	v20 =	vor.u32 v5, v20;
	[tilespmem:v21+s14+$0x0] =	vst.idx.add.f32.msk vm5, v13;
	v13 =	vpop (erf);
	(erf) = vpow2.f32 v19  }
0x473: {  	p0 =	slt.u32 s1, $0x1860;
	v11 =	vsub.f32 v11, v6;
	vm5 =	vlt.u32 v25, $0x100000;
	v19 =	vshra.s32 v25, $0x6;
	v21 =	vld [tilespmem:s0+$0x80]  }
0x474: {  	v19 =	vand.u32 $0xFFFFFFF0, v19;
	v25 =	vsub.s32 v13, v8;
	[tilespmem:v17+s14+$0x0] =	vst.idx.add.f32.msk vm4, v15;
	v15 =	vsub.f32 v16, v6  }
0x475: {  	v11 =	vmul.f32 $1.442695020e+00, v11;
	v16 =	vsub.f32 v24, v6;
	v17 =	vor.u32 v5, v19;
	v19 =	vld [tilespmem:s20+$0x40]  }
0x476: {  	vm2 =	vlt.u32 v25, $0x100000;
	v24 =	vshra.s32 v25, $0x6;
	v15 =	vmul.f32 $1.442695020e+00, v15;
	[tilespmem:v18+s14+$0x0] =	vst.idx.add.f32.msk vm6, v23  }
0x477: {  	v18 =	vld [tilespmem:s23+$0xFFFFFFB0];
	(erf) = vpow2.f32 v11;
	v11 =	vmul.f32 $1.442695020e+00, v16;
	v16 =	vsub.f32 v22, v6  }
0x478: {  	[tilespmem:v20+s14+$0x0] =	vst.idx.add.f32.msk vm3, v12;
	v12 =	vand.u32 $0xFFFFFFF0, v24;
	(erf) = vpow2.f32 v15;
	v15 =	vsub.s32 v10, v8  }
0x479: {  	v20 =	vld [tilespmem:s22+$0xFFFFFFC0];
	(erf) = vpow2.f32 v11;
	v11 =	vmul.f32 $1.442695020e+00, v16;
	v16 =	vsub.f32 v21, v6  }
0x47a: {  	v12 =	vor.u32 v5, v12;
	vm3 =	vlt.u32 v15, $0x100000;
	[tilespmem:v17+s14+$0x0] =	vst.idx.add.f32.msk vm5, v14;
	v14 =	vshra.s32 v15, $0x6  }
0x47b: {  	v15 =	vld [tilespmem:s21+$0xFFFFFFD0];
	(erf) = vpow2.f32 v11;
	v11 =	vmul.f32 $1.442695020e+00, v16;
	v16 =	vsub.f32 v19, v6;
	v19 =	vpop (erf)  }
0x47c: {  	v14 =	vand.u32 $0xFFFFFFF0, v14;
	v17 =	vsub.f32 v18, v6;
	v18 =	vsub.s32 v19, v8  }
0x47d: {  	(erf) = vpow2.f32 v11;
	v11 =	vshra.s32 v18, $0x6;
	v16 =	vmul.f32 $1.442695020e+00, v16  }
0x47e: {  	v17 =	vmul.f32 $1.442695020e+00, v17;
	v20 =	vsub.f32 v20, v6;
	v11 =	vand.u32 $0xFFFFFFF0, v11  }
0x47f: {  	vm5 =	vlt.u32 v18, $0x100000;
	[tilespmem:v12+s14+$0x0] =	vst.idx.add.f32.msk vm2, v13;
	v11 =	vor.u32 v5, v11;
	(erf) = vpow2.f32 v16  }
0x480: {  	(erf) = vpow2.f32 v17;
	v12 =	vpop (erf);
	v13 =	vmul.f32 $1.442695020e+00, v20;
	v15 =	vsub.f32 v15, v6;
	v16 =	vld [tilespmem:s19+$0xFFFFFFE0]  }
0x481: {  	v23 =	vor.u32 v5, v14;
	v17 =	vsub.s32 v12, v8;
	v22 =	vpop (erf)  }
0x482: {  	v18 =	vshra.s32 v17, $0x6;
	(erf) = vpow2.f32 v13;
	v14 =	vpop (erf);
	v20 =	vmul.f32 $1.442695020e+00, v15  }
.Ltmp16:
0x483: {  	vm4 =	vlt.u32 v17, $0x100000;
	v15 =	vand.u32 $0xFFFFFFF0, v18;
	v18 =	vsub.s32 v14, v8;
	(pc) =	sbr.rel @p0 .LBB2_33-.Ltmp16, $4  }
0x484: {  	v17 =	vor.u32 v5, v15;
	v24 =	vshra.s32 v18, $0x6;
	(erf) = vpow2.f32 v20;
	v13 =	vpop (erf)  }
0x485: {  	vm2 =	vlt.u32 v18, $0x100000;
	v21 =	vand.u32 $0xFFFFFFF0, v24;
	v20 =	vsub.s32 v13, v8;
	[tilespmem:v11+s14+$0x0] =	vst.idx.add.f32.msk vm5, v19  }
0x486: {  	v19 =	vsub.f32 v16, v6;
	v18 =	vor.u32 v5, v21;
	v11 =	vshra.s32 v20, $0x6;
	v15 =	vpop (erf);
	v16 =	vld [tilespmem:s20+$0xFFFFFFF0];
	s20 =	smov.u32 s19;
	s19 =	smov.u32 s21;
	s21 =	smov.u32 s22  }
0x487: {  	vm5 =	vlt.u32 v20, $0x100000;
	s22 =	smov.u32 s23;
	s23 =	sadd.s32 $0xA0, s23;
	v21 =	vand.u32 $0xFFFFFFF0, v11;
	v20 =	vsub.s32 v15, v8;
	[tilespmem:v23+s14+$0x0] =	vst.idx.add.f32.msk vm3, v10;
	v10 =	vmovc v22  }
0x488: {  	_ =	sdelay $0x2  }
0x489: {  	v11 =	vpop (erf)  }
0x48a: {  	v23 =	vpop (erf)  }
0x48b: {  	v21 =	vor.u32 v5, v21;
	v22 =	vshra.s32 v20, $0x6;
	[tilespmem:v17+s14+$0x0] =	vst.idx.add.f32.msk vm4, v12;
	v17 =	vsub.s32 v23, v8  }
0x48c: {  	vm3 =	vlt.u32 v20, $0x100000;
	v12 =	vand.u32 $0xFFFFFFF0, v22;
	v22 =	vshra.s32 v17, $0x6  }
0x48d: {  	[tilespmem:v18+s14+$0x0] =	vst.idx.add.f32.msk vm2, v14;
	v12 =	vor.u32 v5, v12;
	vm2 =	vlt.u32 v17, $0x100000;
	v14 =	vand.u32 $0xFFFFFFF0, v22  }
0x48e: {  	v20 =	vld [tilespmem:s22+$0x10];
	v14 =	vor.u32 v5, v14  }
0x48f: {  	s1 =	sadd.s32 $0xA0, s24;
	v17 =	vld [tilespmem:s21+$0x20]  }
0x490: {  	s0 =	sand.u32 $0x1FFE0, s1;
	[tilespmem:v21+s14+$0x0] =	vst.idx.add.f32.msk vm5, v13  }
0x491: {  	v13 =	vld [tilespmem:s0+$0x80]  }
0x492: {  	[tilespmem:v12+s14+$0x0] =	vst.idx.add.f32.msk vm3, v15  }
0x493: {  	v12 =	vsub.f32 v16, v6;
	[tilespmem:v14+s14+$0x0] =	vst.idx.add.f32.msk vm2, v23  }
0x494: {  	v18 =	vsub.f32 v20, v6;
	v16 =	vmul.f32 $1.442695020e+00, v19;
	v14 =	vld [tilespmem:s22+$0xFFFFFFC0]  }
0x495: {  	v15 =	vld [tilespmem:s20+$0x40];
	v17 =	vsub.f32 v17, v6;
	v12 =	vmul.f32 $1.442695020e+00, v12  }
0x496: {  	(erf) = vpow2.f32 v16;
	v16 =	vmul.f32 $1.442695020e+00, v18  }
0x497: {  	(erf) = vpow2.f32 v12;
	v12 =	vmul.f32 $1.442695020e+00, v17;
	v13 =	vsub.f32 v13, v6  }
0x498: {  	(erf) = vpow2.f32 v16  }
0x499: {  	(erf) = vpow2.f32 v12;
	v12 =	vmul.f32 $1.442695020e+00, v13;
	v13 =	vsub.f32 v14, v6  }
0x49a: {  	v15 =	vsub.f32 v15, v6  }
0x49b: {  	v14 =	vpop (erf)  }
0x49c: {  	v15 =	vmul.f32 $1.442695020e+00, v15;
	(erf) = vpow2.f32 v12;
	v16 =	vsub.s32 v14, v8  }
0x49d: {  	v12 =	vmul.f32 $1.442695020e+00, v13;
	vm2 =	vlt.u32 v16, $0x100000;
	v16 =	vshra.s32 v16, $0x6;
	v13 =	vpop (erf)  }
0x49e: {  	(erf) = vpow2.f32 v15;
	v15 =	vand.u32 $0xFFFFFFF0, v16;
	v16 =	vsub.s32 v13, v8  }
0x49f: {  	(erf) = vpow2.f32 v12;
	v12 =	vshra.s32 v16, $0x6;
	_ =	sdelay $0x1  }
0x4a0: {  	v15 =	vor.u32 v5, v15;
	v17 =	vpop (erf)  }
0x4a1: {  	vm3 =	vlt.u32 v16, $0x100000;
	v18 =	vsub.s32 v17, v8;
	v16 =	vand.u32 $0xFFFFFFF0, v12;
	v12 =	vpop (erf)  }
0x4a2: {  	v19 =	vshra.s32 v18, $0x6;
	v16 =	vor.u32 v5, v16;
	v20 =	vpop (erf)  }
0x4a3: {  	vm4 =	vlt.u32 v18, $0x100000;
	v19 =	vand.u32 $0xFFFFFFF0, v19;
	v18 =	vsub.s32 v20, v8  }
0x4a4: {  	v19 =	vor.u32 v5, v19;
	v22 =	vpop (erf);
	v21 =	vshra.s32 v18, $0x6  }
0x4a5: {  	[tilespmem:v15+s14+$0x0] =	vst.idx.add.f32.msk vm2, v14;
	vm2 =	vlt.u32 v18, $0x100000;
	v15 =	vsub.s32 v22, v8;
	v14 =	vand.u32 $0xFFFFFFF0, v21  }
0x4a6: {  	v18 =	vld [tilespmem:s21+$0xFFFFFFD0];
	v23 =	vpop (erf);
	v21 =	vshra.s32 v15, $0x6;
	v14 =	vor.u32 v5, v14  }
0x4a7: {  	[tilespmem:v16+s14+$0x0] =	vst.idx.add.f32.msk vm3, v13;
	vm3 =	vlt.u32 v15, $0x100000;
	v16 =	vsub.s32 v23, v8;
	v13 =	vpop (erf);
	v15 =	vand.u32 $0xFFFFFFF0, v21  }
0x4a8: {  	v21 =	vld [tilespmem:s19+$0xFFFFFFE0];
	v24 =	vshra.s32 v16, $0x6;
	v25 =	vpop (erf);
	v15 =	vor.u32 v5, v15  }
0x4a9: {  	[tilespmem:v19+s14+$0x0] =	vst.idx.add.f32.msk vm4, v17;
	vm4 =	vlt.u32 v16, $0x100000;
	v16 =	vand.u32 $0xFFFFFFF0, v24;
	v17 =	vsub.s32 v25, v8  }
0x4aa: {  	v19 =	vld [tilespmem:s20+$0xFFFFFFF0];
	v16 =	vor.u32 v5, v16;
	v24 =	vshra.s32 v17, $0x6  }
0x4ab: {  	[tilespmem:v14+s14+$0x0] =	vst.idx.add.f32.msk vm2, v20;
	vm2 =	vlt.u32 v17, $0x100000;
	v14 =	vand.u32 $0xFFFFFFF0, v24  }
0x4ac: {  	s26 =	sadd.s32 $0xA0, s1;
	v17 =	vld [tilespmem:s22+$0x20];
	v14 =	vor.u32 v5, v14  }
0x4ad: {  	s1 =	sand.u32 $0x1FFE0, s26;
	[tilespmem:v15+s14+$0x0] =	vst.idx.add.f32.msk vm3, v22  }
0x4ae: {  	v18 =	vsub.f32 v18, v6;
	v15 =	vld [tilespmem:s1+$0x80]  }
0x4af: {  	[tilespmem:v16+s14+$0x0] =	vst.idx.add.f32.msk vm4, v23  }
0x4b0: {  	v18 =	vmul.f32 $1.442695020e+00, v18;
	v16 =	vld [tilespmem:s19+$0x40]  }
0x4b1: {  	v20 =	vsub.f32 v21, v6;
	[tilespmem:v14+s14+$0x0] =	vst.idx.add.f32.msk vm2, v25  }
0x4b2: {  	(erf) = vpow2.f32 v18;
	v14 =	vsub.f32 v19, v6;
	v19 =	vld [tilespmem:s22+$0xFFFFFFD0]  }
0x4b3: {  	v18 =	vmul.f32 $1.442695020e+00, v20;
	v17 =	vsub.f32 v17, v6  }
0x4b4: {  	v14 =	vmul.f32 $1.442695020e+00, v14  }
0x4b5: {  	(erf) = vpow2.f32 v18;
	v17 =	vmul.f32 $1.442695020e+00, v17  }
0x4b6: {  	v15 =	vsub.f32 v15, v6;
	(erf) = vpow2.f32 v14  }
0x4b7: {  	v14 =	vsub.f32 v16, v6;
	(erf) = vpow2.f32 v17;
	v16 =	vsub.f32 v19, v6;
	_ =	sdelay $0x1  }
0x4b8: {  	v15 =	vmul.f32 $1.442695020e+00, v15  }
0x4b9: {  	v14 =	vmul.f32 $1.442695020e+00, v14  }
0x4ba: {  	(erf) = vpow2.f32 v15;
	v15 =	vmul.f32 $1.442695020e+00, v16;
	v16 =	vpop (erf)  }
0x4bb: {  	(erf) = vpow2.f32 v14;
	v14 =	vsub.s32 v16, v8  }
0x4bc: {  	(erf) = vpow2.f32 v15  }
0x4bd: {  	v17 =	vpop (erf);
	v15 =	vshra.s32 v14, $0x6  }
0x4be: {  	vm2 =	vlt.u32 v14, $0x100000;
	v18 =	vsub.s32 v17, v8;
	v15 =	vand.u32 $0xFFFFFFF0, v15;
	v14 =	vpop (erf)  }
0x4bf: {  	v19 =	vor.u32 v5, v15;
	v15 =	vshra.s32 v18, $0x6;
	v20 =	vpop (erf)  }
0x4c0: {  	vm3 =	vlt.u32 v18, $0x100000;
	v15 =	vand.u32 $0xFFFFFFF0, v15;
	v18 =	vsub.s32 v20, v8  }
0x4c1: {  	v21 =	vor.u32 v5, v15;
	v15 =	vshra.s32 v18, $0x6;
	_ =	sdelay $0x1  }
0x4c2: {  	v22 =	vpop (erf)  }
0x4c3: {  	vm4 =	vlt.u32 v18, $0x100000;
	v18 =	vand.u32 $0xFFFFFFF0, v15;
	v15 =	vpop (erf)  }
0x4c4: {  	v23 =	vsub.s32 v22, v8;
	v18 =	vor.u32 v5, v18;
	v25 =	vpop (erf)  }
0x4c5: {  	v24 =	vshra.s32 v23, $0x6;
	[tilespmem:v19+s14+$0x0] =	vst.idx.add.f32.msk vm2, v16;
	v19 =	vsub.s32 v25, v8  }
0x4c6: {  	vm2 =	vlt.u32 v23, $0x100000;
	v16 =	vand.u32 $0xFFFFFFF0, v24;
	v23 =	vld [tilespmem:s21+$0xFFFFFFE0];
	v24 =	vshra.s32 v19, $0x6  }
0x4c7: {  	v16 =	vor.u32 v5, v16;
	[tilespmem:v21+s14+$0x0] =	vst.idx.add.f32.msk vm3, v17;
	vm3 =	vlt.u32 v19, $0x100000;
	v17 =	vand.u32 $0xFFFFFFF0, v24  }
0x4c8: {  	s0 =	sadd.s32 $0xA0, s26;
	v19 =	vld [tilespmem:s19+$0xFFFFFFF0];
	v17 =	vor.u32 v5, v17  }
0x4c9: {  	s0 =	sand.u32 $0x1FFE0, s0;
	[tilespmem:v18+s14+$0x0] =	vst.idx.add.f32.msk vm4, v20  }
0x4ca: {  	v18 =	vld [tilespmem:s0+$0x80];
	_ =	sdelay $0x1  }
0x4cb: {  	[tilespmem:v16+s14+$0x0] =	vst.idx.add.f32.msk vm2, v22  }
0x4cc: {  	[tilespmem:v17+s14+$0x0] =	vst.idx.add.f32.msk vm3, v25;
	v17 =	vsub.f32 v23, v6  }
0x4cd: {  	v16 =	vld [tilespmem:s21+$0x40];
	v19 =	vsub.f32 v19, v6  }
0x4ce: {  	v18 =	vsub.f32 v18, v6;
	v20 =	vld [tilespmem:s22+$0xFFFFFFE0];
	v17 =	vmul.f32 $1.442695020e+00, v17  }
0x4cf: {  	v19 =	vmul.f32 $1.442695020e+00, v19  }
0x4d0: {  	(erf) = vpow2.f32 v17;
	v17 =	vmul.f32 $1.442695020e+00, v18  }
0x4d1: {  	(erf) = vpow2.f32 v19  }
0x4d2: {  	v16 =	vsub.f32 v16, v6;
	(erf) = vpow2.f32 v17  }
0x4d3: {  	v18 =	vsub.f32 v20, v6  }
0x4d4: {  	v16 =	vmul.f32 $1.442695020e+00, v16  }
0x4d5: {  	v17 =	vmul.f32 $1.442695020e+00, v18  }
0x4d6: {  	(erf) = vpow2.f32 v16  }
0x4d7: {  	(erf) = vpow2.f32 v17;
	_ =	sdelay $0x1  }
0x4d8: {  	v16 =	vpop (erf)  }
0x4d9: {  	v18 =	vpop (erf)  }
0x4da: {  	v17 =	vsub.s32 v16, v8;
	v20 =	vpop (erf)  }
0x4db: {  	v19 =	vshra.s32 v17, $0x6;
	vm2 =	vlt.u32 v17, $0x100000;
	v17 =	vsub.s32 v20, v8  }
0x4dc: {  	v21 =	vshra.s32 v17, $0x6  }
0x4dd: {  	v19 =	vand.u32 $0xFFFFFFF0, v19  }
0x4de: {  	v22 =	vpop (erf);
	v19 =	vor.u32 v5, v19  }
0x4df: {  	vm3 =	vlt.u32 v17, $0x100000;
	v17 =	vand.u32 $0xFFFFFFF0, v21;
	v21 =	vpop (erf)  }
0x4e0: {  	v17 =	vor.u32 v5, v17;
	v23 =	vsub.s32 v21, v8  }
0x4e1: {  	v24 =	vshra.s32 v23, $0x6  }
0x4e2: {  	vm4 =	vlt.u32 v23, $0x100000;
	v24 =	vand.u32 $0xFFFFFFF0, v24  }
0x4e3: {  	[tilespmem:v19+s14+$0x0] =	vst.idx.add.f32.msk vm2, v16;
	v16 =	vor.u32 v5, v24  }
0x4e4: {  	v19 =	vld [tilespmem:s21+$0xFFFFFFF0]  }
0x4e5: {  	[tilespmem:v17+s14+$0x0] =	vst.idx.add.f32.msk vm3, v20  }
0x4e6: {  	v17 =	vld [tilespmem:s22+$0x40];
	_ =	sdelay $0x1  }
0x4e7: {  	[tilespmem:v16+s14+$0x0] =	vst.idx.add.f32.msk vm4, v21  }
0x4e8: {  	v20 =	vld [tilespmem:s22+$0xFFFFFFF0]  }
0x4e9: {  	v26 =	vsub.s32 v18, v8;
	v23 =	vsub.s32 v13, v8;
	v19 =	vsub.f32 v19, v6  }
0x4ea: {  	v24 =	vsub.s32 v15, v8;
	v16 =	vsub.s32 v11, v8;
	v17 =	vsub.f32 v17, v6  }
0x4eb: {  	vm7 =	vlt.u32 v24, $0x100000;
	v21 =	vshra.s32 v16, $0x6;
	v19 =	vmul.f32 $1.442695020e+00, v19  }
0x4ec: {  	vm2 =	vlt.u32 v16, $0x100000;
	v16 =	vand.u32 $0xFFFFFFF0, v21;
	v17 =	vmul.f32 $1.442695020e+00, v17  }
0x4ed: {  	v21 =	vsub.s32 v10, v8;
	(erf) = vpow2.f32 v19;
	v19 =	vsub.f32 v20, v6  }
0x4ee: {  	vm3 =	vlt.u32 v21, $0x100000;
	v21 =	vshra.s32 v21, $0x6;
	(erf) = vpow2.f32 v17  }
0x4ef: {  	v16 =	vor.u32 v5, v16;
	v20 =	vand.u32 $0xFFFFFFF0, v21;
	v19 =	vmul.f32 $1.442695020e+00, v19  }
0x4f0: {  	vm4 =	vlt.u32 v23, $0x100000;
	v21 =	vshra.s32 v23, $0x6;
	v17 =	vor.u32 v5, v20  }
0x4f1: {  	v20 =	vand.u32 $0xFFFFFFF0, v21;
	v21 =	vsub.s32 v12, v8;
	(erf) = vpow2.f32 v19  }
0x4f2: {  	v20 =	vor.u32 v5, v20;
	v23 =	vshra.s32 v21, $0x6;
	vm5 =	vlt.u32 v21, $0x100000  }
0x4f3: {  	v21 =	vshra.s32 v24, $0x6;
	v19 =	vand.u32 $0xFFFFFFF0, v23;
	v23 =	vsub.s32 v14, v8  }
0x4f4: {  	[tilespmem:v16+s14+$0x0] =	vst.idx.add.f32.msk vm2, v11;
	vm2 =	vlt.u32 v26, $0x100000;
	v21 =	vand.u32 $0xFFFFFFF0, v21;
	v24 =	vshra.s32 v23, $0x6  }
0x4f5: {  	vm6 =	vlt.u32 v23, $0x100000;
	v23 =	vand.u32 $0xFFFFFFF0, v24;
	v24 =	vsub.s32 v22, v8  }
0x4f6: {  	v21 =	vor.u32 v5, v21;
	v19 =	vor.u32 v5, v19;
	v27 =	vpop (erf);
	v25 =	vshra.s32 v24, $0x6  }
0x4f7: {  	vm8 =	vlt.u32 v24, $0x100000;
	v24 =	vand.u32 $0xFFFFFFF0, v25;
	v25 =	vshra.s32 v26, $0x6;
	v28 =	vpop (erf)  }
0x4f8: {  	v23 =	vor.u32 v5, v23;
	v25 =	vand.u32 $0xFFFFFFF0, v25;
	v29 =	vsub.s32 v28, v8  }
0x4f9: {  	v24 =	vor.u32 v5, v24;
	v11 =	vor.u32 v5, v25;
	v16 =	vshra.s32 v29, $0x6  }
0x4fa: {  	[tilespmem:v17+s14+$0x0] =	vst.idx.add.f32.msk vm3, v10;
	vm3 =	vlt.u32 v29, $0x100000;
	v10 =	vand.u32 $0xFFFFFFF0, v16;
	v16 =	vsub.s32 v27, v8;
	v17 =	vpop (erf)  }
0x4fb: {  	[tilespmem:v20+s14+$0x0] =	vst.idx.add.f32.msk vm4, v13;
	v10 =	vor.u32 v5, v10;
	v13 =	vshra.s32 v16, $0x6;
	v20 =	vsub.s32 v17, v8  }
0x4fc: {  	[tilespmem:v19+s14+$0x0] =	vst.idx.add.f32.msk vm5, v12;
	vm4 =	vlt.u32 v16, $0x100000;
	v12 =	vand.u32 $0xFFFFFFF0, v13;
	v13 =	vshra.s32 v20, $0x6  }
0x4fd: {  	[tilespmem:v21+s14+$0x0] =	vst.idx.add.f32.msk vm7, v15;
	v12 =	vor.u32 v5, v12;
	vm5 =	vlt.u32 v20, $0x100000;
	v13 =	vand.u32 $0xFFFFFFF0, v13  }
0x4fe: {  	[tilespmem:v23+s14+$0x0] =	vst.idx.add.f32.msk vm6, v14;
	v13 =	vor.u32 v5, v13  }
0x4ff: {  	[tilespmem:v24+s14+$0x0] =	vst.idx.add.f32.msk vm8, v22  }
0x500: {  	[tilespmem:v11+s14+$0x0] =	vst.idx.add.f32.msk vm2, v18  }
0x501: {  	[tilespmem:v10+s14+$0x0] =	vst.idx.add.f32.msk vm3, v28  }
0x502: {  	[tilespmem:v12+s14+$0x0] =	vst.idx.add.f32.msk vm4, v27  }
0x503: {  	s28 =	simm.s32 $0x1C6F0;
	[tilespmem:v13+s14+$0x0] =	vst.idx.add.f32.msk vm5, v17  }
0x504: {  	v10 =	vld [tilespmem:s28+$0xFFFFFFD0]  }
0x505: {  	v11 =	vld [tilespmem:s28+$0xFFFFFFE0]  }
0x506: {  	v12 =	vld [tilespmem:s28+$0xFFFFFF90]  }
0x507: {  	v13 =	vld [tilespmem:s28+$0xFFFFFF10]  }
0x508: {  	v14 =	vld [tilespmem:s28+$0xFFFFFF20]  }
0x509: {  	v15 =	vld [tilespmem:s28+$0xFFFFFF30]  }
0x50a: {  	v16 =	vld [tilespmem:s28+$0xFFFFFF40]  }
0x50b: {  	v17 =	vld [tilespmem:s28+$0xFFFFFF50]  }
0x50c: {  	v18 =	vld [tilespmem:s28+$0xFFFFFF60]  }
0x50d: {  	v19 =	vld [tilespmem:s28+$0xFFFFFF70]  }
0x50e: {  	v20 =	vld [tilespmem:s28+$0xFFFFFF80]  }
0x50f: {  	v21 =	vld [tilespmem:s28+$0xFFFFFFA0]  }
0x510: {  	v22 =	vld [tilespmem:s28+$0xFFFFFFB0]  }
0x511: {  	v23 =	vld [tilespmem:s28+$0xFFFFFFC0]  }
0x512: {  	v24 =	vld [tilespmem:s28+$0xFFFFFFF0]  }
0x513: {  	s29 =	simm.s32 $0x1C5F0;
	v25 =	vld [tilespmem:s28+$0x0];
	v13 =	vadd.f32 $0.0e+00, v13;
	v14 =	vadd.f32 $0.0e+00, v14  }
0x514: {  	v26 =	vld [tilespmem:s29+$0xFFFFFFD0];
	v15 =	vadd.f32 $0.0e+00, v15;
	v16 =	vadd.f32 $0.0e+00, v16  }
0x515: {  	v13 =	vadd.f32 v17, v13;
	v14 =	vadd.f32 v18, v14;
	v17 =	vld [tilespmem:s29+$0xFFFFFFE0]  }
0x516: {  	v15 =	vadd.f32 v19, v15;
	v16 =	vadd.f32 v20, v16;
	v18 =	vld [tilespmem:s29+$0xFFFFFF90]  }
0x517: {  	v19 =	vld [tilespmem:s29+$0xFFFFFF20];
	v12 =	vadd.f32 v12, v13;
	v13 =	vadd.f32 v21, v14  }
0x518: {  	v20 =	vld [tilespmem:s29+$0xFFFFFF50];
	v15 =	vadd.f32 v22, v15;
	v16 =	vadd.f32 v23, v16  }
0x519: {  	v14 =	vld [tilespmem:s29+$0xFFFFFF10];
	v10 =	vadd.f32 v10, v12;
	v11 =	vadd.f32 v11, v13  }
0x51a: {  	v21 =	vld [tilespmem:s29+$0xFFFFFFA0];
	v13 =	vadd.f32 v24, v15;
	v15 =	vadd.f32 v25, v16  }
0x51b: {  	v12 =	vld [tilespmem:s29+$0xFFFFFF30]  }
0x51c: {  	v16 =	vld [tilespmem:s29+$0xFFFFFF40];
	v10 =	vadd.f32 v11, v10;
	v11 =	vadd.f32 v15, v13  }
0x51d: {  	v13 =	vld [tilespmem:s29+$0xFFFFFF60]  }
0x51e: {  	v15 =	vld [tilespmem:s29+$0xFFFFFF70];
	v10 =	vadd.f32 v11, v10  }
0x51f: {  	v11 =	vld [tilespmem:s29+$0xFFFFFF80]  }
0x520: {  	v23 =	vld [tilespmem:s29+$0xFFFFFFB0];
	v19 =	vadd.f32 $0.0e+00, v19;
	v14 =	vadd.f32 $0.0e+00, v14;
	v22 =	vperm.xlane v10, v0  }
0x521: {  	v24 =	vld [tilespmem:s29+$0xFFFFFFC0];
	v12 =	vadd.f32 $0.0e+00, v12;
	v16 =	vadd.f32 $0.0e+00, v16  }
0x522: {  	v14 =	vadd.f32 v20, v14;
	v20 =	vld [tilespmem:s29+$0x0];
	v10 =	vadd.f32 v10, v22  }
0x523: {  	s30 =	simm.s32 $0x1C4F0;
	v13 =	vadd.f32 v13, v19;
	v12 =	vadd.f32 v15, v12;
	v22 =	vld [tilespmem:s29+$0xFFFFFFF0]  }
0x524: {  	v14 =	vadd.f32 v18, v14;
	v15 =	vld [tilespmem:s30+$0xFFFFFF90];
	v11 =	vadd.f32 v11, v16;
	v19 =	vperm.xlane v10, v1  }
0x525: {  	v18 =	vld [tilespmem:s30+$0xFFFFFF10];
	v13 =	vadd.f32 v21, v13;
	v12 =	vadd.f32 v23, v12  }
0x526: {  	v16 =	vld [tilespmem:s30+$0xFFFFFFE0];
	v11 =	vadd.f32 v24, v11;
	v10 =	vadd.f32 v10, v19  }
0x527: {  	v14 =	vadd.f32 v26, v14;
	v21 =	vld [tilespmem:s30+$0xFFFFFF60];
	v13 =	vadd.f32 v17, v13  }
0x528: {  	v17 =	vld [tilespmem:s30+$0xFFFFFF20];
	v12 =	vadd.f32 v22, v12;
	v11 =	vadd.f32 v20, v11;
	v19 =	vperm.xlane v10, v2  }
0x529: {  	v24 =	vld [tilespmem:s30+$0xFFFFFFA0];
	v13 =	vadd.f32 v13, v14  }
0x52a: {  	v20 =	vld [tilespmem:s30+$0xFFFFFF30];
	v11 =	vadd.f32 v11, v12;
	v10 =	vadd.f32 v10, v19  }
0x52b: {  	v9 =	vadd.f32 $0.0e+00, v9;
	v22 =	vld [tilespmem:s30+$0xFFFFFF70]  }
0x52c: {  	v19 =	vld [tilespmem:s30+$0xFFFFFF40];
	v13 =	vadd.f32 v11, v13;
	v14 =	vperm.xlane v10, v3  }
0x52d: {  	v7 =	vsub.f32 v7, v9;
	v12 =	vld [tilespmem:s30+$0xFFFFFF50]  }
0x52e: {  	v9 =	vadd.f32 $0.0e+00, v18;
	v18 =	vperm.xlane v13, v0;
	v10 =	vadd.f32 v10, v14;
	v14 =	vld [tilespmem:s30+$0xFFFFFF80]  }
0x52f: {  	v23 =	vimm.f32 $0.0e+00;
	v26 =	vld [tilespmem:s30+$0xFFFFFFC0];
	v17 =	vadd.f32 $0.0e+00, v17;
	v20 =	vadd.f32 $0.0e+00, v20  }
0x530: {  	v18 =	vadd.f32 v13, v18;
	v11 =	vadd.f32 v10, v23;
	v10 =	vld [tilespmem:s30+$0xFFFFFFB0]  }
0x531: {  	v17 =	vadd.f32 v21, v17;
	v21 =	vld [tilespmem:s30+$0x0];
	v13 =	vadd.f32 $0.0e+00, v19  }
0x532: {  	v9 =	vadd.f32 v12, v9;
	v12 =	vld [tilespmem:s30+$0xFFFFFFF0];
	v20 =	vadd.f32 v22, v20;
	v19 =	vperm.xlane v18, v1  }
0x533: {  	s5 =	simm.s32 $0x1C3F0;
	v25 =	vld [tilespmem:s30+$0xFFFFFFD0];
	v17 =	vadd.f32 v24, v17;
	v22 =	vadd.f32 v14, v13  }
0x534: {  	v24 =	vld [tilespmem:s5+$0xFFFFFF10];
	v9 =	vadd.f32 v15, v9;
	v18 =	vadd.f32 v18, v19  }
0x535: {  	v15 =	vld [tilespmem:s5+$0xFFFFFF90];
	v10 =	vadd.f32 v10, v20;
	v19 =	vadd.f32 v26, v22  }
0x536: {  	vm2 =	vmmov vm0;
	v16 =	vadd.f32 v16, v17;
	v17 =	vld [tilespmem:s5+$0xFFFFFF20]  }
0x537: {  	p0 =	por $0x0, $0x0;
	v13 =	vld [tilespmem:s5+$0xFFFFFFD0];
	v20 =	vperm.xlane v18, v2;
	v10 =	vadd.f32 v12, v10;
	v12 =	vadd.f32 v21, v19  }
0x538: {  	vm2 =	vmneg @p0 vm2;
	v9 =	vadd.f32 v25, v9;
	v14 =	vld [tilespmem:s5+$0xFFFFFFE0]  }
0x539: {  	vm3 =	vgt.f32 v11, v7;
	v22 =	vld [tilespmem:s5+$0xFFFFFF60];
	v19 =	vadd.f32 v18, v20;
	v10 =	vadd.f32 v12, v10  }
0x53a: {  	vm2 =	vmor vm2, vm3;
	v16 =	vadd.f32 v16, v9;
	v18 =	vld [tilespmem:s5+$0xFFFFFF30]  }
0x53b: {  	s31 =	simm.s32 $0x3F;
	vm3 =	vmand vm2, vm1;
	v21 =	vld [tilespmem:s5+$0xFFFFFF40];
	v25 =	vperm.xlane v19, v3;
	v12 =	vimm.s32 $0x0  }
0x53c: {  	s8 =	simm.s32 $0x3B;
	v24 =	vadd.f32 $0.0e+00, v24;
	v9 =	vsel vm3, v23, v23;
	v23 =	vld [tilespmem:s5+$0xFFFFFF70];
	v12 =	vsel vm3, s31, v12  }
0x53d: {  	s20 =	simm.s32 $0x3D;
	s1 =	simm.s32 $0x3E;
	s19 =	simm.s32 $0x3C;
	v20 =	vld [tilespmem:s5+$0xFFFFFF50];
	vm3 =	vmmov vm0;
	v16 =	vadd.f32 v10, v16;
	v19 =	vadd.f32 v19, v25;
	v10 =	vmovc v11  }
.LBB2_35:
0x53e: {  	v17 =	vadd.f32 $0.0e+00, v17  }
0x53f: {  	p0 =	sne.s32 s8, $0x0;
	v25 =	vld [tilespmem:s5+$0xFFFFFF80];
	v26 =	vperm.xlane v16, v0;
	v11 =	vadd.f32 v19, v11;
	p1 =	seq.s32 s1, $0x0;
	vm4 =	vmmov vm0  }
0x540: {  	v18 =	vadd.f32 $0.0e+00, v18;
	v19 =	vadd.f32 $0.0e+00, v21;
	v21 =	vld [tilespmem:s5+$0xFFFFFFA0];
	vm4 =	vmneg @p1 vm4  }
0x541: {  	vm3 =	vmor vm3, vm2;
	v27 =	vld [tilespmem:s5+$0xFFFFFFB0];
	v16 =	vadd.f32 v16, v26;
	vm5 =	vgt.f32 v11, v7  }
0x542: {  	vm6 =	vmneg vm3;
	v20 =	vadd.f32 v20, v24;
	v24 =	vld [tilespmem:s5+$0xFFFFFFC0];
	vm2 =	vmor vm4, vm5  }
0x543: {  	v17 =	vadd.f32 v22, v17;
	v22 =	vld [tilespmem:s5+$0xFFFFFFF0];
	v26 =	vperm.xlane v16, v1;
	vm4 =	vmand vm2, vm6  }
0x544: {  	v18 =	vadd.f32 v23, v18;
	v19 =	vadd.f32 v25, v19;
	v23 =	vld [tilespmem:s5+$0x0];
	s5 =	sadd.s32 $0xFFFFFF00, s5;
	v9 =	vsel vm4, v10, v9;
	v10 =	vmovc v11  }
0x545: {  	v20 =	vadd.f32 v15, v20;
	v12 =	vsel vm4, s1, v12;
	s1 =	smov.u32 s20;
	s20 =	smov.u32 s19;
	s19 =	smov.u32 s8;
	v25 =	vld [tilespmem:s5+$0xFFFFFFD0];
	v16 =	vadd.f32 v16, v26  }
0x546: {  	v17 =	vadd.f32 v21, v17;
	v26 =	vld [tilespmem:s5+$0xFFFFFFE0];
	v18 =	vadd.f32 v27, v18  }
0x547: {  	v20 =	vadd.f32 v13, v20;
	v15 =	vld [tilespmem:s5+$0xFFFFFF90];
	v19 =	vadd.f32 v24, v19;
	v21 =	vperm.xlane v16, v2  }
0x548: {  	v27 =	vadd.f32 v14, v17;
	v24 =	vld [tilespmem:s5+$0xFFFFFF10];
	v22 =	vadd.f32 v22, v18  }
0x549: {  	v17 =	vld [tilespmem:s5+$0xFFFFFF20];
	v19 =	vadd.f32 v23, v19;
	v23 =	vadd.f32 v16, v21  }
.Ltmp17:
0x54a: {  	v18 =	vld [tilespmem:s5+$0xFFFFFF30];
	v13 =	vmov v25;
	(pc) =	sbr.rel @p0 .LBB2_35-.Ltmp17, $4  }
0x54b: {  	v16 =	vadd.f32 v27, v20;
	v21 =	vld [tilespmem:s5+$0xFFFFFF40];
	v19 =	vadd.f32 v19, v22;
	v25 =	vperm.xlane v23, v3;
	v14 =	vmovc v26  }
0x54c: {  	v20 =	vld [tilespmem:s5+$0xFFFFFF50]  }
0x54d: {  	v22 =	vld [tilespmem:s5+$0xFFFFFF60];
	v16 =	vadd.f32 v19, v16;
	v19 =	vadd.f32 v23, v25  }
0x54e: {  	s8 =	sadd.s32 $0xFFFFFFFF, s8;
	v24 =	vadd.f32 $0.0e+00, v24;
	v23 =	vld [tilespmem:s5+$0xFFFFFF70]  }
0x54f: {  	v25 =	vld [tilespmem:s5+$0xFFFFFF80]  }
0x550: {  	v26 =	vld [tilespmem:s5+$0xFFFFFFA0]  }
0x551: {  	v27 =	vld [tilespmem:s5+$0xFFFFFFB0]  }
0x552: {  	v17 =	vadd.f32 $0.0e+00, v17;
	v28 =	vld [tilespmem:s5+$0xFFFFFFC0]  }
0x553: {  	v18 =	vadd.f32 $0.0e+00, v18;
	v29 =	vld [tilespmem:s5+$0xFFFFFFF0];
	v21 =	vadd.f32 $0.0e+00, v21  }
0x554: {  	v61 =	vld [tilespmem:s5+$0x0];
	v20 =	vadd.f32 v20, v24;
	v17 =	vadd.f32 v22, v17  }
0x555: {  	v18 =	vadd.f32 v23, v18;
	v21 =	vadd.f32 v25, v21  }
0x556: {  	v15 =	vadd.f32 v15, v20;
	v17 =	vadd.f32 v26, v17  }
0x557: {  	v18 =	vadd.f32 v27, v18;
	v62 =	vadd.f32 v28, v21  }
0x558: {  	v13 =	vadd.f32 v13, v15;
	v14 =	vadd.f32 v14, v17  }
0x559: {  	v15 =	vadd.f32 v29, v18;
	v17 =	vadd.f32 v61, v62;
	_ =	sdelay $0x1  }
0x55a: {  	v13 =	vadd.f32 v14, v13;
	v14 =	vadd.f32 v17, v15  }
0x55b: {  	v15 =	vperm.xlane v16, v0  }
0x55c: {  	v13 =	vadd.f32 v14, v13  }
0x55d: {  	v14 =	vadd.f32 v16, v15  }
0x55e: {  	v15 =	vperm.xlane v13, v0  }
0x55f: {  	v16 =	vperm.xlane v14, v1  }
0x560: {  	v13 =	vadd.f32 v13, v15  }
0x561: {  	v14 =	vadd.f32 v14, v16  }
0x562: {  	v15 =	vperm.xlane v13, v1  }
0x563: {  	v16 =	vperm.xlane v14, v2  }
0x564: {  	v13 =	vadd.f32 v13, v15  }
0x565: {  	v14 =	vadd.f32 v14, v16  }
0x566: {  	v15 =	vperm.xlane v13, v2  }
0x567: {  	v16 =	vperm.xlane v14, v3  }
0x568: {  	v13 =	vadd.f32 v13, v15  }
0x569: {  	p0 =	seq.s32 s1, $0x0;
	vm4 =	vmmov vm0;
	v15 =	vadd.f32 v19, v11;
	v11 =	vadd.f32 v14, v16  }
0x56a: {  	vm2 =	vmor vm3, vm2;
	vm4 =	vmneg @p0 vm4;
	v14 =	vperm.xlane v13, v3  }
0x56b: {  	vm3 =	vmneg vm2;
	vm5 =	vgt.f32 v15, v7;
	v16 =	vadd.f32 v11, v15  }
0x56c: {  	p0 =	seq.s32 s20, $0x0;
	vm4 =	vmor vm4, vm5;
	vm5 =	vmmov vm0;
	v11 =	vadd.f32 v13, v14  }
0x56d: {  	vm5 =	vmneg @p0 vm5;
	vm6 =	vgt.f32 v16, v7;
	vm7 =	vmor vm2, vm4  }
0x56e: {  	vm3 =	vmand vm4, vm3;
	p0 =	seq.s32 s19, $0x0;
	vm4 =	vmmov vm0;
	v11 =	vadd.f32 v11, v16  }
0x56f: {  	vm5 =	vmor vm5, vm6;
	vm2 =	vmneg vm7;
	vm4 =	vmneg @p0 vm4  }
0x570: {  	vm2 =	vmand vm5, vm2;
	vm5 =	vmor vm7, vm5;
	vm15 =	vgt.f32 v11, v7  }
0x571: {  	vm5 =	vmneg vm5;
	v11 =	vsel vm3, s1, v12;
	vm4 =	vmor vm4, vm15  }
0x572: {  	v11 =	vsel vm2, s20, v11;
	vm4 =	vmand vm4, vm5  }
0x573: {  	v11 =	vsel vm4, s19, v11  }
0x574: {  	(v2sf) =	vpush v11, $0x0;
	_ =	sdelay $0xe  }
0x575: {  	s0 =	spop (v2sf)  }
0x576: {  	s0 =	sshll.u32 s0, $0xA  }
0x577: {  	s23 =	simm.s32 $0xF0;
	s0 =	sshra.s32 s0, $0x2  }
0x578: {  	s24 =	sand.u32 $0x80, s23;
	s21 =	sadd.s32 $0x18700, s0  }
0x579: {  	s1 =	sand.u32 $0x70, s23;
	s0 =	sadd.s32 s24, s21  }
0x57a: {  	s0 =	sadd.s32 s1, s0  }
0x57b: {  	v12 =	vld [tilespmem:s0+$0x0];
	_ =	sdelay $0x1  }
0x57c: {  	s25 =	simm.s32 $0xE0  }
0x57d: {  	s26 =	sand.u32 $0x80, s25  }
0x57e: {  	s1 =	sadd.s32 s26, s21;
	s0 =	sand.u32 $0x70, s25  }
0x57f: {  	s0 =	sadd.s32 s0, s1;
	v13 =	vperm.xlane v12, v0  }
0x580: {  	v14 =	vld [tilespmem:s0+$0x0]  }
0x581: {  	v12 =	vadd.f32 v13, v12;
	_ =	sdelay $0x1  }
0x582: {  	s28 =	simm.s32 $0xD0;
	v13 =	vperm.xlane v12, v1  }
0x583: {  	s29 =	sand.u32 $0x80, s28  }
0x584: {  	s1 =	sadd.s32 s29, s21;
	s0 =	sand.u32 $0x70, s28;
	v12 =	vadd.f32 v13, v12;
	v13 =	vperm.xlane v14, v0  }
0x585: {  	s0 =	sadd.s32 s0, s1  }
0x586: {  	v63 =	vld [tilespmem:s0+$0x0];
	v17 =	vperm.xlane v12, v2;
	v13 =	vadd.f32 v13, v14;
	_ =	sdelay $0x1  }
0x587: {  	v12 =	vadd.f32 v17, v12;
	v14 =	vperm.xlane v13, v1;
	_ =	sdelay $0x1  }
0x588: {  	s30 =	simm.s32 $0xC0;
	v17 =	vperm.xlane v12, v3;
	v13 =	vadd.f32 v14, v13  }
0x589: {  	s31 =	sand.u32 $0x80, s30;
	v9 =	vsel vm3, v10, v9;
	v10 =	vperm.xlane v63, v0  }
0x58a: {  	v9 =	vsel vm2, v15, v9;
	s1 =	sadd.s32 s31, s21;
	s0 =	sand.u32 $0x70, s30;
	v12 =	vadd.f32 v17, v12;
	v14 =	vperm.xlane v13, v2  }
0x58b: {  	v9 =	vsel vm4, v16, v9;
	s7 =	sadd.s32 s0, s1;
	v16 =	vadd.f32 v10, v63  }
0x58c: {  	v10 =	vadd.f32 v12, v9;
	v12 =	vadd.f32 v14, v13;
	v13 =	vld [tilespmem:s7+$0x0]  }
0x58d: {  	p0 =	por $0x0, $0x0;
	vm2 =	vmmov vm0  }
0x58e: {  	s8 =	simm.s32 $0xF;
	s5 =	simm.s32 $0xC;
	vm2 =	vmneg @p0 vm2;
	v14 =	vperm.xlane v16, v1;
	vm3 =	vgt.f32 v10, v7  }
0x58f: {  	s20 =	simm.s32 $0xD;
	s19 =	simm.s32 $0xE;
	s0 =	simm.s32 $0xB0;
	v9 =	vimm.s32 $0x0;
	v15 =	vperm.xlane v12, v3;
	vm2 =	vmor vm2, vm3  }
0x590: {  	s1 =	simm.s32 $0xB;
	s15 =	sand.u32 $0x80, s0;
	s7 =	simm.s32 $0xA;
	v14 =	vadd.f32 v14, v16;
	vm3 =	vmand vm2, vm1;
	vm1 =	vmmov vm0  }
.LBB2_37:
0x591: {  	p0 =	sne.s32 s7, $0x0;
	s22 =	sand.u32 $0x70, s0;
	s15 =	sadd.s32 s15, s21;
	v16 =	vperm.xlane v13, v0;
	v12 =	vadd.f32 v15, v12;
	v9 =	vsel vm3, s8, v9  }
0x592: {  	s8 =	smov.u32 s19;
	s19 =	smov.u32 s20;
	s15 =	sadd.s32 s22, s15;
	v15 =	vperm.xlane v14, v2  }
.Ltmp18:
0x593: {  	s20 =	smov.u32 s5;
	vm3 =	vmmov vm0;
	p1 =	seq.s32 s8, $0x0;
	v16 =	vadd.f32 v16, v13;
	v13 =	vld [tilespmem:s15+$0x0];
	v10 =	vadd.f32 v12, v10;
	(pc) =	sbr.rel @p0 .LBB2_37-.Ltmp18, $4  }
0x594: {  	s5 =	smov.u32 s1;
	s1 =	smov.u32 s7;
	vm3 =	vmneg @p1 vm3;
	v12 =	vadd.f32 v15, v14  }
0x595: {  	vm1 =	vmor vm1, vm2;
	v14 =	vperm.xlane v16, v1;
	vm4 =	vgt.f32 v10, v7  }
0x596: {  	s0 =	sadd.s32 $0xFFFFFFF0, s0;
	vm5 =	vmneg vm1;
	v15 =	vperm.xlane v12, v3;
	vm2 =	vmor vm3, vm4  }
0x597: {  	s7 =	sadd.s32 $0xFFFFFFFF, s7;
	s15 =	sand.u32 $0x80, s0;
	v14 =	vadd.f32 v14, v16;
	vm3 =	vmand vm2, vm5  }
0x598: {  	s0 =	sand.u32 $0x70, s0;
	s7 =	sadd.s32 s15, s21  }
0x599: {  	s0 =	sadd.s32 s0, s7  }
0x59a: {  	v16 =	vld [tilespmem:s0+$0x0];
	_ =	sdelay $0x2  }
0x59b: {  	v17 =	vperm.xlane v13, v0;
	_ =	sdelay $0x1  }
0x59c: {  	v13 =	vadd.f32 v17, v13;
	v53 =	vperm.xlane v16, v0;
	_ =	sdelay $0x1  }
0x59d: {  	v54 =	vperm.xlane v14, v2;
	v18 =	vperm.xlane v13, v1;
	v16 =	vadd.f32 v53, v16  }
0x59e: {  	v12 =	vadd.f32 v15, v12  }
0x59f: {  	v14 =	vadd.f32 v54, v14;
	v13 =	vadd.f32 v18, v13;
	v55 =	vperm.xlane v16, v1  }
0x5a0: {  	vm4 =	vmmov vm0;
	vm1 =	vmor vm1, vm2;
	v10 =	vadd.f32 v12, v10  }
0x5a1: {  	p0 =	seq.s32 s19, $0x0;
	v58 =	vperm.xlane v14, v3;
	v57 =	vperm.xlane v13, v2;
	v56 =	vadd.f32 v55, v16  }
0x5a2: {  	v9 =	vsel vm3, s8, v9;
	vm4 =	vmneg @p0 vm4;
	vm2 =	vgt.f32 v10, v7  }
0x5a3: {  	v12 =	vadd.f32 v58, v14;
	v13 =	vadd.f32 v57, v13;
	v59 =	vperm.xlane v56, v2  }
0x5a4: {  	vm5 =	vmneg vm1;
	vm2 =	vmor vm4, vm2;
	vm4 =	vmmov vm0  }
0x5a5: {  	p0 =	seq.s32 s20, $0x0;
	v10 =	vadd.f32 v12, v10;
	v60 =	vperm.xlane v13, v3;
	v15 =	vadd.f32 v59, v56  }
0x5a6: {  	vm3 =	vmand vm2, vm5;
	vm1 =	vmor vm1, vm2;
	vm4 =	vmneg @p0 vm4  }
0x5a7: {  	vm2 =	vgt.f32 v10, v7;
	v61 =	vadd.f32 v60, v13;
	v62 =	vperm.xlane v15, v3  }
0x5a8: {  	vm13 =	vmneg vm1;
	v9 =	vsel vm3, s19, v9;
	vm2 =	vmor vm4, vm2  }
0x5a9: {  	p0 =	seq.s32 s5, $0x0;
	vm4 =	vmmov vm0;
	v10 =	vadd.f32 v61, v10;
	v63 =	vadd.f32 v62, v15  }
0x5aa: {  	vm3 =	vmand vm2, vm13;
	vm4 =	vmneg @p0 vm4;
	vm1 =	vmor vm1, vm2  }
0x5ab: {  	v9 =	vsel vm3, s20, v9;
	vm14 =	vgt.f32 v10, v7;
	v10 =	vadd.f32 v63, v10  }
0x5ac: {  	p0 =	seq.s32 s1, $0x0;
	vm2 =	vmneg vm1;
	vm3 =	vmor vm4, vm14;
	vm4 =	vmmov vm0  }
0x5ad: {  	vm4 =	vmneg @p0 vm4;
	vm1 =	vmor vm1, vm3;
	vm15 =	vgt.f32 v10, v7  }
0x5ae: {  	vm2 =	vmand vm3, vm2;
	vm1 =	vmneg vm1;
	vm3 =	vmor vm4, vm15  }
0x5af: {  	v7 =	vsel vm2, s5, v9;
	v9 =	vshll.u32 v11, $0xE;
	vm1 =	vmand vm3, vm1  }
0x5b0: {  	v8 =	vadd.s32 v8, v9;
	v7 =	vsel vm1, s1, v7  }
0x5b1: {  	v9 =	vimm.s32 $0xC3480000;
	v10 =	vshll.u32 v7, $0xA;
	v7 =	vimm.s32 $0x80000000  }
0x5b2: {  	s0 =	simm.s32 $0x1F;
	v8 =	vadd.s32 v10, v8;
	v10 =	vsub.s32 v9, v7  }
.LBB2_39:
0x5b3: {  	p0 =	sne.s32 s0, $0x1;
	v10 =	vshra.s32 v10, $0x1  }
0x5b4: {  	v10 =	vadd.s32 v7, v10  }
0x5b5: {  	v11 =	vmul.f32 $1.442695020e+00, v10;
	_ =	sdelay $0x1  }
0x5b6: {  	(erf) = vpow2.f32 v11;
	_ =	sdelay $0x7  }
.Ltmp19:
0x5b7: {  	(pc) =	sbr.rel @p0 .LBB2_39-.Ltmp19, $4  }
0x5b8: {  	v11 =	vpop (erf)  }
0x5b9: {  	vm1 =	vgt.s32 v8, v11  }
0x5ba: {  	v7 =	vsel vm1, v7, v10;
	v9 =	vsel vm1, v10, v9  }
0x5bb: {  	s0 =	sadd.s32 $0xFFFFFFFF, s0;
	v10 =	vsub.s32 v9, v7  }
0x5bc: {  	v9 =	vshra.s32 v10, $0x1  }
0x5bd: {  	v9 =	vadd.s32 v7, v9  }
0x5be: {  	v63 =	vmul.f32 $1.442695020e+00, v9;
	_ =	sdelay $0x1  }
0x5bf: {  	(erf) = vpow2.f32 v63;
	_ =	sdelay $0x8  }
0x5c0: {  	v10 =	vpop (erf)  }
0x5c1: {  	vm1 =	vgt.s32 v8, v10  }
0x5c2: {  	s19 =	simm.s32 $0x0;
	s20 =	simm.s32 $0x50;
	s21 =	simm.s32 $0x1030;
	v7 =	vsel vm1, v7, v9  }
.LBB2_41:
0x5c3: {  	p0 =	seq.s32 s19, $0x0  }
0x5c4: {  	s0 =	simm.s32 @!p0 $0x2  }
0x5c5: {  	_ =	swait.ge @!p0 [sflag:s0], $0xFA0  }
0x5c6: {  	[sflag:s0] =	ssyncset.done @!p0 $0x0  }
0x5c7: {  	[sflag:s0] =	ssyncadd.s32 @!p0 $0xFFFFF060  }
0x5c8: {  	v8 =	vld [tilespmem:s20+$0x0];
	_ =	sdelay $0x4  }
0x5c9: {  	v9 =	vld [tilespmem:s20+$0xFFFFFFB0];
	v10 =	vsub.f32 v8, v6;
	_ =	sdelay $0x1  }
0x5ca: {  	vm1 =	vge.f32 v10, v7  }
0x5cb: {  	s23 =	simm.s32 $0x1C750;
	s26 =	sadd.s32 $0xA0, s20;
	v8 =	vnsel vm1, $0xFF800000, v8  }
0x5cc: {  	[tilespmem:s23+$0x0] =	vst v8;
	v8 =	vld [tilespmem:s26+$0x0]  }
0x5cd: {  	v10 =	vsub.f32 v9, v6;
	v11 =	vld [tilespmem:s20+$0x10];
	_ =	sdelay $0x1  }
0x5ce: {  	vm1 =	vge.f32 v10, v7  }
0x5cf: {  	v9 =	vnsel vm1, $0xFF800000, v9  }
0x5d0: {  	[tilespmem:s23+$0xFFFFFFB0] =	vst v9;
	v9 =	vld [tilespmem:s26+$0xFFFFFFB0];
	v10 =	vsub.f32 v8, v6  }
0x5d1: {  	v12 =	vld [tilespmem:s20+$0xFFFFFFC0];
	v13 =	vsub.f32 v11, v6  }
0x5d2: {  	vm1 =	vge.f32 v10, v7  }
0x5d3: {  	s24 =	simm.s32 $0x1C7F0;
	s28 =	sadd.s32 $0xA0, s26;
	v8 =	vnsel vm1, $0xFF800000, v8;
	vm1 =	vge.f32 v13, v7  }
0x5d4: {  	v10 =	vld [tilespmem:s28+$0x0];
	[tilespmem:s24+$0x0] =	vst v8;
	v8 =	vnsel vm1, $0xFF800000, v11  }
0x5d5: {  	v11 =	vsub.f32 v9, v6;
	[tilespmem:s23+$0x10] =	vst v8;
	v8 =	vld [tilespmem:s26+$0x10]  }
0x5d6: {  	v13 =	vsub.f32 v12, v6;
	v14 =	vld [tilespmem:s20+$0x20]  }
0x5d7: {  	vm1 =	vge.f32 v11, v7  }
0x5d8: {  	v9 =	vnsel vm1, $0xFF800000, v9;
	vm1 =	vge.f32 v13, v7  }
0x5d9: {  	v11 =	vld [tilespmem:s28+$0xFFFFFFB0];
	[tilespmem:s24+$0xFFFFFFB0] =	vst v9;
	v9 =	vnsel vm1, $0xFF800000, v12;
	v12 =	vsub.f32 v10, v6  }
0x5da: {  	[tilespmem:s23+$0xFFFFFFC0] =	vst v9;
	v9 =	vld [tilespmem:s26+$0xFFFFFFC0];
	v13 =	vsub.f32 v8, v6  }
0x5db: {  	vm1 =	vge.f32 v12, v7;
	v12 =	vld [tilespmem:s20+$0xFFFFFFD0];
	v15 =	vsub.f32 v14, v6  }
0x5dc: {  	s25 =	simm.s32 $0x1C890;
	s30 =	sadd.s32 $0xA0, s28;
	v10 =	vnsel vm1, $0xFF800000, v10;
	vm1 =	vge.f32 v13, v7  }
0x5dd: {  	[tilespmem:s25+$0x0] =	vst v10;
	v10 =	vld [tilespmem:s30+$0x0];
	v8 =	vnsel vm1, $0xFF800000, v8;
	vm1 =	vge.f32 v15, v7  }
0x5de: {  	v13 =	vsub.f32 v11, v6;
	[tilespmem:s24+$0x10] =	vst v8;
	v8 =	vnsel vm1, $0xFF800000, v14;
	v14 =	vld [tilespmem:s28+$0x10]  }
0x5df: {  	v15 =	vsub.f32 v9, v6;
	[tilespmem:s23+$0x20] =	vst v8;
	v8 =	vld [tilespmem:s26+$0x20]  }
0x5e0: {  	vm1 =	vge.f32 v13, v7;
	v13 =	vsub.f32 v12, v6;
	v16 =	vld [tilespmem:s20+$0x30]  }
0x5e1: {  	v11 =	vnsel vm1, $0xFF800000, v11;
	vm1 =	vge.f32 v15, v7  }
0x5e2: {  	[tilespmem:s25+$0xFFFFFFB0] =	vst v11;
	v11 =	vld [tilespmem:s30+$0xFFFFFFB0];
	v9 =	vnsel vm1, $0xFF800000, v9;
	vm1 =	vge.f32 v13, v7;
	v13 =	vsub.f32 v10, v6  }
0x5e3: {  	v15 =	vld [tilespmem:s28+$0xFFFFFFC0];
	[tilespmem:s24+$0xFFFFFFC0] =	vst v9;
	v9 =	vnsel vm1, $0xFF800000, v12;
	v12 =	vsub.f32 v14, v6  }
0x5e4: {  	[tilespmem:s23+$0xFFFFFFD0] =	vst v9;
	vm1 =	vge.f32 v13, v7;
	v9 =	vld [tilespmem:s26+$0xFFFFFFD0];
	v13 =	vsub.f32 v8, v6  }
0x5e5: {  	s29 =	simm.s32 $0x1C930;
	s31 =	sadd.s32 $0xA0, s30;
	v10 =	vnsel vm1, $0xFF800000, v10;
	v17 =	vld [tilespmem:s20+$0xFFFFFFE0];
	vm1 =	vge.f32 v12, v7;
	v12 =	vsub.f32 v16, v6  }
0x5e6: {  	s22 =	simm.s32 $0x80;
	s1 =	simm.s32 $0x0;
	[tilespmem:s29+$0x0] =	vst v10;
	v10 =	vnsel vm1, $0xFF800000, v14;
	vm1 =	vge.f32 v13, v7;
	v13 =	vld [tilespmem:s31+$0x0]  }
0x5e7: {  	s1 =	sand.u32 $0x60, s1;
	s0 =	sand.u32 $0x1F80, s22;
	v14 =	vsub.f32 v11, v6;
	v18 =	vld [tilespmem:s30+$0x10];
	[tilespmem:s25+$0x10] =	vst v10;
	v8 =	vnsel vm1, $0xFF800000, v8;
	vm1 =	vge.f32 v12, v7  }
0x5e8: {  	s0 =	sor.u32 s1, s0;
	v19 =	vsub.f32 v15, v6;
	[tilespmem:s24+$0x20] =	vst v8;
	v8 =	vnsel vm1, $0xFF800000, v16;
	v12 =	vld [tilespmem:s28+$0x20]  }
0x5e9: {  	vm1 =	vge.f32 v14, v7;
	v14 =	vsub.f32 v9, v6;
	[tilespmem:s0+$0x1C700] =	vst v8;
	v10 =	vld [tilespmem:s26+$0x30]  }
0x5ea: {  	v11 =	vnsel vm1, $0xFF800000, v11;
	vm1 =	vge.f32 v19, v7;
	v19 =	vsub.f32 v17, v6;
	v8 =	vld [tilespmem:s20+$0x40]  }
0x5eb: {  	v16 =	vld [tilespmem:s31+$0xFFFFFFB0];
	[tilespmem:s29+$0xFFFFFFB0] =	vst v11;
	v11 =	vnsel vm1, $0xFF800000, v15;
	vm1 =	vge.f32 v14, v7;
	v14 =	vsub.f32 v13, v6  }
0x5ec: {  	[tilespmem:s25+$0xFFFFFFC0] =	vst v11;
	v9 =	vnsel vm1, $0xFF800000, v9;
	vm1 =	vge.f32 v19, v7;
	v15 =	vld [tilespmem:s30+$0xFFFFFFC0];
	v11 =	vsub.f32 v18, v6  }
0x5ed: {  	[tilespmem:s24+$0xFFFFFFD0] =	vst v9;
	v9 =	vnsel vm1, $0xFF800000, v17;
	vm1 =	vge.f32 v14, v7;
	v14 =	vld [tilespmem:s28+$0xFFFFFFD0];
	v19 =	vsub.f32 v12, v6  }
0x5ee: {  	s8 =	simm.s32 $0x28;
	s5 =	simm.s32 $0x120;
	s1 =	simm.s32 $0x1C9D0;
	[tilespmem:s23+$0xFFFFFFE0] =	vst v9;
	v9 =	vnsel vm1, $0xFF800000, v13;
	vm1 =	vge.f32 v11, v7;
	v11 =	vld [tilespmem:s26+$0xFFFFFFE0];
	v17 =	vsub.f32 v10, v6  }
0x5ef: {  	s22 =	sshll.u32 s19, $0x1;
	s15 =	sadd.s32 $0xA0, s31;
	s0 =	simm.s32 $0xA0;
	[tilespmem:s1+$0x0] =	vst v9;
	v18 =	vnsel vm1, $0xFF800000, v18;
	vm1 =	vge.f32 v19, v7;
	v9 =	vld [tilespmem:s20+$0xFFFFFFF0];
	v13 =	vsub.f32 v8, v6  }
.LBB2_42:
0x5f0: {  	v19 =	vld [tilespmem:s15+$0x0];
	v20 =	vsub.f32 v16, v6;
	[tilespmem:s29+$0x10] =	vst v18;
	v12 =	vnsel vm1, $0xFF800000, v12;
	vm1 =	vge.f32 v17, v7;
	s13 =	sand.u32 $0x1F80, s5;
	s0 =	sand.u32 $0x60, s0;
	s7 =	smov.u32 s25  }
0x5f1: {  	s25 =	smov.u32 s29;
	s29 =	smov.u32 s1;
	v18 =	vld [tilespmem:s31+$0x10];
	v17 =	vsub.f32 v15, v6;
	[tilespmem:s7+$0x20] =	vst v12;
	v10 =	vnsel vm1, $0xFF800000, v10;
	s0 =	sor.u32 s0, s13;
	vm1 =	vge.f32 v13, v7  }
0x5f2: {  	s13 =	smov.u32 s26;
	s26 =	smov.u32 s28;
	s28 =	smov.u32 s30;
	vm2 =	vge.f32 v20, v7;
	v12 =	vld [tilespmem:s30+$0x20];
	v13 =	vsub.f32 v14, v6;
	[tilespmem:s0+$0x1C700] =	vst v10;
	v8 =	vnsel vm1, $0xFF800000, v8  }
0x5f3: {  	s8 =	sadd.s32 $0xA, s8;
	s30 =	smov.u32 s31;
	s31 =	smov.u32 s15;
	v16 =	vnsel vm2, $0xFF800000, v16;
	vm1 =	vge.f32 v17, v7;
	v10 =	vld [tilespmem:s26+$0x30];
	v17 =	vsub.f32 v11, v6;
	[tilespmem:s23+$0x40] =	vst v8  }
0x5f4: {  	p1 =	slt.u32 s8, $0xF0;
	[tilespmem:s1+$0xFFFFFFB0] =	vst v16;
	v15 =	vnsel vm1, $0xFF800000, v15;
	vm1 =	vge.f32 v13, v7;
	v8 =	vld [tilespmem:s13+$0x40];
	v13 =	vsub.f32 v9, v6  }
.Ltmp20:
0x5f5: {  	v16 =	vld [tilespmem:s15+$0xFFFFFFB0];
	v20 =	vsub.f32 v19, v6;
	[tilespmem:s25+$0xFFFFFFC0] =	vst v15;
	v14 =	vnsel vm1, $0xFF800000, v14;
	vm1 =	vge.f32 v17, v7;
	(pc) =	sbr.rel @p1 .LBB2_42-.Ltmp20, $4  }
0x5f6: {  	v15 =	vld [tilespmem:s30+$0xFFFFFFC0];
	v17 =	vsub.f32 v18, v6;
	[tilespmem:s7+$0xFFFFFFD0] =	vst v14;
	v11 =	vnsel vm1, $0xFF800000, v11;
	vm1 =	vge.f32 v13, v7  }
0x5f7: {  	vm2 =	vge.f32 v20, v7;
	v14 =	vld [tilespmem:s28+$0xFFFFFFD0];
	v13 =	vsub.f32 v12, v6;
	[tilespmem:s24+$0xFFFFFFE0] =	vst v11;
	v9 =	vnsel vm1, $0xFF800000, v9  }
0x5f8: {  	s5 =	sadd.s32 $0xA0, s5;
	s1 =	sadd.s32 $0xA0, s1;
	v19 =	vnsel vm2, $0xFF800000, v19;
	vm1 =	vge.f32 v17, v7;
	v11 =	vld [tilespmem:s26+$0xFFFFFFE0];
	v17 =	vsub.f32 v10, v6;
	[tilespmem:s23+$0xFFFFFFF0] =	vst v9;
	s23 =	smov.u32 s24  }
0x5f9: {  	s0 =	sadd.s32 $0xFFFFFF80, s5;
	s15 =	sadd.s32 $0xA0, s15;
	s24 =	smov.u32 s7;
	[tilespmem:s1+$0x0] =	vst v19;
	v18 =	vnsel vm1, $0xFF800000, v18;
	vm1 =	vge.f32 v13, v7;
	v9 =	vld [tilespmem:s13+$0xFFFFFFF0];
	v13 =	vsub.f32 v8, v6  }
0x5fa: {  	v19 =	vsub.f32 v16, v6;
	_ =	sdelay $0x1  }
0x5fb: {  	vm2 =	vge.f32 v19, v7  }
0x5fc: {  	v16 =	vnsel vm2, $0xFF800000, v16  }
0x5fd: {  	v19 =	vld [tilespmem:s31+$0x10];
	[tilespmem:s1+$0xFFFFFFB0] =	vst v16  }
0x5fe: {  	v16 =	vld [tilespmem:s31+$0xFFFFFFC0];
	_ =	sdelay $0x2  }
0x5ff: {  	v20 =	vsub.f32 v15, v6  }
0x600: {  	v21 =	vsub.f32 v19, v6  }
0x601: {  	vm2 =	vge.f32 v20, v7;
	v20 =	vsub.f32 v16, v6  }
0x602: {  	[tilespmem:s29+$0x10] =	vst v18;
	v15 =	vnsel vm2, $0xFF800000, v15;
	vm2 =	vge.f32 v21, v7  }
0x603: {  	v18 =	vld [tilespmem:s30+$0x20];
	[tilespmem:s29+$0xFFFFFFC0] =	vst v15;
	v15 =	vnsel vm2, $0xFF800000, v19;
	vm2 =	vge.f32 v20, v7  }
0x604: {  	v19 =	vld [tilespmem:s30+$0xFFFFFFD0];
	[tilespmem:s1+$0x10] =	vst v15;
	v15 =	vnsel vm2, $0xFF800000, v16  }
0x605: {  	v16 =	vld [tilespmem:s31+$0x20];
	[tilespmem:s1+$0xFFFFFFC0] =	vst v15  }
0x606: {  	v15 =	vld [tilespmem:s31+$0xFFFFFFD0]  }
0x607: {  	v20 =	vsub.f32 v14, v6  }
0x608: {  	v63 =	vsub.f32 v18, v6  }
0x609: {  	v12 =	vnsel vm1, $0xFF800000, v12;
	vm1 =	vge.f32 v20, v7;
	v20 =	vsub.f32 v19, v6  }
0x60a: {  	[tilespmem:s25+$0x20] =	vst v12;
	v12 =	vnsel vm1, $0xFF800000, v14;
	vm1 =	vge.f32 v63, v7;
	v14 =	vsub.f32 v16, v6  }
0x60b: {  	[tilespmem:s25+$0xFFFFFFD0] =	vst v12;
	v12 =	vld [tilespmem:s28+$0x30];
	v18 =	vnsel vm1, $0xFF800000, v18;
	vm1 =	vge.f32 v20, v7;
	v20 =	vsub.f32 v15, v6  }
0x60c: {  	[tilespmem:s29+$0x20] =	vst v18;
	v18 =	vld [tilespmem:s28+$0xFFFFFFE0];
	v19 =	vnsel vm1, $0xFF800000, v19;
	vm1 =	vge.f32 v14, v7  }
0x60d: {  	[tilespmem:s29+$0xFFFFFFD0] =	vst v19;
	v14 =	vld [tilespmem:s30+$0x30];
	v16 =	vnsel vm1, $0xFF800000, v16;
	vm1 =	vge.f32 v20, v7  }
0x60e: {  	v19 =	vld [tilespmem:s30+$0xFFFFFFE0];
	[tilespmem:s1+$0x20] =	vst v16;
	v15 =	vnsel vm1, $0xFF800000, v15  }
0x60f: {  	v16 =	vsub.f32 v11, v6;
	v20 =	vld [tilespmem:s31+$0x30];
	[tilespmem:s1+$0xFFFFFFD0] =	vst v15  }
0x610: {  	s7 =	sand.u32 $0x1F80, s5;
	s0 =	sand.u32 $0x60, s0;
	s13 =	sadd.s32 $0xA0, s5;
	vm1 =	vge.f32 v17, v7;
	v15 =	vsub.f32 v12, v6;
	v17 =	vld [tilespmem:s31+$0xFFFFFFE0]  }
0x611: {  	s0 =	sor.u32 s0, s7;
	s15 =	sadd.s32 $0xFFFFFF80, s13;
	v10 =	vnsel vm1, $0xFF800000, v10;
	vm1 =	vge.f32 v16, v7;
	v16 =	vsub.f32 v18, v6  }
0x612: {  	s8 =	sand.u32 $0x1F80, s13;
	s5 =	sadd.s32 $0xA0, s13;
	s7 =	sand.u32 $0x60, s15;
	[tilespmem:s0+$0x1C700] =	vst v10;
	v10 =	vnsel vm1, $0xFF800000, v11;
	v11 =	vsub.f32 v14, v6;
	vm1 =	vge.f32 v15, v7  }
0x613: {  	s13 =	sadd.s32 $0xFFFFFF80, s5;
	s0 =	sor.u32 s7, s8;
	[tilespmem:s24+$0xFFFFFFE0] =	vst v10;
	v10 =	vld [tilespmem:s26+$0x40];
	v15 =	vsub.f32 v19, v6;
	v12 =	vnsel vm1, $0xFF800000, v12;
	vm1 =	vge.f32 v16, v7  }
0x614: {  	s15 =	sand.u32 $0x1F80, s5;
	s5 =	sadd.s32 $0xA0, s5;
	s7 =	sand.u32 $0x60, s13;
	[tilespmem:s0+$0x1C700] =	vst v12;
	v12 =	vld [tilespmem:s26+$0xFFFFFFF0];
	v16 =	vnsel vm1, $0xFF800000, v18;
	vm1 =	vge.f32 v11, v7;
	v11 =	vsub.f32 v20, v6  }
0x615: {  	s0 =	sor.u32 s7, s15;
	s26 =	sadd.s32 $0xFFFFFF80, s5;
	[tilespmem:s25+$0xFFFFFFE0] =	vst v16;
	v16 =	vld [tilespmem:s28+$0x40];
	v14 =	vnsel vm1, $0xFF800000, v14;
	vm1 =	vge.f32 v15, v7;
	v15 =	vsub.f32 v17, v6  }
0x616: {  	s5 =	sand.u32 $0x1F80, s5;
	s7 =	sand.u32 $0x60, s26;
	[tilespmem:s0+$0x1C700] =	vst v14;
	v14 =	vld [tilespmem:s28+$0xFFFFFFF0];
	v18 =	vnsel vm1, $0xFF800000, v19;
	vm1 =	vge.f32 v11, v7  }
0x617: {  	v11 =	vsub.f32 v9, v6;
	s0 =	sor.u32 s7, s5;
	[tilespmem:s29+$0xFFFFFFE0] =	vst v18;
	v18 =	vld [tilespmem:s30+$0x40];
	v19 =	vnsel vm1, $0xFF800000, v20;
	vm1 =	vge.f32 v15, v7  }
0x618: {  	vm2 =	vge.f32 v13, v7;
	v13 =	vsub.f32 v10, v6;
	[tilespmem:s0+$0x1C700] =	vst v19;
	v15 =	vld [tilespmem:s30+$0xFFFFFFF0];
	v17 =	vnsel vm1, $0xFF800000, v17  }
0x619: {  	v8 =	vnsel vm2, $0xFF800000, v8;
	vm1 =	vge.f32 v11, v7;
	v11 =	vsub.f32 v12, v6;
	v19 =	vld [tilespmem:s31+$0x40];
	[tilespmem:s1+$0xFFFFFFE0] =	vst v17  }
0x61a: {  	[tilespmem:s23+$0x40] =	vst v8;
	v8 =	vnsel vm1, $0xFF800000, v9;
	vm1 =	vge.f32 v13, v7;
	v9 =	vsub.f32 v16, v6;
	v13 =	vld [tilespmem:s31+$0xFFFFFFF0]  }
0x61b: {  	[tilespmem:s23+$0xFFFFFFF0] =	vst v8;
	v8 =	vnsel vm1, $0xFF800000, v10;
	vm1 =	vge.f32 v11, v7;
	v10 =	vsub.f32 v14, v6  }
0x61c: {  	[tilespmem:s24+$0x40] =	vst v8;
	v8 =	vnsel vm1, $0xFF800000, v12;
	vm1 =	vge.f32 v9, v7;
	v9 =	vsub.f32 v18, v6  }
0x61d: {  	[tilespmem:s24+$0xFFFFFFF0] =	vst v8;
	v8 =	vnsel vm1, $0xFF800000, v16;
	vm1 =	vge.f32 v10, v7;
	v10 =	vsub.f32 v15, v6  }
0x61e: {  	[tilespmem:s25+$0x40] =	vst v8;
	v8 =	vnsel vm1, $0xFF800000, v14;
	vm1 =	vge.f32 v9, v7;
	v9 =	vsub.f32 v19, v6  }
0x61f: {  	s8 =	smul.u32 $0x1F40, s19;
	[tilespmem:s25+$0xFFFFFFF0] =	vst v8;
	v8 =	vnsel vm1, $0xFF800000, v18;
	vm1 =	vge.f32 v10, v7;
	v10 =	vsub.f32 v13, v6  }
0x620: {  	[tilespmem:s29+$0x40] =	vst v8;
	v8 =	vnsel vm1, $0xFF800000, v15;
	vm1 =	vge.f32 v9, v7  }
0x621: {  	s0 =	sadd.s32 s18, s8;
	[tilespmem:s29+$0xFFFFFFF0] =	vst v8;
	v8 =	vnsel vm1, $0xFF800000, v19;
	vm1 =	vge.f32 v10, v7  }
0x622: {  	s0 =	sshrl.u32 s0, $0x3;
	[tilespmem:s1+$0x40] =	vst v8;
	v8 =	vnsel vm1, $0xFF800000, v13  }
0x623: {  	s0 =	sadd.s32 s6, s0;
	[tilespmem:s1+$0xFFFFFFF0] =	vst v8  }
0x624: {  	[hbm4b:s0+s2] =	stream.linear.scatter [tilespmem:s9], [sflag:$0x2], $0xFA0, $0x38;
	[tilespmem:$0x1E700] =	vst v63  }
0x625: {  	s0 =	simm.s32 @!p0 $0x3  }
0x626: {  	_ =	swait.ge @!p0 [sflag:s0], $0xFA0  }
0x627: {  	[sflag:s0] =	ssyncset.done @!p0 $0x0  }
0x628: {  	[sflag:s0] =	ssyncadd.s32 @!p0 $0xFFFFF060  }
0x629: {  	v8 =	vld [tilespmem:s21+$0xFFFFFFC0];
	_ =	sdelay $0x4  }
0x62a: {  	v9 =	vld [tilespmem:s21+$0xFFFFFF70];
	v10 =	vsub.f32 v8, v6;
	_ =	sdelay $0x1  }
0x62b: {  	vm1 =	vge.f32 v10, v7  }
0x62c: {  	s26 =	sadd.s32 $0xA0, s21;
	s23 =	simm.s32 $0x1D750;
	v8 =	vnsel vm1, $0xFF800000, v8  }
0x62d: {  	[tilespmem:s23+$0x0] =	vst v8;
	v8 =	vld [tilespmem:s26+$0xFFFFFFC0]  }
0x62e: {  	v10 =	vsub.f32 v9, v6;
	v11 =	vld [tilespmem:s21+$0xFFFFFFD0];
	_ =	sdelay $0x1  }
0x62f: {  	vm1 =	vge.f32 v10, v7  }
0x630: {  	v9 =	vnsel vm1, $0xFF800000, v9  }
0x631: {  	[tilespmem:s23+$0xFFFFFFB0] =	vst v9;
	v9 =	vld [tilespmem:s26+$0xFFFFFF70];
	v10 =	vsub.f32 v8, v6  }
0x632: {  	v12 =	vld [tilespmem:s21+$0xFFFFFF80];
	v13 =	vsub.f32 v11, v6  }
0x633: {  	vm1 =	vge.f32 v10, v7  }
0x634: {  	s28 =	sadd.s32 $0xA0, s26;
	s24 =	simm.s32 $0x1D7F0;
	v8 =	vnsel vm1, $0xFF800000, v8;
	vm1 =	vge.f32 v13, v7  }
0x635: {  	v10 =	vld [tilespmem:s28+$0xFFFFFFC0];
	[tilespmem:s24+$0x0] =	vst v8;
	v8 =	vnsel vm1, $0xFF800000, v11  }
0x636: {  	v11 =	vsub.f32 v9, v6;
	[tilespmem:s23+$0x10] =	vst v8;
	v8 =	vld [tilespmem:s26+$0xFFFFFFD0]  }
0x637: {  	v13 =	vsub.f32 v12, v6;
	v14 =	vld [tilespmem:s21+$0xFFFFFFE0]  }
0x638: {  	vm1 =	vge.f32 v11, v7  }
0x639: {  	v9 =	vnsel vm1, $0xFF800000, v9;
	vm1 =	vge.f32 v13, v7  }
0x63a: {  	v11 =	vld [tilespmem:s28+$0xFFFFFF70];
	[tilespmem:s24+$0xFFFFFFB0] =	vst v9;
	v9 =	vnsel vm1, $0xFF800000, v12;
	v12 =	vsub.f32 v10, v6  }
0x63b: {  	[tilespmem:s23+$0xFFFFFFC0] =	vst v9;
	v9 =	vld [tilespmem:s26+$0xFFFFFF80];
	v13 =	vsub.f32 v8, v6  }
0x63c: {  	vm1 =	vge.f32 v12, v7;
	v12 =	vld [tilespmem:s21+$0xFFFFFF90];
	v15 =	vsub.f32 v14, v6  }
0x63d: {  	s30 =	sadd.s32 $0xA0, s28;
	s25 =	simm.s32 $0x1D890;
	v10 =	vnsel vm1, $0xFF800000, v10;
	vm1 =	vge.f32 v13, v7  }
0x63e: {  	[tilespmem:s25+$0x0] =	vst v10;
	v10 =	vld [tilespmem:s30+$0xFFFFFFC0];
	v8 =	vnsel vm1, $0xFF800000, v8;
	vm1 =	vge.f32 v15, v7  }
0x63f: {  	v13 =	vsub.f32 v11, v6;
	[tilespmem:s24+$0x10] =	vst v8;
	v8 =	vnsel vm1, $0xFF800000, v14;
	v14 =	vld [tilespmem:s28+$0xFFFFFFD0]  }
0x640: {  	v15 =	vsub.f32 v9, v6;
	[tilespmem:s23+$0x20] =	vst v8;
	v8 =	vld [tilespmem:s26+$0xFFFFFFE0]  }
0x641: {  	vm1 =	vge.f32 v13, v7;
	v13 =	vsub.f32 v12, v6;
	v16 =	vld [tilespmem:s21+$0xFFFFFFF0]  }
0x642: {  	v11 =	vnsel vm1, $0xFF800000, v11;
	vm1 =	vge.f32 v15, v7  }
0x643: {  	[tilespmem:s25+$0xFFFFFFB0] =	vst v11;
	v11 =	vld [tilespmem:s30+$0xFFFFFF70];
	v9 =	vnsel vm1, $0xFF800000, v9;
	vm1 =	vge.f32 v13, v7;
	v13 =	vsub.f32 v10, v6  }
0x644: {  	v15 =	vld [tilespmem:s28+$0xFFFFFF80];
	[tilespmem:s24+$0xFFFFFFC0] =	vst v9;
	v9 =	vnsel vm1, $0xFF800000, v12;
	v12 =	vsub.f32 v14, v6  }
0x645: {  	[tilespmem:s23+$0xFFFFFFD0] =	vst v9;
	vm1 =	vge.f32 v13, v7;
	v9 =	vld [tilespmem:s26+$0xFFFFFF90];
	v13 =	vsub.f32 v8, v6  }
0x646: {  	s31 =	sadd.s32 $0xA0, s30;
	s29 =	simm.s32 $0x1D930;
	v10 =	vnsel vm1, $0xFF800000, v10;
	v17 =	vld [tilespmem:s21+$0xFFFFFFA0];
	vm1 =	vge.f32 v12, v7;
	v12 =	vsub.f32 v16, v6  }
0x647: {  	s13 =	simm.s32 $0x80;
	s15 =	simm.s32 $0x0;
	[tilespmem:s29+$0x0] =	vst v10;
	v10 =	vnsel vm1, $0xFF800000, v14;
	vm1 =	vge.f32 v13, v7;
	v13 =	vld [tilespmem:s31+$0xFFFFFFC0]  }
0x648: {  	s1 =	sand.u32 $0x60, s15;
	s0 =	sand.u32 $0x1F80, s13;
	v14 =	vsub.f32 v11, v6;
	v18 =	vld [tilespmem:s30+$0xFFFFFFD0];
	[tilespmem:s25+$0x10] =	vst v10;
	v8 =	vnsel vm1, $0xFF800000, v8;
	vm1 =	vge.f32 v12, v7  }
0x649: {  	s0 =	sor.u32 s1, s0;
	v19 =	vsub.f32 v15, v6;
	[tilespmem:s24+$0x20] =	vst v8;
	v8 =	vnsel vm1, $0xFF800000, v16;
	v12 =	vld [tilespmem:s28+$0xFFFFFFE0]  }
0x64a: {  	vm1 =	vge.f32 v14, v7;
	v14 =	vsub.f32 v9, v6;
	[tilespmem:s0+$0x1D700] =	vst v8;
	v10 =	vld [tilespmem:s26+$0xFFFFFFF0]  }
0x64b: {  	v11 =	vnsel vm1, $0xFF800000, v11;
	vm1 =	vge.f32 v19, v7;
	v19 =	vsub.f32 v17, v6;
	v8 =	vld [tilespmem:s21+$0x0]  }
0x64c: {  	v16 =	vld [tilespmem:s31+$0xFFFFFF70];
	[tilespmem:s29+$0xFFFFFFB0] =	vst v11;
	v11 =	vnsel vm1, $0xFF800000, v15;
	vm1 =	vge.f32 v14, v7;
	v14 =	vsub.f32 v13, v6  }
0x64d: {  	[tilespmem:s25+$0xFFFFFFC0] =	vst v11;
	v9 =	vnsel vm1, $0xFF800000, v9;
	vm1 =	vge.f32 v19, v7;
	v15 =	vld [tilespmem:s30+$0xFFFFFF80];
	v11 =	vsub.f32 v18, v6  }
0x64e: {  	[tilespmem:s24+$0xFFFFFFD0] =	vst v9;
	v9 =	vnsel vm1, $0xFF800000, v17;
	vm1 =	vge.f32 v14, v7;
	v14 =	vld [tilespmem:s28+$0xFFFFFF90];
	v19 =	vsub.f32 v12, v6  }
0x64f: {  	s22 =	sor.u32 $0x1, s22;
	s5 =	simm.s32 $0x120;
	s1 =	simm.s32 $0x1D9D0;
	[tilespmem:s23+$0xFFFFFFE0] =	vst v9;
	v9 =	vnsel vm1, $0xFF800000, v13;
	vm1 =	vge.f32 v11, v7;
	v11 =	vld [tilespmem:s26+$0xFFFFFFA0];
	v17 =	vsub.f32 v10, v6  }
0x650: {  	s8 =	simm.s32 $0x28;
	s15 =	sadd.s32 $0xA0, s31;
	s0 =	simm.s32 $0xA0;
	[tilespmem:s1+$0x0] =	vst v9;
	v18 =	vnsel vm1, $0xFF800000, v18;
	vm1 =	vge.f32 v19, v7;
	v9 =	vld [tilespmem:s21+$0xFFFFFFB0];
	v13 =	vsub.f32 v8, v6  }
.LBB2_44:
0x651: {  	v19 =	vld [tilespmem:s15+$0xFFFFFFC0];
	v20 =	vsub.f32 v16, v6;
	[tilespmem:s29+$0x10] =	vst v18;
	v12 =	vnsel vm1, $0xFF800000, v12;
	vm1 =	vge.f32 v17, v7;
	s13 =	sand.u32 $0x1F80, s5;
	s0 =	sand.u32 $0x60, s0;
	s7 =	smov.u32 s25  }
0x652: {  	s25 =	smov.u32 s29;
	s29 =	smov.u32 s1;
	v18 =	vld [tilespmem:s31+$0xFFFFFFD0];
	v17 =	vsub.f32 v15, v6;
	[tilespmem:s7+$0x20] =	vst v12;
	v10 =	vnsel vm1, $0xFF800000, v10;
	s0 =	sor.u32 s0, s13;
	vm1 =	vge.f32 v13, v7  }
0x653: {  	s13 =	smov.u32 s26;
	s26 =	smov.u32 s28;
	s28 =	smov.u32 s30;
	vm2 =	vge.f32 v20, v7;
	v12 =	vld [tilespmem:s30+$0xFFFFFFE0];
	v13 =	vsub.f32 v14, v6;
	[tilespmem:s0+$0x1D700] =	vst v10;
	v8 =	vnsel vm1, $0xFF800000, v8  }
0x654: {  	s8 =	sadd.s32 $0xA, s8;
	s30 =	smov.u32 s31;
	s31 =	smov.u32 s15;
	v16 =	vnsel vm2, $0xFF800000, v16;
	vm1 =	vge.f32 v17, v7;
	v10 =	vld [tilespmem:s26+$0xFFFFFFF0];
	v17 =	vsub.f32 v11, v6;
	[tilespmem:s23+$0x40] =	vst v8  }
0x655: {  	p0 =	slt.u32 s8, $0xF0;
	[tilespmem:s1+$0xFFFFFFB0] =	vst v16;
	v15 =	vnsel vm1, $0xFF800000, v15;
	vm1 =	vge.f32 v13, v7;
	v8 =	vld [tilespmem:s13+$0x0];
	v13 =	vsub.f32 v9, v6  }
.Ltmp21:
0x656: {  	v16 =	vld [tilespmem:s15+$0xFFFFFF70];
	v20 =	vsub.f32 v19, v6;
	[tilespmem:s25+$0xFFFFFFC0] =	vst v15;
	v14 =	vnsel vm1, $0xFF800000, v14;
	vm1 =	vge.f32 v17, v7;
	(pc) =	sbr.rel @p0 .LBB2_44-.Ltmp21, $4  }
0x657: {  	v15 =	vld [tilespmem:s30+$0xFFFFFF80];
	v17 =	vsub.f32 v18, v6;
	[tilespmem:s7+$0xFFFFFFD0] =	vst v14;
	v11 =	vnsel vm1, $0xFF800000, v11;
	vm1 =	vge.f32 v13, v7  }
0x658: {  	vm2 =	vge.f32 v20, v7;
	v14 =	vld [tilespmem:s28+$0xFFFFFF90];
	v13 =	vsub.f32 v12, v6;
	[tilespmem:s24+$0xFFFFFFE0] =	vst v11;
	v9 =	vnsel vm1, $0xFF800000, v9  }
0x659: {  	s5 =	sadd.s32 $0xA0, s5;
	s1 =	sadd.s32 $0xA0, s1;
	v19 =	vnsel vm2, $0xFF800000, v19;
	vm1 =	vge.f32 v17, v7;
	v11 =	vld [tilespmem:s26+$0xFFFFFFA0];
	v17 =	vsub.f32 v10, v6;
	[tilespmem:s23+$0xFFFFFFF0] =	vst v9;
	s23 =	smov.u32 s24  }
0x65a: {  	s0 =	sadd.s32 $0xFFFFFF80, s5;
	s15 =	sadd.s32 $0xA0, s15;
	s24 =	smov.u32 s7;
	[tilespmem:s1+$0x0] =	vst v19;
	v18 =	vnsel vm1, $0xFF800000, v18;
	vm1 =	vge.f32 v13, v7;
	v9 =	vld [tilespmem:s13+$0xFFFFFFB0];
	v13 =	vsub.f32 v8, v6  }
0x65b: {  	v19 =	vsub.f32 v16, v6;
	_ =	sdelay $0x1  }
0x65c: {  	vm2 =	vge.f32 v19, v7  }
0x65d: {  	v61 =	vnsel vm2, $0xFF800000, v16  }
0x65e: {  	v62 =	vld [tilespmem:s31+$0xFFFFFFD0];
	[tilespmem:s1+$0xFFFFFFB0] =	vst v61  }
0x65f: {  	v16 =	vld [tilespmem:s31+$0xFFFFFF80];
	_ =	sdelay $0x2  }
0x660: {  	v20 =	vsub.f32 v15, v6  }
0x661: {  	v21 =	vsub.f32 v62, v6  }
0x662: {  	vm2 =	vge.f32 v20, v7;
	v63 =	vsub.f32 v16, v6  }
0x663: {  	[tilespmem:s29+$0x10] =	vst v18;
	v22 =	vnsel vm2, $0xFF800000, v15;
	vm2 =	vge.f32 v21, v7  }
0x664: {  	v18 =	vld [tilespmem:s30+$0xFFFFFFE0];
	[tilespmem:s29+$0xFFFFFFC0] =	vst v22;
	v23 =	vnsel vm2, $0xFF800000, v62;
	vm2 =	vge.f32 v63, v7  }
0x665: {  	v24 =	vld [tilespmem:s30+$0xFFFFFF90];
	[tilespmem:s1+$0x10] =	vst v23;
	v25 =	vnsel vm2, $0xFF800000, v16  }
0x666: {  	v26 =	vld [tilespmem:s31+$0xFFFFFFE0];
	[tilespmem:s1+$0xFFFFFFC0] =	vst v25  }
0x667: {  	v15 =	vld [tilespmem:s31+$0xFFFFFF90]  }
0x668: {  	v27 =	vsub.f32 v14, v6  }
0x669: {  	v28 =	vsub.f32 v18, v6  }
0x66a: {  	v12 =	vnsel vm1, $0xFF800000, v12;
	vm1 =	vge.f32 v27, v7;
	v29 =	vsub.f32 v24, v6  }
0x66b: {  	[tilespmem:s25+$0x20] =	vst v12;
	v30 =	vnsel vm1, $0xFF800000, v14;
	vm1 =	vge.f32 v28, v7;
	v31 =	vsub.f32 v26, v6  }
0x66c: {  	v32 =	vld [tilespmem:s28+$0xFFFFFFF0];
	[tilespmem:s25+$0xFFFFFFD0] =	vst v30;
	v18 =	vnsel vm1, $0xFF800000, v18;
	vm1 =	vge.f32 v29, v7;
	v33 =	vsub.f32 v15, v6  }
0x66d: {  	v34 =	vld [tilespmem:s28+$0xFFFFFFA0];
	[tilespmem:s29+$0x20] =	vst v18;
	v19 =	vnsel vm1, $0xFF800000, v24;
	vm1 =	vge.f32 v31, v7  }
0x66e: {  	v35 =	vld [tilespmem:s30+$0xFFFFFFF0];
	[tilespmem:s29+$0xFFFFFFD0] =	vst v19;
	v16 =	vnsel vm1, $0xFF800000, v26;
	vm1 =	vge.f32 v33, v7  }
0x66f: {  	v19 =	vld [tilespmem:s30+$0xFFFFFFA0];
	[tilespmem:s1+$0x20] =	vst v16;
	v15 =	vnsel vm1, $0xFF800000, v15  }
0x670: {  	v36 =	vsub.f32 v11, v6;
	v37 =	vld [tilespmem:s31+$0xFFFFFFF0];
	[tilespmem:s1+$0xFFFFFFD0] =	vst v15  }
0x671: {  	s7 =	sand.u32 $0x1F80, s5;
	s0 =	sand.u32 $0x60, s0;
	s8 =	sadd.s32 $0xA0, s5;
	v38 =	vsub.f32 v32, v6;
	vm1 =	vge.f32 v17, v7;
	v39 =	vld [tilespmem:s31+$0xFFFFFFA0]  }
0x672: {  	s0 =	sor.u32 s0, s7;
	s13 =	sadd.s32 $0xFFFFFF80, s8;
	v40 =	vsub.f32 v34, v6;
	v10 =	vnsel vm1, $0xFF800000, v10;
	vm1 =	vge.f32 v36, v7  }
0x673: {  	s15 =	sand.u32 $0x1F80, s8;
	s5 =	sadd.s32 $0xA0, s8;
	s7 =	sand.u32 $0x60, s13;
	v42 =	vsub.f32 v35, v6;
	[tilespmem:s0+$0x1D700] =	vst v10;
	v41 =	vnsel vm1, $0xFF800000, v11;
	vm1 =	vge.f32 v38, v7  }
0x674: {  	s8 =	sadd.s32 $0xFFFFFF80, s5;
	v44 =	vsub.f32 v19, v6;
	s0 =	sor.u32 s7, s15;
	[tilespmem:s24+$0xFFFFFFE0] =	vst v41;
	v43 =	vld [tilespmem:s26+$0x0];
	v12 =	vnsel vm1, $0xFF800000, v32;
	vm1 =	vge.f32 v40, v7  }
0x675: {  	s13 =	sand.u32 $0x1F80, s5;
	s5 =	sadd.s32 $0xA0, s5;
	s7 =	sand.u32 $0x60, s8;
	v46 =	vsub.f32 v37, v6;
	[tilespmem:s0+$0x1D700] =	vst v12;
	v45 =	vld [tilespmem:s26+$0xFFFFFFB0];
	v16 =	vnsel vm1, $0xFF800000, v34;
	vm1 =	vge.f32 v42, v7  }
0x676: {  	s15 =	sadd.s32 $0xFFFFFF80, s5;
	s0 =	sor.u32 s7, s13;
	[tilespmem:s25+$0xFFFFFFE0] =	vst v16;
	v47 =	vld [tilespmem:s28+$0x0];
	v14 =	vnsel vm1, $0xFF800000, v35;
	vm1 =	vge.f32 v44, v7;
	v48 =	vsub.f32 v39, v6  }
0x677: {  	s26 =	sand.u32 $0x1F80, s5;
	[tilespmem:s0+$0x1D700] =	vst v14;
	v49 =	vld [tilespmem:s28+$0xFFFFFFB0];
	v50 =	vnsel vm1, $0xFF800000, v19;
	vm1 =	vge.f32 v46, v7;
	s28 =	sand.u32 $0x60, s15  }
0x678: {  	v51 =	vsub.f32 v9, v6;
	[tilespmem:s29+$0xFFFFFFE0] =	vst v50;
	v52 =	vld [tilespmem:s30+$0x0];
	v53 =	vnsel vm1, $0xFF800000, v37;
	s0 =	sor.u32 s28, s26;
	vm1 =	vge.f32 v48, v7  }
0x679: {  	vm2 =	vge.f32 v13, v7;
	v54 =	vsub.f32 v43, v6;
	[tilespmem:s0+$0x1D700] =	vst v53;
	v55 =	vld [tilespmem:s30+$0xFFFFFFB0];
	v17 =	vnsel vm1, $0xFF800000, v39  }
0x67a: {  	v8 =	vnsel vm2, $0xFF800000, v8;
	v56 =	vsub.f32 v45, v6;
	v19 =	vld [tilespmem:s31+$0x0];
	vm1 =	vge.f32 v51, v7;
	[tilespmem:s1+$0xFFFFFFE0] =	vst v17  }
0x67b: {  	[tilespmem:s23+$0x40] =	vst v8;
	v57 =	vsub.f32 v47, v6;
	v8 =	vnsel vm1, $0xFF800000, v9;
	vm1 =	vge.f32 v54, v7;
	v58 =	vld [tilespmem:s31+$0xFFFFFFB0]  }
0x67c: {  	v59 =	vsub.f32 v49, v6;
	[tilespmem:s23+$0xFFFFFFF0] =	vst v8;
	v8 =	vnsel vm1, $0xFF800000, v43;
	vm1 =	vge.f32 v56, v7  }
0x67d: {  	v60 =	vsub.f32 v52, v6;
	[tilespmem:s24+$0x40] =	vst v8;
	v8 =	vnsel vm1, $0xFF800000, v45;
	vm1 =	vge.f32 v57, v7  }
0x67e: {  	v61 =	vsub.f32 v55, v6;
	[tilespmem:s24+$0xFFFFFFF0] =	vst v8;
	v8 =	vnsel vm1, $0xFF800000, v47;
	vm1 =	vge.f32 v59, v7  }
0x67f: {  	s19 =	sadd.s32 $0x1, s19;
	v62 =	vsub.f32 v19, v6;
	[tilespmem:s25+$0x40] =	vst v8;
	v8 =	vnsel vm1, $0xFF800000, v49;
	vm1 =	vge.f32 v60, v7  }
0x680: {  	p0 =	sne.s32 s19, $0xC;
	s31 =	smul.u32 $0xFA0, s22;
	[tilespmem:s25+$0xFFFFFFF0] =	vst v8;
	v8 =	vnsel vm1, $0xFF800000, v52;
	vm1 =	vge.f32 v61, v7;
	v63 =	vsub.f32 v58, v6  }
.Ltmp22:
0x681: {  	[tilespmem:s29+$0x40] =	vst v8;
	v8 =	vnsel vm1, $0xFF800000, v55;
	vm1 =	vge.f32 v62, v7;
	(pc) =	sbr.rel @p0 .LBB2_41-.Ltmp22, $4  }
0x682: {  	s0 =	sadd.s32 s18, s31;
	[tilespmem:s29+$0xFFFFFFF0] =	vst v8;
	v8 =	vnsel vm1, $0xFF800000, v19;
	vm1 =	vge.f32 v63, v7  }
0x683: {  	s0 =	sshrl.u32 s0, $0x3;
	[tilespmem:s1+$0x40] =	vst v8;
	v8 =	vnsel vm1, $0xFF800000, v58  }
0x684: {  	s20 =	sadd.s32 $0x1F40, s20;
	s21 =	sadd.s32 $0x1F40, s21;
	s0 =	sadd.s32 s6, s0;
	[tilespmem:s1+$0xFFFFFFF0] =	vst v8  }
0x685: {  	[hbm4b:s0+s2] =	stream.linear.scatter [tilespmem:s11], [sflag:$0x3], $0xFA0, $0x38;
	[tilespmem:$0x1E700] =	vst v63  }
0x686: {  	_ =	swait.ge [sflag:s10], $0xFA0  }
0x687: {  	s0 =	simm.s32 $0x50;
	[sflag:s10] =	ssyncset.done $0x0  }
0x688: {  	s0 =	sand.u32 $0x1FF0, s0;
	[sflag:s10] =	ssyncadd.s32 $0xFFFFF060  }
0x689: {  	s18 =	simm.s32 $0x0;
	v8 =	vld [tilespmem:s0+$0x17700]  }
0x68a: {  	v9 =	vld [tilespmem:s18+$0x17760]  }
0x68b: {  	v10 =	vld [tilespmem:s18+$0x17770];
	_ =	sdelay $0x2  }
0x68c: {  	v12 =	vld [tilespmem:s18+$0x17710];
	v11 =	vsub.f32 v8, v6  }
0x68d: {  	v14 =	vld [tilespmem:s18+$0x17720];
	v13 =	vsub.f32 v9, v6  }
0x68e: {  	s29 =	simm.s32 $0xF0;
	v15 =	vld [tilespmem:s18+$0x17730];
	vm1 =	vge.f32 v11, v7;
	v11 =	vsub.f32 v10, v6  }
0x68f: {  	s0 =	sand.u32 $0x1FF0, s29;
	v8 =	vnsel vm1, $0xFF800000, v8;
	vm1 =	vge.f32 v13, v7;
	v13 =	vld [tilespmem:s18+$0x17740]  }
0x690: {  	s1 =	simm.s32 $0xA0;
	[tilespmem:s18+$0x1C750] =	vst v8;
	v8 =	vnsel vm1, $0xFF800000, v9;
	vm1 =	vge.f32 v11, v7;
	v9 =	vld [tilespmem:s0+$0x17700]  }
0x691: {  	s30 =	simm.s32 $0x0;
	v11 =	vsub.f32 v12, v6;
	[tilespmem:s18+$0x1C760] =	vst v8;
	v8 =	vnsel vm1, $0xFF800000, v10;
	v10 =	vld [tilespmem:s1+$0x17760]  }
0x692: {  	v16 =	vsub.f32 v14, v6;
	s0 =	sand.u32 $0xFE0, s30;
	[tilespmem:s18+$0x1C770] =	vst v8;
	v8 =	vld [tilespmem:s1+$0x17770]  }
0x693: {  	vm1 =	vge.f32 v11, v7;
	v11 =	vsub.f32 v15, v6;
	v17 =	vld [tilespmem:s0+$0x17780]  }
0x694: {  	v18 =	vld [tilespmem:s0+$0x17700];
	v12 =	vnsel vm1, $0xFF800000, v12;
	vm1 =	vge.f32 v16, v7;
	v16 =	vsub.f32 v13, v6  }
0x695: {  	[tilespmem:s18+$0x1C710] =	vst v12;
	v12 =	vnsel vm1, $0xFF800000, v14;
	vm1 =	vge.f32 v11, v7;
	v11 =	vld [tilespmem:s1+$0x17710];
	v19 =	vsub.f32 v9, v6  }
0x696: {  	[tilespmem:s18+$0x1C720] =	vst v12;
	v12 =	vnsel vm1, $0xFF800000, v15;
	v14 =	vsub.f32 v10, v6;
	vm1 =	vge.f32 v16, v7;
	v16 =	vld [tilespmem:s1+$0x17720]  }
0x697: {  	s5 =	simm.s32 $0x190;
	[tilespmem:s18+$0x1C730] =	vst v12;
	vm2 =	vge.f32 v19, v7;
	v15 =	vsub.f32 v8, v6;
	v12 =	vnsel vm1, $0xFF800000, v13;
	v19 =	vld [tilespmem:s1+$0x17730]  }
0x698: {  	s7 =	sand.u32 $0x1FF0, s5;
	v20 =	vld [tilespmem:s1+$0x17740];
	v9 =	vnsel vm2, $0xFF800000, v9;
	vm1 =	vge.f32 v14, v7;
	[tilespmem:s18+$0x1C740] =	vst v12;
	v12 =	vsub.f32 v17, v6  }
0x699: {  	s19 =	simm.s32 $0x140;
	v21 =	vld [tilespmem:s7+$0x17700];
	[tilespmem:s1+$0x1C750] =	vst v9;
	v9 =	vnsel vm1, $0xFF800000, v10;
	vm1 =	vge.f32 v15, v7;
	v10 =	vsub.f32 v18, v6  }
0x69a: {  	s31 =	simm.s32 $0xA0;
	v13 =	vld [tilespmem:s19+$0x17760];
	[tilespmem:s1+$0x1C760] =	vst v9;
	v8 =	vnsel vm1, $0xFF800000, v8;
	vm1 =	vge.f32 v12, v7;
	v9 =	vsub.f32 v11, v6  }
0x69b: {  	s20 =	sand.u32 $0xFE0, s31;
	v14 =	vld [tilespmem:s19+$0x17770];
	[tilespmem:s1+$0x1C770] =	vst v8;
	v8 =	vnsel vm1, $0xFF800000, v17;
	v12 =	vsub.f32 v16, v6;
	vm1 =	vge.f32 v10, v7  }
0x69c: {  	[tilespmem:s0+$0x1C780] =	vst v8;
	vm2 =	vge.f32 v9, v7;
	v8 =	vsub.f32 v19, v6;
	v15 =	vld [tilespmem:s20+$0x17780];
	v9 =	vnsel vm1, $0xFF800000, v18  }
0x69d: {  	v17 =	vsub.f32 v20, v6;
	v10 =	vnsel vm2, $0xFF800000, v11;
	vm1 =	vge.f32 v12, v7;
	[tilespmem:s18+$0x1C700] =	vst v9;
	v12 =	vld [tilespmem:s18+$0x17790]  }
0x69e: {  	v18 =	vsub.f32 v21, v6;
	v9 =	vld [tilespmem:s20+$0x17700];
	[tilespmem:s1+$0x1C710] =	vst v10;
	v10 =	vnsel vm1, $0xFF800000, v16;
	vm1 =	vge.f32 v8, v7  }
0x69f: {  	v22 =	vsub.f32 v13, v6;
	v11 =	vld [tilespmem:s19+$0x17710];
	[tilespmem:s1+$0x1C720] =	vst v10;
	v10 =	vnsel vm1, $0xFF800000, v19;
	vm1 =	vge.f32 v17, v7  }
0x6a0: {  	v8 =	vld [tilespmem:s19+$0x17720];
	vm2 =	vge.f32 v18, v7;
	v16 =	vsub.f32 v14, v6;
	[tilespmem:s1+$0x1C730] =	vst v10;
	v17 =	vnsel vm1, $0xFF800000, v20  }
0x6a1: {  	s8 =	simm.s32 $0x500;
	s15 =	simm.s32 $0x14;
	s21 =	simm.s32 $0x230;
	v18 =	vnsel vm2, $0xFF800000, v21;
	v10 =	vld [tilespmem:s19+$0x17730];
	vm1 =	vge.f32 v22, v7;
	[tilespmem:s1+$0x1C740] =	vst v17;
	v17 =	vsub.f32 v15, v6  }
.LBB2_47:
0x6a2: {  	s0 =	sand.u32 $0x1FF0, s21;
	v19 =	vld [tilespmem:s19+$0x17740];
	[tilespmem:s19+$0x1C750] =	vst v18;
	v13 =	vnsel vm1, $0xFF800000, v13;
	vm1 =	vge.f32 v16, v7;
	s8 =	sadd.s32 $0x280, s8;
	v16 =	vsub.f32 v12, v6  }
0x6a3: {  	s7 =	sshra.s32 s8, $0x2;
	v18 =	vld [tilespmem:s0+$0x17700];
	[tilespmem:s19+$0x1C760] =	vst v13;
	v14 =	vnsel vm1, $0xFF800000, v14;
	v20 =	vsub.f32 v9, v6;
	vm1 =	vge.f32 v17, v7  }
0x6a4: {  	s0 =	sadd.s32 $0xFFFFFFB0, s5;
	s5 =	smov.u32 s21;
	v13 =	vld [tilespmem:s7+$0x17760];
	v17 =	vsub.f32 v11, v6;
	[tilespmem:s19+$0x1C770] =	vst v14;
	v15 =	vnsel vm1, $0xFF800000, v15;
	vm1 =	vge.f32 v16, v7  }
0x6a5: {  	s15 =	sadd.s32 $0xA, s15;
	v14 =	vld [tilespmem:s7+$0x17770];
	v16 =	vsub.f32 v8, v6;
	vm2 =	vge.f32 v20, v7;
	[tilespmem:s20+$0x1C780] =	vst v15;
	s20 =	sand.u32 $0xFE0, s0;
	v12 =	vnsel vm1, $0xFF800000, v12  }
0x6a6: {  	p0 =	slt.u32 s15, $0xF0;
	vm1 =	vge.f32 v17, v7;
	v17 =	vsub.f32 v10, v6;
	v15 =	vld [tilespmem:s20+$0x17780];
	v9 =	vnsel vm2, $0xFF800000, v9;
	[tilespmem:s18+$0x1C790] =	vst v12;
	s18 =	smov.u32 s1;
	s1 =	smov.u32 s19  }
.Ltmp23:
0x6a7: {  	s19 =	smov.u32 s7;
	v11 =	vnsel vm1, $0xFF800000, v11;
	vm1 =	vge.f32 v16, v7;
	v16 =	vsub.f32 v19, v6;
	[tilespmem:s18+$0x1C700] =	vst v9;
	v12 =	vld [tilespmem:s18+$0x17790];
	(pc) =	sbr.rel @p0 .LBB2_47-.Ltmp23, $4  }
0x6a8: {  	v20 =	vsub.f32 v18, v6;
	v9 =	vld [tilespmem:s20+$0x17700];
	[tilespmem:s1+$0x1C710] =	vst v11;
	v8 =	vnsel vm1, $0xFF800000, v8;
	vm1 =	vge.f32 v17, v7  }
0x6a9: {  	v11 =	vld [tilespmem:s19+$0x17710];
	v17 =	vsub.f32 v13, v6;
	[tilespmem:s1+$0x1C720] =	vst v8;
	v10 =	vnsel vm1, $0xFF800000, v10;
	vm1 =	vge.f32 v16, v7  }
0x6aa: {  	v8 =	vld [tilespmem:s19+$0x17720];
	vm2 =	vge.f32 v20, v7;
	v16 =	vsub.f32 v14, v6;
	[tilespmem:s1+$0x1C730] =	vst v10;
	v19 =	vnsel vm1, $0xFF800000, v19  }
0x6ab: {  	s21 =	sadd.s32 $0xA0, s21;
	v10 =	vld [tilespmem:s19+$0x17730];
	v18 =	vnsel vm2, $0xFF800000, v18;
	vm1 =	vge.f32 v17, v7;
	[tilespmem:s1+$0x1C740] =	vst v19;
	v17 =	vsub.f32 v15, v6  }
0x6ac: {  	[tilespmem:s19+$0x1C750] =	vst v18;
	v13 =	vnsel vm1, $0xFF800000, v13;
	vm1 =	vge.f32 v16, v7  }
0x6ad: {  	s0 =	sadd.s32 $0xFFFFFFB0, s5;
	[tilespmem:s19+$0x1C760] =	vst v13;
	v43 =	vnsel vm1, $0xFF800000, v14  }
0x6ae: {  	s0 =	sand.u32 $0xFE0, s0;
	[tilespmem:s19+$0x1C770] =	vst v43  }
0x6af: {  	v13 =	vld [tilespmem:s0+$0x17780];
	_ =	sdelay $0x2  }
0x6b0: {  	v49 =	vld [tilespmem:s0+$0x17700];
	_ =	sdelay $0x1  }
0x6b1: {  	v44 =	vsub.f32 v13, v6  }
0x6b2: {  	vm1 =	vge.f32 v17, v7  }
0x6b3: {  	v47 =	vsub.f32 v9, v6;
	v15 =	vnsel vm1, $0xFF800000, v15;
	vm1 =	vge.f32 v44, v7  }
0x6b4: {  	v45 =	vld [tilespmem:s19+$0x17740];
	[tilespmem:s20+$0x1C780] =	vst v15;
	v60 =	vsub.f32 v49, v6;
	v13 =	vnsel vm1, $0xFF800000, v13  }
0x6b5: {  	v46 =	vsub.f32 v12, v6;
	vm2 =	vge.f32 v47, v7;
	v15 =	vld [tilespmem:s1+$0x17790];
	[tilespmem:s0+$0x1C780] =	vst v13  }
0x6b6: {  	v48 =	vsub.f32 v11, v6;
	v54 =	vnsel vm2, $0xFF800000, v9;
	vm2 =	vge.f32 v60, v7;
	v52 =	vld [tilespmem:s19+$0x17790]  }
0x6b7: {  	v50 =	vsub.f32 v8, v6;
	[tilespmem:s1+$0x1C700] =	vst v54;
	v63 =	vnsel vm2, $0xFF800000, v49;
	vm1 =	vge.f32 v46, v7  }
0x6b8: {  	v53 =	vsub.f32 v10, v6;
	[tilespmem:s19+$0x1C700] =	vst v63;
	v51 =	vnsel vm1, $0xFF800000, v12;
	vm1 =	vge.f32 v48, v7  }
0x6b9: {  	v56 =	vsub.f32 v45, v6;
	[tilespmem:s18+$0x1C790] =	vst v51;
	v55 =	vnsel vm1, $0xFF800000, v11;
	vm1 =	vge.f32 v50, v7  }
0x6ba: {  	v58 =	vsub.f32 v15, v6;
	[tilespmem:s19+$0x1C710] =	vst v55;
	v57 =	vnsel vm1, $0xFF800000, v8;
	vm1 =	vge.f32 v53, v7  }
0x6bb: {  	[tilespmem:s19+$0x1C720] =	vst v57;
	v59 =	vnsel vm1, $0xFF800000, v10;
	vm1 =	vge.f32 v56, v7;
	v6 =	vsub.f32 v52, v6  }
0x6bc: {  	[tilespmem:s19+$0x1C730] =	vst v59;
	v61 =	vnsel vm1, $0xFF800000, v45;
	vm1 =	vge.f32 v58, v7  }
0x6bd: {  	[tilespmem:s19+$0x1C740] =	vst v61;
	v62 =	vnsel vm1, $0xFF800000, v15;
	vm1 =	vge.f32 v6, v7  }
0x6be: {  	s31 =	sadd.s32 s6, s17;
	[tilespmem:s1+$0x1C790] =	vst v62;
	v6 =	vnsel vm1, $0xFF800000, v52  }
0x6bf: {  	s16 =	sadd.s32 $0x1, s16;
	s0 =	sadd.s32 $0x2EE0, s31;
	[tilespmem:s19+$0x1C790] =	vst v6  }
0x6c0: {  	[hbm4b:s0+s2] =	stream.linear.scatter [tilespmem:s9], [sflag:$0x2], $0xFA0, $0x38;
	[tilespmem:$0x1E700] =	vst v63  }
0x6c1: {  	p0 =	sne.s32 s16, $0x4;
	_ =	swait.ge [sflag:s10], $0xFA0  }
.Ltmp24:
0x6c2: {  	[sflag:s10] =	ssyncset.done $0x0;
	(pc) =	sbr.rel @p0 .LBB2_2-.Ltmp24, $4  }
0x6c3: {  	[sflag:s10] =	ssyncadd.s32 $0xFFFFF060  }
0x6c4: {  	_ =	swait.ge [sflag:s12], $0xFA0  }
0x6c5: {  	[sflag:s12] =	ssyncset.done $0x0  }
0x6c6: {  	[sflag:s12] =	ssyncadd.s32 $0xFFFFF060  }
0x6c7: {  	s1 =	rddreg [dreg:$0x5]  }
0x6c8: {  	s0 =	rddreg [dreg:$0x4];
	s1 =	sadd.s32 $0x1, s1  }
0x6c9: {  	p0 =	sne.s32 s1, s0  }
.Ltmp25:
0x6ca: {  	_ = 	snop;
	(pc) =	sbr.rel @p0 .LBB2_1-.Ltmp25, $1  }
0x6cb: {  	_ =	sdelay $0x3  }
0x6cc: {  	_ =	sfence.sel $0x180000  }
0x6cd: {  	[bflag:$0x0] =	sbarrier.arrive $0xFFFF  }
0x6ce: {  	_ =	strace $0x90000047  }
0x6cf: {  	s0 =	stileid.u32;
	[bflag:$0x2] =	sbarrier.arrive $0xFFFF  }
0x6d0: {  	p0 =	sne.s32 s0, $0x0;
	s0 =	rddreg [dreg:$0x2]  }
0x6d1: {  	s0 =	sadd.s32 @!p0 $0x100000, s0  }
0x6d2: {  	[sflag:s0] =	ssyncadd.tile.s32 @!p0 $0x1;
	_ =	shalt  }
.Lfunc_end2:
_tile_overlayer_lowered:
.L_overlay_start_2:
0x6d3: {  	(tag) =	ssettag $0x2  }
0x6d4: {  	s0 =	rddreg [dreg:$0x0];
	s2 =	stileid.u32  }
0x6d5: {  	s1 =	rddreg [dreg:$0x1];
	p0 =	sne.s32 s2, $0x0  }
0x6d6: {  	s3 =	rddreg [dreg:$0x2];
	[bflag:$0x3] =	sbarrier.arrive $0xFFFF;
	s2 =	simm.s32 @!p0 $0x1C04  }
0x6d7: {  	[timem:s3], [sflag:s2] =	dma.local @!p0 [hbm:s0], s1  }
0x6d8: {  	s0 =	simm.s32 @!p0 $0x4  }
0x6d9: {  	_ =	swait.ge @!p0 [sflag:s0], s1  }
0x6da: {  	s1 =	ssub.s32 @!p0 $0x0, s1;
	[sflag:s0] =	ssyncset.done @!p0 $0x0  }
0x6db: {  	[sflag:s0] =	ssyncadd.s32 @!p0 s1  }
0x6dc: {  	[bflag:$0x3] =	sbarrier.arrive $0xFFFF  }
0x6dd: {  	_ =	shalt  }

// kernel: sparse-core-data-format-call.cloned.1.call-start
scs
called_computation_lowered:
.L_overlay_start_0:
0x0: {  	s2 =	sld [smem:$0x3FD9]  }
0x1: {  	s3 =	sld [smem:$0x3FFE];
	_ =	sdelay $0x1  }
0x2: {  	s1 =	srdreg.scid  }
0x3: {  	s0 =	sand.u32 $0x1, s1  }
0x4: {  	s18 =	sshll.u32 s0, $0xA;
	s2 =	sadd.s32 s3, s2  }
0x5: {  	s2 =	sadd.s32 s2, s18  }
0x6: {  	[smem:$0x3FC5] =	sst s2  }
0x7: {  	_ = 	snop  }
0x8: {  	s2 =	sld [smem:$0x3FD0];
	(tm) =	ssettm $0x1  }
0x9: {  	s19 =	sld [smem:$0x3FFB];
	_ =	sdelay $0x3  }
0xa: {  	_ =	strace s19  }
0xb: {  	s3 =	sld [smem:$0x3FFC];
	_ =	sdelay $0x3  }
0xc: {  	_ =	strace s3  }
0xd: {  	s3 =	sld [smem:$0x3FFD];
	_ =	sdelay $0x3  }
0xe: {  	_ =	strace s3  }
0xf: {  	_ =	strace $0x8FFFFFFF  }
0x10: {  	s20 =	sld [smem:$0x3FDB];
	_ =	sdelay $0x1  }
0x11: {  	s4 =	simm.s32 $_scs_section_size  }
0x12: {  	s5 =	simm.s32 $_size__tile_overlayer_lowered;
	s6 =	simm.s32 $_tile_overlayer_lowered  }
0x13: {  	s23 =	simm.s32 $0x1BFF;
	s22 =	sshll.u32 s6, $0x1;
	s3 =	sadd.s32 s4, s20  }
0x14: {  	s7 =	simm.s32 $0x0;
	s21 =	sshll.u32 s5, $0x1;
	s5 =	sadd.s32 s22, s3  }
0x15: {  	[timem:s7], [sflag:s23] =	dma.local [hbm:s5], s21  }
0x16: {  	_ =	swait.ge [sflag:s23], s21  }
0x17: {  	s4 =	ssub.s32 $0x0, s21;
	[sflag:s23] =	ssyncset.done $0x0  }
0x18: {  	[sflag:s23] =	ssyncadd.s32 s4;
	_ =	sdelay $0x1  }
0x19: {  	s24 =	simm.s32 $0x1B8B  }
0x1a: {  	_ =	swait.ge [sflag:s24], $0x1  }
0x1b: {  	[sflag:s24] =	ssyncset.done $0x0  }
0x1c: {  	s26 =	simm.s32 $0x1B8E;
	s25 =	sld [smem:$0x3FFE];
	[sflag:s24] =	ssyncadd.s32 $0xFFFFFFFF  }
0x1d: {  	s27 =	simm.s32 $execute0_lowered;
	[smem:$0x3FD2] =	sst s26  }
0x1e: {  	s5 =	sshll.u32 s27, $0x1;
	_ =	strace $0x80000049;
	[dreg:$0x1] =	wrdreg $0xFFFFFFFF  }
0x1f: {  	s28 =	simm.s32 $_size_execute0_lowered;
	s3 =	sadd.s32 s3, s5;
	[dreg:$0x0] =	wrdreg $0x0  }
0x20: {  	s5 =	sshll.u32 s28, $0x1;
	[dreg:$0x2] =	wrdreg s3  }
0x21: {  	[dreg:$0x3] =	wrdreg s5  }
0x22: {  	[dreg:$0x4] =	wrdreg $0xC0  }
0x23: {  	_ =	task [dreg:s7], $0x5FFFF  }
0x24: {  	[dreg:$0x1] =	wrdreg $0xFFFFFFFF  }
0x25: {  	[dreg:$0x0] =	wrdreg $0x60  }
0x26: {  	[dreg:$0x2] =	wrdreg s25  }
0x27: {  	[dreg:$0x3] =	wrdreg s2  }
0x28: {  	[dreg:$0x4] =	wrdreg $0x9  }
0x29: {  	_ =	task.clear_ibuf [dreg:s7], $0x5FFFF;
	_ =	strace $0x90000049  }
0x2a: {  	s29 =	simm.s32 $0x9;
	_ =	strace $0x8000004B  }
0x2b: {  	_ =	swait.ge [sflag:s29], $0x1  }
0x2c: {  	[sflag:s29] =	ssyncadd.s32 $0xFFFFFFFF  }
0x2d: {  	_ =	strace $0x9000004B  }
0x2e: {  	_ =	sfence  }
0x2f: {  	s30 =	sld [smem:$0x0];
	_ =	sdelay $0x2  }
0x30: {  	s31 =	sshll.u32 s1, $0xD;
	s1 =	sshrl.u32 s1, $0x2  }
0x31: {  	s3 =	sand.u32 $0x4000, s31;
	s1 =	sadd.s32 s1, s30  }
0x32: {  	s0 =	sor.u32 s3, s0;
	s1 =	sshll.u32 s1, $0x11  }
0x33: {  	s0 =	sor.u32 s1, s0  }
0x34: {  	s0 =	sadd.s32 $0x8F2B, s0  }
0x35: {  	[sflag:s0] =	ssyncadd.remote.s32 $0x1  }
0x36: {  	_ =	sfence.sel $0xFFFF  }
0x37: {  	[dreg:$0x0] =	wrdreg $0xFFFFFFFF;
	(pc) =	sbr.abs _section_cstart, $3  }
0x38: {  	[dreg:$0x1] =	wrdreg $0xFFFFFFFF  }
0x39: {  	_ =	task.clear_ibuf [dreg:s7], $0x2FFFF;
	_ =	strace $0x9FFFFFFF  }
0x3a: {  	(tm) =	ssettm $0x7FFFFFFF  }
0x3b: {  	_ =	shalt  }
tec
execute0_lowered:
.L_overlay_start_1:
0x0: {  	(tag) =	ssettag $0x1  }
0x1: {  	s4 =	rddreg [dreg:$0x0]  }
0x2: {  	s0 =	srdreg.scid;
	s2 =	rddreg [dreg:$0x1]  }
0x3: {  	s1 =	stileid.u32;
	s5 =	simm.s32 $0x1;
	s7 =	simm.s32 $0x2  }
0x4: {  	s14 =	simm.s32 $0x0;
	p0 =	por $0x0, $0x0;
	s0 =	sshll.u32 s0, $0x4  }
0x5: {  	s13 =	simm.s32 $0x0;
	s8 =	simm.s32 $0x0;
	s3 =	sand.u32 $0x10, s0  }
.Ltmp0:
0x6: {  	s9 =	simm.s32 $0x0;
	s3 =	sor.u32 s1, s3;
	(pc) =	sbr.rel .LBB1_1-.Ltmp0, $4  }
0x7: {  	s11 =	simm.s32 $0x0;
	s12 =	simm.s32 $0x0;
	s3 =	sshll.u32 s3, $0x7  }
0x8: {  	s0 =	rddreg [dreg:$0x2];
	_ =	strace $0x8000004A;
	s6 =	ssub.s32 $0x18680, s3  }
0x9: {  	s4 =	sadd.s32 $0x187200, s4;
	[sflag:s5] =	ssyncpa.u1 $0x0;
	s6 =	sshrl.u32 s6, $0xC  }
0xa: {  	[sflag:s7] =	ssyncpa.u1 $0x0;
	s10 =	smov.u32 s3;
	s7 =	sadd.s32 $0x2, s6  }
.LBB1_5:
0xb: {  	p1 =	slt.u32 s12, $0x2  }
0xc: {  	p2 =	sgt.s32 @!p1 s14, $0x18620  }
0xd: {  	s15 =	smov.u32 s14;
	s16 =	sshra.s32 @!p1 s14, $0x1F;
	p2 =	por !p2, p1  }
0xe: {  	s14 =	sand.u32 @!p1 s16, s14;
	s15 =	simm.s32 @p2 $0x18620  }
0xf: {  	s14 =	ssub.s32 @!p1 s15, s14;
	s15 =	ssub.s32 @!p1 $0x0, s13  }
0x10: {  	s17 =	smov.u32 s11;
	s16 =	sadd.s32 @!p1 $0xFFFE79E0, s14;
	s13 =	smin.u32 @!p1 s13, s15  }
0x11: {  	s14 =	ssub.s32 @!p1 $0x186A0, s14;
	p2 =	sgt.s32 @!p1 s16, $0x7F;
	p3 =	sgt.s32 @!p1 s13, $0x7F  }
0x12: {  	s13 =	ssub.s32 @!p1 $0x80, s13;
	p2 =	por !p2, p1;
	p3 =	por !p3, p1  }
0x13: {  	s15 =	sadd.s32 $0x1000, s10;
	s14 =	simm.s32 @!p2 $0x0;
	s13 =	simm.s32 @!p3 $0x0  }
0x14: {  	p2 =	sgt.s32 s15, $0x1869F;
	s13 =	smul.u32 @!p1 s13, s14;
	s14 =	sadd.s32 $0x80, s11  }
0x15: {  	s17 =	smov.u32 @p2 s14  }
0x16: {  	s15 =	smov.u32 @p2 s3;
	p2 =	sgt.s32 s17, $0x7F  }
0x17: {  	s17 =	simm.s32 @p2 $0x0;
	p2 =	sne.s32 s12, s7  }
.Ltmp1:
0x18: {  	p0 =	por !p0, !p0;
	s16 =	simm.s32 @!p1 $0x2;
	(pc) =	sbr.rel @!p2 .LBB1_6-.Ltmp1, $4  }
0x19: {  	s14 =	smov.u32 s8;
	s8 =	smov.u32 s10;
	s13 =	sand.u32 @!p1 $0x3FFFFFFF, s13  }
0x1a: {  	s10 =	smov.u32 s15;
	_ =	swait.ge @!p1 [sflag:s16], s13;
	s18 =	ssub.s32 @!p1 $0x0, s13  }
0x1b: {  	s13 =	smov.u32 s9;
	s12 =	sadd.s32 $0x1, s12;
	[sflag:s16] =	ssyncset.done @!p1 $0x0  }
0x1c: {  	s9 =	smov.u32 s11;
	s11 =	smov.u32 s17;
	[sflag:s16] =	ssyncadd.s32 @!p1 s18  }
.LBB1_1:
0x1d: {  	p1 =	sgt.u32 s12, s6  }
0x1e: {  	s15 =	sshrl.u32 @!p1 s11, $0x3  }
0x1f: {  	s16 =	sshll.u32 @!p1 s10, $0x3;
	s15 =	smul.u32 @!p1 $0xC3800, s15  }
0x20: {  	s17 =	sshll.u32 @!p1 s11, $0x7;
	s16 =	sand.u32 @!p1 $0xFFFFFC00, s16  }
0x21: {  	s15 =	sadd.s32 @!p1 s15, s16;
	s16 =	sand.u32 @!p1 $0x380, s17  }
0x22: {  	s17 =	sand.u32 @!p1 $0x7F, s10;
	s15 =	sor.u32 @!p1 s16, s15  }
0x23: {  	s16 =	sor.u32 @!p1 s17, s15  }
0x24: {  	s17 =	smulhi.u32 @!p1 $0xA79C7B17, s16;
	_ =	sdelay $0x1  }
0x25: {  	s15 =	smulhi.u32 @!p1 $0xA79C7B17, s15;
	s17 =	sshrl.u32 @!p1 s17, $0x10  }
0x26: {  	s17 =	smul.u32 @!p1 $0x18700, s17  }
0x27: {  	s18 =	sxor.u32 @!p1 $0xFFFFFFFF, s12;
	s15 =	sshrl.u32 @!p1 s15, $0x10  }
0x28: {  	s18 =	sshll.u32 @!p1 s18, $0xE;
	s15 =	sand.u32 @!p1 $0x7F, s15;
	s16 =	ssub.s32 @!p1 s16, s17  }
0x29: {  	s15 =	smul.u32 @!p1 $0x30E0, s15;
	s17 =	sshrl.u32 @!p1 s16, $0x3;
	s16 =	sand.u32 @!p1 $0x7, s16  }
0x2a: {  	s18 =	sand.u32 @!p1 $0x4000, s18;
	s17 =	sadd.s32 @!p1 s4, s17;
	s16 =	sshll.u32 @!p1 s16, $0x12  }
0x2b: {  	s15 =	sadd.s32 @!p1 s15, s17;
	s16 =	sor.u32 @!p1 $0x400, s16;
	s17 =	simm.s32 @!p1 $0xC3800  }
0x2c: {  	[tilespmem:s18], [sflag:$0x1] =	stream.strided.gather @!p1 [hbm4b:s15+s16], $0x4000, s17, s16, $0x38;
	[tilespmem:$0x10100] =	vst v63  }
0x2d: {  	p1 =	seq.s32 s12, $0x0  }
0x2e: {  	p2 =	sge.u32 @!p1 s12, s7  }
0x2f: {  	p1 =	por p1, p2  }
.Ltmp2:
0x30: {  	_ = 	snop;
	(pc) =	sbr.rel @p1 .LBB1_5-.Ltmp2, $1  }
0x31: {  	_ =	sdelay $0x3  }
0x32: {  	s15 =	simm.s32 $0x1  }
0x33: {  	_ =	swait.ge [sflag:s5], $0x4000;
	s15 =	simm.s32 @!p0 $0x0  }
0x34: {  	[sflag:s5] =	ssyncset.done $0x0;
	s16 =	sshll.u32 s15, $0xE  }
0x35: {  	[sflag:s5] =	ssyncadd.s32 $0xFFFFC000;
	s16 =	sor.u32 $0x40, s16  }
0x36: {  	s15 =	smul.u32 $0x10200, s15;
	v0 =	vld [tilespmem:s16+$0x30]  }
0x37: {  	v1 =	vld [tilespmem:s16+$0xFFFFFFD0]  }
0x38: {  	s15 =	sshrl.u32 s15, $0x2;
	v5 =	vld [tilespmem:s16+$0xFFFFFFE0]  }
0x39: {  	v6 =	vld [tilespmem:s16+$0xFFFFFFF0];
	s18 =	sor.u32 $0x8000, s15  }
0x3a: {  	s31 =	sand.u32 $0x1, s12;
	v4 =	vld [tilespmem:s16+$0x0];
	s17 =	sadd.s32 $0x0, s18  }
0x3b: {  	v3 =	vld [tilespmem:s16+$0x10];
	s15 =	smul.u32 $0x10200, s31;
	[tilespmem:s17+$0x3870 ss:$0x81] =	vst.msk $0xffff, v0  }
0x3c: {  	v2 =	vld [tilespmem:s16+$0x20];
	[tilespmem:s17+$0x810 ss:$0x81] =	vst.msk $0xffff, v1  }
0x3d: {  	s15 =	sshrl.u32 s15, $0x2;
	v0 =	vld [tilespmem:s16+$0xFFFFFFC0];
	[tilespmem:s17+$0x1020 ss:$0x81] =	vst.msk $0xffff, v5;
	s16 =	sadd.s32 $0x80, s16  }
0x3e: {  	s19 =	simm.s32 $0x4;
	s20 =	simm.s32 $0x8;
	s15 =	sor.u32 $0x8000, s15;
	[tilespmem:s17+$0x1830 ss:$0x81] =	vst.msk $0xffff, v6;
	v1 =	vld [tilespmem:s16+$0x30]  }
.LBB1_3:
0x3f: {  	p1 =	sne.s32 s20, $0x1FC;
	v5 =	vld [tilespmem:s16+$0xFFFFFFD0];
	[tilespmem:s17+$0x2040 ss:$0x81] =	vst.msk $0xffff, v4  }
0x40: {  	v6 =	vld [tilespmem:s16+$0xFFFFFFE0];
	[tilespmem:s17+$0x2850 ss:$0x81] =	vst.msk $0xffff, v3  }
0x41: {  	s21 =	sshra.s32 s19, $0x2;
	s19 =	smov.u32 s20;
	v7 =	vld [tilespmem:s16+$0xFFFFFFF0];
	[tilespmem:s17+$0x3060 ss:$0x81] =	vst.msk $0xffff, v2  }
.Ltmp3:
0x42: {  	v4 =	vld [tilespmem:s16+$0x0];
	[tilespmem:s17+$0x0 ss:$0x81] =	vst.msk $0xffff, v0;
	s17 =	sadd.s32 s21, s18;
	(pc) =	sbr.rel @p1 .LBB1_3-.Ltmp3, $4  }
0x43: {  	v3 =	vld [tilespmem:s16+$0x10];
	[tilespmem:s17+$0x3870 ss:$0x81] =	vst.msk $0xffff, v1  }
0x44: {  	[tilespmem:s17+$0x810 ss:$0x81] =	vst.msk $0xffff, v5;
	v2 =	vld [tilespmem:s16+$0x20]  }
0x45: {  	v0 =	vld [tilespmem:s16+$0xFFFFFFC0];
	[tilespmem:s17+$0x1020 ss:$0x81] =	vst.msk $0xffff, v6;
	s16 =	sadd.s32 $0x80, s16  }
0x46: {  	s20 =	sadd.s32 $0x4, s20;
	v1 =	vld [tilespmem:s16+$0x30];
	[tilespmem:s17+$0x1830 ss:$0x81] =	vst.msk $0xffff, v7  }
0x47: {  	s20 =	sshll.u32 s8, $0x7;
	s21 =	sshll.u32 s9, $0x3;
	s19 =	sshra.s32 s19, $0x2  }
0x48: {  	v5 =	vld [tilespmem:s16+$0xFFFFFFD0];
	[tilespmem:s17+$0x2040 ss:$0x81] =	vst.msk $0xffff, v4;
	p1 =	sgt.s32 s8, $0x18620;
	s22 =	sand.u32 $0xFFFFFC00, s20;
	s21 =	sand.u32 $0xFFFFFC00, s21  }
0x49: {  	v58 =	vld [tilespmem:s16+$0xFFFFFFE0];
	s24 =	sshra.s32 s8, $0x1F;
	s20 =	sand.u32 $0x380, s20;
	[tilespmem:s17+$0x2850 ss:$0x81] =	vst.msk $0xffff, v3;
	s21 =	sadd.s32 s21, s22  }
0x4a: {  	v59 =	vld [tilespmem:s16+$0xFFFFFFF0];
	s26 =	ssub.s32 $0x0, s9;
	s18 =	sadd.s32 s19, s18;
	[tilespmem:s17+$0x3060 ss:$0x81] =	vst.msk $0xffff, v2;
	s23 =	sor.u32 s20, s21  }
0x4b: {  	v60 =	vld [tilespmem:s16+$0x0];
	s28 =	smin.u32 s9, s26;
	s20 =	smov.u32 s8;
	[tilespmem:s17+$0x0 ss:$0x81] =	vst.msk $0xffff, v0;
	s19 =	sshrl.u32 s23, $0x7  }
0x4c: {  	v61 =	vld [tilespmem:s16+$0x10];
	s21 =	sand.u32 s24, s8;
	s20 =	simm.s32 @!p1 $0x18620;
	[tilespmem:s18+$0x3870 ss:$0x81] =	vst.msk $0xffff, v1;
	s25 =	smulhi.u32 $0x14F8B59, s19  }
0x4d: {  	v62 =	vld [tilespmem:s16+$0x20];
	s29 =	sshrl.u32 s9, $0x3;
	p2 =	sgt.s32 s28, $0x7F;
	s20 =	ssub.s32 s20, s21;
	[tilespmem:s18+$0x810 ss:$0x81] =	vst.msk $0xffff, v5  }
0x4e: {  	v63 =	vld [tilespmem:s16+$0xFFFFFFC0];
	[tilespmem:s18+$0x1020 ss:$0x81] =	vst.msk $0xffff, v58;
	s21 =	sadd.s32 $0xFFFE79E0, s20;
	s20 =	ssub.s32 $0x186A0, s20;
	s17 =	sshrl.u32 s25, $0x9  }
0x4f: {  	[tilespmem:s18+$0x1830 ss:$0x81] =	vst.msk $0xffff, v59;
	p1 =	sgt.s32 s21, $0x7F;
	s27 =	smul.u32 $0x186A0, s17;
	s17 =	ssub.s32 $0x80, s28  }
.Ltmp4:
0x50: {  	[tilespmem:s18+$0x2040 ss:$0x81] =	vst.msk $0xffff, v60;
	s20 =	simm.s32 @p1 $0x0;
	s17 =	simm.s32 @p2 $0x0;
	(pc) =	sbr.rel .LBB1_5-.Ltmp4, $4  }
0x51: {  	s30 =	sand.u32 $0xF, s29;
	[tilespmem:s18+$0x2850 ss:$0x81] =	vst.msk $0xffff, v61;
	s16 =	ssub.s32 s19, s27;
	s17 =	smul.u32 s17, s20  }
0x52: {  	[tilespmem:s18+$0x3060 ss:$0x81] =	vst.msk $0xffff, v62;
	s19 =	sadd.s32 s2, s30;
	s16 =	sshll.u32 s16, $0x4  }
0x53: {  	s31 =	sand.u32 $0x7, s9;
	[tilespmem:s18+$0x0 ss:$0x81] =	vst.msk $0xffff, v63;
	s17 =	sand.u32 $0x3FFFFFFF, s17;
	s16 =	sadd.s32 s16, s19  }
0x54: {  	[hbm4b:s16+s31] =	stream.linear.scatter [tilespmem:s15], [sflag:$0x2], s17, $0x20;
	[tilespmem:$0x10100] =	vst v63  }
.LBB1_6:
0x55: {  	_ =	sfence.sel $0x180000  }
0x56: {  	s2 =	simm.s32 $0x1;
	[bflag:$0x0] =	sbarrier.arrive $0xFFFF  }
0x57: {  	s31 =	simm.s32 $0x2;
	[sflag:s2] =	ssyncpa.u1 $0x1  }
0x58: {  	[sflag:s31] =	ssyncpa.u1 $0x1  }
0x59: {  	p0 =	sne.s32 s1, $0x0;
	_ =	strace $0x9000004A  }
0x5a: {  	s0 =	sadd.s32 @!p0 $0x100000, s0;
	[bflag:$0x2] =	sbarrier.arrive $0xFFFF  }
0x5b: {  	[sflag:s0] =	ssyncadd.tile.s32 @!p0 $0x1;
	_ =	shalt  }
.Lfunc_end1:
_tile_overlayer_lowered:
.L_overlay_start_2:
0x5c: {  	(tag) =	ssettag $0x2  }
0x5d: {  	s0 =	rddreg [dreg:$0x0];
	s2 =	stileid.u32  }
0x5e: {  	s1 =	rddreg [dreg:$0x1];
	p0 =	sne.s32 s2, $0x0  }
0x5f: {  	s3 =	rddreg [dreg:$0x2];
	[bflag:$0x3] =	sbarrier.arrive $0xFFFF;
	s2 =	simm.s32 @!p0 $0x1C01  }
0x60: {  	[timem:s3], [sflag:s2] =	dma.local @!p0 [hbm:s0], s1  }
0x61: {  	s0 =	simm.s32 @!p0 $0x1  }
0x62: {  	_ =	swait.ge @!p0 [sflag:s0], s1  }
0x63: {  	s1 =	ssub.s32 @!p0 $0x0, s1;
	[sflag:s0] =	ssyncset.done @!p0 $0x0  }
0x64: {  	[sflag:s0] =	ssyncadd.s32 @!p0 s1  }
0x65: {  	[bflag:$0x3] =	sbarrier.arrive $0xFFFF  }
0x66: {  	_ =	shalt  }

</sc_bundles>
